<compile_context>
chip_gen: v7x
topology: tpu7x:2x2x1
jax: 0.10.2.dev20260603
libtpu: 0.0.44.dev20260713+nightly
codegen_flags: <defaults>
</compile_context>

<pallas_src>
import functools

import jax
import jax.numpy as jnp
from jax import lax
from jax.experimental import pallas as pl
from jax.experimental.pallas import tpu as pltpu
from jax.experimental.pallas import tpu_sc as plsc

N = 10000
E = 320000
D = 128
H = 64
HEADS = 4

_NC = 2
_NS = 16
_C = 128
_E_SC = E // _NC
_CHUNKS = _E_SC // _C
_CH_PER_TILE = -(-_CHUNKS // _NS)
_ZROWS = 200
_NBLK = N // _ZROWS
_BLK_PER_TILE = -(-_NBLK // _NS)


def _zero_fill2d(buf, rows, width):
    z = jnp.zeros((16,), jnp.float32)
    per_row = width // 16

    def body(i, _):
        buf[i // per_row, pl.ds(pl.multiple_of((i % per_row) * 16, 16), 16)] = z
        return 0

    lax.fori_loop(0, rows * per_row, body, 0)


def _seg_sum_rows(table, src, dst, width):

    mesh = plsc.VectorSubcoreMesh(core_axis_name="c", subcore_axis_name="s")

    @functools.partial(
        pl.kernel,
        out_type=jax.ShapeDtypeStruct((_NC, N, width), jnp.float32),
        mesh=mesh,
        scratch_types=[
            pltpu.VMEM((_C,), jnp.int32),
            pltpu.VMEM((_C,), jnp.int32),
            pltpu.VMEM((_C,), jnp.int32),
            pltpu.VMEM((_C,), jnp.int32),
            pltpu.VMEM((_C, width), jnp.float32),
            pltpu.VMEM((_C, width), jnp.float32),
            pltpu.VMEM((_ZROWS, width), jnp.float32),
            pltpu.VMEM_SHARED((N, width), jnp.float32),
            pltpu.SemaphoreType.DMA,
            pltpu.SemaphoreType.DMA,
        ],
        compiler_params=pltpu.CompilerParams(use_tc_tiling_on_sc=False),
    )
    def k(table_hbm, src_hbm, dst_hbm, out_hbm, idx_s0, idx_s1, idx_d0,
          idx_d1, rows0, rows1, zbuf, acc_sh, sem0, sem1):
        idx_s = [idx_s0, idx_s1]
        idx_d = [idx_d0, idx_d1]
        rows = [rows0, rows1]
        sem = [sem0, sem1]
        c = lax.axis_index("c")
        s = lax.axis_index("s")

        _zero_fill2d(zbuf, _ZROWS, width)

        def zs(j, _):
            b = s + j * _NS

            @pl.when(b < _NBLK)
            def _():
                pltpu.sync_copy(zbuf, acc_sh.at[pl.ds(pl.multiple_of(b * _ZROWS, _ZROWS), _ZROWS)])

            return 0

        lax.fori_loop(0, _BLK_PER_TILE, zs, 0)
        plsc.subcore_barrier()

        def fetch(i, slot):
            kk = s + i * _NS

            @pl.when(kk < _CHUNKS)
            def _():
                base = c * _E_SC + kk * _C
                pltpu.sync_copy(src_hbm.at[pl.ds(base, _C)], idx_s[slot])
                pltpu.sync_copy(dst_hbm.at[pl.ds(base, _C)], idx_d[slot])
                pltpu.async_copy(table_hbm.at[idx_s[slot]], rows[slot],
                                 sem[slot])

        def consume(i, slot):
            kk = s + i * _NS

            @pl.when(kk < _CHUNKS)
            def _():
                pltpu.make_async_copy(table_hbm.at[idx_s[slot]], rows[slot],
                                      sem[slot]).wait()
                pltpu.sync_copy(rows[slot], acc_sh.at[idx_d[slot]], add=True)

        fetch(0, 0)

        def step2(i2, _):
            i = i2 * 2
            fetch(i + 1, 1)
            consume(i, 0)
            fetch(i + 2, 0)
            consume(i + 1, 1)
            return 0

        lax.fori_loop(0, (_CH_PER_TILE + 1) // 2, step2, 0)
        plsc.subcore_barrier()

        def wr(j, _):
            b = s + j * _NS

            @pl.when(b < _NBLK)
            def _():
                off = pl.multiple_of(b * _ZROWS, _ZROWS)
                pltpu.sync_copy(acc_sh.at[pl.ds(off, _ZROWS)],
                                out_hbm.at[c, pl.ds(off, _ZROWS)])

            return 0

        lax.fori_loop(0, _BLK_PER_TILE, wr, 0)

    return k(table, src, dst)


_DW = 16


def _degrees(src, dst):

    mesh = plsc.VectorSubcoreMesh(core_axis_name="c", subcore_axis_name="s")

    @functools.partial(
        pl.kernel,
        out_type=(jax.ShapeDtypeStruct((_NC, N, _DW), jnp.float32),
                  jax.ShapeDtypeStruct((_NC, N, _DW), jnp.float32)),
        mesh=mesh,
        scratch_types=[
            pltpu.VMEM((_C,), jnp.int32),
            pltpu.VMEM((_C,), jnp.int32),
            pltpu.VMEM((_C, _DW), jnp.float32),
            pltpu.VMEM((_ZROWS, _DW), jnp.float32),
            pltpu.VMEM_SHARED((N, _DW), jnp.float32),
            pltpu.VMEM_SHARED((N, _DW), jnp.float32),
        ],
        compiler_params=pltpu.CompilerParams(use_tc_tiling_on_sc=False),
    )
    def k(src_hbm, dst_hbm, osrc_hbm, odst_hbm, idx_s, idx_d, ones, zbuf,
          acc_s, acc_d):
        c = lax.axis_index("c")
        s = lax.axis_index("s")

        _zero_fill2d(zbuf, _ZROWS, _DW)
        o = jnp.ones((16,), jnp.float32)

        def fill(i, _):
            ones[i, pl.ds(0, 16)] = o
            return 0

        lax.fori_loop(0, _C, fill, 0)

        def zs(j, _):
            b = s + j * _NS

            @pl.when(b < _NBLK)
            def _():
                off = pl.multiple_of(b * _ZROWS, _ZROWS)
                pltpu.sync_copy(zbuf, acc_s.at[pl.ds(off, _ZROWS)])
                pltpu.sync_copy(zbuf, acc_d.at[pl.ds(off, _ZROWS)])

            return 0

        lax.fori_loop(0, _BLK_PER_TILE, zs, 0)
        plsc.subcore_barrier()

        def chunk(i, _):
            kk = s + i * _NS

            @pl.when(kk < _CHUNKS)
            def _():
                base = c * _E_SC + kk * _C
                pltpu.sync_copy(src_hbm.at[pl.ds(base, _C)], idx_s)
                pltpu.sync_copy(dst_hbm.at[pl.ds(base, _C)], idx_d)
                pltpu.sync_copy(ones, acc_s.at[idx_s], add=True)
                pltpu.sync_copy(ones, acc_d.at[idx_d], add=True)

            return 0

        lax.fori_loop(0, _CH_PER_TILE, chunk, 0)
        plsc.subcore_barrier()

        def wr(j, _):
            b = s + j * _NS

            @pl.when(b < _NBLK)
            def _():
                off = pl.multiple_of(b * _ZROWS, _ZROWS)
                pltpu.sync_copy(acc_s.at[pl.ds(off, _ZROWS)],
                                osrc_hbm.at[c, pl.ds(off, _ZROWS)])
                pltpu.sync_copy(acc_d.at[pl.ds(off, _ZROWS)],
                                odst_hbm.at[c, pl.ds(off, _ZROWS)])

            return 0

        lax.fori_loop(0, _BLK_PER_TILE, wr, 0)

    return k(src, dst)


def _gc(x, src, dst, W, b, n, norm_src, norm_dst, width):
    h = x @ W
    if width > h.shape[1]:
        h = jnp.broadcast_to(h, (n, width))
    table = h * norm_src[:, None]
    parts = _seg_sum_rows(table, src, dst, width)
    agg = parts[0] + parts[1]
    return agg * norm_dst[:, None] + b


def _gat_edge_weights(ta, tb, src, dst):

    mesh = plsc.VectorSubcoreMesh(core_axis_name="c", subcore_axis_name="s")

    @functools.partial(
        pl.kernel,
        out_type=(jax.ShapeDtypeStruct((E, 16), jnp.float32),
                  jax.ShapeDtypeStruct((_NC, N, 16), jnp.float32)),
        mesh=mesh,
        scratch_types=[
            pltpu.VMEM((_C,), jnp.int32),
            pltpu.VMEM((_C,), jnp.int32),
            pltpu.VMEM((_C, 16), jnp.float32),
            pltpu.VMEM((_C, 16), jnp.float32),
            pltpu.VMEM((_C, 16), jnp.float32),
            pltpu.VMEM((_ZROWS, 16), jnp.float32),
            pltpu.VMEM_SHARED((N, 16), jnp.float32),
            pltpu.SemaphoreType.DMA,
        ],
        compiler_params=pltpu.CompilerParams(use_tc_tiling_on_sc=False),
    )
    def k(ta_hbm, tb_hbm, src_hbm, dst_hbm, w_hbm, den_hbm, idx_s, idx_d,
          es, ed, wbuf, zbuf, acc_sh, sem):
        c = lax.axis_index("c")
        s = lax.axis_index("s")

        _zero_fill2d(zbuf, _ZROWS, 16)

        def zs(j, _):
            b = s + j * _NS

            @pl.when(b < _NBLK)
            def _():
                off = pl.multiple_of(b * _ZROWS, _ZROWS)
                pltpu.sync_copy(zbuf, acc_sh.at[pl.ds(off, _ZROWS)])

            return 0

        lax.fori_loop(0, _BLK_PER_TILE, zs, 0)
        plsc.subcore_barrier()

        def chunk(i, _):
            kk = s + i * _NS

            @pl.when(kk < _CHUNKS)
            def _():
                base = c * _E_SC + kk * _C
                pltpu.sync_copy(src_hbm.at[pl.ds(base, _C)], idx_s)
                pltpu.sync_copy(dst_hbm.at[pl.ds(base, _C)], idx_d)
                cp1 = pltpu.async_copy(ta_hbm.at[idx_s], es, sem)
                cp2 = pltpu.async_copy(tb_hbm.at[idx_d], ed, sem)
                cp1.wait()
                cp2.wait()

                def pe(j, _):
                    e2 = es[j, pl.ds(0, 16)] + ed[j, pl.ds(0, 16)]
                    e2 = jnp.where(e2 > 0, e2, 0.2 * e2)
                    wbuf[j, pl.ds(0, 16)] = jnp.exp(e2)
                    return 0

                lax.fori_loop(0, _C, pe, 0)
                pltpu.sync_copy(wbuf, w_hbm.at[pl.ds(base, _C)])
                pltpu.sync_copy(wbuf, acc_sh.at[idx_d], add=True)

            return 0

        lax.fori_loop(0, _CH_PER_TILE, chunk, 0)
        plsc.subcore_barrier()

        def wr(j, _):
            b = s + j * _NS

            @pl.when(b < _NBLK)
            def _():
                off = pl.multiple_of(b * _ZROWS, _ZROWS)
                pltpu.sync_copy(acc_sh.at[pl.ds(off, _ZROWS)],
                                den_hbm.at[c, pl.ds(off, _ZROWS)])

            return 0

        lax.fori_loop(0, _BLK_PER_TILE, wr, 0)

    return k(ta, tb, src, dst)


def _gat_aggregate(feat, w, den2, src, dst):

    mesh = plsc.VectorSubcoreMesh(core_axis_name="c", subcore_axis_name="s")

    @functools.partial(
        pl.kernel,
        out_type=jax.ShapeDtypeStruct((_NC, N, H), jnp.float32),
        mesh=mesh,
        scratch_types=[
            pltpu.VMEM((_C,), jnp.int32),
            pltpu.VMEM((_C,), jnp.int32),
            pltpu.VMEM((_C,), jnp.int32),
            pltpu.VMEM((_C, HEADS * H), jnp.float32),
            pltpu.VMEM((_C, 16), jnp.float32),
            pltpu.VMEM((_C, 16), jnp.float32),
            pltpu.VMEM((_C, 16), jnp.float32),
            pltpu.VMEM((_C, H), jnp.float32),
            pltpu.VMEM((_ZROWS, H), jnp.float32),
            pltpu.VMEM_SHARED((N, H), jnp.float32),
            pltpu.SemaphoreType.DMA,
        ],
        compiler_params=pltpu.CompilerParams(use_tc_tiling_on_sc=False),
    )
    def k(feat_hbm, w_hbm, den_hbm, src_hbm, dst_hbm, out_hbm, idx_s, idx_d,
          idx_d2, frows, wch, d0, d1, msg, zbuf, acc_sh, sem):
        c = lax.axis_index("c")
        s = lax.axis_index("s")

        _zero_fill2d(zbuf, _ZROWS, H)

        def zs(j, _):
            b = s + j * _NS

            @pl.when(b < _NBLK)
            def _():
                off = pl.multiple_of(b * _ZROWS, _ZROWS)
                pltpu.sync_copy(zbuf, acc_sh.at[pl.ds(off, _ZROWS)])

            return 0

        lax.fori_loop(0, _BLK_PER_TILE, zs, 0)
        plsc.subcore_barrier()

        bidx = [jnp.full((16,), h, jnp.int32) for h in range(HEADS)]

        def chunk(i, _):
            kk = s + i * _NS

            @pl.when(kk < _CHUNKS)
            def _():
                base = c * _E_SC + kk * _C
                pltpu.sync_copy(src_hbm.at[pl.ds(base, _C)], idx_s)
                pltpu.sync_copy(dst_hbm.at[pl.ds(base, _C)], idx_d)

                def sh(q, _):
                    off = pl.multiple_of(q * 16, 16)
                    idx_d2[pl.ds(off, 16)] = idx_d[pl.ds(off, 16)] + N
                    return 0

                lax.fori_loop(0, _C // 16, sh, 0)

                cp1 = pltpu.async_copy(feat_hbm.at[idx_s], frows, sem)
                pltpu.sync_copy(w_hbm.at[pl.ds(base, _C)], wch)
                pltpu.sync_copy(den_hbm.at[idx_d], d0)
                pltpu.sync_copy(den_hbm.at[idx_d2], d1)
                cp1.wait()

                def pe(j, _):
                    dv = d0[j, pl.ds(0, 16)] + d1[j, pl.ds(0, 16)]
                    dv = jnp.where(dv == 0.0, 1.0, dv)
                    cf = 0.25 * wch[j, pl.ds(0, 16)] / dv
                    cb = [cf.at[bidx[h]].get(
                        mode=jax.lax.GatherScatterMode.PROMISE_IN_BOUNDS)
                        for h in range(HEADS)]
                    for q in range(H // 16):
                        o = q * 16
                        a = cb[0] * frows[j, pl.ds(0 * H + o, 16)]
                        a = a + cb[1] * frows[j, pl.ds(1 * H + o, 16)]
                        a = a + cb[2] * frows[j, pl.ds(2 * H + o, 16)]
                        a = a + cb[3] * frows[j, pl.ds(3 * H + o, 16)]
                        msg[j, pl.ds(o, 16)] = a
                    return 0

                lax.fori_loop(0, _C, pe, 0)
                pltpu.sync_copy(msg, acc_sh.at[idx_d], add=True)

            return 0

        lax.fori_loop(0, _CH_PER_TILE, chunk, 0)
        plsc.subcore_barrier()

        def wr(j, _):
            b = s + j * _NS

            @pl.when(b < _NBLK)
            def _():
                off = pl.multiple_of(b * _ZROWS, _ZROWS)
                pltpu.sync_copy(acc_sh.at[pl.ds(off, _ZROWS)],
                                out_hbm.at[c, pl.ds(off, _ZROWS)])

            return 0

        lax.fori_loop(0, _BLK_PER_TILE, wr, 0)

    return k(feat, w, den2, src, dst)


_BN = 1000


def _norms_from(ds_ref):
    deg = ds_ref[0, :, 0:1] + ds_ref[1, :, 0:1]
    return jax.lax.rsqrt(jnp.maximum(deg, 1.0))


def _tck_in(x, W, dsrc):

    def body(x_ref, w_ref, ds_ref, o_ref):
        ns = _norms_from(ds_ref)
        o_ref[...] = jnp.dot(x_ref[...], w_ref[...],
                             preferred_element_type=jnp.float32) * ns

    return pl.pallas_call(
        body,
        grid=(N // _BN,),
        in_specs=[pl.BlockSpec((_BN, x.shape[1]), lambda i: (i, 0)),
                  pl.BlockSpec(W.shape, lambda i: (0, 0)),
                  pl.BlockSpec((2, _BN, _DW), lambda i: (0, i, 0))],
        out_specs=pl.BlockSpec((_BN, W.shape[1]), lambda i: (i, 0)),
        out_shape=jax.ShapeDtypeStruct((N, W.shape[1]), jnp.float32),
    )(x, W, dsrc)


def _tck_mid(aggp, ddst, dsrc, b2d, W):

    def body(a_ref, dd_ref, ds_ref, b_ref, w_ref, o_ref):
        nd = _norms_from(dd_ref)
        ns = _norms_from(ds_ref)
        hblk = jnp.maximum((a_ref[0] + a_ref[1]) * nd + b_ref[...], 0.0)
        o_ref[...] = jnp.dot(hblk, w_ref[...],
                             preferred_element_type=jnp.float32) * ns

    return pl.pallas_call(
        body,
        grid=(N // _BN,),
        in_specs=[pl.BlockSpec((2, _BN, H), lambda i: (0, i, 0)),
                  pl.BlockSpec((2, _BN, _DW), lambda i: (0, i, 0)),
                  pl.BlockSpec((2, _BN, _DW), lambda i: (0, i, 0)),
                  pl.BlockSpec((1, H), lambda i: (0, 0)),
                  pl.BlockSpec(W.shape, lambda i: (0, 0))],
        out_specs=pl.BlockSpec((_BN, W.shape[1]), lambda i: (i, 0)),
        out_shape=jax.ShapeDtypeStruct((N, W.shape[1]), jnp.float32),
    )(aggp, ddst, dsrc, b2d, W)


def _tck_gat_in(aggp, ddst, b2d, Wg, al2, ar2):

    def body(a_ref, dd_ref, b_ref, w_ref, al_ref, ar_ref, f_ref, ta_ref,
             tb_ref):
        nd = _norms_from(dd_ref)
        hblk = jnp.maximum((a_ref[0] + a_ref[1]) * nd + b_ref[...], 0.0)
        feat = jnp.dot(hblk, w_ref[...], preferred_element_type=jnp.float32)
        f_ref[...] = feat
        pl_ = feat * al_ref[...]
        pr_ = feat * ar_ref[...]
        ta_ref[...] = jnp.zeros_like(ta_ref)
        tb_ref[...] = jnp.zeros_like(tb_ref)
        for hh in range(HEADS):
            sl = slice(hh * H, (hh + 1) * H)
            ta_ref[:, hh:hh + 1] = jnp.sum(pl_[:, sl], axis=1, keepdims=True)
            tb_ref[:, hh:hh + 1] = jnp.sum(pr_[:, sl], axis=1, keepdims=True)

    return pl.pallas_call(
        body,
        grid=(N // _BN,),
        in_specs=[pl.BlockSpec((2, _BN, H), lambda i: (0, i, 0)),
                  pl.BlockSpec((2, _BN, _DW), lambda i: (0, i, 0)),
                  pl.BlockSpec((1, H), lambda i: (0, 0)),
                  pl.BlockSpec(Wg.shape, lambda i: (0, 0)),
                  pl.BlockSpec((1, HEADS * H), lambda i: (0, 0)),
                  pl.BlockSpec((1, HEADS * H), lambda i: (0, 0))],
        out_specs=[pl.BlockSpec((_BN, HEADS * H), lambda i: (i, 0)),
                   pl.BlockSpec((_BN, 16), lambda i: (i, 0)),
                   pl.BlockSpec((_BN, 16), lambda i: (i, 0))],
        out_shape=[jax.ShapeDtypeStruct((N, HEADS * H), jnp.float32),
                   jax.ShapeDtypeStruct((N, 16), jnp.float32),
                   jax.ShapeDtypeStruct((N, 16), jnp.float32)],
    )(aggp, ddst, b2d, Wg, al2, ar2)


def _tck_head(outp, bg2d, dsrc, W3):

    def body(o_ref, bg_ref, ds_ref, w3_ref, t_ref):
        ns = _norms_from(ds_ref)
        bgm = 0.25 * (bg_ref[:, 0:H] + bg_ref[:, H:2 * H]
                      + bg_ref[:, 2 * H:3 * H] + bg_ref[:, 3 * H:4 * H])
        hm = o_ref[0] + o_ref[1] + bgm
        t3 = jnp.dot(hm, w3_ref[...], preferred_element_type=jnp.float32) * ns
        t_ref[...] = jnp.zeros_like(t_ref)
        t_ref[:, 0:1] = t3

    return pl.pallas_call(
        body,
        grid=(N // _BN,),
        in_specs=[pl.BlockSpec((2, _BN, H), lambda i: (0, i, 0)),
                  pl.BlockSpec((1, HEADS * H), lambda i: (0, 0)),
                  pl.BlockSpec((2, _BN, _DW), lambda i: (0, i, 0)),
                  pl.BlockSpec((H, 1), lambda i: (0, 0))],
        out_specs=pl.BlockSpec((_BN, 16), lambda i: (i, 0)),
        out_shape=jax.ShapeDtypeStruct((N, 16), jnp.float32),
    )(outp, bg2d, dsrc, W3)


def _tck_final(agg3p, ddst, b3_2d):

    def body(a_ref, dd_ref, b3_ref, r_ref, rs_ref, cf_ref, ti_ref):
        degin = dd_ref[0, :, 0:1] + dd_ref[1, :, 0:1]
        nd = jax.lax.rsqrt(jnp.maximum(degin, 1.0))
        x = (a_ref[0, :, 0:1] + a_ref[1, :, 0:1]) * nd + b3_ref[0, 0]
        risk = 1.0 / (1.0 + jnp.exp(-x))
        r_ref[...] = risk
        rs_ref[...] = jnp.sum(risk, keepdims=True).reshape(1, 1) / float(N)
        nonempty = jnp.sum(jnp.where(degin > 0, 1.0, 0.0), keepdims=True)
        cf_ref[...] = nonempty.reshape(1, 1) / float(E)
        ii = jax.lax.broadcasted_iota(jnp.int32, (N, 1), 0)
        ii8 = jax.lax.broadcasted_iota(jnp.int32, (1, 8), 1)
        xv = risk
        acc = jnp.zeros((1, 8), jnp.int32)
        for kk in range(5):
            m = jnp.max(xv)
            ix = jnp.min(jnp.where(xv == m, ii, N))
            acc = jnp.where(ii8 == kk, ix, acc)
            xv = jnp.where(ii == ix, -1.0, xv)
        ti_ref[...] = acc

    return pl.pallas_call(
        body,
        in_specs=[pl.BlockSpec((2, N, _DW), lambda: (0, 0, 0)),
                  pl.BlockSpec((2, N, _DW), lambda: (0, 0, 0)),
                  pl.BlockSpec((1, 1), lambda: (0, 0))],
        out_specs=[pl.BlockSpec((N, 1), lambda: (0, 0)),
                   pl.BlockSpec((1, 1), lambda: (0, 0)),
                   pl.BlockSpec((1, 1), lambda: (0, 0)),
                   pl.BlockSpec((1, 8), lambda: (0, 0))],
        out_shape=[jax.ShapeDtypeStruct((N, 1), jnp.float32),
                   jax.ShapeDtypeStruct((1, 1), jnp.float32),
                   jax.ShapeDtypeStruct((1, 1), jnp.float32),
                   jax.ShapeDtypeStruct((1, 8), jnp.int32)],
    )(agg3p, ddst, b3_2d)


def kernel(features, edge_index, W1, b1, W2, b2, Wg, bg, attn_l, attn_r, W3, b3):
    src = edge_index[0]
    dst = edge_index[1]
    dsrc_p, ddst_p = _degrees(src, dst)

    t1 = _tck_in(features, W1, dsrc_p)
    agg1 = _seg_sum_rows(t1, src, dst, H)
    t2 = _tck_mid(agg1, ddst_p, dsrc_p, b1[None, :], W2)
    agg2 = _seg_sum_rows(t2, src, dst, H)
    feat2d, ta, tb = _tck_gat_in(agg2, ddst_p, b2[None, :], Wg,
                                 attn_l.reshape(1, HEADS * H),
                                 attn_r.reshape(1, HEADS * H))
    w, den_p = _gat_edge_weights(ta, tb, src, dst)
    out_p = _gat_aggregate(feat2d, w, den_p.reshape(2 * N, 16), src, dst)
    t3tab = _tck_head(out_p, bg[None, :], dsrc_p, W3)
    agg3 = _seg_sum_rows(t3tab, src, dst, 16)
    risk, rs, conf, topi = _tck_final(agg3, ddst_p, b3.reshape(1, 1))
    return risk, rs[0, 0], conf[0, 0], topi[0, :5]

# --- scband reference (transcript-rebuilt; emitter-appended) ---
"""Pipeline reference for scband-dependency-gnn-45500883534516 (READ-ONLY COPY).

The authoritative reference and input builder live on the scoring server;
editing this copy changes nothing except your own understanding.
"""

import jax, jax.numpy as jnp
import numpy as np

N = 10000
E = 320000
D = 128
H = 64
HEADS = 4


def setup_inputs(seed: int = 0) -> dict:
    key = jax.random.key(seed)
    ks = jax.random.split(key, 12)
    features = jax.random.normal(ks[0], (N, D), dtype=jnp.float32)
    edge_index = jax.random.randint(ks[1], (2, E), 0, N, dtype=jnp.int32)
    s1 = 1.0 / np.sqrt(D)
    s2 = 1.0 / np.sqrt(H)
    W1 = jax.random.normal(ks[2], (D, H), dtype=jnp.float32) * s1
    b1 = jnp.zeros((H,), dtype=jnp.float32)
    W2 = jax.random.normal(ks[3], (H, H), dtype=jnp.float32) * s2
    b2 = jnp.zeros((H,), dtype=jnp.float32)
    Wg = jax.random.normal(ks[4], (H, HEADS * H), dtype=jnp.float32) * s2
    bg = jnp.zeros((HEADS * H,), dtype=jnp.float32)
    attn_l = jax.random.normal(ks[5], (HEADS, H), dtype=jnp.float32) * s2
    attn_r = jax.random.normal(ks[6], (HEADS, H), dtype=jnp.float32) * s2
    W3 = jax.random.normal(ks[7], (H, 1), dtype=jnp.float32) * s2
    b3 = jnp.zeros((1,), dtype=jnp.float32)
    return {"features": features, "edge_index": edge_index, "W1": W1, "b1": b1,
            "W2": W2, "b2": b2, "Wg": Wg, "bg": bg, "attn_l": attn_l,
            "attn_r": attn_r, "W3": W3, "b3": b3}


def _graph_conv(x, src, dst, W, b, n):
    # DGL GraphConv with norm='both': c_ij = 1/sqrt(d_out(src) * d_in(dst))
    deg_out = jnp.clip(jnp.bincount(src, length=n), 1).astype(x.dtype)
    deg_in = jnp.clip(jnp.bincount(dst, length=n), 1).astype(x.dtype)
    norm_src = 1.0 / jnp.sqrt(deg_out)
    norm_dst = 1.0 / jnp.sqrt(deg_in)
    h = x @ W
    m = h[src] * norm_src[src][:, None]
    agg = jax.ops.segment_sum(m, dst, num_segments=n)
    return agg * norm_dst[:, None] + b


def _gat_conv(x, src, dst, Wg, bg, attn_l, attn_r, n):
    feat = (x @ Wg).reshape(n, HEADS, H)
    el = (feat * attn_l[None, :, :]).sum(-1)  # [N, HEADS]
    er = (feat * attn_r[None, :, :]).sum(-1)
    e = jax.nn.leaky_relu(el[src] + er[dst], negative_slope=0.2)  # [E, HEADS]
    emax = jax.ops.segment_max(e, dst, num_segments=n)
    eexp = jnp.exp(e - emax[dst])
    denom = jax.ops.segment_sum(eexp, dst, num_segments=n)
    alpha = eexp / denom[dst]  # [E, HEADS] edge softmax over dst
    msg = feat[src] * alpha[:, :, None]
    out = jax.ops.segment_sum(msg, dst, num_segments=n)  # [N, HEADS, H]
    out = out + bg.reshape(1, HEADS, H)
    return out, alpha


def reference(features, edge_index, W1, b1, W2, b2, Wg, bg, attn_l, attn_r, W3, b3):
    src = edge_index[0]
    dst = edge_index[1]
    h = jax.nn.relu(_graph_conv(features, src, dst, W1, b1, N))
    h = jax.nn.relu(_graph_conv(h, src, dst, W2, b2, N))
    h, attention_weights = _gat_conv(h, src, dst, Wg, bg, attn_l, attn_r, N)
    h = h.mean(axis=1)  # mean over heads
    risk_scores = jax.nn.sigmoid(_graph_conv(h, src, dst, W3, b3, N))  # [N, 1]
    top_vals, top_idx = jax.lax.top_k(risk_scores.squeeze(-1), 5)
    risk_score = risk_scores.mean()
    confidence = attention_weights.mean()
    return risk_scores, risk_score, confidence, top_idx

if __name__ == "__main__":
    import jax
    _d = setup_inputs()
    print(jax.jit(kernel)(*tuple(_d.values())))

</pallas_src>

<mosaic_0001>
#map = affine_map<(d0, d1) -> (0)>
#map1 = affine_map<(d0, d1) -> (0, 0, 0)>
module attributes {stable_mosaic.version = 14 : i64} {
  func.func @k(%arg0: i32, %arg1: i32, %arg2: memref<320000xi32, #tpu.memory_space<hbm>>, %arg3: memref<320000xi32, #tpu.memory_space<hbm>>, %arg4: memref<2x10000x16xf32, #tpu.memory_space<hbm>>, %arg5: memref<2x10000x16xf32, #tpu.memory_space<hbm>>, %arg6: memref<128xi32, #tpu.memory_space<vmem>>, %arg7: memref<128xi32, #tpu.memory_space<vmem>>, %arg8: memref<128x16xf32, #tpu.memory_space<vmem>>, %arg9: memref<200x16xf32, #tpu.memory_space<vmem>>, %arg10: memref<10000x16xf32, #tpu.memory_space<vmem_shared>>, %arg11: memref<10000x16xf32, #tpu.memory_space<vmem_shared>>) attributes {dimension_semantics = [#tpu.dimension_semantics<core_parallel>, #tpu.dimension_semantics<subcore_parallel>], iteration_bounds = array<i64: 2, 16>, scalar_prefetch = 0 : i64, scratch_operands = 6 : i64, tpu.core_type = #tpu.core_type<sc_vector_subcore>, window_params = [{transform_indices = #map}, {transform_indices = #map}, {transform_indices = #map1}, {transform_indices = #map1}]} {
    %broadcast_in_dim3A = arith.constant 0.000000e+00 : f32
    %broadcast_in_dim3A_0 = vector.broadcast %broadcast_in_dim3A : f32 to vector<16xf32>
    %scan3A = arith.constant 0 : i32
    %scan3A_1 = arith.constant 0 : i32
    %scan3A_2 = arith.constant 200 : i32
    %scan3A_3 = arith.addi %scan3A_1, %scan3A_2 : i32
    %scan3A_4 = arith.constant 1 : i32
    %scan3A_5 = scf.for %scan3A_38 = %scan3A_1 to %scan3A_3 step %scan3A_4 iter_args(%scan3A_39 = %scan3A) -> (i32)  : i32 {
      %jit3A = arith.constant 1 : i32
      %div3A = arith.divsi %scan3A_38, %jit3A : i32
      %sign3A = arith.constant 0 : i32
      %sign3A_40 = arith.cmpi sgt, %scan3A_38, %sign3A : i32
      %sign3A_41 = arith.extui %sign3A_40 : i1 to i32
      %sign3A_42 = arith.constant 0 : i32
      %sign3A_43 = arith.cmpi slt, %scan3A_38, %sign3A_42 : i32
      %sign3A_44 = arith.extui %sign3A_43 : i1 to i32
      %sign3A_45 = arith.subi %sign3A_41, %sign3A_44 : i32
      %sign3A_46 = arith.constant 0 : i32
      %sign3A_47 = arith.cmpi sgt, %jit3A, %sign3A_46 : i32
      %sign3A_48 = arith.extui %sign3A_47 : i1 to i32
      %sign3A_49 = arith.constant 0 : i32
      %sign3A_50 = arith.cmpi slt, %jit3A, %sign3A_49 : i32
      %sign3A_51 = arith.extui %sign3A_50 : i1 to i32
      %sign3A_52 = arith.subi %sign3A_48, %sign3A_51 : i32
      %ne3A = arith.cmpi ne, %sign3A_45, %sign3A_52 : i32
      %rem3A = arith.remsi %scan3A_38, %jit3A : i32
      %ne3A_53 = arith.constant 0 : i32
      %ne3A_54 = arith.cmpi ne, %rem3A, %ne3A_53 : i32
      %and3A = arith.andi %ne3A, %ne3A_54 : i1
      %sub3A = arith.constant 1 : i32
      %sub3A_55 = arith.subi %div3A, %sub3A : i32
      %select_n3A = arith.select %and3A, %sub3A_55, %div3A : i32
      %jit3A_56 = arith.constant 1 : i32
      %eq3A = arith.constant 0 : i32
      %eq3A_57 = arith.cmpi eq, %jit3A_56, %eq3A : i32
      %jit3A_58 = arith.constant 1 : i32
      %select_n3A_59 = arith.select %eq3A_57, %jit3A_58, %jit3A_56 : i32
      %rem3A_60 = arith.remsi %scan3A_38, %select_n3A_59 : i32
      %ne3A_61 = arith.constant 0 : i32
      %ne3A_62 = arith.cmpi ne, %rem3A_60, %ne3A_61 : i32
      %lt3A = arith.constant 0 : i32
      %lt3A_63 = arith.cmpi slt, %rem3A_60, %lt3A : i32
      %lt3A_64 = arith.constant 0 : i32
      %lt3A_65 = arith.cmpi slt, %select_n3A_59, %lt3A_64 : i32
      %ne3A_66 = arith.xori %lt3A_63, %lt3A_65 : i1
      %and3A_67 = arith.andi %ne3A_66, %ne3A_62 : i1
      %add3A = arith.addi %rem3A_60, %select_n3A_59 : i32
      %select_n3A_68 = arith.select %and3A_67, %add3A, %rem3A_60 : i32
      %mul3A = arith.constant 16 : i32
      %mul3A_69 = arith.muli %select_n3A_68, %mul3A : i32
      %multiple_of3A = tpu.assume_multiple %mul3A_69, 16 : i32
      %swap3A = arith.index_cast %select_n3A : i32 to index
      %swap3A_70 = arith.index_cast %multiple_of3A : i32 to index
      %swap3A_71 = tpu.vector_load %arg9[%swap3A, %swap3A_70] {strides = array<i32>} : memref<200x16xf32, #tpu.memory_space<vmem>>, vector<1x16xf32>,
      %swap3A_72 = vector.shape_cast %swap3A_71 : vector<1x16xf32> to vector<16xf32>
      %swap3A_73 = vector.shape_cast %broadcast_in_dim3A_0 : vector<16xf32> to vector<1x16xf32>
      tpu.vector_store %arg9[%swap3A, %swap3A_70], %swap3A_73 {strides = array<i32>} : memref<200x16xf32, #tpu.memory_space<vmem>>, vector<1x16xf32>,
      %scan3A_74 = arith.constant 0 : i32
      scf.yield %scan3A_74 : i32
    }
    %scan3A_6 = arith.constant 200 : i32
    %broadcast_in_dim3A_7 = arith.constant 1.000000e+00 : f32
    %broadcast_in_dim3A_8 = vector.broadcast %broadcast_in_dim3A_7 : f32 to vector<16xf32>
    %scan3A_9 = arith.constant 0 : i32
    %scan3A_10 = arith.constant 0 : i32
    %scan3A_11 = arith.constant 128 : i32
    %scan3A_12 = arith.addi %scan3A_10, %scan3A_11 : i32
    %scan3A_13 = arith.constant 1 : i32
    %scan3A_14 = scf.for %scan3A_38 = %scan3A_10 to %scan3A_12 step %scan3A_13 iter_args(%scan3A_39 = %scan3A_9) -> (i32)  : i32 {
      %swap3A = arith.index_cast %scan3A_38 : i32 to index
      %swap3A_40 = arith.constant 0 : index
      %swap3A_41 = tpu.vector_load %arg8[%swap3A, %swap3A_40] {strides = array<i32>} : memref<128x16xf32, #tpu.memory_space<vmem>>, vector<1x16xf32>,
      %swap3A_42 = vector.shape_cast %swap3A_41 : vector<1x16xf32> to vector<16xf32>
      %swap3A_43 = vector.shape_cast %broadcast_in_dim3A_8 : vector<16xf32> to vector<1x16xf32>
      tpu.vector_store %arg8[%swap3A, %swap3A_40], %swap3A_43 {strides = array<i32>} : memref<128x16xf32, #tpu.memory_space<vmem>>, vector<1x16xf32>,
      %scan3A_44 = arith.constant 0 : i32
      scf.yield %scan3A_44 : i32
    }
    %scan3A_15 = arith.constant 128 : i32
    %scan3A_16 = arith.constant 0 : i32
    %scan3A_17 = arith.constant 0 : i32
    %scan3A_18 = arith.constant 4 : i32
    %scan3A_19 = arith.addi %scan3A_17, %scan3A_18 : i32
    %scan3A_20 = arith.constant 1 : i32
    %scan3A_21 = scf.for %scan3A_38 = %scan3A_17 to %scan3A_19 step %scan3A_20 iter_args(%scan3A_39 = %scan3A_16) -> (i32)  : i32 {
      %mul3A = arith.constant 16 : i32
      %mul3A_40 = arith.muli %scan3A_38, %mul3A : i32
      %add3A = arith.addi %arg1, %mul3A_40 : i32
      %lt3A = arith.constant 50 : i32
      %lt3A_41 = arith.cmpi slt, %add3A, %lt3A : i32
      %convert_element_type3A = arith.extui %lt3A_41 : i1 to i32
      %cond3A = arith.constant 0 : i32
      %cond3A_42 = arith.cmpi ne, %convert_element_type3A, %cond3A : i32
      scf.if %cond3A_42 {
        %mul3A_44 = arith.constant 200 : i32
        %mul3A_45 = arith.muli %add3A, %mul3A_44 : i32
        %multiple_of3A = tpu.assume_multiple %mul3A_45, 200 : i32
        "tpu.region"() ({
          %run_scoped3A = tpu.sem_alloc : memref<!tpu.dma_semaphore, #tpu.memory_space<semaphore_mem>>
          %dma_start3A = arith.constant 0 : i32
          %dma_start3A_46 = tpu.memref_slice %arg10[%multiple_of3A, %dma_start3A] : memref<10000x16xf32, #tpu.memory_space<vmem_shared>> -> memref<200x16xf32, #tpu.memory_space<vmem_shared>>
          %dma_start3A_47 = arith.constant 0 : i32
          %dma_start3A_48 = tpu.memref_slice %arg10[%multiple_of3A, %dma_start3A_47] : memref<10000x16xf32, #tpu.memory_space<vmem_shared>> -> memref<200x16xf32, #tpu.memory_space<vmem_shared>>
          tpu.enqueue_dma source(%arg9 : memref<200x16xf32, #tpu.memory_space<vmem>>) target(%dma_start3A_48 : memref<200x16xf32, #tpu.memory_space<vmem_shared>>) target_semaphore(%run_scoped3A : memref<!tpu.dma_semaphore, #tpu.memory_space<semaphore_mem>>)
          %dma_wait3A = arith.constant 0 : i32
          %dma_wait3A_49 = tpu.memref_slice %arg10[%multiple_of3A, %dma_wait3A] : memref<10000x16xf32, #tpu.memory_space<vmem_shared>> -> memref<200x16xf32, #tpu.memory_space<vmem_shared>>
          %dma_wait3A_50 = arith.constant 0 : i32
          %dma_wait3A_51 = tpu.memref_slice %arg10[%multiple_of3A, %dma_wait3A_50] : memref<10000x16xf32, #tpu.memory_space<vmem_shared>> -> memref<200x16xf32, #tpu.memory_space<vmem_shared>>
          tpu.wait_dma2 semaphore(%run_scoped3A : memref<!tpu.dma_semaphore, #tpu.memory_space<semaphore_mem>>) src(%arg9 : memref<200x16xf32, #tpu.memory_space<vmem>>) dst(%dma_wait3A_51 : memref<200x16xf32, #tpu.memory_space<vmem_shared>>)
          tpu.yield
        }) : () -> ()
        "tpu.region"() ({
          %run_scoped3A = tpu.sem_alloc : memref<!tpu.dma_semaphore, #tpu.memory_space<semaphore_mem>>
          %dma_start3A = arith.constant 0 : i32
          %dma_start3A_46 = tpu.memref_slice %arg11[%multiple_of3A, %dma_start3A] : memref<10000x16xf32, #tpu.memory_space<vmem_shared>> -> memref<200x16xf32, #tpu.memory_space<vmem_shared>>
          %dma_start3A_47 = arith.constant 0 : i32
          %dma_start3A_48 = tpu.memref_slice %arg11[%multiple_of3A, %dma_start3A_47] : memref<10000x16xf32, #tpu.memory_space<vmem_shared>> -> memref<200x16xf32, #tpu.memory_space<vmem_shared>>
          tpu.enqueue_dma source(%arg9 : memref<200x16xf32, #tpu.memory_space<vmem>>) target(%dma_start3A_48 : memref<200x16xf32, #tpu.memory_space<vmem_shared>>) target_semaphore(%run_scoped3A : memref<!tpu.dma_semaphore, #tpu.memory_space<semaphore_mem>>)
          %dma_wait3A = arith.constant 0 : i32
          %dma_wait3A_49 = tpu.memref_slice %arg11[%multiple_of3A, %dma_wait3A] : memref<10000x16xf32, #tpu.memory_space<vmem_shared>> -> memref<200x16xf32, #tpu.memory_space<vmem_shared>>
          %dma_wait3A_50 = arith.constant 0 : i32
          %dma_wait3A_51 = tpu.memref_slice %arg11[%multiple_of3A, %dma_wait3A_50] : memref<10000x16xf32, #tpu.memory_space<vmem_shared>> -> memref<200x16xf32, #tpu.memory_space<vmem_shared>>
          tpu.wait_dma2 semaphore(%run_scoped3A : memref<!tpu.dma_semaphore, #tpu.memory_space<semaphore_mem>>) src(%arg9 : memref<200x16xf32, #tpu.memory_space<vmem>>) dst(%dma_wait3A_51 : memref<200x16xf32, #tpu.memory_space<vmem_shared>>)
          tpu.yield
        }) : () -> ()
      } else {
      }
      %scan3A_43 = arith.constant 0 : i32
      scf.yield %scan3A_43 : i32
    }
    %scan3A_22 = arith.constant 4 : i32
    %barrier3A = arith.constant 0 : index
    tpu.barrier barrier_id(%barrier3A)
    %scan3A_23 = arith.constant 0 : i32
    %scan3A_24 = arith.constant 0 : i32
    %scan3A_25 = arith.constant 79 : i32
    %scan3A_26 = arith.addi %scan3A_24, %scan3A_25 : i32
    %scan3A_27 = arith.constant 1 : i32
    %scan3A_28 = scf.for %scan3A_38 = %scan3A_24 to %scan3A_26 step %scan3A_27 iter_args(%scan3A_39 = %scan3A_23) -> (i32)  : i32 {
      %mul3A = arith.constant 16 : i32
      %mul3A_40 = arith.muli %scan3A_38, %mul3A : i32
      %add3A = arith.addi %arg1, %mul3A_40 : i32
      %lt3A = arith.constant 1250 : i32
      %lt3A_41 = arith.cmpi slt, %add3A, %lt3A : i32
      %convert_element_type3A = arith.extui %lt3A_41 : i1 to i32
      %cond3A = arith.constant 0 : i32
      %cond3A_42 = arith.cmpi ne, %convert_element_type3A, %cond3A : i32
      scf.if %cond3A_42 {
        %mul3A_44 = arith.constant 160000 : i32
        %mul3A_45 = arith.muli %arg0, %mul3A_44 : i32
        %mul3A_46 = arith.constant 128 : i32
        %mul3A_47 = arith.muli %add3A, %mul3A_46 : i32
        %add3A_48 = arith.addi %mul3A_45, %mul3A_47 : i32
        "tpu.region"() ({
          %run_scoped3A = tpu.sem_alloc : memref<!tpu.dma_semaphore, #tpu.memory_space<semaphore_mem>>
          %dma_start3A = tpu.memref_slice %arg2[%add3A_48] : memref<320000xi32, #tpu.memory_space<hbm>> -> memref<128xi32, #tpu.memory_space<hbm>>
          %dma_start3A_49 = tpu.memref_slice %arg2[%add3A_48] : memref<320000xi32, #tpu.memory_space<hbm>> -> memref<128xi32, #tpu.memory_space<hbm>>
          tpu.enqueue_dma source(%dma_start3A_49 : memref<128xi32, #tpu.memory_space<hbm>>) target(%arg6 : memref<128xi32, #tpu.memory_space<vmem>>) target_semaphore(%run_scoped3A : memref<!tpu.dma_semaphore, #tpu.memory_space<semaphore_mem>>)
          %dma_wait3A = tpu.memref_slice %arg2[%add3A_48] : memref<320000xi32, #tpu.memory_space<hbm>> -> memref<128xi32, #tpu.memory_space<hbm>>
          %dma_wait3A_50 = tpu.memref_slice %arg2[%add3A_48] : memref<320000xi32, #tpu.memory_space<hbm>> -> memref<128xi32, #tpu.memory_space<hbm>>
          tpu.wait_dma2 semaphore(%run_scoped3A : memref<!tpu.dma_semaphore, #tpu.memory_space<semaphore_mem>>) src(%dma_wait3A_50 : memref<128xi32, #tpu.memory_space<hbm>>) dst(%arg6 : memref<128xi32, #tpu.memory_space<vmem>>)
          tpu.yield
        }) : () -> ()
        "tpu.region"() ({
          %run_scoped3A = tpu.sem_alloc : memref<!tpu.dma_semaphore, #tpu.memory_space<semaphore_mem>>
          %dma_start3A = tpu.memref_slice %arg3[%add3A_48] : memref<320000xi32, #tpu.memory_space<hbm>> -> memref<128xi32, #tpu.memory_space<hbm>>
          %dma_start3A_49 = tpu.memref_slice %arg3[%add3A_48] : memref<320000xi32, #tpu.memory_space<hbm>> -> memref<128xi32, #tpu.memory_space<hbm>>
          tpu.enqueue_dma source(%dma_start3A_49 : memref<128xi32, #tpu.memory_space<hbm>>) target(%arg7 : memref<128xi32, #tpu.memory_space<vmem>>) target_semaphore(%run_scoped3A : memref<!tpu.dma_semaphore, #tpu.memory_space<semaphore_mem>>)
          %dma_wait3A = tpu.memref_slice %arg3[%add3A_48] : memref<320000xi32, #tpu.memory_space<hbm>> -> memref<128xi32, #tpu.memory_space<hbm>>
          %dma_wait3A_50 = tpu.memref_slice %arg3[%add3A_48] : memref<320000xi32, #tpu.memory_space<hbm>> -> memref<128xi32, #tpu.memory_space<hbm>>
          tpu.wait_dma2 semaphore(%run_scoped3A : memref<!tpu.dma_semaphore, #tpu.memory_space<semaphore_mem>>) src(%dma_wait3A_50 : memref<128xi32, #tpu.memory_space<hbm>>) dst(%arg7 : memref<128xi32, #tpu.memory_space<vmem>>)
          tpu.yield
        }) : () -> ()
        "tpu.region"() ({
          %run_scoped3A = tpu.sem_alloc : memref<!tpu.dma_semaphore, #tpu.memory_space<semaphore_mem>>
          %dma_start3A = arith.constant 0 : i32
          %dma_start3A_49 = arith.constant 0 : i32
          %dma_start3A_50 = tpu.memref_slice %arg10[%dma_start3A, %dma_start3A_49] : memref<10000x16xf32, #tpu.memory_space<vmem_shared>> -> memref<10000x16xf32, #tpu.memory_space<vmem_shared>>
          tpu.enqueue_indirect_dma source(%arg8 : memref<128x16xf32, #tpu.memory_space<vmem>>) target(%dma_start3A_50 : memref<10000x16xf32, #tpu.memory_space<vmem_shared>>) offsets(%arg6 : memref<128xi32, #tpu.memory_space<vmem>>) semaphore(%run_scoped3A : memref<!tpu.dma_semaphore, #tpu.memory_space<semaphore_mem>>) {add = true}
          %dma_wait3A = arith.constant 0 : i32
          %dma_wait3A_51 = arith.constant 0 : i32
          %dma_wait3A_52 = tpu.memref_slice %arg10[%dma_wait3A, %dma_wait3A_51] : memref<10000x16xf32, #tpu.memory_space<vmem_shared>> -> memref<10000x16xf32, #tpu.memory_space<vmem_shared>>
          tpu.wait_indirect_dma semaphore(%run_scoped3A : memref<!tpu.dma_semaphore, #tpu.memory_space<semaphore_mem>>) src(%arg8 : memref<128x16xf32, #tpu.memory_space<vmem>>) dst(%dma_wait3A_52 : memref<10000x16xf32, #tpu.memory_space<vmem_shared>>)
          tpu.yield
        }) : () -> ()
        "tpu.region"() ({
          %run_scoped3A = tpu.sem_alloc : memref<!tpu.dma_semaphore, #tpu.memory_space<semaphore_mem>>
          %dma_start3A = arith.constant 0 : i32
          %dma_start3A_49 = arith.constant 0 : i32
          %dma_start3A_50 = tpu.memref_slice %arg11[%dma_start3A, %dma_start3A_49] : memref<10000x16xf32, #tpu.memory_space<vmem_shared>> -> memref<10000x16xf32, #tpu.memory_space<vmem_shared>>
          tpu.enqueue_indirect_dma source(%arg8 : memref<128x16xf32, #tpu.memory_space<vmem>>) target(%dma_start3A_50 : memref<10000x16xf32, #tpu.memory_space<vmem_shared>>) offsets(%arg7 : memref<128xi32, #tpu.memory_space<vmem>>) semaphore(%run_scoped3A : memref<!tpu.dma_semaphore, #tpu.memory_space<semaphore_mem>>) {add = true}
          %dma_wait3A = arith.constant 0 : i32
          %dma_wait3A_51 = arith.constant 0 : i32
          %dma_wait3A_52 = tpu.memref_slice %arg11[%dma_wait3A, %dma_wait3A_51] : memref<10000x16xf32, #tpu.memory_space<vmem_shared>> -> memref<10000x16xf32, #tpu.memory_space<vmem_shared>>
          tpu.wait_indirect_dma semaphore(%run_scoped3A : memref<!tpu.dma_semaphore, #tpu.memory_space<semaphore_mem>>) src(%arg8 : memref<128x16xf32, #tpu.memory_space<vmem>>) dst(%dma_wait3A_52 : memref<10000x16xf32, #tpu.memory_space<vmem_shared>>)
          tpu.yield
        }) : () -> ()
      } else {
      }
      %scan3A_43 = arith.constant 0 : i32
      scf.yield %scan3A_43 : i32
    }
    %scan3A_29 = arith.constant 79 : i32
    %barrier3A_30 = arith.constant 0 : index
    tpu.barrier barrier_id(%barrier3A_30)
    %scan3A_31 = arith.constant 0 : i32
    %scan3A_32 = arith.constant 0 : i32
    %scan3A_33 = arith.constant 4 : i32
    %scan3A_34 = arith.addi %scan3A_32, %scan3A_33 : i32
    %scan3A_35 = arith.constant 1 : i32
    %scan3A_36 = scf.for %scan3A_38 = %scan3A_32 to %scan3A_34 step %scan3A_35 iter_args(%scan3A_39 = %scan3A_31) -> (i32)  : i32 {
      %mul3A = arith.constant 16 : i32
      %mul3A_40 = arith.muli %scan3A_38, %mul3A : i32
      %add3A = arith.addi %arg1, %mul3A_40 : i32
      %lt3A = arith.constant 50 : i32
      %lt3A_41 = arith.cmpi slt, %add3A, %lt3A : i32
      %convert_element_type3A = arith.extui %lt3A_41 : i1 to i32
      %cond3A = arith.constant 0 : i32
      %cond3A_42 = arith.cmpi ne, %convert_element_type3A, %cond3A : i32
      scf.if %cond3A_42 {
        %mul3A_44 = arith.constant 200 : i32
        %mul3A_45 = arith.muli %add3A, %mul3A_44 : i32
        %multiple_of3A = tpu.assume_multiple %mul3A_45, 200 : i32
        "tpu.region"() ({
          %run_scoped3A = tpu.sem_alloc : memref<!tpu.dma_semaphore, #tpu.memory_space<semaphore_mem>>
          %dma_start3A = arith.constant 0 : i32
          %dma_start3A_46 = tpu.memref_slice %arg4[%arg0, %multiple_of3A, %dma_start3A] : memref<2x10000x16xf32, #tpu.memory_space<hbm>> -> memref<1x200x16xf32, #tpu.memory_space<hbm>>
          %dma_start3A_47 = tpu.memref_squeeze %dma_start3A_46 : memref<1x200x16xf32, #tpu.memory_space<hbm>> -> memref<200x16xf32, #tpu.memory_space<hbm>>
          %dma_start3A_48 = arith.constant 0 : i32
          %dma_start3A_49 = tpu.memref_slice %arg10[%multiple_of3A, %dma_start3A_48] : memref<10000x16xf32, #tpu.memory_space<vmem_shared>> -> memref<200x16xf32, #tpu.memory_space<vmem_shared>>
          tpu.enqueue_dma source(%dma_start3A_49 : memref<200x16xf32, #tpu.memory_space<vmem_shared>>) target(%dma_start3A_47 : memref<200x16xf32, #tpu.memory_space<hbm>>) target_semaphore(%run_scoped3A : memref<!tpu.dma_semaphore, #tpu.memory_space<semaphore_mem>>)
          %dma_wait3A = arith.constant 0 : i32
          %dma_wait3A_50 = tpu.memref_slice %arg4[%arg0, %multiple_of3A, %dma_wait3A] : memref<2x10000x16xf32, #tpu.memory_space<hbm>> -> memref<1x200x16xf32, #tpu.memory_space<hbm>>
          %dma_wait3A_51 = tpu.memref_squeeze %dma_wait3A_50 : memref<1x200x16xf32, #tpu.memory_space<hbm>> -> memref<200x16xf32, #tpu.memory_space<hbm>>
          %dma_wait3A_52 = arith.constant 0 : i32
          %dma_wait3A_53 = tpu.memref_slice %arg10[%multiple_of3A, %dma_wait3A_52] : memref<10000x16xf32, #tpu.memory_space<vmem_shared>> -> memref<200x16xf32, #tpu.memory_space<vmem_shared>>
          tpu.wait_dma2 semaphore(%run_scoped3A : memref<!tpu.dma_semaphore, #tpu.memory_space<semaphore_mem>>) src(%dma_wait3A_53 : memref<200x16xf32, #tpu.memory_space<vmem_shared>>) dst(%dma_wait3A_51 : memref<200x16xf32, #tpu.memory_space<hbm>>)
          tpu.yield
        }) : () -> ()
        "tpu.region"() ({
          %run_scoped3A = tpu.sem_alloc : memref<!tpu.dma_semaphore, #tpu.memory_space<semaphore_mem>>
          %dma_start3A = arith.constant 0 : i32
          %dma_start3A_46 = tpu.memref_slice %arg5[%arg0, %multiple_of3A, %dma_start3A] : memref<2x10000x16xf32, #tpu.memory_space<hbm>> -> memref<1x200x16xf32, #tpu.memory_space<hbm>>
          %dma_start3A_47 = tpu.memref_squeeze %dma_start3A_46 : memref<1x200x16xf32, #tpu.memory_space<hbm>> -> memref<200x16xf32, #tpu.memory_space<hbm>>
          %dma_start3A_48 = arith.constant 0 : i32
          %dma_start3A_49 = tpu.memref_slice %arg11[%multiple_of3A, %dma_start3A_48] : memref<10000x16xf32, #tpu.memory_space<vmem_shared>> -> memref<200x16xf32, #tpu.memory_space<vmem_shared>>
          tpu.enqueue_dma source(%dma_start3A_49 : memref<200x16xf32, #tpu.memory_space<vmem_shared>>) target(%dma_start3A_47 : memref<200x16xf32, #tpu.memory_space<hbm>>) target_semaphore(%run_scoped3A : memref<!tpu.dma_semaphore, #tpu.memory_space<semaphore_mem>>)
          %dma_wait3A = arith.constant 0 : i32
          %dma_wait3A_50 = tpu.memref_slice %arg5[%arg0, %multiple_of3A, %dma_wait3A] : memref<2x10000x16xf32, #tpu.memory_space<hbm>> -> memref<1x200x16xf32, #tpu.memory_space<hbm>>
          %dma_wait3A_51 = tpu.memref_squeeze %dma_wait3A_50 : memref<1x200x16xf32, #tpu.memory_space<hbm>> -> memref<200x16xf32, #tpu.memory_space<hbm>>
          %dma_wait3A_52 = arith.constant 0 : i32
          %dma_wait3A_53 = tpu.memref_slice %arg11[%multiple_of3A, %dma_wait3A_52] : memref<10000x16xf32, #tpu.memory_space<vmem_shared>> -> memref<200x16xf32, #tpu.memory_space<vmem_shared>>
          tpu.wait_dma2 semaphore(%run_scoped3A : memref<!tpu.dma_semaphore, #tpu.memory_space<semaphore_mem>>) src(%dma_wait3A_53 : memref<200x16xf32, #tpu.memory_space<vmem_shared>>) dst(%dma_wait3A_51 : memref<200x16xf32, #tpu.memory_space<hbm>>)
          tpu.yield
        }) : () -> ()
      } else {
      }
      %scan3A_43 = arith.constant 0 : i32
      scf.yield %scan3A_43 : i32
    }
    %scan3A_37 = arith.constant 4 : i32
    return
  }
}

#map = affine_map<(d0, d1) -> (0, 0)>
#map1 = affine_map<(d0, d1) -> (0)>
#map2 = affine_map<(d0, d1) -> (0, 0, 0)>
module attributes {stable_mosaic.version = 14 : i64} {
  func.func @k(%arg0: i32, %arg1: i32, %arg2: memref<10000x64xf32, #tpu.memory_space<hbm>>, %arg3: memref<320000xi32, #tpu.memory_space<hbm>>, %arg4: memref<320000xi32, #tpu.memory_space<hbm>>, %arg5: memref<2x10000x64xf32, #tpu.memory_space<hbm>>, %arg6: memref<128xi32, #tpu.memory_space<vmem>>, %arg7: memref<128xi32, #tpu.memory_space<vmem>>, %arg8: memref<128xi32, #tpu.memory_space<vmem>>, %arg9: memref<128xi32, #tpu.memory_space<vmem>>, %arg10: memref<128x64xf32, #tpu.memory_space<vmem>>, %arg11: memref<128x64xf32, #tpu.memory_space<vmem>>, %arg12: memref<200x64xf32, #tpu.memory_space<vmem>>, %arg13: memref<10000x64xf32, #tpu.memory_space<vmem_shared>>, %arg14: memref<!tpu.dma_semaphore, #tpu.memory_space<semaphore_mem>>, %arg15: memref<!tpu.dma_semaphore, #tpu.memory_space<semaphore_mem>>) attributes {dimension_semantics = [#tpu.dimension_semantics<core_parallel>, #tpu.dimension_semantics<subcore_parallel>], iteration_bounds = array<i64: 2, 16>, scalar_prefetch = 0 : i64, scratch_operands = 10 : i64, tpu.core_type = #tpu.core_type<sc_vector_subcore>, window_params = [{transform_indices = #map}, {transform_indices = #map1}, {transform_indices = #map1}, {transform_indices = #map2}]} {
    %broadcast_in_dim3A = arith.constant 0.000000e+00 : f32
    %broadcast_in_dim3A_0 = vector.broadcast %broadcast_in_dim3A : f32 to vector<16xf32>
    %scan3A = arith.constant 0 : i32
    %scan3A_1 = arith.constant 0 : i32
    %scan3A_2 = arith.constant 800 : i32
    %scan3A_3 = arith.addi %scan3A_1, %scan3A_2 : i32
    %scan3A_4 = arith.constant 1 : i32
    %scan3A_5 = scf.for %scan3A_32 = %scan3A_1 to %scan3A_3 step %scan3A_4 iter_args(%scan3A_33 = %scan3A) -> (i32)  : i32 {
      %jit3A = arith.constant 4 : i32
      %div3A = arith.divsi %scan3A_32, %jit3A : i32
      %sign3A = arith.constant 0 : i32
      %sign3A_34 = arith.cmpi sgt, %scan3A_32, %sign3A : i32
      %sign3A_35 = arith.extui %sign3A_34 : i1 to i32
      %sign3A_36 = arith.constant 0 : i32
      %sign3A_37 = arith.cmpi slt, %scan3A_32, %sign3A_36 : i32
      %sign3A_38 = arith.extui %sign3A_37 : i1 to i32
      %sign3A_39 = arith.subi %sign3A_35, %sign3A_38 : i32
      %sign3A_40 = arith.constant 0 : i32
      %sign3A_41 = arith.cmpi sgt, %jit3A, %sign3A_40 : i32
      %sign3A_42 = arith.extui %sign3A_41 : i1 to i32
      %sign3A_43 = arith.constant 0 : i32
      %sign3A_44 = arith.cmpi slt, %jit3A, %sign3A_43 : i32
      %sign3A_45 = arith.extui %sign3A_44 : i1 to i32
      %sign3A_46 = arith.subi %sign3A_42, %sign3A_45 : i32
      %ne3A = arith.cmpi ne, %sign3A_39, %sign3A_46 : i32
      %rem3A = arith.remsi %scan3A_32, %jit3A : i32
      %ne3A_47 = arith.constant 0 : i32
      %ne3A_48 = arith.cmpi ne, %rem3A, %ne3A_47 : i32
      %and3A = arith.andi %ne3A, %ne3A_48 : i1
      %sub3A = arith.constant 1 : i32
      %sub3A_49 = arith.subi %div3A, %sub3A : i32
      %select_n3A = arith.select %and3A, %sub3A_49, %div3A : i32
      %jit3A_50 = arith.constant 4 : i32
      %eq3A = arith.constant 0 : i32
      %eq3A_51 = arith.cmpi eq, %jit3A_50, %eq3A : i32
      %jit3A_52 = arith.constant 1 : i32
      %select_n3A_53 = arith.select %eq3A_51, %jit3A_52, %jit3A_50 : i32
      %rem3A_54 = arith.remsi %scan3A_32, %select_n3A_53 : i32
      %ne3A_55 = arith.constant 0 : i32
      %ne3A_56 = arith.cmpi ne, %rem3A_54, %ne3A_55 : i32
      %lt3A_57 = arith.constant 0 : i32
      %lt3A_58 = arith.cmpi slt, %rem3A_54, %lt3A_57 : i32
      %lt3A_59 = arith.constant 0 : i32
      %lt3A_60 = arith.cmpi slt, %select_n3A_53, %lt3A_59 : i32
      %ne3A_61 = arith.xori %lt3A_58, %lt3A_60 : i1
      %and3A_62 = arith.andi %ne3A_61, %ne3A_56 : i1
      %add3A_63 = arith.addi %rem3A_54, %select_n3A_53 : i32
      %select_n3A_64 = arith.select %and3A_62, %add3A_63, %rem3A_54 : i32
      %mul3A = arith.constant 16 : i32
      %mul3A_65 = arith.muli %select_n3A_64, %mul3A : i32
      %multiple_of3A = tpu.assume_multiple %mul3A_65, 16 : i32
      %swap3A = arith.index_cast %select_n3A : i32 to index
      %swap3A_66 = arith.index_cast %multiple_of3A : i32 to index
      %swap3A_67 = tpu.vector_load %arg12[%swap3A, %swap3A_66] {strides = array<i32>} : memref<200x64xf32, #tpu.memory_space<vmem>>, vector<1x16xf32>,
      %swap3A_68 = vector.shape_cast %swap3A_67 : vector<1x16xf32> to vector<16xf32>
      %swap3A_69 = vector.shape_cast %broadcast_in_dim3A_0 : vector<16xf32> to vector<1x16xf32>
      tpu.vector_store %arg12[%swap3A, %swap3A_66], %swap3A_69 {strides = array<i32>} : memref<200x64xf32, #tpu.memory_space<vmem>>, vector<1x16xf32>,
      %scan3A_70 = arith.constant 0 : i32
      scf.yield %scan3A_70 : i32
    }
    %scan3A_6 = arith.constant 800 : i32
    %scan3A_7 = arith.constant 0 : i32
    %scan3A_8 = arith.constant 0 : i32
    %scan3A_9 = arith.constant 4 : i32
    %scan3A_10 = arith.addi %scan3A_8, %scan3A_9 : i32
    %scan3A_11 = arith.constant 1 : i32
    %scan3A_12 = scf.for %scan3A_32 = %scan3A_8 to %scan3A_10 step %scan3A_11 iter_args(%scan3A_33 = %scan3A_7) -> (i32)  : i32 {
      %mul3A = arith.constant 16 : i32
      %mul3A_34 = arith.muli %scan3A_32, %mul3A : i32
      %add3A_35 = arith.addi %arg1, %mul3A_34 : i32
      %lt3A_36 = arith.constant 50 : i32
      %lt3A_37 = arith.cmpi slt, %add3A_35, %lt3A_36 : i32
      %convert_element_type3A_38 = arith.extui %lt3A_37 : i1 to i32
      %cond3A_39 = arith.constant 0 : i32
      %cond3A_40 = arith.cmpi ne, %convert_element_type3A_38, %cond3A_39 : i32
      scf.if %cond3A_40 {
        %mul3A_42 = arith.constant 200 : i32
        %mul3A_43 = arith.muli %add3A_35, %mul3A_42 : i32
        %multiple_of3A = tpu.assume_multiple %mul3A_43, 200 : i32
        "tpu.region"() ({
          %run_scoped3A = tpu.sem_alloc : memref<!tpu.dma_semaphore, #tpu.memory_space<semaphore_mem>>
          %dma_start3A = arith.constant 0 : i32
          %dma_start3A_44 = tpu.memref_slice %arg13[%multiple_of3A, %dma_start3A] : memref<10000x64xf32, #tpu.memory_space<vmem_shared>> -> memref<200x64xf32, #tpu.memory_space<vmem_shared>>
          %dma_start3A_45 = arith.constant 0 : i32
          %dma_start3A_46 = tpu.memref_slice %arg13[%multiple_of3A, %dma_start3A_45] : memref<10000x64xf32, #tpu.memory_space<vmem_shared>> -> memref<200x64xf32, #tpu.memory_space<vmem_shared>>
          tpu.enqueue_dma source(%arg12 : memref<200x64xf32, #tpu.memory_space<vmem>>) target(%dma_start3A_46 : memref<200x64xf32, #tpu.memory_space<vmem_shared>>) target_semaphore(%run_scoped3A : memref<!tpu.dma_semaphore, #tpu.memory_space<semaphore_mem>>)
          %dma_wait3A = arith.constant 0 : i32
          %dma_wait3A_47 = tpu.memref_slice %arg13[%multiple_of3A, %dma_wait3A] : memref<10000x64xf32, #tpu.memory_space<vmem_shared>> -> memref<200x64xf32, #tpu.memory_space<vmem_shared>>
          %dma_wait3A_48 = arith.constant 0 : i32
          %dma_wait3A_49 = tpu.memref_slice %arg13[%multiple_of3A, %dma_wait3A_48] : memref<10000x64xf32, #tpu.memory_space<vmem_shared>> -> memref<200x64xf32, #tpu.memory_space<vmem_shared>>
          tpu.wait_dma2 semaphore(%run_scoped3A : memref<!tpu.dma_semaphore, #tpu.memory_space<semaphore_mem>>) src(%arg12 : memref<200x64xf32, #tpu.memory_space<vmem>>) dst(%dma_wait3A_49 : memref<200x64xf32, #tpu.memory_space<vmem_shared>>)
          tpu.yield
        }) : () -> ()
      } else {
      }
      %scan3A_41 = arith.constant 0 : i32
      scf.yield %scan3A_41 : i32
    }
    %scan3A_13 = arith.constant 4 : i32
    %barrier3A = arith.constant 0 : index
    tpu.barrier barrier_id(%barrier3A)
    %add3A = arith.constant 0 : i32
    %add3A_14 = arith.addi %arg1, %add3A : i32
    %lt3A = arith.constant 1250 : i32
    %lt3A_15 = arith.cmpi slt, %add3A_14, %lt3A : i32
    %convert_element_type3A = arith.extui %lt3A_15 : i1 to i32
    %cond3A = arith.constant 0 : i32
    %cond3A_16 = arith.cmpi ne, %convert_element_type3A, %cond3A : i32
    scf.if %cond3A_16 {
      %mul3A = arith.constant 160000 : i32
      %mul3A_32 = arith.muli %arg0, %mul3A : i32
      %mul3A_33 = arith.constant 128 : i32
      %mul3A_34 = arith.muli %add3A_14, %mul3A_33 : i32
      %add3A_35 = arith.addi %mul3A_32, %mul3A_34 : i32
      "tpu.region"() ({
        %run_scoped3A = tpu.sem_alloc : memref<!tpu.dma_semaphore, #tpu.memory_space<semaphore_mem>>
        %dma_start3A_38 = tpu.memref_slice %arg3[%add3A_35] : memref<320000xi32, #tpu.memory_space<hbm>> -> memref<128xi32, #tpu.memory_space<hbm>>
        %dma_start3A_39 = tpu.memref_slice %arg3[%add3A_35] : memref<320000xi32, #tpu.memory_space<hbm>> -> memref<128xi32, #tpu.memory_space<hbm>>
        tpu.enqueue_dma source(%dma_start3A_39 : memref<128xi32, #tpu.memory_space<hbm>>) target(%arg6 : memref<128xi32, #tpu.memory_space<vmem>>) target_semaphore(%run_scoped3A : memref<!tpu.dma_semaphore, #tpu.memory_space<semaphore_mem>>)
        %dma_wait3A = tpu.memref_slice %arg3[%add3A_35] : memref<320000xi32, #tpu.memory_space<hbm>> -> memref<128xi32, #tpu.memory_space<hbm>>
        %dma_wait3A_40 = tpu.memref_slice %arg3[%add3A_35] : memref<320000xi32, #tpu.memory_space<hbm>> -> memref<128xi32, #tpu.memory_space<hbm>>
        tpu.wait_dma2 semaphore(%run_scoped3A : memref<!tpu.dma_semaphore, #tpu.memory_space<semaphore_mem>>) src(%dma_wait3A_40 : memref<128xi32, #tpu.memory_space<hbm>>) dst(%arg6 : memref<128xi32, #tpu.memory_space<vmem>>)
        tpu.yield
      }) : () -> ()
      "tpu.region"() ({
        %run_scoped3A = tpu.sem_alloc : memref<!tpu.dma_semaphore, #tpu.memory_space<semaphore_mem>>
        %dma_start3A_38 = tpu.memref_slice %arg4[%add3A_35] : memref<320000xi32, #tpu.memory_space<hbm>> -> memref<128xi32, #tpu.memory_space<hbm>>
        %dma_start3A_39 = tpu.memref_slice %arg4[%add3A_35] : memref<320000xi32, #tpu.memory_space<hbm>> -> memref<128xi32, #tpu.memory_space<hbm>>
        tpu.enqueue_dma source(%dma_start3A_39 : memref<128xi32, #tpu.memory_space<hbm>>) target(%arg8 : memref<128xi32, #tpu.memory_space<vmem>>) target_semaphore(%run_scoped3A : memref<!tpu.dma_semaphore, #tpu.memory_space<semaphore_mem>>)
        %dma_wait3A = tpu.memref_slice %arg4[%add3A_35] : memref<320000xi32, #tpu.memory_space<hbm>> -> memref<128xi32, #tpu.memory_space<hbm>>
        %dma_wait3A_40 = tpu.memref_slice %arg4[%add3A_35] : memref<320000xi32, #tpu.memory_space<hbm>> -> memref<128xi32, #tpu.memory_space<hbm>>
        tpu.wait_dma2 semaphore(%run_scoped3A : memref<!tpu.dma_semaphore, #tpu.memory_space<semaphore_mem>>) src(%dma_wait3A_40 : memref<128xi32, #tpu.memory_space<hbm>>) dst(%arg8 : memref<128xi32, #tpu.memory_space<vmem>>)
        tpu.yield
      }) : () -> ()
      %dma_start3A = arith.constant 0 : i32
      %dma_start3A_36 = arith.constant 0 : i32
      %dma_start3A_37 = tpu.memref_slice %arg2[%dma_start3A, %dma_start3A_36] : memref<10000x64xf32, #tpu.memory_space<hbm>> -> memref<10000x64xf32, #tpu.memory_space<hbm>>
      tpu.enqueue_indirect_dma source(%dma_start3A_37 : memref<10000x64xf32, #tpu.memory_space<hbm>>) target(%arg10 : memref<128x64xf32, #tpu.memory_space<vmem>>) offsets(%arg6 : memref<128xi32, #tpu.memory_space<vmem>>) semaphore(%arg14 : memref<!tpu.dma_semaphore, #tpu.memory_space<semaphore_mem>>)
    } else {
    }
    %scan3A_17 = arith.constant 0 : i32
    %scan3A_18 = arith.constant 0 : i32
    %scan3A_19 = arith.constant 40 : i32
    %scan3A_20 = arith.addi %scan3A_18, %scan3A_19 : i32
    %scan3A_21 = arith.constant 1 : i32
    %scan3A_22 = scf.for %scan3A_32 = %scan3A_18 to %scan3A_20 step %scan3A_21 iter_args(%scan3A_33 = %scan3A_17) -> (i32)  : i32 {
      %mul3A = arith.constant 2 : i32
      %mul3A_34 = arith.muli %scan3A_32, %mul3A : i32
      %add3A_35 = arith.constant 1 : i32
      %add3A_36 = arith.addi %mul3A_34, %add3A_35 : i32
      %mul3A_37 = arith.constant 16 : i32
      %mul3A_38 = arith.muli %add3A_36, %mul3A_37 : i32
      %add3A_39 = arith.addi %arg1, %mul3A_38 : i32
      %lt3A_40 = arith.constant 1250 : i32
      %lt3A_41 = arith.cmpi slt, %add3A_39, %lt3A_40 : i32
      %convert_element_type3A_42 = arith.extui %lt3A_41 : i1 to i32
      %cond3A_43 = arith.constant 0 : i32
      %cond3A_44 = arith.cmpi ne, %convert_element_type3A_42, %cond3A_43 : i32
      scf.if %cond3A_44 {
        %mul3A_74 = arith.constant 160000 : i32
        %mul3A_75 = arith.muli %arg0, %mul3A_74 : i32
        %mul3A_76 = arith.constant 128 : i32
        %mul3A_77 = arith.muli %add3A_39, %mul3A_76 : i32
        %add3A_78 = arith.addi %mul3A_75, %mul3A_77 : i32
        "tpu.region"() ({
          %run_scoped3A = tpu.sem_alloc : memref<!tpu.dma_semaphore, #tpu.memory_space<semaphore_mem>>
          %dma_start3A_81 = tpu.memref_slice %arg3[%add3A_78] : memref<320000xi32, #tpu.memory_space<hbm>> -> memref<128xi32, #tpu.memory_space<hbm>>
          %dma_start3A_82 = tpu.memref_slice %arg3[%add3A_78] : memref<320000xi32, #tpu.memory_space<hbm>> -> memref<128xi32, #tpu.memory_space<hbm>>
          tpu.enqueue_dma source(%dma_start3A_82 : memref<128xi32, #tpu.memory_space<hbm>>) target(%arg7 : memref<128xi32, #tpu.memory_space<vmem>>) target_semaphore(%run_scoped3A : memref<!tpu.dma_semaphore, #tpu.memory_space<semaphore_mem>>)
          %dma_wait3A = tpu.memref_slice %arg3[%add3A_78] : memref<320000xi32, #tpu.memory_space<hbm>> -> memref<128xi32, #tpu.memory_space<hbm>>
          %dma_wait3A_83 = tpu.memref_slice %arg3[%add3A_78] : memref<320000xi32, #tpu.memory_space<hbm>> -> memref<128xi32, #tpu.memory_space<hbm>>
          tpu.wait_dma2 semaphore(%run_scoped3A : memref<!tpu.dma_semaphore, #tpu.memory_space<semaphore_mem>>) src(%dma_wait3A_83 : memref<128xi32, #tpu.memory_space<hbm>>) dst(%arg7 : memref<128xi32, #tpu.memory_space<vmem>>)
          tpu.yield
        }) : () -> ()
        "tpu.region"() ({
          %run_scoped3A = tpu.sem_alloc : memref<!tpu.dma_semaphore, #tpu.memory_space<semaphore_mem>>
          %dma_start3A_81 = tpu.memref_slice %arg4[%add3A_78] : memref<320000xi32, #tpu.memory_space<hbm>> -> memref<128xi32, #tpu.memory_space<hbm>>
          %dma_start3A_82 = tpu.memref_slice %arg4[%add3A_78] : memref<320000xi32, #tpu.memory_space<hbm>> -> memref<128xi32, #tpu.memory_space<hbm>>
          tpu.enqueue_dma source(%dma_start3A_82 : memref<128xi32, #tpu.memory_space<hbm>>) target(%arg9 : memref<128xi32, #tpu.memory_space<vmem>>) target_semaphore(%run_scoped3A : memref<!tpu.dma_semaphore, #tpu.memory_space<semaphore_mem>>)
          %dma_wait3A = tpu.memref_slice %arg4[%add3A_78] : memref<320000xi32, #tpu.memory_space<hbm>> -> memref<128xi32, #tpu.memory_space<hbm>>
          %dma_wait3A_83 = tpu.memref_slice %arg4[%add3A_78] : memref<320000xi32, #tpu.memory_space<hbm>> -> memref<128xi32, #tpu.memory_space<hbm>>
          tpu.wait_dma2 semaphore(%run_scoped3A : memref<!tpu.dma_semaphore, #tpu.memory_space<semaphore_mem>>) src(%dma_wait3A_83 : memref<128xi32, #tpu.memory_space<hbm>>) dst(%arg9 : memref<128xi32, #tpu.memory_space<vmem>>)
          tpu.yield
        }) : () -> ()
        %dma_start3A = arith.constant 0 : i32
        %dma_start3A_79 = arith.constant 0 : i32
        %dma_start3A_80 = tpu.memref_slice %arg2[%dma_start3A, %dma_start3A_79] : memref<10000x64xf32, #tpu.memory_space<hbm>> -> memref<10000x64xf32, #tpu.memory_space<hbm>>
        tpu.enqueue_indirect_dma source(%dma_start3A_80 : memref<10000x64xf32, #tpu.memory_space<hbm>>) target(%arg11 : memref<128x64xf32, #tpu.memory_space<vmem>>) offsets(%arg7 : memref<128xi32, #tpu.memory_space<vmem>>) semaphore(%arg15 : memref<!tpu.dma_semaphore, #tpu.memory_space<semaphore_mem>>)
      } else {
      }
      %mul3A_45 = arith.constant 16 : i32
      %mul3A_46 = arith.muli %mul3A_34, %mul3A_45 : i32
      %add3A_47 = arith.addi %arg1, %mul3A_46 : i32
      %lt3A_48 = arith.constant 1250 : i32
      %lt3A_49 = arith.cmpi slt, %add3A_47, %lt3A_48 : i32
      %convert_element_type3A_50 = arith.extui %lt3A_49 : i1 to i32
      %cond3A_51 = arith.constant 0 : i32
      %cond3A_52 = arith.cmpi ne, %convert_element_type3A_50, %cond3A_51 : i32
      scf.if %cond3A_52 {
        %dma_wait3A = arith.constant 0 : i32
        %dma_wait3A_74 = arith.constant 0 : i32
        %dma_wait3A_75 = tpu.memref_slice %arg2[%dma_wait3A, %dma_wait3A_74] : memref<10000x64xf32, #tpu.memory_space<hbm>> -> memref<10000x64xf32, #tpu.memory_space<hbm>>
        tpu.wait_indirect_dma semaphore(%arg14 : memref<!tpu.dma_semaphore, #tpu.memory_space<semaphore_mem>>) src(%dma_wait3A_75 : memref<10000x64xf32, #tpu.memory_space<hbm>>) dst(%arg10 : memref<128x64xf32, #tpu.memory_space<vmem>>)
        "tpu.region"() ({
          %run_scoped3A = tpu.sem_alloc : memref<!tpu.dma_semaphore, #tpu.memory_space<semaphore_mem>>
          %dma_start3A = arith.constant 0 : i32
          %dma_start3A_76 = arith.constant 0 : i32
          %dma_start3A_77 = tpu.memref_slice %arg13[%dma_start3A, %dma_start3A_76] : memref<10000x64xf32, #tpu.memory_space<vmem_shared>> -> memref<10000x64xf32, #tpu.memory_space<vmem_shared>>
          tpu.enqueue_indirect_dma source(%arg10 : memref<128x64xf32, #tpu.memory_space<vmem>>) target(%dma_start3A_77 : memref<10000x64xf32, #tpu.memory_space<vmem_shared>>) offsets(%arg8 : memref<128xi32, #tpu.memory_space<vmem>>) semaphore(%run_scoped3A : memref<!tpu.dma_semaphore, #tpu.memory_space<semaphore_mem>>) {add = true}
          %dma_wait3A_78 = arith.constant 0 : i32
          %dma_wait3A_79 = arith.constant 0 : i32
          %dma_wait3A_80 = tpu.memref_slice %arg13[%dma_wait3A_78, %dma_wait3A_79] : memref<10000x64xf32, #tpu.memory_space<vmem_shared>> -> memref<10000x64xf32, #tpu.memory_space<vmem_shared>>
          tpu.wait_indirect_dma semaphore(%run_scoped3A : memref<!tpu.dma_semaphore, #tpu.memory_space<semaphore_mem>>) src(%arg10 : memref<128x64xf32, #tpu.memory_space<vmem>>) dst(%dma_wait3A_80 : memref<10000x64xf32, #tpu.memory_space<vmem_shared>>)
          tpu.yield
        }) : () -> ()
      } else {
      }
      %add3A_53 = arith.constant 2 : i32
      %add3A_54 = arith.addi %mul3A_34, %add3A_53 : i32
      %mul3A_55 = arith.constant 16 : i32
      %mul3A_56 = arith.muli %add3A_54, %mul3A_55 : i32
      %add3A_57 = arith.addi %arg1, %mul3A_56 : i32
      %lt3A_58 = arith.constant 1250 : i32
      %lt3A_59 = arith.cmpi slt, %add3A_57, %lt3A_58 : i32
      %convert_element_type3A_60 = arith.extui %lt3A_59 : i1 to i32
      %cond3A_61 = arith.constant 0 : i32
      %cond3A_62 = arith.cmpi ne, %convert_element_type3A_60, %cond3A_61 : i32
      scf.if %cond3A_62 {
        %mul3A_74 = arith.constant 160000 : i32
        %mul3A_75 = arith.muli %arg0, %mul3A_74 : i32
        %mul3A_76 = arith.constant 128 : i32
        %mul3A_77 = arith.muli %add3A_57, %mul3A_76 : i32
        %add3A_78 = arith.addi %mul3A_75, %mul3A_77 : i32
        "tpu.region"() ({
          %run_scoped3A = tpu.sem_alloc : memref<!tpu.dma_semaphore, #tpu.memory_space<semaphore_mem>>
          %dma_start3A_81 = tpu.memref_slice %arg3[%add3A_78] : memref<320000xi32, #tpu.memory_space<hbm>> -> memref<128xi32, #tpu.memory_space<hbm>>
          %dma_start3A_82 = tpu.memref_slice %arg3[%add3A_78] : memref<320000xi32, #tpu.memory_space<hbm>> -> memref<128xi32, #tpu.memory_space<hbm>>
          tpu.enqueue_dma source(%dma_start3A_82 : memref<128xi32, #tpu.memory_space<hbm>>) target(%arg6 : memref<128xi32, #tpu.memory_space<vmem>>) target_semaphore(%run_scoped3A : memref<!tpu.dma_semaphore, #tpu.memory_space<semaphore_mem>>)
          %dma_wait3A = tpu.memref_slice %arg3[%add3A_78] : memref<320000xi32, #tpu.memory_space<hbm>> -> memref<128xi32, #tpu.memory_space<hbm>>
          %dma_wait3A_83 = tpu.memref_slice %arg3[%add3A_78] : memref<320000xi32, #tpu.memory_space<hbm>> -> memref<128xi32, #tpu.memory_space<hbm>>
          tpu.wait_dma2 semaphore(%run_scoped3A : memref<!tpu.dma_semaphore, #tpu.memory_space<semaphore_mem>>) src(%dma_wait3A_83 : memref<128xi32, #tpu.memory_space<hbm>>) dst(%arg6 : memref<128xi32, #tpu.memory_space<vmem>>)
          tpu.yield
        }) : () -> ()
        "tpu.region"() ({
          %run_scoped3A = tpu.sem_alloc : memref<!tpu.dma_semaphore, #tpu.memory_space<semaphore_mem>>
          %dma_start3A_81 = tpu.memref_slice %arg4[%add3A_78] : memref<320000xi32, #tpu.memory_space<hbm>> -> memref<128xi32, #tpu.memory_space<hbm>>
          %dma_start3A_82 = tpu.memref_slice %arg4[%add3A_78] : memref<320000xi32, #tpu.memory_space<hbm>> -> memref<128xi32, #tpu.memory_space<hbm>>
          tpu.enqueue_dma source(%dma_start3A_82 : memref<128xi32, #tpu.memory_space<hbm>>) target(%arg8 : memref<128xi32, #tpu.memory_space<vmem>>) target_semaphore(%run_scoped3A : memref<!tpu.dma_semaphore, #tpu.memory_space<semaphore_mem>>)
          %dma_wait3A = tpu.memref_slice %arg4[%add3A_78] : memref<320000xi32, #tpu.memory_space<hbm>> -> memref<128xi32, #tpu.memory_space<hbm>>
          %dma_wait3A_83 = tpu.memref_slice %arg4[%add3A_78] : memref<320000xi32, #tpu.memory_space<hbm>> -> memref<128xi32, #tpu.memory_space<hbm>>
          tpu.wait_dma2 semaphore(%run_scoped3A : memref<!tpu.dma_semaphore, #tpu.memory_space<semaphore_mem>>) src(%dma_wait3A_83 : memref<128xi32, #tpu.memory_space<hbm>>) dst(%arg8 : memref<128xi32, #tpu.memory_space<vmem>>)
          tpu.yield
        }) : () -> ()
        %dma_start3A = arith.constant 0 : i32
        %dma_start3A_79 = arith.constant 0 : i32
        %dma_start3A_80 = tpu.memref_slice %arg2[%dma_start3A, %dma_start3A_79] : memref<10000x64xf32, #tpu.memory_space<hbm>> -> memref<10000x64xf32, #tpu.memory_space<hbm>>
        tpu.enqueue_indirect_dma source(%dma_start3A_80 : memref<10000x64xf32, #tpu.memory_space<hbm>>) target(%arg10 : memref<128x64xf32, #tpu.memory_space<vmem>>) offsets(%arg6 : memref<128xi32, #tpu.memory_space<vmem>>) semaphore(%arg14 : memref<!tpu.dma_semaphore, #tpu.memory_space<semaphore_mem>>)
      } else {
      }
      %add3A_63 = arith.constant 1 : i32
      %add3A_64 = arith.addi %mul3A_34, %add3A_63 : i32
      %mul3A_65 = arith.constant 16 : i32
      %mul3A_66 = arith.muli %add3A_64, %mul3A_65 : i32
      %add3A_67 = arith.addi %arg1, %mul3A_66 : i32
      %lt3A_68 = arith.constant 1250 : i32
      %lt3A_69 = arith.cmpi slt, %add3A_67, %lt3A_68 : i32
      %convert_element_type3A_70 = arith.extui %lt3A_69 : i1 to i32
      %cond3A_71 = arith.constant 0 : i32
      %cond3A_72 = arith.cmpi ne, %convert_element_type3A_70, %cond3A_71 : i32
      scf.if %cond3A_72 {
        %dma_wait3A = arith.constant 0 : i32
        %dma_wait3A_74 = arith.constant 0 : i32
        %dma_wait3A_75 = tpu.memref_slice %arg2[%dma_wait3A, %dma_wait3A_74] : memref<10000x64xf32, #tpu.memory_space<hbm>> -> memref<10000x64xf32, #tpu.memory_space<hbm>>
        tpu.wait_indirect_dma semaphore(%arg15 : memref<!tpu.dma_semaphore, #tpu.memory_space<semaphore_mem>>) src(%dma_wait3A_75 : memref<10000x64xf32, #tpu.memory_space<hbm>>) dst(%arg11 : memref<128x64xf32, #tpu.memory_space<vmem>>)
        "tpu.region"() ({
          %run_scoped3A = tpu.sem_alloc : memref<!tpu.dma_semaphore, #tpu.memory_space<semaphore_mem>>
          %dma_start3A = arith.constant 0 : i32
          %dma_start3A_76 = arith.constant 0 : i32
          %dma_start3A_77 = tpu.memref_slice %arg13[%dma_start3A, %dma_start3A_76] : memref<10000x64xf32, #tpu.memory_space<vmem_shared>> -> memref<10000x64xf32, #tpu.memory_space<vmem_shared>>
          tpu.enqueue_indirect_dma source(%arg11 : memref<128x64xf32, #tpu.memory_space<vmem>>) target(%dma_start3A_77 : memref<10000x64xf32, #tpu.memory_space<vmem_shared>>) offsets(%arg9 : memref<128xi32, #tpu.memory_space<vmem>>) semaphore(%run_scoped3A : memref<!tpu.dma_semaphore, #tpu.memory_space<semaphore_mem>>) {add = true}
          %dma_wait3A_78 = arith.constant 0 : i32
          %dma_wait3A_79 = arith.constant 0 : i32
          %dma_wait3A_80 = tpu.memref_slice %arg13[%dma_wait3A_78, %dma_wait3A_79] : memref<10000x64xf32, #tpu.memory_space<vmem_shared>> -> memref<10000x64xf32, #tpu.memory_space<vmem_shared>>
          tpu.wait_indirect_dma semaphore(%run_scoped3A : memref<!tpu.dma_semaphore, #tpu.memory_space<semaphore_mem>>) src(%arg11 : memref<128x64xf32, #tpu.memory_space<vmem>>) dst(%dma_wait3A_80 : memref<10000x64xf32, #tpu.memory_space<vmem_shared>>)
          tpu.yield
        }) : () -> ()
      } else {
      }
      %scan3A_73 = arith.constant 0 : i32
      scf.yield %scan3A_73 : i32
    }
    %scan3A_23 = arith.constant 40 : i32
    %barrier3A_24 = arith.constant 0 : index
    tpu.barrier barrier_id(%barrier3A_24)
    %scan3A_25 = arith.constant 0 : i32
    %scan3A_26 = arith.constant 0 : i32
    %scan3A_27 = arith.constant 4 : i32
    %scan3A_28 = arith.addi %scan3A_26, %scan3A_27 : i32
    %scan3A_29 = arith.constant 1 : i32
    %scan3A_30 = scf.for %scan3A_32 = %scan3A_26 to %scan3A_28 step %scan3A_29 iter_args(%scan3A_33 = %scan3A_25) -> (i32)  : i32 {
      %mul3A = arith.constant 16 : i32
      %mul3A_34 = arith.muli %scan3A_32, %mul3A : i32
      %add3A_35 = arith.addi %arg1, %mul3A_34 : i32
      %lt3A_36 = arith.constant 50 : i32
      %lt3A_37 = arith.cmpi slt, %add3A_35, %lt3A_36 : i32
      %convert_element_type3A_38 = arith.extui %lt3A_37 : i1 to i32
      %cond3A_39 = arith.constant 0 : i32
      %cond3A_40 = arith.cmpi ne, %convert_element_type3A_38, %cond3A_39 : i32
      scf.if %cond3A_40 {
        %mul3A_42 = arith.constant 200 : i32
        %mul3A_43 = arith.muli %add3A_35, %mul3A_42 : i32
        %multiple_of3A = tpu.assume_multiple %mul3A_43, 200 : i32
        "tpu.region"() ({
          %run_scoped3A = tpu.sem_alloc : memref<!tpu.dma_semaphore, #tpu.memory_space<semaphore_mem>>
          %dma_start3A = arith.constant 0 : i32
          %dma_start3A_44 = tpu.memref_slice %arg5[%arg0, %multiple_of3A, %dma_start3A] : memref<2x10000x64xf32, #tpu.memory_space<hbm>> -> memref<1x200x64xf32, #tpu.memory_space<hbm>>
          %dma_start3A_45 = tpu.memref_squeeze %dma_start3A_44 : memref<1x200x64xf32, #tpu.memory_space<hbm>> -> memref<200x64xf32, #tpu.memory_space<hbm>>
          %dma_start3A_46 = arith.constant 0 : i32
          %dma_start3A_47 = tpu.memref_slice %arg13[%multiple_of3A, %dma_start3A_46] : memref<10000x64xf32, #tpu.memory_space<vmem_shared>> -> memref<200x64xf32, #tpu.memory_space<vmem_shared>>
          tpu.enqueue_dma source(%dma_start3A_47 : memref<200x64xf32, #tpu.memory_space<vmem_shared>>) target(%dma_start3A_45 : memref<200x64xf32, #tpu.memory_space<hbm>>) target_semaphore(%run_scoped3A : memref<!tpu.dma_semaphore, #tpu.memory_space<semaphore_mem>>)
          %dma_wait3A = arith.constant 0 : i32
          %dma_wait3A_48 = tpu.memref_slice %arg5[%arg0, %multiple_of3A, %dma_wait3A] : memref<2x10000x64xf32, #tpu.memory_space<hbm>> -> memref<1x200x64xf32, #tpu.memory_space<hbm>>
          %dma_wait3A_49 = tpu.memref_squeeze %dma_wait3A_48 : memref<1x200x64xf32, #tpu.memory_space<hbm>> -> memref<200x64xf32, #tpu.memory_space<hbm>>
          %dma_wait3A_50 = arith.constant 0 : i32
          %dma_wait3A_51 = tpu.memref_slice %arg13[%multiple_of3A, %dma_wait3A_50] : memref<10000x64xf32, #tpu.memory_space<vmem_shared>> -> memref<200x64xf32, #tpu.memory_space<vmem_shared>>
          tpu.wait_dma2 semaphore(%run_scoped3A : memref<!tpu.dma_semaphore, #tpu.memory_space<semaphore_mem>>) src(%dma_wait3A_51 : memref<200x64xf32, #tpu.memory_space<vmem_shared>>) dst(%dma_wait3A_49 : memref<200x64xf32, #tpu.memory_space<hbm>>)
          tpu.yield
        }) : () -> ()
      } else {
      }
      %scan3A_41 = arith.constant 0 : i32
      scf.yield %scan3A_41 : i32
    }
    %scan3A_31 = arith.constant 4 : i32
    return
  }
}

#map = affine_map<(d0, d1) -> (0, 0)>
#map1 = affine_map<(d0, d1) -> (0)>
#map2 = affine_map<(d0, d1) -> (0, 0, 0)>
module attributes {stable_mosaic.version = 14 : i64} {
  func.func @k(%arg0: i32, %arg1: i32, %arg2: memref<10000x64xf32, #tpu.memory_space<hbm>>, %arg3: memref<320000xi32, #tpu.memory_space<hbm>>, %arg4: memref<320000xi32, #tpu.memory_space<hbm>>, %arg5: memref<2x10000x64xf32, #tpu.memory_space<hbm>>, %arg6: memref<128xi32, #tpu.memory_space<vmem>>, %arg7: memref<128xi32, #tpu.memory_space<vmem>>, %arg8: memref<128xi32, #tpu.memory_space<vmem>>, %arg9: memref<128xi32, #tpu.memory_space<vmem>>, %arg10: memref<128x64xf32, #tpu.memory_space<vmem>>, %arg11: memref<128x64xf32, #tpu.memory_space<vmem>>, %arg12: memref<200x64xf32, #tpu.memory_space<vmem>>, %arg13: memref<10000x64xf32, #tpu.memory_space<vmem_shared>>, %arg14: memref<!tpu.dma_semaphore, #tpu.memory_space<semaphore_mem>>, %arg15: memref<!tpu.dma_semaphore, #tpu.memory_space<semaphore_mem>>) attributes {dimension_semantics = [#tpu.dimension_semantics<core_parallel>, #tpu.dimension_semantics<subcore_parallel>], iteration_bounds = array<i64: 2, 16>, scalar_prefetch = 0 : i64, scratch_operands = 10 : i64, tpu.core_type = #tpu.core_type<sc_vector_subcore>, window_params = [{transform_indices = #map}, {transform_indices = #map1}, {transform_indices = #map1}, {transform_indices = #map2}]} {
    %broadcast_in_dim3A = arith.constant 0.000000e+00 : f32
    %broadcast_in_dim3A_0 = vector.broadcast %broadcast_in_dim3A : f32 to vector<16xf32>
    %scan3A = arith.constant 0 : i32
    %scan3A_1 = arith.constant 0 : i32
    %scan3A_2 = arith.constant 800 : i32
    %scan3A_3 = arith.addi %scan3A_1, %scan3A_2 : i32
    %scan3A_4 = arith.constant 1 : i32
    %scan3A_5 = scf.for %scan3A_32 = %scan3A_1 to %scan3A_3 step %scan3A_4 iter_args(%scan3A_33 = %scan3A) -> (i32)  : i32 {
      %jit3A = arith.constant 4 : i32
      %div3A = arith.divsi %scan3A_32, %jit3A : i32
      %sign3A = arith.constant 0 : i32
      %sign3A_34 = arith.cmpi sgt, %scan3A_32, %sign3A : i32
      %sign3A_35 = arith.extui %sign3A_34 : i1 to i32
      %sign3A_36 = arith.constant 0 : i32
      %sign3A_37 = arith.cmpi slt, %scan3A_32, %sign3A_36 : i32
      %sign3A_38 = arith.extui %sign3A_37 : i1 to i32
      %sign3A_39 = arith.subi %sign3A_35, %sign3A_38 : i32
      %sign3A_40 = arith.constant 0 : i32
      %sign3A_41 = arith.cmpi sgt, %jit3A, %sign3A_40 : i32
      %sign3A_42 = arith.extui %sign3A_41 : i1 to i32
      %sign3A_43 = arith.constant 0 : i32
      %sign3A_44 = arith.cmpi slt, %jit3A, %sign3A_43 : i32
      %sign3A_45 = arith.extui %sign3A_44 : i1 to i32
      %sign3A_46 = arith.subi %sign3A_42, %sign3A_45 : i32
      %ne3A = arith.cmpi ne, %sign3A_39, %sign3A_46 : i32
      %rem3A = arith.remsi %scan3A_32, %jit3A : i32
      %ne3A_47 = arith.constant 0 : i32
      %ne3A_48 = arith.cmpi ne, %rem3A, %ne3A_47 : i32
      %and3A = arith.andi %ne3A, %ne3A_48 : i1
      %sub3A = arith.constant 1 : i32
      %sub3A_49 = arith.subi %div3A, %sub3A : i32
      %select_n3A = arith.select %and3A, %sub3A_49, %div3A : i32
      %jit3A_50 = arith.constant 4 : i32
      %eq3A = arith.constant 0 : i32
      %eq3A_51 = arith.cmpi eq, %jit3A_50, %eq3A : i32
      %jit3A_52 = arith.constant 1 : i32
      %select_n3A_53 = arith.select %eq3A_51, %jit3A_52, %jit3A_50 : i32
      %rem3A_54 = arith.remsi %scan3A_32, %select_n3A_53 : i32
      %ne3A_55 = arith.constant 0 : i32
      %ne3A_56 = arith.cmpi ne, %rem3A_54, %ne3A_55 : i32
      %lt3A_57 = arith.constant 0 : i32
      %lt3A_58 = arith.cmpi slt, %rem3A_54, %lt3A_57 : i32
      %lt3A_59 = arith.constant 0 : i32
      %lt3A_60 = arith.cmpi slt, %select_n3A_53, %lt3A_59 : i32
      %ne3A_61 = arith.xori %lt3A_58, %lt3A_60 : i1
      %and3A_62 = arith.andi %ne3A_61, %ne3A_56 : i1
      %add3A_63 = arith.addi %rem3A_54, %select_n3A_53 : i32
      %select_n3A_64 = arith.select %and3A_62, %add3A_63, %rem3A_54 : i32
      %mul3A = arith.constant 16 : i32
      %mul3A_65 = arith.muli %select_n3A_64, %mul3A : i32
      %multiple_of3A = tpu.assume_multiple %mul3A_65, 16 : i32
      %swap3A = arith.index_cast %select_n3A : i32 to index
      %swap3A_66 = arith.index_cast %multiple_of3A : i32 to index
      %swap3A_67 = tpu.vector_load %arg12[%swap3A, %swap3A_66] {strides = array<i32>} : memref<200x64xf32, #tpu.memory_space<vmem>>, vector<1x16xf32>,
      %swap3A_68 = vector.shape_cast %swap3A_67 : vector<1x16xf32> to vector<16xf32>
      %swap3A_69 = vector.shape_cast %broadcast_in_dim3A_0 : vector<16xf32> to vector<1x16xf32>
      tpu.vector_store %arg12[%swap3A, %swap3A_66], %swap3A_69 {strides = array<i32>} : memref<200x64xf32, #tpu.memory_space<vmem>>, vector<1x16xf32>,
      %scan3A_70 = arith.constant 0 : i32
      scf.yield %scan3A_70 : i32
    }
    %scan3A_6 = arith.constant 800 : i32
    %scan3A_7 = arith.constant 0 : i32
    %scan3A_8 = arith.constant 0 : i32
    %scan3A_9 = arith.constant 4 : i32
    %scan3A_10 = arith.addi %scan3A_8, %scan3A_9 : i32
    %scan3A_11 = arith.constant 1 : i32
    %scan3A_12 = scf.for %scan3A_32 = %scan3A_8 to %scan3A_10 step %scan3A_11 iter_args(%scan3A_33 = %scan3A_7) -> (i32)  : i32 {
      %mul3A = arith.constant 16 : i32
      %mul3A_34 = arith.muli %scan3A_32, %mul3A : i32
      %add3A_35 = arith.addi %arg1, %mul3A_34 : i32
      %lt3A_36 = arith.constant 50 : i32
      %lt3A_37 = arith.cmpi slt, %add3A_35, %lt3A_36 : i32
      %convert_element_type3A_38 = arith.extui %lt3A_37 : i1 to i32
      %cond3A_39 = arith.constant 0 : i32
      %cond3A_40 = arith.cmpi ne, %convert_element_type3A_38, %cond3A_39 : i32
      scf.if %cond3A_40 {
        %mul3A_42 = arith.constant 200 : i32
        %mul3A_43 = arith.muli %add3A_35, %mul3A_42 : i32
        %multiple_of3A = tpu.assume_multiple %mul3A_43, 200 : i32
        "tpu.region"() ({
          %run_scoped3A = tpu.sem_alloc : memref<!tpu.dma_semaphore, #tpu.memory_space<semaphore_mem>>
          %dma_start3A = arith.constant 0 : i32
          %dma_start3A_44 = tpu.memref_slice %arg13[%multiple_of3A, %dma_start3A] : memref<10000x64xf32, #tpu.memory_space<vmem_shared>> -> memref<200x64xf32, #tpu.memory_space<vmem_shared>>
          %dma_start3A_45 = arith.constant 0 : i32
          %dma_start3A_46 = tpu.memref_slice %arg13[%multiple_of3A, %dma_start3A_45] : memref<10000x64xf32, #tpu.memory_space<vmem_shared>> -> memref<200x64xf32, #tpu.memory_space<vmem_shared>>
          tpu.enqueue_dma source(%arg12 : memref<200x64xf32, #tpu.memory_space<vmem>>) target(%dma_start3A_46 : memref<200x64xf32, #tpu.memory_space<vmem_shared>>) target_semaphore(%run_scoped3A : memref<!tpu.dma_semaphore, #tpu.memory_space<semaphore_mem>>)
          %dma_wait3A = arith.constant 0 : i32
          %dma_wait3A_47 = tpu.memref_slice %arg13[%multiple_of3A, %dma_wait3A] : memref<10000x64xf32, #tpu.memory_space<vmem_shared>> -> memref<200x64xf32, #tpu.memory_space<vmem_shared>>
          %dma_wait3A_48 = arith.constant 0 : i32
          %dma_wait3A_49 = tpu.memref_slice %arg13[%multiple_of3A, %dma_wait3A_48] : memref<10000x64xf32, #tpu.memory_space<vmem_shared>> -> memref<200x64xf32, #tpu.memory_space<vmem_shared>>
          tpu.wait_dma2 semaphore(%run_scoped3A : memref<!tpu.dma_semaphore, #tpu.memory_space<semaphore_mem>>) src(%arg12 : memref<200x64xf32, #tpu.memory_space<vmem>>) dst(%dma_wait3A_49 : memref<200x64xf32, #tpu.memory_space<vmem_shared>>)
          tpu.yield
        }) : () -> ()
      } else {
      }
      %scan3A_41 = arith.constant 0 : i32
      scf.yield %scan3A_41 : i32
    }
    %scan3A_13 = arith.constant 4 : i32
    %barrier3A = arith.constant 0 : index
    tpu.barrier barrier_id(%barrier3A)
    %add3A = arith.constant 0 : i32
    %add3A_14 = arith.addi %arg1, %add3A : i32
    %lt3A = arith.constant 1250 : i32
    %lt3A_15 = arith.cmpi slt, %add3A_14, %lt3A : i32
    %convert_element_type3A = arith.extui %lt3A_15 : i1 to i32
    %cond3A = arith.constant 0 : i32
    %cond3A_16 = arith.cmpi ne, %convert_element_type3A, %cond3A : i32
    scf.if %cond3A_16 {
      %mul3A = arith.constant 160000 : i32
      %mul3A_32 = arith.muli %arg0, %mul3A : i32
      %mul3A_33 = arith.constant 128 : i32
      %mul3A_34 = arith.muli %add3A_14, %mul3A_33 : i32
      %add3A_35 = arith.addi %mul3A_32, %mul3A_34 : i32
      "tpu.region"() ({
        %run_scoped3A = tpu.sem_alloc : memref<!tpu.dma_semaphore, #tpu.memory_space<semaphore_mem>>
        %dma_start3A_38 = tpu.memref_slice %arg3[%add3A_35] : memref<320000xi32, #tpu.memory_space<hbm>> -> memref<128xi32, #tpu.memory_space<hbm>>
        %dma_start3A_39 = tpu.memref_slice %arg3[%add3A_35] : memref<320000xi32, #tpu.memory_space<hbm>> -> memref<128xi32, #tpu.memory_space<hbm>>
        tpu.enqueue_dma source(%dma_start3A_39 : memref<128xi32, #tpu.memory_space<hbm>>) target(%arg6 : memref<128xi32, #tpu.memory_space<vmem>>) target_semaphore(%run_scoped3A : memref<!tpu.dma_semaphore, #tpu.memory_space<semaphore_mem>>)
        %dma_wait3A = tpu.memref_slice %arg3[%add3A_35] : memref<320000xi32, #tpu.memory_space<hbm>> -> memref<128xi32, #tpu.memory_space<hbm>>
        %dma_wait3A_40 = tpu.memref_slice %arg3[%add3A_35] : memref<320000xi32, #tpu.memory_space<hbm>> -> memref<128xi32, #tpu.memory_space<hbm>>
        tpu.wait_dma2 semaphore(%run_scoped3A : memref<!tpu.dma_semaphore, #tpu.memory_space<semaphore_mem>>) src(%dma_wait3A_40 : memref<128xi32, #tpu.memory_space<hbm>>) dst(%arg6 : memref<128xi32, #tpu.memory_space<vmem>>)
        tpu.yield
      }) : () -> ()
      "tpu.region"() ({
        %run_scoped3A = tpu.sem_alloc : memref<!tpu.dma_semaphore, #tpu.memory_space<semaphore_mem>>
        %dma_start3A_38 = tpu.memref_slice %arg4[%add3A_35] : memref<320000xi32, #tpu.memory_space<hbm>> -> memref<128xi32, #tpu.memory_space<hbm>>
        %dma_start3A_39 = tpu.memref_slice %arg4[%add3A_35] : memref<320000xi32, #tpu.memory_space<hbm>> -> memref<128xi32, #tpu.memory_space<hbm>>
        tpu.enqueue_dma source(%dma_start3A_39 : memref<128xi32, #tpu.memory_space<hbm>>) target(%arg8 : memref<128xi32, #tpu.memory_space<vmem>>) target_semaphore(%run_scoped3A : memref<!tpu.dma_semaphore, #tpu.memory_space<semaphore_mem>>)
        %dma_wait3A = tpu.memref_slice %arg4[%add3A_35] : memref<320000xi32, #tpu.memory_space<hbm>> -> memref<128xi32, #tpu.memory_space<hbm>>
        %dma_wait3A_40 = tpu.memref_slice %arg4[%add3A_35] : memref<320000xi32, #tpu.memory_space<hbm>> -> memref<128xi32, #tpu.memory_space<hbm>>
        tpu.wait_dma2 semaphore(%run_scoped3A : memref<!tpu.dma_semaphore, #tpu.memory_space<semaphore_mem>>) src(%dma_wait3A_40 : memref<128xi32, #tpu.memory_space<hbm>>) dst(%arg8 : memref<128xi32, #tpu.memory_space<vmem>>)
        tpu.yield
      }) : () -> ()
      %dma_start3A = arith.constant 0 : i32
      %dma_start3A_36 = arith.constant 0 : i32
      %dma_start3A_37 = tpu.memref_slice %arg2[%dma_start3A, %dma_start3A_36] : memref<10000x64xf32, #tpu.memory_space<hbm>> -> memref<10000x64xf32, #tpu.memory_space<hbm>>
      tpu.enqueue_indirect_dma source(%dma_start3A_37 : memref<10000x64xf32, #tpu.memory_space<hbm>>) target(%arg10 : memref<128x64xf32, #tpu.memory_space<vmem>>) offsets(%arg6 : memref<128xi32, #tpu.memory_space<vmem>>) semaphore(%arg14 : memref<!tpu.dma_semaphore, #tpu.memory_space<semaphore_mem>>)
    } else {
    }
    %scan3A_17 = arith.constant 0 : i32
    %scan3A_18 = arith.constant 0 : i32
    %scan3A_19 = arith.constant 40 : i32
    %scan3A_20 = arith.addi %scan3A_18, %scan3A_19 : i32
    %scan3A_21 = arith.constant 1 : i32
    %scan3A_22 = scf.for %scan3A_32 = %scan3A_18 to %scan3A_20 step %scan3A_21 iter_args(%scan3A_33 = %scan3A_17) -> (i32)  : i32 {
      %mul3A = arith.constant 2 : i32
      %mul3A_34 = arith.muli %scan3A_32, %mul3A : i32
      %add3A_35 = arith.constant 1 : i32
      %add3A_36 = arith.addi %mul3A_34, %add3A_35 : i32
      %mul3A_37 = arith.constant 16 : i32
      %mul3A_38 = arith.muli %add3A_36, %mul3A_37 : i32
      %add3A_39 = arith.addi %arg1, %mul3A_38 : i32
      %lt3A_40 = arith.constant 1250 : i32
      %lt3A_41 = arith.cmpi slt, %add3A_39, %lt3A_40 : i32
      %convert_element_type3A_42 = arith.extui %lt3A_41 : i1 to i32
      %cond3A_43 = arith.constant 0 : i32
      %cond3A_44 = arith.cmpi ne, %convert_element_type3A_42, %cond3A_43 : i32
      scf.if %cond3A_44 {
        %mul3A_74 = arith.constant 160000 : i32
        %mul3A_75 = arith.muli %arg0, %mul3A_74 : i32
        %mul3A_76 = arith.constant 128 : i32
        %mul3A_77 = arith.muli %add3A_39, %mul3A_76 : i32
        %add3A_78 = arith.addi %mul3A_75, %mul3A_77 : i32
        "tpu.region"() ({
          %run_scoped3A = tpu.sem_alloc : memref<!tpu.dma_semaphore, #tpu.memory_space<semaphore_mem>>
          %dma_start3A_81 = tpu.memref_slice %arg3[%add3A_78] : memref<320000xi32, #tpu.memory_space<hbm>> -> memref<128xi32, #tpu.memory_space<hbm>>
          %dma_start3A_82 = tpu.memref_slice %arg3[%add3A_78] : memref<320000xi32, #tpu.memory_space<hbm>> -> memref<128xi32, #tpu.memory_space<hbm>>
          tpu.enqueue_dma source(%dma_start3A_82 : memref<128xi32, #tpu.memory_space<hbm>>) target(%arg7 : memref<128xi32, #tpu.memory_space<vmem>>) target_semaphore(%run_scoped3A : memref<!tpu.dma_semaphore, #tpu.memory_space<semaphore_mem>>)
          %dma_wait3A = tpu.memref_slice %arg3[%add3A_78] : memref<320000xi32, #tpu.memory_space<hbm>> -> memref<128xi32, #tpu.memory_space<hbm>>
          %dma_wait3A_83 = tpu.memref_slice %arg3[%add3A_78] : memref<320000xi32, #tpu.memory_space<hbm>> -> memref<128xi32, #tpu.memory_space<hbm>>
          tpu.wait_dma2 semaphore(%run_scoped3A : memref<!tpu.dma_semaphore, #tpu.memory_space<semaphore_mem>>) src(%dma_wait3A_83 : memref<128xi32, #tpu.memory_space<hbm>>) dst(%arg7 : memref<128xi32, #tpu.memory_space<vmem>>)
          tpu.yield
        }) : () -> ()
        "tpu.region"() ({
          %run_scoped3A = tpu.sem_alloc : memref<!tpu.dma_semaphore, #tpu.memory_space<semaphore_mem>>
          %dma_start3A_81 = tpu.memref_slice %arg4[%add3A_78] : memref<320000xi32, #tpu.memory_space<hbm>> -> memref<128xi32, #tpu.memory_space<hbm>>
          %dma_start3A_82 = tpu.memref_slice %arg4[%add3A_78] : memref<320000xi32, #tpu.memory_space<hbm>> -> memref<128xi32, #tpu.memory_space<hbm>>
          tpu.enqueue_dma source(%dma_start3A_82 : memref<128xi32, #tpu.memory_space<hbm>>) target(%arg9 : memref<128xi32, #tpu.memory_space<vmem>>) target_semaphore(%run_scoped3A : memref<!tpu.dma_semaphore, #tpu.memory_space<semaphore_mem>>)
          %dma_wait3A = tpu.memref_slice %arg4[%add3A_78] : memref<320000xi32, #tpu.memory_space<hbm>> -> memref<128xi32, #tpu.memory_space<hbm>>
          %dma_wait3A_83 = tpu.memref_slice %arg4[%add3A_78] : memref<320000xi32, #tpu.memory_space<hbm>> -> memref<128xi32, #tpu.memory_space<hbm>>
          tpu.wait_dma2 semaphore(%run_scoped3A : memref<!tpu.dma_semaphore, #tpu.memory_space<semaphore_mem>>) src(%dma_wait3A_83 : memref<128xi32, #tpu.memory_space<hbm>>) dst(%arg9 : memref<128xi32, #tpu.memory_space<vmem>>)
          tpu.yield
        }) : () -> ()
        %dma_start3A = arith.constant 0 : i32
        %dma_start3A_79 = arith.constant 0 : i32
        %dma_start3A_80 = tpu.memref_slice %arg2[%dma_start3A, %dma_start3A_79] : memref<10000x64xf32, #tpu.memory_space<hbm>> -> memref<10000x64xf32, #tpu.memory_space<hbm>>
        tpu.enqueue_indirect_dma source(%dma_start3A_80 : memref<10000x64xf32, #tpu.memory_space<hbm>>) target(%arg11 : memref<128x64xf32, #tpu.memory_space<vmem>>) offsets(%arg7 : memref<128xi32, #tpu.memory_space<vmem>>) semaphore(%arg15 : memref<!tpu.dma_semaphore, #tpu.memory_space<semaphore_mem>>)
      } else {
      }
      %mul3A_45 = arith.constant 16 : i32
      %mul3A_46 = arith.muli %mul3A_34, %mul3A_45 : i32
      %add3A_47 = arith.addi %arg1, %mul3A_46 : i32
      %lt3A_48 = arith.constant 1250 : i32
      %lt3A_49 = arith.cmpi slt, %add3A_47, %lt3A_48 : i32
      %convert_element_type3A_50 = arith.extui %lt3A_49 : i1 to i32
      %cond3A_51 = arith.constant 0 : i32
      %cond3A_52 = arith.cmpi ne, %convert_element_type3A_50, %cond3A_51 : i32
      scf.if %cond3A_52 {
        %dma_wait3A = arith.constant 0 : i32
        %dma_wait3A_74 = arith.constant 0 : i32
        %dma_wait3A_75 = tpu.memref_slice %arg2[%dma_wait3A, %dma_wait3A_74] : memref<10000x64xf32, #tpu.memory_space<hbm>> -> memref<10000x64xf32, #tpu.memory_space<hbm>>
        tpu.wait_indirect_dma semaphore(%arg14 : memref<!tpu.dma_semaphore, #tpu.memory_space<semaphore_mem>>) src(%dma_wait3A_75 : memref<10000x64xf32, #tpu.memory_space<hbm>>) dst(%arg10 : memref<128x64xf32, #tpu.memory_space<vmem>>)
        "tpu.region"() ({
          %run_scoped3A = tpu.sem_alloc : memref<!tpu.dma_semaphore, #tpu.memory_space<semaphore_mem>>
          %dma_start3A = arith.constant 0 : i32
          %dma_start3A_76 = arith.constant 0 : i32
          %dma_start3A_77 = tpu.memref_slice %arg13[%dma_start3A, %dma_start3A_76] : memref<10000x64xf32, #tpu.memory_space<vmem_shared>> -> memref<10000x64xf32, #tpu.memory_space<vmem_shared>>
          tpu.enqueue_indirect_dma source(%arg10 : memref<128x64xf32, #tpu.memory_space<vmem>>) target(%dma_start3A_77 : memref<10000x64xf32, #tpu.memory_space<vmem_shared>>) offsets(%arg8 : memref<128xi32, #tpu.memory_space<vmem>>) semaphore(%run_scoped3A : memref<!tpu.dma_semaphore, #tpu.memory_space<semaphore_mem>>) {add = true}
          %dma_wait3A_78 = arith.constant 0 : i32
          %dma_wait3A_79 = arith.constant 0 : i32
          %dma_wait3A_80 = tpu.memref_slice %arg13[%dma_wait3A_78, %dma_wait3A_79] : memref<10000x64xf32, #tpu.memory_space<vmem_shared>> -> memref<10000x64xf32, #tpu.memory_space<vmem_shared>>
          tpu.wait_indirect_dma semaphore(%run_scoped3A : memref<!tpu.dma_semaphore, #tpu.memory_space<semaphore_mem>>) src(%arg10 : memref<128x64xf32, #tpu.memory_space<vmem>>) dst(%dma_wait3A_80 : memref<10000x64xf32, #tpu.memory_space<vmem_shared>>)
          tpu.yield
        }) : () -> ()
      } else {
      }
      %add3A_53 = arith.constant 2 : i32
      %add3A_54 = arith.addi %mul3A_34, %add3A_53 : i32
      %mul3A_55 = arith.constant 16 : i32
      %mul3A_56 = arith.muli %add3A_54, %mul3A_55 : i32
      %add3A_57 = arith.addi %arg1, %mul3A_56 : i32
      %lt3A_58 = arith.constant 1250 : i32
      %lt3A_59 = arith.cmpi slt, %add3A_57, %lt3A_58 : i32
      %convert_element_type3A_60 = arith.extui %lt3A_59 : i1 to i32
      %cond3A_61 = arith.constant 0 : i32
      %cond3A_62 = arith.cmpi ne, %convert_element_type3A_60, %cond3A_61 : i32
      scf.if %cond3A_62 {
        %mul3A_74 = arith.constant 160000 : i32
        %mul3A_75 = arith.muli %arg0, %mul3A_74 : i32
        %mul3A_76 = arith.constant 128 : i32
        %mul3A_77 = arith.muli %add3A_57, %mul3A_76 : i32
        %add3A_78 = arith.addi %mul3A_75, %mul3A_77 : i32
        "tpu.region"() ({
          %run_scoped3A = tpu.sem_alloc : memref<!tpu.dma_semaphore, #tpu.memory_space<semaphore_mem>>
          %dma_start3A_81 = tpu.memref_slice %arg3[%add3A_78] : memref<320000xi32, #tpu.memory_space<hbm>> -> memref<128xi32, #tpu.memory_space<hbm>>
          %dma_start3A_82 = tpu.memref_slice %arg3[%add3A_78] : memref<320000xi32, #tpu.memory_space<hbm>> -> memref<128xi32, #tpu.memory_space<hbm>>
          tpu.enqueue_dma source(%dma_start3A_82 : memref<128xi32, #tpu.memory_space<hbm>>) target(%arg6 : memref<128xi32, #tpu.memory_space<vmem>>) target_semaphore(%run_scoped3A : memref<!tpu.dma_semaphore, #tpu.memory_space<semaphore_mem>>)
          %dma_wait3A = tpu.memref_slice %arg3[%add3A_78] : memref<320000xi32, #tpu.memory_space<hbm>> -> memref<128xi32, #tpu.memory_space<hbm>>
          %dma_wait3A_83 = tpu.memref_slice %arg3[%add3A_78] : memref<320000xi32, #tpu.memory_space<hbm>> -> memref<128xi32, #tpu.memory_space<hbm>>
          tpu.wait_dma2 semaphore(%run_scoped3A : memref<!tpu.dma_semaphore, #tpu.memory_space<semaphore_mem>>) src(%dma_wait3A_83 : memref<128xi32, #tpu.memory_space<hbm>>) dst(%arg6 : memref<128xi32, #tpu.memory_space<vmem>>)
          tpu.yield
        }) : () -> ()
        "tpu.region"() ({
          %run_scoped3A = tpu.sem_alloc : memref<!tpu.dma_semaphore, #tpu.memory_space<semaphore_mem>>
          %dma_start3A_81 = tpu.memref_slice %arg4[%add3A_78] : memref<320000xi32, #tpu.memory_space<hbm>> -> memref<128xi32, #tpu.memory_space<hbm>>
          %dma_start3A_82 = tpu.memref_slice %arg4[%add3A_78] : memref<320000xi32, #tpu.memory_space<hbm>> -> memref<128xi32, #tpu.memory_space<hbm>>
          tpu.enqueue_dma source(%dma_start3A_82 : memref<128xi32, #tpu.memory_space<hbm>>) target(%arg8 : memref<128xi32, #tpu.memory_space<vmem>>) target_semaphore(%run_scoped3A : memref<!tpu.dma_semaphore, #tpu.memory_space<semaphore_mem>>)
          %dma_wait3A = tpu.memref_slice %arg4[%add3A_78] : memref<320000xi32, #tpu.memory_space<hbm>> -> memref<128xi32, #tpu.memory_space<hbm>>
          %dma_wait3A_83 = tpu.memref_slice %arg4[%add3A_78] : memref<320000xi32, #tpu.memory_space<hbm>> -> memref<128xi32, #tpu.memory_space<hbm>>
          tpu.wait_dma2 semaphore(%run_scoped3A : memref<!tpu.dma_semaphore, #tpu.memory_space<semaphore_mem>>) src(%dma_wait3A_83 : memref<128xi32, #tpu.memory_space<hbm>>) dst(%arg8 : memref<128xi32, #tpu.memory_space<vmem>>)
          tpu.yield
        }) : () -> ()
        %dma_start3A = arith.constant 0 : i32
        %dma_start3A_79 = arith.constant 0 : i32
        %dma_start3A_80 = tpu.memref_slice %arg2[%dma_start3A, %dma_start3A_79] : memref<10000x64xf32, #tpu.memory_space<hbm>> -> memref<10000x64xf32, #tpu.memory_space<hbm>>
        tpu.enqueue_indirect_dma source(%dma_start3A_80 : memref<10000x64xf32, #tpu.memory_space<hbm>>) target(%arg10 : memref<128x64xf32, #tpu.memory_space<vmem>>) offsets(%arg6 : memref<128xi32, #tpu.memory_space<vmem>>) semaphore(%arg14 : memref<!tpu.dma_semaphore, #tpu.memory_space<semaphore_mem>>)
      } else {
      }
      %add3A_63 = arith.constant 1 : i32
      %add3A_64 = arith.addi %mul3A_34, %add3A_63 : i32
      %mul3A_65 = arith.constant 16 : i32
      %mul3A_66 = arith.muli %add3A_64, %mul3A_65 : i32
      %add3A_67 = arith.addi %arg1, %mul3A_66 : i32
      %lt3A_68 = arith.constant 1250 : i32
      %lt3A_69 = arith.cmpi slt, %add3A_67, %lt3A_68 : i32
      %convert_element_type3A_70 = arith.extui %lt3A_69 : i1 to i32
      %cond3A_71 = arith.constant 0 : i32
      %cond3A_72 = arith.cmpi ne, %convert_element_type3A_70, %cond3A_71 : i32
      scf.if %cond3A_72 {
        %dma_wait3A = arith.constant 0 : i32
        %dma_wait3A_74 = arith.constant 0 : i32
        %dma_wait3A_75 = tpu.memref_slice %arg2[%dma_wait3A, %dma_wait3A_74] : memref<10000x64xf32, #tpu.memory_space<hbm>> -> memref<10000x64xf32, #tpu.memory_space<hbm>>
        tpu.wait_indirect_dma semaphore(%arg15 : memref<!tpu.dma_semaphore, #tpu.memory_space<semaphore_mem>>) src(%dma_wait3A_75 : memref<10000x64xf32, #tpu.memory_space<hbm>>) dst(%arg11 : memref<128x64xf32, #tpu.memory_space<vmem>>)
        "tpu.region"() ({
          %run_scoped3A = tpu.sem_alloc : memref<!tpu.dma_semaphore, #tpu.memory_space<semaphore_mem>>
          %dma_start3A = arith.constant 0 : i32
          %dma_start3A_76 = arith.constant 0 : i32
          %dma_start3A_77 = tpu.memref_slice %arg13[%dma_start3A, %dma_start3A_76] : memref<10000x64xf32, #tpu.memory_space<vmem_shared>> -> memref<10000x64xf32, #tpu.memory_space<vmem_shared>>
          tpu.enqueue_indirect_dma source(%arg11 : memref<128x64xf32, #tpu.memory_space<vmem>>) target(%dma_start3A_77 : memref<10000x64xf32, #tpu.memory_space<vmem_shared>>) offsets(%arg9 : memref<128xi32, #tpu.memory_space<vmem>>) semaphore(%run_scoped3A : memref<!tpu.dma_semaphore, #tpu.memory_space<semaphore_mem>>) {add = true}
          %dma_wait3A_78 = arith.constant 0 : i32
          %dma_wait3A_79 = arith.constant 0 : i32
          %dma_wait3A_80 = tpu.memref_slice %arg13[%dma_wait3A_78, %dma_wait3A_79] : memref<10000x64xf32, #tpu.memory_space<vmem_shared>> -> memref<10000x64xf32, #tpu.memory_space<vmem_shared>>
          tpu.wait_indirect_dma semaphore(%run_scoped3A : memref<!tpu.dma_semaphore, #tpu.memory_space<semaphore_mem>>) src(%arg11 : memref<128x64xf32, #tpu.memory_space<vmem>>) dst(%dma_wait3A_80 : memref<10000x64xf32, #tpu.memory_space<vmem_shared>>)
          tpu.yield
        }) : () -> ()
      } else {
      }
      %scan3A_73 = arith.constant 0 : i32
      scf.yield %scan3A_73 : i32
    }
    %scan3A_23 = arith.constant 40 : i32
    %barrier3A_24 = arith.constant 0 : index
    tpu.barrier barrier_id(%barrier3A_24)
    %scan3A_25 = arith.constant 0 : i32
    %scan3A_26 = arith.constant 0 : i32
    %scan3A_27 = arith.constant 4 : i32
    %scan3A_28 = arith.addi %scan3A_26, %scan3A_27 : i32
    %scan3A_29 = arith.constant 1 : i32
    %scan3A_30 = scf.for %scan3A_32 = %scan3A_26 to %scan3A_28 step %scan3A_29 iter_args(%scan3A_33 = %scan3A_25) -> (i32)  : i32 {
      %mul3A = arith.constant 16 : i32
      %mul3A_34 = arith.muli %scan3A_32, %mul3A : i32
      %add3A_35 = arith.addi %arg1, %mul3A_34 : i32
      %lt3A_36 = arith.constant 50 : i32
      %lt3A_37 = arith.cmpi slt, %add3A_35, %lt3A_36 : i32
      %convert_element_type3A_38 = arith.extui %lt3A_37 : i1 to i32
      %cond3A_39 = arith.constant 0 : i32
      %cond3A_40 = arith.cmpi ne, %convert_element_type3A_38, %cond3A_39 : i32
      scf.if %cond3A_40 {
        %mul3A_42 = arith.constant 200 : i32
        %mul3A_43 = arith.muli %add3A_35, %mul3A_42 : i32
        %multiple_of3A = tpu.assume_multiple %mul3A_43, 200 : i32
        "tpu.region"() ({
          %run_scoped3A = tpu.sem_alloc : memref<!tpu.dma_semaphore, #tpu.memory_space<semaphore_mem>>
          %dma_start3A = arith.constant 0 : i32
          %dma_start3A_44 = tpu.memref_slice %arg5[%arg0, %multiple_of3A, %dma_start3A] : memref<2x10000x64xf32, #tpu.memory_space<hbm>> -> memref<1x200x64xf32, #tpu.memory_space<hbm>>
          %dma_start3A_45 = tpu.memref_squeeze %dma_start3A_44 : memref<1x200x64xf32, #tpu.memory_space<hbm>> -> memref<200x64xf32, #tpu.memory_space<hbm>>
          %dma_start3A_46 = arith.constant 0 : i32
          %dma_start3A_47 = tpu.memref_slice %arg13[%multiple_of3A, %dma_start3A_46] : memref<10000x64xf32, #tpu.memory_space<vmem_shared>> -> memref<200x64xf32, #tpu.memory_space<vmem_shared>>
          tpu.enqueue_dma source(%dma_start3A_47 : memref<200x64xf32, #tpu.memory_space<vmem_shared>>) target(%dma_start3A_45 : memref<200x64xf32, #tpu.memory_space<hbm>>) target_semaphore(%run_scoped3A : memref<!tpu.dma_semaphore, #tpu.memory_space<semaphore_mem>>)
          %dma_wait3A = arith.constant 0 : i32
          %dma_wait3A_48 = tpu.memref_slice %arg5[%arg0, %multiple_of3A, %dma_wait3A] : memref<2x10000x64xf32, #tpu.memory_space<hbm>> -> memref<1x200x64xf32, #tpu.memory_space<hbm>>
          %dma_wait3A_49 = tpu.memref_squeeze %dma_wait3A_48 : memref<1x200x64xf32, #tpu.memory_space<hbm>> -> memref<200x64xf32, #tpu.memory_space<hbm>>
          %dma_wait3A_50 = arith.constant 0 : i32
          %dma_wait3A_51 = tpu.memref_slice %arg13[%multiple_of3A, %dma_wait3A_50] : memref<10000x64xf32, #tpu.memory_space<vmem_shared>> -> memref<200x64xf32, #tpu.memory_space<vmem_shared>>
          tpu.wait_dma2 semaphore(%run_scoped3A : memref<!tpu.dma_semaphore, #tpu.memory_space<semaphore_mem>>) src(%dma_wait3A_51 : memref<200x64xf32, #tpu.memory_space<vmem_shared>>) dst(%dma_wait3A_49 : memref<200x64xf32, #tpu.memory_space<hbm>>)
          tpu.yield
        }) : () -> ()
      } else {
      }
      %scan3A_41 = arith.constant 0 : i32
      scf.yield %scan3A_41 : i32
    }
    %scan3A_31 = arith.constant 4 : i32
    return
  }
}

#map = affine_map<(d0, d1) -> (0, 0)>
#map1 = affine_map<(d0, d1) -> (0)>
#map2 = affine_map<(d0, d1) -> (0, 0, 0)>
module attributes {stable_mosaic.version = 14 : i64} {
  func.func @k(%arg0: i32, %arg1: i32, %arg2: memref<10000x16xf32, #tpu.memory_space<hbm>>, %arg3: memref<10000x16xf32, #tpu.memory_space<hbm>>, %arg4: memref<320000xi32, #tpu.memory_space<hbm>>, %arg5: memref<320000xi32, #tpu.memory_space<hbm>>, %arg6: memref<320000x16xf32, #tpu.memory_space<hbm>>, %arg7: memref<2x10000x16xf32, #tpu.memory_space<hbm>>, %arg8: memref<128xi32, #tpu.memory_space<vmem>>, %arg9: memref<128xi32, #tpu.memory_space<vmem>>, %arg10: memref<128x16xf32, #tpu.memory_space<vmem>>, %arg11: memref<128x16xf32, #tpu.memory_space<vmem>>, %arg12: memref<128x16xf32, #tpu.memory_space<vmem>>, %arg13: memref<200x16xf32, #tpu.memory_space<vmem>>, %arg14: memref<10000x16xf32, #tpu.memory_space<vmem_shared>>, %arg15: memref<!tpu.dma_semaphore, #tpu.memory_space<semaphore_mem>>) attributes {dimension_semantics = [#tpu.dimension_semantics<core_parallel>, #tpu.dimension_semantics<subcore_parallel>], iteration_bounds = array<i64: 2, 16>, scalar_prefetch = 0 : i64, scratch_operands = 8 : i64, tpu.core_type = #tpu.core_type<sc_vector_subcore>, window_params = [{transform_indices = #map}, {transform_indices = #map}, {transform_indices = #map1}, {transform_indices = #map1}, {transform_indices = #map}, {transform_indices = #map2}]} {
    %broadcast_in_dim3A = arith.constant 0.000000e+00 : f32
    %broadcast_in_dim3A_0 = vector.broadcast %broadcast_in_dim3A : f32 to vector<16xf32>
    %scan3A = arith.constant 0 : i32
    %scan3A_1 = arith.constant 0 : i32
    %scan3A_2 = arith.constant 200 : i32
    %scan3A_3 = arith.addi %scan3A_1, %scan3A_2 : i32
    %scan3A_4 = arith.constant 1 : i32
    %scan3A_5 = scf.for %scan3A_29 = %scan3A_1 to %scan3A_3 step %scan3A_4 iter_args(%scan3A_30 = %scan3A) -> (i32)  : i32 {
      %jit3A = arith.constant 1 : i32
      %div3A = arith.divsi %scan3A_29, %jit3A : i32
      %sign3A = arith.constant 0 : i32
      %sign3A_31 = arith.cmpi sgt, %scan3A_29, %sign3A : i32
      %sign3A_32 = arith.extui %sign3A_31 : i1 to i32
      %sign3A_33 = arith.constant 0 : i32
      %sign3A_34 = arith.cmpi slt, %scan3A_29, %sign3A_33 : i32
      %sign3A_35 = arith.extui %sign3A_34 : i1 to i32
      %sign3A_36 = arith.subi %sign3A_32, %sign3A_35 : i32
      %sign3A_37 = arith.constant 0 : i32
      %sign3A_38 = arith.cmpi sgt, %jit3A, %sign3A_37 : i32
      %sign3A_39 = arith.extui %sign3A_38 : i1 to i32
      %sign3A_40 = arith.constant 0 : i32
      %sign3A_41 = arith.cmpi slt, %jit3A, %sign3A_40 : i32
      %sign3A_42 = arith.extui %sign3A_41 : i1 to i32
      %sign3A_43 = arith.subi %sign3A_39, %sign3A_42 : i32
      %ne3A = arith.cmpi ne, %sign3A_36, %sign3A_43 : i32
      %rem3A = arith.remsi %scan3A_29, %jit3A : i32
      %ne3A_44 = arith.constant 0 : i32
      %ne3A_45 = arith.cmpi ne, %rem3A, %ne3A_44 : i32
      %and3A = arith.andi %ne3A, %ne3A_45 : i1
      %sub3A = arith.constant 1 : i32
      %sub3A_46 = arith.subi %div3A, %sub3A : i32
      %select_n3A = arith.select %and3A, %sub3A_46, %div3A : i32
      %jit3A_47 = arith.constant 1 : i32
      %eq3A = arith.constant 0 : i32
      %eq3A_48 = arith.cmpi eq, %jit3A_47, %eq3A : i32
      %jit3A_49 = arith.constant 1 : i32
      %select_n3A_50 = arith.select %eq3A_48, %jit3A_49, %jit3A_47 : i32
      %rem3A_51 = arith.remsi %scan3A_29, %select_n3A_50 : i32
      %ne3A_52 = arith.constant 0 : i32
      %ne3A_53 = arith.cmpi ne, %rem3A_51, %ne3A_52 : i32
      %lt3A = arith.constant 0 : i32
      %lt3A_54 = arith.cmpi slt, %rem3A_51, %lt3A : i32
      %lt3A_55 = arith.constant 0 : i32
      %lt3A_56 = arith.cmpi slt, %select_n3A_50, %lt3A_55 : i32
      %ne3A_57 = arith.xori %lt3A_54, %lt3A_56 : i1
      %and3A_58 = arith.andi %ne3A_57, %ne3A_53 : i1
      %add3A = arith.addi %rem3A_51, %select_n3A_50 : i32
      %select_n3A_59 = arith.select %and3A_58, %add3A, %rem3A_51 : i32
      %mul3A = arith.constant 16 : i32
      %mul3A_60 = arith.muli %select_n3A_59, %mul3A : i32
      %multiple_of3A = tpu.assume_multiple %mul3A_60, 16 : i32
      %swap3A = arith.index_cast %select_n3A : i32 to index
      %swap3A_61 = arith.index_cast %multiple_of3A : i32 to index
      %swap3A_62 = tpu.vector_load %arg13[%swap3A, %swap3A_61] {strides = array<i32>} : memref<200x16xf32, #tpu.memory_space<vmem>>, vector<1x16xf32>,
      %swap3A_63 = vector.shape_cast %swap3A_62 : vector<1x16xf32> to vector<16xf32>
      %swap3A_64 = vector.shape_cast %broadcast_in_dim3A_0 : vector<16xf32> to vector<1x16xf32>
      tpu.vector_store %arg13[%swap3A, %swap3A_61], %swap3A_64 {strides = array<i32>} : memref<200x16xf32, #tpu.memory_space<vmem>>, vector<1x16xf32>,
      %scan3A_65 = arith.constant 0 : i32
      scf.yield %scan3A_65 : i32
    }
    %scan3A_6 = arith.constant 200 : i32
    %scan3A_7 = arith.constant 0 : i32
    %scan3A_8 = arith.constant 0 : i32
    %scan3A_9 = arith.constant 4 : i32
    %scan3A_10 = arith.addi %scan3A_8, %scan3A_9 : i32
    %scan3A_11 = arith.constant 1 : i32
    %scan3A_12 = scf.for %scan3A_29 = %scan3A_8 to %scan3A_10 step %scan3A_11 iter_args(%scan3A_30 = %scan3A_7) -> (i32)  : i32 {
      %mul3A = arith.constant 16 : i32
      %mul3A_31 = arith.muli %scan3A_29, %mul3A : i32
      %add3A = arith.addi %arg1, %mul3A_31 : i32
      %lt3A = arith.constant 50 : i32
      %lt3A_32 = arith.cmpi slt, %add3A, %lt3A : i32
      %convert_element_type3A = arith.extui %lt3A_32 : i1 to i32
      %cond3A = arith.constant 0 : i32
      %cond3A_33 = arith.cmpi ne, %convert_element_type3A, %cond3A : i32
      scf.if %cond3A_33 {
        %mul3A_35 = arith.constant 200 : i32
        %mul3A_36 = arith.muli %add3A, %mul3A_35 : i32
        %multiple_of3A = tpu.assume_multiple %mul3A_36, 200 : i32
        "tpu.region"() ({
          %run_scoped3A = tpu.sem_alloc : memref<!tpu.dma_semaphore, #tpu.memory_space<semaphore_mem>>
          %dma_start3A = arith.constant 0 : i32
          %dma_start3A_37 = tpu.memref_slice %arg14[%multiple_of3A, %dma_start3A] : memref<10000x16xf32, #tpu.memory_space<vmem_shared>> -> memref<200x16xf32, #tpu.memory_space<vmem_shared>>
          %dma_start3A_38 = arith.constant 0 : i32
          %dma_start3A_39 = tpu.memref_slice %arg14[%multiple_of3A, %dma_start3A_38] : memref<10000x16xf32, #tpu.memory_space<vmem_shared>> -> memref<200x16xf32, #tpu.memory_space<vmem_shared>>
          tpu.enqueue_dma source(%arg13 : memref<200x16xf32, #tpu.memory_space<vmem>>) target(%dma_start3A_39 : memref<200x16xf32, #tpu.memory_space<vmem_shared>>) target_semaphore(%run_scoped3A : memref<!tpu.dma_semaphore, #tpu.memory_space<semaphore_mem>>)
          %dma_wait3A = arith.constant 0 : i32
          %dma_wait3A_40 = tpu.memref_slice %arg14[%multiple_of3A, %dma_wait3A] : memref<10000x16xf32, #tpu.memory_space<vmem_shared>> -> memref<200x16xf32, #tpu.memory_space<vmem_shared>>
          %dma_wait3A_41 = arith.constant 0 : i32
          %dma_wait3A_42 = tpu.memref_slice %arg14[%multiple_of3A, %dma_wait3A_41] : memref<10000x16xf32, #tpu.memory_space<vmem_shared>> -> memref<200x16xf32, #tpu.memory_space<vmem_shared>>
          tpu.wait_dma2 semaphore(%run_scoped3A : memref<!tpu.dma_semaphore, #tpu.memory_space<semaphore_mem>>) src(%arg13 : memref<200x16xf32, #tpu.memory_space<vmem>>) dst(%dma_wait3A_42 : memref<200x16xf32, #tpu.memory_space<vmem_shared>>)
          tpu.yield
        }) : () -> ()
      } else {
      }
      %scan3A_34 = arith.constant 0 : i32
      scf.yield %scan3A_34 : i32
    }
    %scan3A_13 = arith.constant 4 : i32
    %barrier3A = arith.constant 0 : index
    tpu.barrier barrier_id(%barrier3A)
    %scan3A_14 = arith.constant 0 : i32
    %scan3A_15 = arith.constant 0 : i32
    %scan3A_16 = arith.constant 79 : i32
    %scan3A_17 = arith.addi %scan3A_15, %scan3A_16 : i32
    %scan3A_18 = arith.constant 1 : i32
    %scan3A_19 = scf.for %scan3A_29 = %scan3A_15 to %scan3A_17 step %scan3A_18 iter_args(%scan3A_30 = %scan3A_14) -> (i32)  : i32 {
      %mul3A = arith.constant 16 : i32
      %mul3A_31 = arith.muli %scan3A_29, %mul3A : i32
      %add3A = arith.addi %arg1, %mul3A_31 : i32
      %lt3A = arith.constant 1250 : i32
      %lt3A_32 = arith.cmpi slt, %add3A, %lt3A : i32
      %convert_element_type3A = arith.extui %lt3A_32 : i1 to i32
      %cond3A = arith.constant 0 : i32
      %cond3A_33 = arith.cmpi ne, %convert_element_type3A, %cond3A : i32
      scf.if %cond3A_33 {
        %mul3A_35 = arith.constant 160000 : i32
        %mul3A_36 = arith.muli %arg0, %mul3A_35 : i32
        %mul3A_37 = arith.constant 128 : i32
        %mul3A_38 = arith.muli %add3A, %mul3A_37 : i32
        %add3A_39 = arith.addi %mul3A_36, %mul3A_38 : i32
        "tpu.region"() ({
          %run_scoped3A = tpu.sem_alloc : memref<!tpu.dma_semaphore, #tpu.memory_space<semaphore_mem>>
          %dma_start3A_57 = tpu.memref_slice %arg4[%add3A_39] : memref<320000xi32, #tpu.memory_space<hbm>> -> memref<128xi32, #tpu.memory_space<hbm>>
          %dma_start3A_58 = tpu.memref_slice %arg4[%add3A_39] : memref<320000xi32, #tpu.memory_space<hbm>> -> memref<128xi32, #tpu.memory_space<hbm>>
          tpu.enqueue_dma source(%dma_start3A_58 : memref<128xi32, #tpu.memory_space<hbm>>) target(%arg8 : memref<128xi32, #tpu.memory_space<vmem>>) target_semaphore(%run_scoped3A : memref<!tpu.dma_semaphore, #tpu.memory_space<semaphore_mem>>)
          %dma_wait3A_59 = tpu.memref_slice %arg4[%add3A_39] : memref<320000xi32, #tpu.memory_space<hbm>> -> memref<128xi32, #tpu.memory_space<hbm>>
          %dma_wait3A_60 = tpu.memref_slice %arg4[%add3A_39] : memref<320000xi32, #tpu.memory_space<hbm>> -> memref<128xi32, #tpu.memory_space<hbm>>
          tpu.wait_dma2 semaphore(%run_scoped3A : memref<!tpu.dma_semaphore, #tpu.memory_space<semaphore_mem>>) src(%dma_wait3A_60 : memref<128xi32, #tpu.memory_space<hbm>>) dst(%arg8 : memref<128xi32, #tpu.memory_space<vmem>>)
          tpu.yield
        }) : () -> ()
        "tpu.region"() ({
          %run_scoped3A = tpu.sem_alloc : memref<!tpu.dma_semaphore, #tpu.memory_space<semaphore_mem>>
          %dma_start3A_57 = tpu.memref_slice %arg5[%add3A_39] : memref<320000xi32, #tpu.memory_space<hbm>> -> memref<128xi32, #tpu.memory_space<hbm>>
          %dma_start3A_58 = tpu.memref_slice %arg5[%add3A_39] : memref<320000xi32, #tpu.memory_space<hbm>> -> memref<128xi32, #tpu.memory_space<hbm>>
          tpu.enqueue_dma source(%dma_start3A_58 : memref<128xi32, #tpu.memory_space<hbm>>) target(%arg9 : memref<128xi32, #tpu.memory_space<vmem>>) target_semaphore(%run_scoped3A : memref<!tpu.dma_semaphore, #tpu.memory_space<semaphore_mem>>)
          %dma_wait3A_59 = tpu.memref_slice %arg5[%add3A_39] : memref<320000xi32, #tpu.memory_space<hbm>> -> memref<128xi32, #tpu.memory_space<hbm>>
          %dma_wait3A_60 = tpu.memref_slice %arg5[%add3A_39] : memref<320000xi32, #tpu.memory_space<hbm>> -> memref<128xi32, #tpu.memory_space<hbm>>
          tpu.wait_dma2 semaphore(%run_scoped3A : memref<!tpu.dma_semaphore, #tpu.memory_space<semaphore_mem>>) src(%dma_wait3A_60 : memref<128xi32, #tpu.memory_space<hbm>>) dst(%arg9 : memref<128xi32, #tpu.memory_space<vmem>>)
          tpu.yield
        }) : () -> ()
        %dma_start3A = arith.constant 0 : i32
        %dma_start3A_40 = arith.constant 0 : i32
        %dma_start3A_41 = tpu.memref_slice %arg2[%dma_start3A, %dma_start3A_40] : memref<10000x16xf32, #tpu.memory_space<hbm>> -> memref<10000x16xf32, #tpu.memory_space<hbm>>
        tpu.enqueue_indirect_dma source(%dma_start3A_41 : memref<10000x16xf32, #tpu.memory_space<hbm>>) target(%arg10 : memref<128x16xf32, #tpu.memory_space<vmem>>) offsets(%arg8 : memref<128xi32, #tpu.memory_space<vmem>>) semaphore(%arg15 : memref<!tpu.dma_semaphore, #tpu.memory_space<semaphore_mem>>)
        %dma_start3A_42 = arith.constant 0 : i32
        %dma_start3A_43 = arith.constant 0 : i32
        %dma_start3A_44 = tpu.memref_slice %arg3[%dma_start3A_42, %dma_start3A_43] : memref<10000x16xf32, #tpu.memory_space<hbm>> -> memref<10000x16xf32, #tpu.memory_space<hbm>>
        tpu.enqueue_indirect_dma source(%dma_start3A_44 : memref<10000x16xf32, #tpu.memory_space<hbm>>) target(%arg11 : memref<128x16xf32, #tpu.memory_space<vmem>>) offsets(%arg9 : memref<128xi32, #tpu.memory_space<vmem>>) semaphore(%arg15 : memref<!tpu.dma_semaphore, #tpu.memory_space<semaphore_mem>>)
        %dma_wait3A = arith.constant 0 : i32
        %dma_wait3A_45 = arith.constant 0 : i32
        %dma_wait3A_46 = tpu.memref_slice %arg2[%dma_wait3A, %dma_wait3A_45] : memref<10000x16xf32, #tpu.memory_space<hbm>> -> memref<10000x16xf32, #tpu.memory_space<hbm>>
        tpu.wait_indirect_dma semaphore(%arg15 : memref<!tpu.dma_semaphore, #tpu.memory_space<semaphore_mem>>) src(%dma_wait3A_46 : memref<10000x16xf32, #tpu.memory_space<hbm>>) dst(%arg10 : memref<128x16xf32, #tpu.memory_space<vmem>>)
        %dma_wait3A_47 = arith.constant 0 : i32
        %dma_wait3A_48 = arith.constant 0 : i32
        %dma_wait3A_49 = tpu.memref_slice %arg3[%dma_wait3A_47, %dma_wait3A_48] : memref<10000x16xf32, #tpu.memory_space<hbm>> -> memref<10000x16xf32, #tpu.memory_space<hbm>>
        tpu.wait_indirect_dma semaphore(%arg15 : memref<!tpu.dma_semaphore, #tpu.memory_space<semaphore_mem>>) src(%dma_wait3A_49 : memref<10000x16xf32, #tpu.memory_space<hbm>>) dst(%arg11 : memref<128x16xf32, #tpu.memory_space<vmem>>)
        %scan3A_50 = arith.constant 0 : i32
        %scan3A_51 = arith.constant 0 : i32
        %scan3A_52 = arith.constant 128 : i32
        %scan3A_53 = arith.addi %scan3A_51, %scan3A_52 : i32
        %scan3A_54 = arith.constant 1 : i32
        %scan3A_55 = scf.for %scan3A_57 = %scan3A_51 to %scan3A_53 step %scan3A_54 iter_args(%scan3A_58 = %scan3A_50) -> (i32)  : i32 {
          %get3A = arith.index_cast %scan3A_57 : i32 to index
          %get3A_59 = arith.constant 0 : index
          %get3A_60 = tpu.vector_load %arg10[%get3A, %get3A_59] {strides = array<i32>} : memref<128x16xf32, #tpu.memory_space<vmem>>, vector<1x16xf32>,
          %get3A_61 = vector.shape_cast %get3A_60 : vector<1x16xf32> to vector<16xf32>
          %get3A_62 = arith.index_cast %scan3A_57 : i32 to index
          %get3A_63 = arith.constant 0 : index
          %get3A_64 = tpu.vector_load %arg11[%get3A_62, %get3A_63] {strides = array<i32>} : memref<128x16xf32, #tpu.memory_space<vmem>>, vector<1x16xf32>,
          %get3A_65 = vector.shape_cast %get3A_64 : vector<1x16xf32> to vector<16xf32>
          %add3A_66 = arith.addf %get3A_61, %get3A_65 : vector<16xf32>
          %gt3A = arith.constant 0.000000e+00 : f32
          %gt3A_67 = vector.broadcast %gt3A : f32 to vector<16xf32>
          %gt3A_68 = arith.cmpf ogt, %add3A_66, %gt3A_67 : vector<16xf32>
          %mul3A_69 = arith.constant 2.000000e-01 : f32
          %mul3A_70 = vector.broadcast %mul3A_69 : f32 to vector<16xf32>
          %mul3A_71 = arith.mulf %mul3A_70, %add3A_66 : vector<16xf32>
          %select_n3A = arith.select %gt3A_68, %add3A_66, %mul3A_71 : vector<16xi1>, vector<16xf32>
          %exp3A = math.exp %select_n3A : vector<16xf32>
          %swap3A = arith.index_cast %scan3A_57 : i32 to index
          %swap3A_72 = arith.constant 0 : index
          %swap3A_73 = tpu.vector_load %arg12[%swap3A, %swap3A_72] {strides = array<i32>} : memref<128x16xf32, #tpu.memory_space<vmem>>, vector<1x16xf32>,
          %swap3A_74 = vector.shape_cast %swap3A_73 : vector<1x16xf32> to vector<16xf32>
          %swap3A_75 = vector.shape_cast %exp3A : vector<16xf32> to vector<1x16xf32>
          tpu.vector_store %arg12[%swap3A, %swap3A_72], %swap3A_75 {strides = array<i32>} : memref<128x16xf32, #tpu.memory_space<vmem>>, vector<1x16xf32>,
          %scan3A_76 = arith.constant 0 : i32
          scf.yield %scan3A_76 : i32
        }
        %scan3A_56 = arith.constant 128 : i32
        "tpu.region"() ({
          %run_scoped3A = tpu.sem_alloc : memref<!tpu.dma_semaphore, #tpu.memory_space<semaphore_mem>>
          %dma_start3A_57 = arith.constant 0 : i32
          %dma_start3A_58 = tpu.memref_slice %arg6[%add3A_39, %dma_start3A_57] : memref<320000x16xf32, #tpu.memory_space<hbm>> -> memref<128x16xf32, #tpu.memory_space<hbm>>
          %dma_start3A_59 = arith.constant 0 : i32
          %dma_start3A_60 = tpu.memref_slice %arg6[%add3A_39, %dma_start3A_59] : memref<320000x16xf32, #tpu.memory_space<hbm>> -> memref<128x16xf32, #tpu.memory_space<hbm>>
          tpu.enqueue_dma source(%arg12 : memref<128x16xf32, #tpu.memory_space<vmem>>) target(%dma_start3A_60 : memref<128x16xf32, #tpu.memory_space<hbm>>) target_semaphore(%run_scoped3A : memref<!tpu.dma_semaphore, #tpu.memory_space<semaphore_mem>>)
          %dma_wait3A_61 = arith.constant 0 : i32
          %dma_wait3A_62 = tpu.memref_slice %arg6[%add3A_39, %dma_wait3A_61] : memref<320000x16xf32, #tpu.memory_space<hbm>> -> memref<128x16xf32, #tpu.memory_space<hbm>>
          %dma_wait3A_63 = arith.constant 0 : i32
          %dma_wait3A_64 = tpu.memref_slice %arg6[%add3A_39, %dma_wait3A_63] : memref<320000x16xf32, #tpu.memory_space<hbm>> -> memref<128x16xf32, #tpu.memory_space<hbm>>
          tpu.wait_dma2 semaphore(%run_scoped3A : memref<!tpu.dma_semaphore, #tpu.memory_space<semaphore_mem>>) src(%arg12 : memref<128x16xf32, #tpu.memory_space<vmem>>) dst(%dma_wait3A_64 : memref<128x16xf32, #tpu.memory_space<hbm>>)
          tpu.yield
        }) : () -> ()
        "tpu.region"() ({
          %run_scoped3A = tpu.sem_alloc : memref<!tpu.dma_semaphore, #tpu.memory_space<semaphore_mem>>
          %dma_start3A_57 = arith.constant 0 : i32
          %dma_start3A_58 = arith.constant 0 : i32
          %dma_start3A_59 = tpu.memref_slice %arg14[%dma_start3A_57, %dma_start3A_58] : memref<10000x16xf32, #tpu.memory_space<vmem_shared>> -> memref<10000x16xf32, #tpu.memory_space<vmem_shared>>
          tpu.enqueue_indirect_dma source(%arg12 : memref<128x16xf32, #tpu.memory_space<vmem>>) target(%dma_start3A_59 : memref<10000x16xf32, #tpu.memory_space<vmem_shared>>) offsets(%arg9 : memref<128xi32, #tpu.memory_space<vmem>>) semaphore(%run_scoped3A : memref<!tpu.dma_semaphore, #tpu.memory_space<semaphore_mem>>) {add = true}
          %dma_wait3A_60 = arith.constant 0 : i32
          %dma_wait3A_61 = arith.constant 0 : i32
          %dma_wait3A_62 = tpu.memref_slice %arg14[%dma_wait3A_60, %dma_wait3A_61] : memref<10000x16xf32, #tpu.memory_space<vmem_shared>> -> memref<10000x16xf32, #tpu.memory_space<vmem_shared>>
          tpu.wait_indirect_dma semaphore(%run_scoped3A : memref<!tpu.dma_semaphore, #tpu.memory_space<semaphore_mem>>) src(%arg12 : memref<128x16xf32, #tpu.memory_space<vmem>>) dst(%dma_wait3A_62 : memref<10000x16xf32, #tpu.memory_space<vmem_shared>>)
          tpu.yield
        }) : () -> ()
      } else {
      }
      %scan3A_34 = arith.constant 0 : i32
      scf.yield %scan3A_34 : i32
    }
    %scan3A_20 = arith.constant 79 : i32
    %barrier3A_21 = arith.constant 0 : index
    tpu.barrier barrier_id(%barrier3A_21)
    %scan3A_22 = arith.constant 0 : i32
    %scan3A_23 = arith.constant 0 : i32
    %scan3A_24 = arith.constant 4 : i32
    %scan3A_25 = arith.addi %scan3A_23, %scan3A_24 : i32
    %scan3A_26 = arith.constant 1 : i32
    %scan3A_27 = scf.for %scan3A_29 = %scan3A_23 to %scan3A_25 step %scan3A_26 iter_args(%scan3A_30 = %scan3A_22) -> (i32)  : i32 {
      %mul3A = arith.constant 16 : i32
      %mul3A_31 = arith.muli %scan3A_29, %mul3A : i32
      %add3A = arith.addi %arg1, %mul3A_31 : i32
      %lt3A = arith.constant 50 : i32
      %lt3A_32 = arith.cmpi slt, %add3A, %lt3A : i32
      %convert_element_type3A = arith.extui %lt3A_32 : i1 to i32
      %cond3A = arith.constant 0 : i32
      %cond3A_33 = arith.cmpi ne, %convert_element_type3A, %cond3A : i32
      scf.if %cond3A_33 {
        %mul3A_35 = arith.constant 200 : i32
        %mul3A_36 = arith.muli %add3A, %mul3A_35 : i32
        %multiple_of3A = tpu.assume_multiple %mul3A_36, 200 : i32
        "tpu.region"() ({
          %run_scoped3A = tpu.sem_alloc : memref<!tpu.dma_semaphore, #tpu.memory_space<semaphore_mem>>
          %dma_start3A = arith.constant 0 : i32
          %dma_start3A_37 = tpu.memref_slice %arg7[%arg0, %multiple_of3A, %dma_start3A] : memref<2x10000x16xf32, #tpu.memory_space<hbm>> -> memref<1x200x16xf32, #tpu.memory_space<hbm>>
          %dma_start3A_38 = tpu.memref_squeeze %dma_start3A_37 : memref<1x200x16xf32, #tpu.memory_space<hbm>> -> memref<200x16xf32, #tpu.memory_space<hbm>>
          %dma_start3A_39 = arith.constant 0 : i32
          %dma_start3A_40 = tpu.memref_slice %arg14[%multiple_of3A, %dma_start3A_39] : memref<10000x16xf32, #tpu.memory_space<vmem_shared>> -> memref<200x16xf32, #tpu.memory_space<vmem_shared>>
          tpu.enqueue_dma source(%dma_start3A_40 : memref<200x16xf32, #tpu.memory_space<vmem_shared>>) target(%dma_start3A_38 : memref<200x16xf32, #tpu.memory_space<hbm>>) target_semaphore(%run_scoped3A : memref<!tpu.dma_semaphore, #tpu.memory_space<semaphore_mem>>)
          %dma_wait3A = arith.constant 0 : i32
          %dma_wait3A_41 = tpu.memref_slice %arg7[%arg0, %multiple_of3A, %dma_wait3A] : memref<2x10000x16xf32, #tpu.memory_space<hbm>> -> memref<1x200x16xf32, #tpu.memory_space<hbm>>
          %dma_wait3A_42 = tpu.memref_squeeze %dma_wait3A_41 : memref<1x200x16xf32, #tpu.memory_space<hbm>> -> memref<200x16xf32, #tpu.memory_space<hbm>>
          %dma_wait3A_43 = arith.constant 0 : i32
          %dma_wait3A_44 = tpu.memref_slice %arg14[%multiple_of3A, %dma_wait3A_43] : memref<10000x16xf32, #tpu.memory_space<vmem_shared>> -> memref<200x16xf32, #tpu.memory_space<vmem_shared>>
          tpu.wait_dma2 semaphore(%run_scoped3A : memref<!tpu.dma_semaphore, #tpu.memory_space<semaphore_mem>>) src(%dma_wait3A_44 : memref<200x16xf32, #tpu.memory_space<vmem_shared>>) dst(%dma_wait3A_42 : memref<200x16xf32, #tpu.memory_space<hbm>>)
          tpu.yield
        }) : () -> ()
      } else {
      }
      %scan3A_34 = arith.constant 0 : i32
      scf.yield %scan3A_34 : i32
    }
    %scan3A_28 = arith.constant 4 : i32
    return
  }
}

#map = affine_map<(d0, d1) -> (0, 0)>
#map1 = affine_map<(d0, d1) -> (0)>
#map2 = affine_map<(d0, d1) -> (0, 0, 0)>
module attributes {stable_mosaic.version = 14 : i64} {
  func.func @k(%arg0: i32, %arg1: i32, %arg2: memref<10000x256xf32, #tpu.memory_space<hbm>>, %arg3: memref<320000x16xf32, #tpu.memory_space<hbm>>, %arg4: memref<20000x16xf32, #tpu.memory_space<hbm>>, %arg5: memref<320000xi32, #tpu.memory_space<hbm>>, %arg6: memref<320000xi32, #tpu.memory_space<hbm>>, %arg7: memref<2x10000x64xf32, #tpu.memory_space<hbm>>, %arg8: memref<128xi32, #tpu.memory_space<vmem>>, %arg9: memref<128xi32, #tpu.memory_space<vmem>>, %arg10: memref<128xi32, #tpu.memory_space<vmem>>, %arg11: memref<128x256xf32, #tpu.memory_space<vmem>>, %arg12: memref<128x16xf32, #tpu.memory_space<vmem>>, %arg13: memref<128x16xf32, #tpu.memory_space<vmem>>, %arg14: memref<128x16xf32, #tpu.memory_space<vmem>>, %arg15: memref<128x64xf32, #tpu.memory_space<vmem>>, %arg16: memref<200x64xf32, #tpu.memory_space<vmem>>, %arg17: memref<10000x64xf32, #tpu.memory_space<vmem_shared>>, %arg18: memref<!tpu.dma_semaphore, #tpu.memory_space<semaphore_mem>>) attributes {dimension_semantics = [#tpu.dimension_semantics<core_parallel>, #tpu.dimension_semantics<subcore_parallel>], iteration_bounds = array<i64: 2, 16>, scalar_prefetch = 0 : i64, scratch_operands = 11 : i64, tpu.core_type = #tpu.core_type<sc_vector_subcore>, window_params = [{transform_indices = #map}, {transform_indices = #map}, {transform_indices = #map}, {transform_indices = #map1}, {transform_indices = #map1}, {transform_indices = #map2}]} {
    %broadcast_in_dim3A = arith.constant 0.000000e+00 : f32
    %broadcast_in_dim3A_0 = vector.broadcast %broadcast_in_dim3A : f32 to vector<16xf32>
    %scan3A = arith.constant 0 : i32
    %scan3A_1 = arith.constant 0 : i32
    %scan3A_2 = arith.constant 800 : i32
    %scan3A_3 = arith.addi %scan3A_1, %scan3A_2 : i32
    %scan3A_4 = arith.constant 1 : i32
    %scan3A_5 = scf.for %scan3A_37 = %scan3A_1 to %scan3A_3 step %scan3A_4 iter_args(%scan3A_38 = %scan3A) -> (i32)  : i32 {
      %jit3A = arith.constant 4 : i32
      %div3A = arith.divsi %scan3A_37, %jit3A : i32
      %sign3A = arith.constant 0 : i32
      %sign3A_39 = arith.cmpi sgt, %scan3A_37, %sign3A : i32
      %sign3A_40 = arith.extui %sign3A_39 : i1 to i32
      %sign3A_41 = arith.constant 0 : i32
      %sign3A_42 = arith.cmpi slt, %scan3A_37, %sign3A_41 : i32
      %sign3A_43 = arith.extui %sign3A_42 : i1 to i32
      %sign3A_44 = arith.subi %sign3A_40, %sign3A_43 : i32
      %sign3A_45 = arith.constant 0 : i32
      %sign3A_46 = arith.cmpi sgt, %jit3A, %sign3A_45 : i32
      %sign3A_47 = arith.extui %sign3A_46 : i1 to i32
      %sign3A_48 = arith.constant 0 : i32
      %sign3A_49 = arith.cmpi slt, %jit3A, %sign3A_48 : i32
      %sign3A_50 = arith.extui %sign3A_49 : i1 to i32
      %sign3A_51 = arith.subi %sign3A_47, %sign3A_50 : i32
      %ne3A = arith.cmpi ne, %sign3A_44, %sign3A_51 : i32
      %rem3A = arith.remsi %scan3A_37, %jit3A : i32
      %ne3A_52 = arith.constant 0 : i32
      %ne3A_53 = arith.cmpi ne, %rem3A, %ne3A_52 : i32
      %and3A = arith.andi %ne3A, %ne3A_53 : i1
      %sub3A = arith.constant 1 : i32
      %sub3A_54 = arith.subi %div3A, %sub3A : i32
      %select_n3A = arith.select %and3A, %sub3A_54, %div3A : i32
      %jit3A_55 = arith.constant 4 : i32
      %eq3A = arith.constant 0 : i32
      %eq3A_56 = arith.cmpi eq, %jit3A_55, %eq3A : i32
      %jit3A_57 = arith.constant 1 : i32
      %select_n3A_58 = arith.select %eq3A_56, %jit3A_57, %jit3A_55 : i32
      %rem3A_59 = arith.remsi %scan3A_37, %select_n3A_58 : i32
      %ne3A_60 = arith.constant 0 : i32
      %ne3A_61 = arith.cmpi ne, %rem3A_59, %ne3A_60 : i32
      %lt3A = arith.constant 0 : i32
      %lt3A_62 = arith.cmpi slt, %rem3A_59, %lt3A : i32
      %lt3A_63 = arith.constant 0 : i32
      %lt3A_64 = arith.cmpi slt, %select_n3A_58, %lt3A_63 : i32
      %ne3A_65 = arith.xori %lt3A_62, %lt3A_64 : i1
      %and3A_66 = arith.andi %ne3A_65, %ne3A_61 : i1
      %add3A = arith.addi %rem3A_59, %select_n3A_58 : i32
      %select_n3A_67 = arith.select %and3A_66, %add3A, %rem3A_59 : i32
      %mul3A = arith.constant 16 : i32
      %mul3A_68 = arith.muli %select_n3A_67, %mul3A : i32
      %multiple_of3A = tpu.assume_multiple %mul3A_68, 16 : i32
      %swap3A = arith.index_cast %select_n3A : i32 to index
      %swap3A_69 = arith.index_cast %multiple_of3A : i32 to index
      %swap3A_70 = tpu.vector_load %arg16[%swap3A, %swap3A_69] {strides = array<i32>} : memref<200x64xf32, #tpu.memory_space<vmem>>, vector<1x16xf32>,
      %swap3A_71 = vector.shape_cast %swap3A_70 : vector<1x16xf32> to vector<16xf32>
      %swap3A_72 = vector.shape_cast %broadcast_in_dim3A_0 : vector<16xf32> to vector<1x16xf32>
      tpu.vector_store %arg16[%swap3A, %swap3A_69], %swap3A_72 {strides = array<i32>} : memref<200x64xf32, #tpu.memory_space<vmem>>, vector<1x16xf32>,
      %scan3A_73 = arith.constant 0 : i32
      scf.yield %scan3A_73 : i32
    }
    %scan3A_6 = arith.constant 800 : i32
    %scan3A_7 = arith.constant 0 : i32
    %scan3A_8 = arith.constant 0 : i32
    %scan3A_9 = arith.constant 4 : i32
    %scan3A_10 = arith.addi %scan3A_8, %scan3A_9 : i32
    %scan3A_11 = arith.constant 1 : i32
    %scan3A_12 = scf.for %scan3A_37 = %scan3A_8 to %scan3A_10 step %scan3A_11 iter_args(%scan3A_38 = %scan3A_7) -> (i32)  : i32 {
      %mul3A = arith.constant 16 : i32
      %mul3A_39 = arith.muli %scan3A_37, %mul3A : i32
      %add3A = arith.addi %arg1, %mul3A_39 : i32
      %lt3A = arith.constant 50 : i32
      %lt3A_40 = arith.cmpi slt, %add3A, %lt3A : i32
      %convert_element_type3A = arith.extui %lt3A_40 : i1 to i32
      %cond3A = arith.constant 0 : i32
      %cond3A_41 = arith.cmpi ne, %convert_element_type3A, %cond3A : i32
      scf.if %cond3A_41 {
        %mul3A_43 = arith.constant 200 : i32
        %mul3A_44 = arith.muli %add3A, %mul3A_43 : i32
        %multiple_of3A = tpu.assume_multiple %mul3A_44, 200 : i32
        "tpu.region"() ({
          %run_scoped3A = tpu.sem_alloc : memref<!tpu.dma_semaphore, #tpu.memory_space<semaphore_mem>>
          %dma_start3A = arith.constant 0 : i32
          %dma_start3A_45 = tpu.memref_slice %arg17[%multiple_of3A, %dma_start3A] : memref<10000x64xf32, #tpu.memory_space<vmem_shared>> -> memref<200x64xf32, #tpu.memory_space<vmem_shared>>
          %dma_start3A_46 = arith.constant 0 : i32
          %dma_start3A_47 = tpu.memref_slice %arg17[%multiple_of3A, %dma_start3A_46] : memref<10000x64xf32, #tpu.memory_space<vmem_shared>> -> memref<200x64xf32, #tpu.memory_space<vmem_shared>>
          tpu.enqueue_dma source(%arg16 : memref<200x64xf32, #tpu.memory_space<vmem>>) target(%dma_start3A_47 : memref<200x64xf32, #tpu.memory_space<vmem_shared>>) target_semaphore(%run_scoped3A : memref<!tpu.dma_semaphore, #tpu.memory_space<semaphore_mem>>)
          %dma_wait3A = arith.constant 0 : i32
          %dma_wait3A_48 = tpu.memref_slice %arg17[%multiple_of3A, %dma_wait3A] : memref<10000x64xf32, #tpu.memory_space<vmem_shared>> -> memref<200x64xf32, #tpu.memory_space<vmem_shared>>
          %dma_wait3A_49 = arith.constant 0 : i32
          %dma_wait3A_50 = tpu.memref_slice %arg17[%multiple_of3A, %dma_wait3A_49] : memref<10000x64xf32, #tpu.memory_space<vmem_shared>> -> memref<200x64xf32, #tpu.memory_space<vmem_shared>>
          tpu.wait_dma2 semaphore(%run_scoped3A : memref<!tpu.dma_semaphore, #tpu.memory_space<semaphore_mem>>) src(%arg16 : memref<200x64xf32, #tpu.memory_space<vmem>>) dst(%dma_wait3A_50 : memref<200x64xf32, #tpu.memory_space<vmem_shared>>)
          tpu.yield
        }) : () -> ()
      } else {
      }
      %scan3A_42 = arith.constant 0 : i32
      scf.yield %scan3A_42 : i32
    }
    %scan3A_13 = arith.constant 4 : i32
    %barrier3A = arith.constant 0 : index
    tpu.barrier barrier_id(%barrier3A)
    %broadcast_in_dim3A_14 = arith.constant 0 : i32
    %broadcast_in_dim3A_15 = vector.broadcast %broadcast_in_dim3A_14 : i32 to vector<16xi32>
    %broadcast_in_dim3A_16 = arith.constant 1 : i32
    %broadcast_in_dim3A_17 = vector.broadcast %broadcast_in_dim3A_16 : i32 to vector<16xi32>
    %broadcast_in_dim3A_18 = arith.constant 2 : i32
    %broadcast_in_dim3A_19 = vector.broadcast %broadcast_in_dim3A_18 : i32 to vector<16xi32>
    %broadcast_in_dim3A_20 = arith.constant 3 : i32
    %broadcast_in_dim3A_21 = vector.broadcast %broadcast_in_dim3A_20 : i32 to vector<16xi32>
    %scan3A_22 = arith.constant 0 : i32
    %scan3A_23 = arith.constant 0 : i32
    %scan3A_24 = arith.constant 79 : i32
    %scan3A_25 = arith.addi %scan3A_23, %scan3A_24 : i32
    %scan3A_26 = arith.constant 1 : i32
    %scan3A_27 = scf.for %scan3A_37 = %scan3A_23 to %scan3A_25 step %scan3A_26 iter_args(%scan3A_38 = %scan3A_22) -> (i32)  : i32 {
      %mul3A = arith.constant 16 : i32
      %mul3A_39 = arith.muli %scan3A_37, %mul3A : i32
      %add3A = arith.addi %arg1, %mul3A_39 : i32
      %lt3A = arith.constant 1250 : i32
      %lt3A_40 = arith.cmpi slt, %add3A, %lt3A : i32
      %convert_element_type3A = arith.extui %lt3A_40 : i1 to i32
      %cond3A = arith.constant 0 : i32
      %cond3A_41 = arith.cmpi ne, %convert_element_type3A, %cond3A : i32
      scf.if %cond3A_41 {
        %mul3A_43 = arith.constant 160000 : i32
        %mul3A_44 = arith.muli %arg0, %mul3A_43 : i32
        %mul3A_45 = arith.constant 128 : i32
        %mul3A_46 = arith.muli %add3A, %mul3A_45 : i32
        %add3A_47 = arith.addi %mul3A_44, %mul3A_46 : i32
        "tpu.region"() ({
          %run_scoped3A = tpu.sem_alloc : memref<!tpu.dma_semaphore, #tpu.memory_space<semaphore_mem>>
          %dma_start3A_66 = tpu.memref_slice %arg5[%add3A_47] : memref<320000xi32, #tpu.memory_space<hbm>> -> memref<128xi32, #tpu.memory_space<hbm>>
          %dma_start3A_67 = tpu.memref_slice %arg5[%add3A_47] : memref<320000xi32, #tpu.memory_space<hbm>> -> memref<128xi32, #tpu.memory_space<hbm>>
          tpu.enqueue_dma source(%dma_start3A_67 : memref<128xi32, #tpu.memory_space<hbm>>) target(%arg8 : memref<128xi32, #tpu.memory_space<vmem>>) target_semaphore(%run_scoped3A : memref<!tpu.dma_semaphore, #tpu.memory_space<semaphore_mem>>)
          %dma_wait3A_68 = tpu.memref_slice %arg5[%add3A_47] : memref<320000xi32, #tpu.memory_space<hbm>> -> memref<128xi32, #tpu.memory_space<hbm>>
          %dma_wait3A_69 = tpu.memref_slice %arg5[%add3A_47] : memref<320000xi32, #tpu.memory_space<hbm>> -> memref<128xi32, #tpu.memory_space<hbm>>
          tpu.wait_dma2 semaphore(%run_scoped3A : memref<!tpu.dma_semaphore, #tpu.memory_space<semaphore_mem>>) src(%dma_wait3A_69 : memref<128xi32, #tpu.memory_space<hbm>>) dst(%arg8 : memref<128xi32, #tpu.memory_space<vmem>>)
          tpu.yield
        }) : () -> ()
        "tpu.region"() ({
          %run_scoped3A = tpu.sem_alloc : memref<!tpu.dma_semaphore, #tpu.memory_space<semaphore_mem>>
          %dma_start3A_66 = tpu.memref_slice %arg6[%add3A_47] : memref<320000xi32, #tpu.memory_space<hbm>> -> memref<128xi32, #tpu.memory_space<hbm>>
          %dma_start3A_67 = tpu.memref_slice %arg6[%add3A_47] : memref<320000xi32, #tpu.memory_space<hbm>> -> memref<128xi32, #tpu.memory_space<hbm>>
          tpu.enqueue_dma source(%dma_start3A_67 : memref<128xi32, #tpu.memory_space<hbm>>) target(%arg9 : memref<128xi32, #tpu.memory_space<vmem>>) target_semaphore(%run_scoped3A : memref<!tpu.dma_semaphore, #tpu.memory_space<semaphore_mem>>)
          %dma_wait3A_68 = tpu.memref_slice %arg6[%add3A_47] : memref<320000xi32, #tpu.memory_space<hbm>> -> memref<128xi32, #tpu.memory_space<hbm>>
          %dma_wait3A_69 = tpu.memref_slice %arg6[%add3A_47] : memref<320000xi32, #tpu.memory_space<hbm>> -> memref<128xi32, #tpu.memory_space<hbm>>
          tpu.wait_dma2 semaphore(%run_scoped3A : memref<!tpu.dma_semaphore, #tpu.memory_space<semaphore_mem>>) src(%dma_wait3A_69 : memref<128xi32, #tpu.memory_space<hbm>>) dst(%arg9 : memref<128xi32, #tpu.memory_space<vmem>>)
          tpu.yield
        }) : () -> ()
        %scan3A_48 = arith.constant 0 : i32
        %scan3A_49 = arith.constant 0 : i32
        %scan3A_50 = arith.constant 8 : i32
        %scan3A_51 = arith.addi %scan3A_49, %scan3A_50 : i32
        %scan3A_52 = arith.constant 1 : i32
        %scan3A_53 = scf.for %scan3A_66 = %scan3A_49 to %scan3A_51 step %scan3A_52 iter_args(%scan3A_67 = %scan3A_48) -> (i32)  : i32 {
          %mul3A_68 = arith.constant 16 : i32
          %mul3A_69 = arith.muli %scan3A_66, %mul3A_68 : i32
          %multiple_of3A = tpu.assume_multiple %mul3A_69, 16 : i32
          %get3A = arith.index_cast %multiple_of3A : i32 to index
          %get3A_70 = tpu.vector_load %arg9[%get3A] {strides = array<i32>} : memref<128xi32, #tpu.memory_space<vmem>>, vector<16xi32>,
          %get3A_71 = vector.shape_cast %get3A_70 : vector<16xi32> to vector<16xi32>
          %add3A_72 = arith.constant 10000 : i32
          %add3A_73 = vector.broadcast %add3A_72 : i32 to vector<16xi32>
          %add3A_74 = arith.addi %get3A_71, %add3A_73 : vector<16xi32>
          %swap3A = arith.index_cast %multiple_of3A : i32 to index
          %swap3A_75 = tpu.vector_load %arg10[%swap3A] {strides = array<i32>} : memref<128xi32, #tpu.memory_space<vmem>>, vector<16xi32>,
          %swap3A_76 = vector.shape_cast %swap3A_75 : vector<16xi32> to vector<16xi32>
          %swap3A_77 = vector.shape_cast %add3A_74 : vector<16xi32> to vector<16xi32>
          tpu.vector_store %arg10[%swap3A], %swap3A_77 {strides = array<i32>} : memref<128xi32, #tpu.memory_space<vmem>>, vector<16xi32>,
          %scan3A_78 = arith.constant 0 : i32
          scf.yield %scan3A_78 : i32
        }
        %scan3A_54 = arith.constant 8 : i32
        %dma_start3A = arith.constant 0 : i32
        %dma_start3A_55 = arith.constant 0 : i32
        %dma_start3A_56 = tpu.memref_slice %arg2[%dma_start3A, %dma_start3A_55] : memref<10000x256xf32, #tpu.memory_space<hbm>> -> memref<10000x256xf32, #tpu.memory_space<hbm>>
        tpu.enqueue_indirect_dma source(%dma_start3A_56 : memref<10000x256xf32, #tpu.memory_space<hbm>>) target(%arg11 : memref<128x256xf32, #tpu.memory_space<vmem>>) offsets(%arg8 : memref<128xi32, #tpu.memory_space<vmem>>) semaphore(%arg18 : memref<!tpu.dma_semaphore, #tpu.memory_space<semaphore_mem>>)
        "tpu.region"() ({
          %run_scoped3A = tpu.sem_alloc : memref<!tpu.dma_semaphore, #tpu.memory_space<semaphore_mem>>
          %dma_start3A_66 = arith.constant 0 : i32
          %dma_start3A_67 = tpu.memref_slice %arg3[%add3A_47, %dma_start3A_66] : memref<320000x16xf32, #tpu.memory_space<hbm>> -> memref<128x16xf32, #tpu.memory_space<hbm>>
          %dma_start3A_68 = arith.constant 0 : i32
          %dma_start3A_69 = tpu.memref_slice %arg3[%add3A_47, %dma_start3A_68] : memref<320000x16xf32, #tpu.memory_space<hbm>> -> memref<128x16xf32, #tpu.memory_space<hbm>>
          tpu.enqueue_dma source(%dma_start3A_69 : memref<128x16xf32, #tpu.memory_space<hbm>>) target(%arg12 : memref<128x16xf32, #tpu.memory_space<vmem>>) target_semaphore(%run_scoped3A : memref<!tpu.dma_semaphore, #tpu.memory_space<semaphore_mem>>)
          %dma_wait3A_70 = arith.constant 0 : i32
          %dma_wait3A_71 = tpu.memref_slice %arg3[%add3A_47, %dma_wait3A_70] : memref<320000x16xf32, #tpu.memory_space<hbm>> -> memref<128x16xf32, #tpu.memory_space<hbm>>
          %dma_wait3A_72 = arith.constant 0 : i32
          %dma_wait3A_73 = tpu.memref_slice %arg3[%add3A_47, %dma_wait3A_72] : memref<320000x16xf32, #tpu.memory_space<hbm>> -> memref<128x16xf32, #tpu.memory_space<hbm>>
          tpu.wait_dma2 semaphore(%run_scoped3A : memref<!tpu.dma_semaphore, #tpu.memory_space<semaphore_mem>>) src(%dma_wait3A_73 : memref<128x16xf32, #tpu.memory_space<hbm>>) dst(%arg12 : memref<128x16xf32, #tpu.memory_space<vmem>>)
          tpu.yield
        }) : () -> ()
        "tpu.region"() ({
          %run_scoped3A = tpu.sem_alloc : memref<!tpu.dma_semaphore, #tpu.memory_space<semaphore_mem>>
          %dma_start3A_66 = arith.constant 0 : i32
          %dma_start3A_67 = arith.constant 0 : i32
          %dma_start3A_68 = tpu.memref_slice %arg4[%dma_start3A_66, %dma_start3A_67] : memref<20000x16xf32, #tpu.memory_space<hbm>> -> memref<20000x16xf32, #tpu.memory_space<hbm>>
          tpu.enqueue_indirect_dma source(%dma_start3A_68 : memref<20000x16xf32, #tpu.memory_space<hbm>>) target(%arg13 : memref<128x16xf32, #tpu.memory_space<vmem>>) offsets(%arg9 : memref<128xi32, #tpu.memory_space<vmem>>) semaphore(%run_scoped3A : memref<!tpu.dma_semaphore, #tpu.memory_space<semaphore_mem>>)
          %dma_wait3A_69 = arith.constant 0 : i32
          %dma_wait3A_70 = arith.constant 0 : i32
          %dma_wait3A_71 = tpu.memref_slice %arg4[%dma_wait3A_69, %dma_wait3A_70] : memref<20000x16xf32, #tpu.memory_space<hbm>> -> memref<20000x16xf32, #tpu.memory_space<hbm>>
          tpu.wait_indirect_dma semaphore(%run_scoped3A : memref<!tpu.dma_semaphore, #tpu.memory_space<semaphore_mem>>) src(%dma_wait3A_71 : memref<20000x16xf32, #tpu.memory_space<hbm>>) dst(%arg13 : memref<128x16xf32, #tpu.memory_space<vmem>>)
          tpu.yield
        }) : () -> ()
        "tpu.region"() ({
          %run_scoped3A = tpu.sem_alloc : memref<!tpu.dma_semaphore, #tpu.memory_space<semaphore_mem>>
          %dma_start3A_66 = arith.constant 0 : i32
          %dma_start3A_67 = arith.constant 0 : i32
          %dma_start3A_68 = tpu.memref_slice %arg4[%dma_start3A_66, %dma_start3A_67] : memref<20000x16xf32, #tpu.memory_space<hbm>> -> memref<20000x16xf32, #tpu.memory_space<hbm>>
          tpu.enqueue_indirect_dma source(%dma_start3A_68 : memref<20000x16xf32, #tpu.memory_space<hbm>>) target(%arg14 : memref<128x16xf32, #tpu.memory_space<vmem>>) offsets(%arg10 : memref<128xi32, #tpu.memory_space<vmem>>) semaphore(%run_scoped3A : memref<!tpu.dma_semaphore, #tpu.memory_space<semaphore_mem>>)
          %dma_wait3A_69 = arith.constant 0 : i32
          %dma_wait3A_70 = arith.constant 0 : i32
          %dma_wait3A_71 = tpu.memref_slice %arg4[%dma_wait3A_69, %dma_wait3A_70] : memref<20000x16xf32, #tpu.memory_space<hbm>> -> memref<20000x16xf32, #tpu.memory_space<hbm>>
          tpu.wait_indirect_dma semaphore(%run_scoped3A : memref<!tpu.dma_semaphore, #tpu.memory_space<semaphore_mem>>) src(%dma_wait3A_71 : memref<20000x16xf32, #tpu.memory_space<hbm>>) dst(%arg14 : memref<128x16xf32, #tpu.memory_space<vmem>>)
          tpu.yield
        }) : () -> ()
        %dma_wait3A = arith.constant 0 : i32
        %dma_wait3A_57 = arith.constant 0 : i32
        %dma_wait3A_58 = tpu.memref_slice %arg2[%dma_wait3A, %dma_wait3A_57] : memref<10000x256xf32, #tpu.memory_space<hbm>> -> memref<10000x256xf32, #tpu.memory_space<hbm>>
        tpu.wait_indirect_dma semaphore(%arg18 : memref<!tpu.dma_semaphore, #tpu.memory_space<semaphore_mem>>) src(%dma_wait3A_58 : memref<10000x256xf32, #tpu.memory_space<hbm>>) dst(%arg11 : memref<128x256xf32, #tpu.memory_space<vmem>>)
        %scan3A_59 = arith.constant 0 : i32
        %scan3A_60 = arith.constant 0 : i32
        %scan3A_61 = arith.constant 128 : i32
        %scan3A_62 = arith.addi %scan3A_60, %scan3A_61 : i32
        %scan3A_63 = arith.constant 1 : i32
        %scan3A_64 = scf.for %scan3A_66 = %scan3A_60 to %scan3A_62 step %scan3A_63 iter_args(%scan3A_67 = %scan3A_59) -> (i32)  : i32 {
          %get3A = arith.index_cast %scan3A_66 : i32 to index
          %get3A_68 = arith.constant 0 : index
          %get3A_69 = tpu.vector_load %arg13[%get3A, %get3A_68] {strides = array<i32>} : memref<128x16xf32, #tpu.memory_space<vmem>>, vector<1x16xf32>,
          %get3A_70 = vector.shape_cast %get3A_69 : vector<1x16xf32> to vector<16xf32>
          %get3A_71 = arith.index_cast %scan3A_66 : i32 to index
          %get3A_72 = arith.constant 0 : index
          %get3A_73 = tpu.vector_load %arg14[%get3A_71, %get3A_72] {strides = array<i32>} : memref<128x16xf32, #tpu.memory_space<vmem>>, vector<1x16xf32>,
          %get3A_74 = vector.shape_cast %get3A_73 : vector<1x16xf32> to vector<16xf32>
          %add3A_75 = arith.addf %get3A_70, %get3A_74 : vector<16xf32>
          %eq3A = arith.constant 0.000000e+00 : f32
          %eq3A_76 = vector.broadcast %eq3A : f32 to vector<16xf32>
          %eq3A_77 = arith.cmpf oeq, %add3A_75, %eq3A_76 : vector<16xf32>
          %jit3A = arith.constant 1.000000e+00 : f32
          %broadcast_in_dim3A_78 = vector.broadcast %jit3A : f32 to vector<16xf32>
          %select_n3A = arith.select %eq3A_77, %broadcast_in_dim3A_78, %add3A_75 : vector<16xi1>, vector<16xf32>
          %get3A_79 = arith.index_cast %scan3A_66 : i32 to index
          %get3A_80 = arith.constant 0 : index
          %get3A_81 = tpu.vector_load %arg12[%get3A_79, %get3A_80] {strides = array<i32>} : memref<128x16xf32, #tpu.memory_space<vmem>>, vector<1x16xf32>,
          %get3A_82 = vector.shape_cast %get3A_81 : vector<1x16xf32> to vector<16xf32>
          %mul3A_83 = arith.constant 2.500000e-01 : f32
          %mul3A_84 = vector.broadcast %mul3A_83 : f32 to vector<16xf32>
          %mul3A_85 = arith.mulf %mul3A_84, %get3A_82 : vector<16xf32>
          %div3A = arith.divf %mul3A_85, %select_n3A : vector<16xf32>
          %lt3A_86 = arith.constant 0 : i32
          %lt3A_87 = vector.broadcast %lt3A_86 : i32 to vector<16xi32>
          %lt3A_88 = arith.cmpi slt, %broadcast_in_dim3A_15, %lt3A_87 : vector<16xi32>
          %add3A_89 = arith.constant 16 : i32
          %add3A_90 = vector.broadcast %add3A_89 : i32 to vector<16xi32>
          %add3A_91 = arith.addi %broadcast_in_dim3A_15, %add3A_90 : vector<16xi32>
          %select_n3A_92 = arith.select %lt3A_88, %add3A_91, %broadcast_in_dim3A_15 : vector<16xi1>, vector<16xi32>
          %broadcast_in_dim3A_93 = vector.shape_cast %select_n3A_92 : vector<16xi32> to vector<16x1xi32>
          %gather3A = vector.shape_cast %broadcast_in_dim3A_93 : vector<16x1xi32> to vector<16xi32>
          %gather3A_94 = tpu.dynamic_gather %div3A[%gather3A] in [0] : vector<16xf32>, vector<16xi32> -> vector<16xf32>
          %lt3A_95 = arith.constant 0 : i32
          %lt3A_96 = vector.broadcast %lt3A_95 : i32 to vector<16xi32>
          %lt3A_97 = arith.cmpi slt, %broadcast_in_dim3A_17, %lt3A_96 : vector<16xi32>
          %add3A_98 = arith.constant 16 : i32
          %add3A_99 = vector.broadcast %add3A_98 : i32 to vector<16xi32>
          %add3A_100 = arith.addi %broadcast_in_dim3A_17, %add3A_99 : vector<16xi32>
          %select_n3A_101 = arith.select %lt3A_97, %add3A_100, %broadcast_in_dim3A_17 : vector<16xi1>, vector<16xi32>
          %broadcast_in_dim3A_102 = vector.shape_cast %select_n3A_101 : vector<16xi32> to vector<16x1xi32>
          %gather3A_103 = vector.shape_cast %broadcast_in_dim3A_102 : vector<16x1xi32> to vector<16xi32>
          %gather3A_104 = tpu.dynamic_gather %div3A[%gather3A_103] in [0] : vector<16xf32>, vector<16xi32> -> vector<16xf32>
          %lt3A_105 = arith.constant 0 : i32
          %lt3A_106 = vector.broadcast %lt3A_105 : i32 to vector<16xi32>
          %lt3A_107 = arith.cmpi slt, %broadcast_in_dim3A_19, %lt3A_106 : vector<16xi32>
          %add3A_108 = arith.constant 16 : i32
          %add3A_109 = vector.broadcast %add3A_108 : i32 to vector<16xi32>
          %add3A_110 = arith.addi %broadcast_in_dim3A_19, %add3A_109 : vector<16xi32>
          %select_n3A_111 = arith.select %lt3A_107, %add3A_110, %broadcast_in_dim3A_19 : vector<16xi1>, vector<16xi32>
          %broadcast_in_dim3A_112 = vector.shape_cast %select_n3A_111 : vector<16xi32> to vector<16x1xi32>
          %gather3A_113 = vector.shape_cast %broadcast_in_dim3A_112 : vector<16x1xi32> to vector<16xi32>
          %gather3A_114 = tpu.dynamic_gather %div3A[%gather3A_113] in [0] : vector<16xf32>, vector<16xi32> -> vector<16xf32>
          %lt3A_115 = arith.constant 0 : i32
          %lt3A_116 = vector.broadcast %lt3A_115 : i32 to vector<16xi32>
          %lt3A_117 = arith.cmpi slt, %broadcast_in_dim3A_21, %lt3A_116 : vector<16xi32>
          %add3A_118 = arith.constant 16 : i32
          %add3A_119 = vector.broadcast %add3A_118 : i32 to vector<16xi32>
          %add3A_120 = arith.addi %broadcast_in_dim3A_21, %add3A_119 : vector<16xi32>
          %select_n3A_121 = arith.select %lt3A_117, %add3A_120, %broadcast_in_dim3A_21 : vector<16xi1>, vector<16xi32>
          %broadcast_in_dim3A_122 = vector.shape_cast %select_n3A_121 : vector<16xi32> to vector<16x1xi32>
          %gather3A_123 = vector.shape_cast %broadcast_in_dim3A_122 : vector<16x1xi32> to vector<16xi32>
          %gather3A_124 = tpu.dynamic_gather %div3A[%gather3A_123] in [0] : vector<16xf32>, vector<16xi32> -> vector<16xf32>
          %get3A_125 = arith.index_cast %scan3A_66 : i32 to index
          %get3A_126 = arith.constant 0 : index
          %get3A_127 = tpu.vector_load %arg11[%get3A_125, %get3A_126] {strides = array<i32>} : memref<128x256xf32, #tpu.memory_space<vmem>>, vector<1x16xf32>,
          %get3A_128 = vector.shape_cast %get3A_127 : vector<1x16xf32> to vector<16xf32>
          %mul3A_129 = arith.mulf %gather3A_94, %get3A_128 : vector<16xf32>
          %get3A_130 = arith.index_cast %scan3A_66 : i32 to index
          %get3A_131 = arith.constant 64 : index
          %get3A_132 = tpu.vector_load %arg11[%get3A_130, %get3A_131] {strides = array<i32>} : memref<128x256xf32, #tpu.memory_space<vmem>>, vector<1x16xf32>,
          %get3A_133 = vector.shape_cast %get3A_132 : vector<1x16xf32> to vector<16xf32>
          %mul3A_134 = arith.mulf %gather3A_104, %get3A_133 : vector<16xf32>
          %add3A_135 = arith.addf %mul3A_129, %mul3A_134 : vector<16xf32>
          %get3A_136 = arith.index_cast %scan3A_66 : i32 to index
          %get3A_137 = arith.constant 128 : index
          %get3A_138 = tpu.vector_load %arg11[%get3A_136, %get3A_137] {strides = array<i32>} : memref<128x256xf32, #tpu.memory_space<vmem>>, vector<1x16xf32>,
          %get3A_139 = vector.shape_cast %get3A_138 : vector<1x16xf32> to vector<16xf32>
          %mul3A_140 = arith.mulf %gather3A_114, %get3A_139 : vector<16xf32>
          %add3A_141 = arith.addf %add3A_135, %mul3A_140 : vector<16xf32>
          %get3A_142 = arith.index_cast %scan3A_66 : i32 to index
          %get3A_143 = arith.constant 192 : index
          %get3A_144 = tpu.vector_load %arg11[%get3A_142, %get3A_143] {strides = array<i32>} : memref<128x256xf32, #tpu.memory_space<vmem>>, vector<1x16xf32>,
          %get3A_145 = vector.shape_cast %get3A_144 : vector<1x16xf32> to vector<16xf32>
          %mul3A_146 = arith.mulf %gather3A_124, %get3A_145 : vector<16xf32>
          %add3A_147 = arith.addf %add3A_141, %mul3A_146 : vector<16xf32>
          %swap3A = arith.index_cast %scan3A_66 : i32 to index
          %swap3A_148 = arith.constant 0 : index
          %swap3A_149 = tpu.vector_load %arg15[%swap3A, %swap3A_148] {strides = array<i32>} : memref<128x64xf32, #tpu.memory_space<vmem>>, vector<1x16xf32>,
          %swap3A_150 = vector.shape_cast %swap3A_149 : vector<1x16xf32> to vector<16xf32>
          %swap3A_151 = vector.shape_cast %add3A_147 : vector<16xf32> to vector<1x16xf32>
          tpu.vector_store %arg15[%swap3A, %swap3A_148], %swap3A_151 {strides = array<i32>} : memref<128x64xf32, #tpu.memory_space<vmem>>, vector<1x16xf32>,
          %get3A_152 = arith.index_cast %scan3A_66 : i32 to index
          %get3A_153 = arith.constant 16 : index
          %get3A_154 = tpu.vector_load %arg11[%get3A_152, %get3A_153] {strides = array<i32>} : memref<128x256xf32, #tpu.memory_space<vmem>>, vector<1x16xf32>,
          %get3A_155 = vector.shape_cast %get3A_154 : vector<1x16xf32> to vector<16xf32>
          %mul3A_156 = arith.mulf %gather3A_94, %get3A_155 : vector<16xf32>
          %get3A_157 = arith.index_cast %scan3A_66 : i32 to index
          %get3A_158 = arith.constant 80 : index
          %get3A_159 = tpu.vector_load %arg11[%get3A_157, %get3A_158] {strides = array<i32>} : memref<128x256xf32, #tpu.memory_space<vmem>>, vector<1x16xf32>,
          %get3A_160 = vector.shape_cast %get3A_159 : vector<1x16xf32> to vector<16xf32>
          %mul3A_161 = arith.mulf %gather3A_104, %get3A_160 : vector<16xf32>
          %add3A_162 = arith.addf %mul3A_156, %mul3A_161 : vector<16xf32>
          %get3A_163 = arith.index_cast %scan3A_66 : i32 to index
          %get3A_164 = arith.constant 144 : index
          %get3A_165 = tpu.vector_load %arg11[%get3A_163, %get3A_164] {strides = array<i32>} : memref<128x256xf32, #tpu.memory_space<vmem>>, vector<1x16xf32>,
          %get3A_166 = vector.shape_cast %get3A_165 : vector<1x16xf32> to vector<16xf32>
          %mul3A_167 = arith.mulf %gather3A_114, %get3A_166 : vector<16xf32>
          %add3A_168 = arith.addf %add3A_162, %mul3A_167 : vector<16xf32>
          %get3A_169 = arith.index_cast %scan3A_66 : i32 to index
          %get3A_170 = arith.constant 208 : index
          %get3A_171 = tpu.vector_load %arg11[%get3A_169, %get3A_170] {strides = array<i32>} : memref<128x256xf32, #tpu.memory_space<vmem>>, vector<1x16xf32>,
          %get3A_172 = vector.shape_cast %get3A_171 : vector<1x16xf32> to vector<16xf32>
          %mul3A_173 = arith.mulf %gather3A_124, %get3A_172 : vector<16xf32>
          %add3A_174 = arith.addf %add3A_168, %mul3A_173 : vector<16xf32>
          %swap3A_175 = arith.index_cast %scan3A_66 : i32 to index
          %swap3A_176 = arith.constant 16 : index
          %swap3A_177 = tpu.vector_load %arg15[%swap3A_175, %swap3A_176] {strides = array<i32>} : memref<128x64xf32, #tpu.memory_space<vmem>>, vector<1x16xf32>,
          %swap3A_178 = vector.shape_cast %swap3A_177 : vector<1x16xf32> to vector<16xf32>
          %swap3A_179 = vector.shape_cast %add3A_174 : vector<16xf32> to vector<1x16xf32>
          tpu.vector_store %arg15[%swap3A_175, %swap3A_176], %swap3A_179 {strides = array<i32>} : memref<128x64xf32, #tpu.memory_space<vmem>>, vector<1x16xf32>,
          %get3A_180 = arith.index_cast %scan3A_66 : i32 to index
          %get3A_181 = arith.constant 32 : index
          %get3A_182 = tpu.vector_load %arg11[%get3A_180, %get3A_181] {strides = array<i32>} : memref<128x256xf32, #tpu.memory_space<vmem>>, vector<1x16xf32>,
          %get3A_183 = vector.shape_cast %get3A_182 : vector<1x16xf32> to vector<16xf32>
          %mul3A_184 = arith.mulf %gather3A_94, %get3A_183 : vector<16xf32>
          %get3A_185 = arith.index_cast %scan3A_66 : i32 to index
          %get3A_186 = arith.constant 96 : index
          %get3A_187 = tpu.vector_load %arg11[%get3A_185, %get3A_186] {strides = array<i32>} : memref<128x256xf32, #tpu.memory_space<vmem>>, vector<1x16xf32>,
          %get3A_188 = vector.shape_cast %get3A_187 : vector<1x16xf32> to vector<16xf32>
          %mul3A_189 = arith.mulf %gather3A_104, %get3A_188 : vector<16xf32>
          %add3A_190 = arith.addf %mul3A_184, %mul3A_189 : vector<16xf32>
          %get3A_191 = arith.index_cast %scan3A_66 : i32 to index
          %get3A_192 = arith.constant 160 : index
          %get3A_193 = tpu.vector_load %arg11[%get3A_191, %get3A_192] {strides = array<i32>} : memref<128x256xf32, #tpu.memory_space<vmem>>, vector<1x16xf32>,
          %get3A_194 = vector.shape_cast %get3A_193 : vector<1x16xf32> to vector<16xf32>
          %mul3A_195 = arith.mulf %gather3A_114, %get3A_194 : vector<16xf32>
          %add3A_196 = arith.addf %add3A_190, %mul3A_195 : vector<16xf32>
          %get3A_197 = arith.index_cast %scan3A_66 : i32 to index
          %get3A_198 = arith.constant 224 : index
          %get3A_199 = tpu.vector_load %arg11[%get3A_197, %get3A_198] {strides = array<i32>} : memref<128x256xf32, #tpu.memory_space<vmem>>, vector<1x16xf32>,
          %get3A_200 = vector.shape_cast %get3A_199 : vector<1x16xf32> to vector<16xf32>
          %mul3A_201 = arith.mulf %gather3A_124, %get3A_200 : vector<16xf32>
          %add3A_202 = arith.addf %add3A_196, %mul3A_201 : vector<16xf32>
          %swap3A_203 = arith.index_cast %scan3A_66 : i32 to index
          %swap3A_204 = arith.constant 32 : index
          %swap3A_205 = tpu.vector_load %arg15[%swap3A_203, %swap3A_204] {strides = array<i32>} : memref<128x64xf32, #tpu.memory_space<vmem>>, vector<1x16xf32>,
          %swap3A_206 = vector.shape_cast %swap3A_205 : vector<1x16xf32> to vector<16xf32>
          %swap3A_207 = vector.shape_cast %add3A_202 : vector<16xf32> to vector<1x16xf32>
          tpu.vector_store %arg15[%swap3A_203, %swap3A_204], %swap3A_207 {strides = array<i32>} : memref<128x64xf32, #tpu.memory_space<vmem>>, vector<1x16xf32>,
          %get3A_208 = arith.index_cast %scan3A_66 : i32 to index
          %get3A_209 = arith.constant 48 : index
          %get3A_210 = tpu.vector_load %arg11[%get3A_208, %get3A_209] {strides = array<i32>} : memref<128x256xf32, #tpu.memory_space<vmem>>, vector<1x16xf32>,
          %get3A_211 = vector.shape_cast %get3A_210 : vector<1x16xf32> to vector<16xf32>
          %mul3A_212 = arith.mulf %gather3A_94, %get3A_211 : vector<16xf32>
          %get3A_213 = arith.index_cast %scan3A_66 : i32 to index
          %get3A_214 = arith.constant 112 : index
          %get3A_215 = tpu.vector_load %arg11[%get3A_213, %get3A_214] {strides = array<i32>} : memref<128x256xf32, #tpu.memory_space<vmem>>, vector<1x16xf32>,
          %get3A_216 = vector.shape_cast %get3A_215 : vector<1x16xf32> to vector<16xf32>
          %mul3A_217 = arith.mulf %gather3A_104, %get3A_216 : vector<16xf32>
          %add3A_218 = arith.addf %mul3A_212, %mul3A_217 : vector<16xf32>
          %get3A_219 = arith.index_cast %scan3A_66 : i32 to index
          %get3A_220 = arith.constant 176 : index
          %get3A_221 = tpu.vector_load %arg11[%get3A_219, %get3A_220] {strides = array<i32>} : memref<128x256xf32, #tpu.memory_space<vmem>>, vector<1x16xf32>,
          %get3A_222 = vector.shape_cast %get3A_221 : vector<1x16xf32> to vector<16xf32>
          %mul3A_223 = arith.mulf %gather3A_114, %get3A_222 : vector<16xf32>
          %add3A_224 = arith.addf %add3A_218, %mul3A_223 : vector<16xf32>
          %get3A_225 = arith.index_cast %scan3A_66 : i32 to index
          %get3A_226 = arith.constant 240 : index
          %get3A_227 = tpu.vector_load %arg11[%get3A_225, %get3A_226] {strides = array<i32>} : memref<128x256xf32, #tpu.memory_space<vmem>>, vector<1x16xf32>,
          %get3A_228 = vector.shape_cast %get3A_227 : vector<1x16xf32> to vector<16xf32>
          %mul3A_229 = arith.mulf %gather3A_124, %get3A_228 : vector<16xf32>
          %add3A_230 = arith.addf %add3A_224, %mul3A_229 : vector<16xf32>
          %swap3A_231 = arith.index_cast %scan3A_66 : i32 to index
          %swap3A_232 = arith.constant 48 : index
          %swap3A_233 = tpu.vector_load %arg15[%swap3A_231, %swap3A_232] {strides = array<i32>} : memref<128x64xf32, #tpu.memory_space<vmem>>, vector<1x16xf32>,
          %swap3A_234 = vector.shape_cast %swap3A_233 : vector<1x16xf32> to vector<16xf32>
          %swap3A_235 = vector.shape_cast %add3A_230 : vector<16xf32> to vector<1x16xf32>
          tpu.vector_store %arg15[%swap3A_231, %swap3A_232], %swap3A_235 {strides = array<i32>} : memref<128x64xf32, #tpu.memory_space<vmem>>, vector<1x16xf32>,
          %scan3A_236 = arith.constant 0 : i32
          scf.yield %scan3A_236 : i32
        }
        %scan3A_65 = arith.constant 128 : i32
        "tpu.region"() ({
          %run_scoped3A = tpu.sem_alloc : memref<!tpu.dma_semaphore, #tpu.memory_space<semaphore_mem>>
          %dma_start3A_66 = arith.constant 0 : i32
          %dma_start3A_67 = arith.constant 0 : i32
          %dma_start3A_68 = tpu.memref_slice %arg17[%dma_start3A_66, %dma_start3A_67] : memref<10000x64xf32, #tpu.memory_space<vmem_shared>> -> memref<10000x64xf32, #tpu.memory_space<vmem_shared>>
          tpu.enqueue_indirect_dma source(%arg15 : memref<128x64xf32, #tpu.memory_space<vmem>>) target(%dma_start3A_68 : memref<10000x64xf32, #tpu.memory_space<vmem_shared>>) offsets(%arg9 : memref<128xi32, #tpu.memory_space<vmem>>) semaphore(%run_scoped3A : memref<!tpu.dma_semaphore, #tpu.memory_space<semaphore_mem>>) {add = true}
          %dma_wait3A_69 = arith.constant 0 : i32
          %dma_wait3A_70 = arith.constant 0 : i32
          %dma_wait3A_71 = tpu.memref_slice %arg17[%dma_wait3A_69, %dma_wait3A_70] : memref<10000x64xf32, #tpu.memory_space<vmem_shared>> -> memref<10000x64xf32, #tpu.memory_space<vmem_shared>>
          tpu.wait_indirect_dma semaphore(%run_scoped3A : memref<!tpu.dma_semaphore, #tpu.memory_space<semaphore_mem>>) src(%arg15 : memref<128x64xf32, #tpu.memory_space<vmem>>) dst(%dma_wait3A_71 : memref<10000x64xf32, #tpu.memory_space<vmem_shared>>)
          tpu.yield
        }) : () -> ()
      } else {
      }
      %scan3A_42 = arith.constant 0 : i32
      scf.yield %scan3A_42 : i32
    }
    %scan3A_28 = arith.constant 79 : i32
    %barrier3A_29 = arith.constant 0 : index
    tpu.barrier barrier_id(%barrier3A_29)
    %scan3A_30 = arith.constant 0 : i32
    %scan3A_31 = arith.constant 0 : i32
    %scan3A_32 = arith.constant 4 : i32
    %scan3A_33 = arith.addi %scan3A_31, %scan3A_32 : i32
    %scan3A_34 = arith.constant 1 : i32
    %scan3A_35 = scf.for %scan3A_37 = %scan3A_31 to %scan3A_33 step %scan3A_34 iter_args(%scan3A_38 = %scan3A_30) -> (i32)  : i32 {
      %mul3A = arith.constant 16 : i32
      %mul3A_39 = arith.muli %scan3A_37, %mul3A : i32
      %add3A = arith.addi %arg1, %mul3A_39 : i32
      %lt3A = arith.constant 50 : i32
      %lt3A_40 = arith.cmpi slt, %add3A, %lt3A : i32
      %convert_element_type3A = arith.extui %lt3A_40 : i1 to i32
      %cond3A = arith.constant 0 : i32
      %cond3A_41 = arith.cmpi ne, %convert_element_type3A, %cond3A : i32
      scf.if %cond3A_41 {
        %mul3A_43 = arith.constant 200 : i32
        %mul3A_44 = arith.muli %add3A, %mul3A_43 : i32
        %multiple_of3A = tpu.assume_multiple %mul3A_44, 200 : i32
        "tpu.region"() ({
          %run_scoped3A = tpu.sem_alloc : memref<!tpu.dma_semaphore, #tpu.memory_space<semaphore_mem>>
          %dma_start3A = arith.constant 0 : i32
          %dma_start3A_45 = tpu.memref_slice %arg7[%arg0, %multiple_of3A, %dma_start3A] : memref<2x10000x64xf32, #tpu.memory_space<hbm>> -> memref<1x200x64xf32, #tpu.memory_space<hbm>>
          %dma_start3A_46 = tpu.memref_squeeze %dma_start3A_45 : memref<1x200x64xf32, #tpu.memory_space<hbm>> -> memref<200x64xf32, #tpu.memory_space<hbm>>
          %dma_start3A_47 = arith.constant 0 : i32
          %dma_start3A_48 = tpu.memref_slice %arg17[%multiple_of3A, %dma_start3A_47] : memref<10000x64xf32, #tpu.memory_space<vmem_shared>> -> memref<200x64xf32, #tpu.memory_space<vmem_shared>>
          tpu.enqueue_dma source(%dma_start3A_48 : memref<200x64xf32, #tpu.memory_space<vmem_shared>>) target(%dma_start3A_46 : memref<200x64xf32, #tpu.memory_space<hbm>>) target_semaphore(%run_scoped3A : memref<!tpu.dma_semaphore, #tpu.memory_space<semaphore_mem>>)
          %dma_wait3A = arith.constant 0 : i32
          %dma_wait3A_49 = tpu.memref_slice %arg7[%arg0, %multiple_of3A, %dma_wait3A] : memref<2x10000x64xf32, #tpu.memory_space<hbm>> -> memref<1x200x64xf32, #tpu.memory_space<hbm>>
          %dma_wait3A_50 = tpu.memref_squeeze %dma_wait3A_49 : memref<1x200x64xf32, #tpu.memory_space<hbm>> -> memref<200x64xf32, #tpu.memory_space<hbm>>
          %dma_wait3A_51 = arith.constant 0 : i32
          %dma_wait3A_52 = tpu.memref_slice %arg17[%multiple_of3A, %dma_wait3A_51] : memref<10000x64xf32, #tpu.memory_space<vmem_shared>> -> memref<200x64xf32, #tpu.memory_space<vmem_shared>>
          tpu.wait_dma2 semaphore(%run_scoped3A : memref<!tpu.dma_semaphore, #tpu.memory_space<semaphore_mem>>) src(%dma_wait3A_52 : memref<200x64xf32, #tpu.memory_space<vmem_shared>>) dst(%dma_wait3A_50 : memref<200x64xf32, #tpu.memory_space<hbm>>)
          tpu.yield
        }) : () -> ()
      } else {
      }
      %scan3A_42 = arith.constant 0 : i32
      scf.yield %scan3A_42 : i32
    }
    %scan3A_36 = arith.constant 4 : i32
    return
  }
}

#map = affine_map<(d0, d1) -> (0, 0)>
#map1 = affine_map<(d0, d1) -> (0)>
#map2 = affine_map<(d0, d1) -> (0, 0, 0)>
module attributes {stable_mosaic.version = 14 : i64} {
  func.func @k(%arg0: i32, %arg1: i32, %arg2: memref<10000x16xf32, #tpu.memory_space<hbm>>, %arg3: memref<320000xi32, #tpu.memory_space<hbm>>, %arg4: memref<320000xi32, #tpu.memory_space<hbm>>, %arg5: memref<2x10000x16xf32, #tpu.memory_space<hbm>>, %arg6: memref<128xi32, #tpu.memory_space<vmem>>, %arg7: memref<128xi32, #tpu.memory_space<vmem>>, %arg8: memref<128xi32, #tpu.memory_space<vmem>>, %arg9: memref<128xi32, #tpu.memory_space<vmem>>, %arg10: memref<128x16xf32, #tpu.memory_space<vmem>>, %arg11: memref<128x16xf32, #tpu.memory_space<vmem>>, %arg12: memref<200x16xf32, #tpu.memory_space<vmem>>, %arg13: memref<10000x16xf32, #tpu.memory_space<vmem_shared>>, %arg14: memref<!tpu.dma_semaphore, #tpu.memory_space<semaphore_mem>>, %arg15: memref<!tpu.dma_semaphore, #tpu.memory_space<semaphore_mem>>) attributes {dimension_semantics = [#tpu.dimension_semantics<core_parallel>, #tpu.dimension_semantics<subcore_parallel>], iteration_bounds = array<i64: 2, 16>, scalar_prefetch = 0 : i64, scratch_operands = 10 : i64, tpu.core_type = #tpu.core_type<sc_vector_subcore>, window_params = [{transform_indices = #map}, {transform_indices = #map1}, {transform_indices = #map1}, {transform_indices = #map2}]} {
    %broadcast_in_dim3A = arith.constant 0.000000e+00 : f32
    %broadcast_in_dim3A_0 = vector.broadcast %broadcast_in_dim3A : f32 to vector<16xf32>
    %scan3A = arith.constant 0 : i32
    %scan3A_1 = arith.constant 0 : i32
    %scan3A_2 = arith.constant 200 : i32
    %scan3A_3 = arith.addi %scan3A_1, %scan3A_2 : i32
    %scan3A_4 = arith.constant 1 : i32
    %scan3A_5 = scf.for %scan3A_32 = %scan3A_1 to %scan3A_3 step %scan3A_4 iter_args(%scan3A_33 = %scan3A) -> (i32)  : i32 {
      %jit3A = arith.constant 1 : i32
      %div3A = arith.divsi %scan3A_32, %jit3A : i32
      %sign3A = arith.constant 0 : i32
      %sign3A_34 = arith.cmpi sgt, %scan3A_32, %sign3A : i32
      %sign3A_35 = arith.extui %sign3A_34 : i1 to i32
      %sign3A_36 = arith.constant 0 : i32
      %sign3A_37 = arith.cmpi slt, %scan3A_32, %sign3A_36 : i32
      %sign3A_38 = arith.extui %sign3A_37 : i1 to i32
      %sign3A_39 = arith.subi %sign3A_35, %sign3A_38 : i32
      %sign3A_40 = arith.constant 0 : i32
      %sign3A_41 = arith.cmpi sgt, %jit3A, %sign3A_40 : i32
      %sign3A_42 = arith.extui %sign3A_41 : i1 to i32
      %sign3A_43 = arith.constant 0 : i32
      %sign3A_44 = arith.cmpi slt, %jit3A, %sign3A_43 : i32
      %sign3A_45 = arith.extui %sign3A_44 : i1 to i32
      %sign3A_46 = arith.subi %sign3A_42, %sign3A_45 : i32
      %ne3A = arith.cmpi ne, %sign3A_39, %sign3A_46 : i32
      %rem3A = arith.remsi %scan3A_32, %jit3A : i32
      %ne3A_47 = arith.constant 0 : i32
      %ne3A_48 = arith.cmpi ne, %rem3A, %ne3A_47 : i32
      %and3A = arith.andi %ne3A, %ne3A_48 : i1
      %sub3A = arith.constant 1 : i32
      %sub3A_49 = arith.subi %div3A, %sub3A : i32
      %select_n3A = arith.select %and3A, %sub3A_49, %div3A : i32
      %jit3A_50 = arith.constant 1 : i32
      %eq3A = arith.constant 0 : i32
      %eq3A_51 = arith.cmpi eq, %jit3A_50, %eq3A : i32
      %jit3A_52 = arith.constant 1 : i32
      %select_n3A_53 = arith.select %eq3A_51, %jit3A_52, %jit3A_50 : i32
      %rem3A_54 = arith.remsi %scan3A_32, %select_n3A_53 : i32
      %ne3A_55 = arith.constant 0 : i32
      %ne3A_56 = arith.cmpi ne, %rem3A_54, %ne3A_55 : i32
      %lt3A_57 = arith.constant 0 : i32
      %lt3A_58 = arith.cmpi slt, %rem3A_54, %lt3A_57 : i32
      %lt3A_59 = arith.constant 0 : i32
      %lt3A_60 = arith.cmpi slt, %select_n3A_53, %lt3A_59 : i32
      %ne3A_61 = arith.xori %lt3A_58, %lt3A_60 : i1
      %and3A_62 = arith.andi %ne3A_61, %ne3A_56 : i1
      %add3A_63 = arith.addi %rem3A_54, %select_n3A_53 : i32
      %select_n3A_64 = arith.select %and3A_62, %add3A_63, %rem3A_54 : i32
      %mul3A = arith.constant 16 : i32
      %mul3A_65 = arith.muli %select_n3A_64, %mul3A : i32
      %multiple_of3A = tpu.assume_multiple %mul3A_65, 16 : i32
      %swap3A = arith.index_cast %select_n3A : i32 to index
      %swap3A_66 = arith.index_cast %multiple_of3A : i32 to index
      %swap3A_67 = tpu.vector_load %arg12[%swap3A, %swap3A_66] {strides = array<i32>} : memref<200x16xf32, #tpu.memory_space<vmem>>, vector<1x16xf32>,
      %swap3A_68 = vector.shape_cast %swap3A_67 : vector<1x16xf32> to vector<16xf32>
      %swap3A_69 = vector.shape_cast %broadcast_in_dim3A_0 : vector<16xf32> to vector<1x16xf32>
      tpu.vector_store %arg12[%swap3A, %swap3A_66], %swap3A_69 {strides = array<i32>} : memref<200x16xf32, #tpu.memory_space<vmem>>, vector<1x16xf32>,
      %scan3A_70 = arith.constant 0 : i32
      scf.yield %scan3A_70 : i32
    }
    %scan3A_6 = arith.constant 200 : i32
    %scan3A_7 = arith.constant 0 : i32
    %scan3A_8 = arith.constant 0 : i32
    %scan3A_9 = arith.constant 4 : i32
    %scan3A_10 = arith.addi %scan3A_8, %scan3A_9 : i32
    %scan3A_11 = arith.constant 1 : i32
    %scan3A_12 = scf.for %scan3A_32 = %scan3A_8 to %scan3A_10 step %scan3A_11 iter_args(%scan3A_33 = %scan3A_7) -> (i32)  : i32 {
      %mul3A = arith.constant 16 : i32
      %mul3A_34 = arith.muli %scan3A_32, %mul3A : i32
      %add3A_35 = arith.addi %arg1, %mul3A_34 : i32
      %lt3A_36 = arith.constant 50 : i32
      %lt3A_37 = arith.cmpi slt, %add3A_35, %lt3A_36 : i32
      %convert_element_type3A_38 = arith.extui %lt3A_37 : i1 to i32
      %cond3A_39 = arith.constant 0 : i32
      %cond3A_40 = arith.cmpi ne, %convert_element_type3A_38, %cond3A_39 : i32
      scf.if %cond3A_40 {
        %mul3A_42 = arith.constant 200 : i32
        %mul3A_43 = arith.muli %add3A_35, %mul3A_42 : i32
        %multiple_of3A = tpu.assume_multiple %mul3A_43, 200 : i32
        "tpu.region"() ({
          %run_scoped3A = tpu.sem_alloc : memref<!tpu.dma_semaphore, #tpu.memory_space<semaphore_mem>>
          %dma_start3A = arith.constant 0 : i32
          %dma_start3A_44 = tpu.memref_slice %arg13[%multiple_of3A, %dma_start3A] : memref<10000x16xf32, #tpu.memory_space<vmem_shared>> -> memref<200x16xf32, #tpu.memory_space<vmem_shared>>
          %dma_start3A_45 = arith.constant 0 : i32
          %dma_start3A_46 = tpu.memref_slice %arg13[%multiple_of3A, %dma_start3A_45] : memref<10000x16xf32, #tpu.memory_space<vmem_shared>> -> memref<200x16xf32, #tpu.memory_space<vmem_shared>>
          tpu.enqueue_dma source(%arg12 : memref<200x16xf32, #tpu.memory_space<vmem>>) target(%dma_start3A_46 : memref<200x16xf32, #tpu.memory_space<vmem_shared>>) target_semaphore(%run_scoped3A : memref<!tpu.dma_semaphore, #tpu.memory_space<semaphore_mem>>)
          %dma_wait3A = arith.constant 0 : i32
          %dma_wait3A_47 = tpu.memref_slice %arg13[%multiple_of3A, %dma_wait3A] : memref<10000x16xf32, #tpu.memory_space<vmem_shared>> -> memref<200x16xf32, #tpu.memory_space<vmem_shared>>
          %dma_wait3A_48 = arith.constant 0 : i32
          %dma_wait3A_49 = tpu.memref_slice %arg13[%multiple_of3A, %dma_wait3A_48] : memref<10000x16xf32, #tpu.memory_space<vmem_shared>> -> memref<200x16xf32, #tpu.memory_space<vmem_shared>>
          tpu.wait_dma2 semaphore(%run_scoped3A : memref<!tpu.dma_semaphore, #tpu.memory_space<semaphore_mem>>) src(%arg12 : memref<200x16xf32, #tpu.memory_space<vmem>>) dst(%dma_wait3A_49 : memref<200x16xf32, #tpu.memory_space<vmem_shared>>)
          tpu.yield
        }) : () -> ()
      } else {
      }
      %scan3A_41 = arith.constant 0 : i32
      scf.yield %scan3A_41 : i32
    }
    %scan3A_13 = arith.constant 4 : i32
    %barrier3A = arith.constant 0 : index
    tpu.barrier barrier_id(%barrier3A)
    %add3A = arith.constant 0 : i32
    %add3A_14 = arith.addi %arg1, %add3A : i32
    %lt3A = arith.constant 1250 : i32
    %lt3A_15 = arith.cmpi slt, %add3A_14, %lt3A : i32
    %convert_element_type3A = arith.extui %lt3A_15 : i1 to i32
    %cond3A = arith.constant 0 : i32
    %cond3A_16 = arith.cmpi ne, %convert_element_type3A, %cond3A : i32
    scf.if %cond3A_16 {
      %mul3A = arith.constant 160000 : i32
      %mul3A_32 = arith.muli %arg0, %mul3A : i32
      %mul3A_33 = arith.constant 128 : i32
      %mul3A_34 = arith.muli %add3A_14, %mul3A_33 : i32
      %add3A_35 = arith.addi %mul3A_32, %mul3A_34 : i32
      "tpu.region"() ({
        %run_scoped3A = tpu.sem_alloc : memref<!tpu.dma_semaphore, #tpu.memory_space<semaphore_mem>>
        %dma_start3A_38 = tpu.memref_slice %arg3[%add3A_35] : memref<320000xi32, #tpu.memory_space<hbm>> -> memref<128xi32, #tpu.memory_space<hbm>>
        %dma_start3A_39 = tpu.memref_slice %arg3[%add3A_35] : memref<320000xi32, #tpu.memory_space<hbm>> -> memref<128xi32, #tpu.memory_space<hbm>>
        tpu.enqueue_dma source(%dma_start3A_39 : memref<128xi32, #tpu.memory_space<hbm>>) target(%arg6 : memref<128xi32, #tpu.memory_space<vmem>>) target_semaphore(%run_scoped3A : memref<!tpu.dma_semaphore, #tpu.memory_space<semaphore_mem>>)
        %dma_wait3A = tpu.memref_slice %arg3[%add3A_35] : memref<320000xi32, #tpu.memory_space<hbm>> -> memref<128xi32, #tpu.memory_space<hbm>>
        %dma_wait3A_40 = tpu.memref_slice %arg3[%add3A_35] : memref<320000xi32, #tpu.memory_space<hbm>> -> memref<128xi32, #tpu.memory_space<hbm>>
        tpu.wait_dma2 semaphore(%run_scoped3A : memref<!tpu.dma_semaphore, #tpu.memory_space<semaphore_mem>>) src(%dma_wait3A_40 : memref<128xi32, #tpu.memory_space<hbm>>) dst(%arg6 : memref<128xi32, #tpu.memory_space<vmem>>)
        tpu.yield
      }) : () -> ()
      "tpu.region"() ({
        %run_scoped3A = tpu.sem_alloc : memref<!tpu.dma_semaphore, #tpu.memory_space<semaphore_mem>>
        %dma_start3A_38 = tpu.memref_slice %arg4[%add3A_35] : memref<320000xi32, #tpu.memory_space<hbm>> -> memref<128xi32, #tpu.memory_space<hbm>>
        %dma_start3A_39 = tpu.memref_slice %arg4[%add3A_35] : memref<320000xi32, #tpu.memory_space<hbm>> -> memref<128xi32, #tpu.memory_space<hbm>>
        tpu.enqueue_dma source(%dma_start3A_39 : memref<128xi32, #tpu.memory_space<hbm>>) target(%arg8 : memref<128xi32, #tpu.memory_space<vmem>>) target_semaphore(%run_scoped3A : memref<!tpu.dma_semaphore, #tpu.memory_space<semaphore_mem>>)
        %dma_wait3A = tpu.memref_slice %arg4[%add3A_35] : memref<320000xi32, #tpu.memory_space<hbm>> -> memref<128xi32, #tpu.memory_space<hbm>>
        %dma_wait3A_40 = tpu.memref_slice %arg4[%add3A_35] : memref<320000xi32, #tpu.memory_space<hbm>> -> memref<128xi32, #tpu.memory_space<hbm>>
        tpu.wait_dma2 semaphore(%run_scoped3A : memref<!tpu.dma_semaphore, #tpu.memory_space<semaphore_mem>>) src(%dma_wait3A_40 : memref<128xi32, #tpu.memory_space<hbm>>) dst(%arg8 : memref<128xi32, #tpu.memory_space<vmem>>)
        tpu.yield
      }) : () -> ()
      %dma_start3A = arith.constant 0 : i32
      %dma_start3A_36 = arith.constant 0 : i32
      %dma_start3A_37 = tpu.memref_slice %arg2[%dma_start3A, %dma_start3A_36] : memref<10000x16xf32, #tpu.memory_space<hbm>> -> memref<10000x16xf32, #tpu.memory_space<hbm>>
      tpu.enqueue_indirect_dma source(%dma_start3A_37 : memref<10000x16xf32, #tpu.memory_space<hbm>>) target(%arg10 : memref<128x16xf32, #tpu.memory_space<vmem>>) offsets(%arg6 : memref<128xi32, #tpu.memory_space<vmem>>) semaphore(%arg14 : memref<!tpu.dma_semaphore, #tpu.memory_space<semaphore_mem>>)
    } else {
    }
    %scan3A_17 = arith.constant 0 : i32
    %scan3A_18 = arith.constant 0 : i32
    %scan3A_19 = arith.constant 40 : i32
    %scan3A_20 = arith.addi %scan3A_18, %scan3A_19 : i32
    %scan3A_21 = arith.constant 1 : i32
    %scan3A_22 = scf.for %scan3A_32 = %scan3A_18 to %scan3A_20 step %scan3A_21 iter_args(%scan3A_33 = %scan3A_17) -> (i32)  : i32 {
      %mul3A = arith.constant 2 : i32
      %mul3A_34 = arith.muli %scan3A_32, %mul3A : i32
      %add3A_35 = arith.constant 1 : i32
      %add3A_36 = arith.addi %mul3A_34, %add3A_35 : i32
      %mul3A_37 = arith.constant 16 : i32
      %mul3A_38 = arith.muli %add3A_36, %mul3A_37 : i32
      %add3A_39 = arith.addi %arg1, %mul3A_38 : i32
      %lt3A_40 = arith.constant 1250 : i32
      %lt3A_41 = arith.cmpi slt, %add3A_39, %lt3A_40 : i32
      %convert_element_type3A_42 = arith.extui %lt3A_41 : i1 to i32
      %cond3A_43 = arith.constant 0 : i32
      %cond3A_44 = arith.cmpi ne, %convert_element_type3A_42, %cond3A_43 : i32
      scf.if %cond3A_44 {
        %mul3A_74 = arith.constant 160000 : i32
        %mul3A_75 = arith.muli %arg0, %mul3A_74 : i32
        %mul3A_76 = arith.constant 128 : i32
        %mul3A_77 = arith.muli %add3A_39, %mul3A_76 : i32
        %add3A_78 = arith.addi %mul3A_75, %mul3A_77 : i32
        "tpu.region"() ({
          %run_scoped3A = tpu.sem_alloc : memref<!tpu.dma_semaphore, #tpu.memory_space<semaphore_mem>>
          %dma_start3A_81 = tpu.memref_slice %arg3[%add3A_78] : memref<320000xi32, #tpu.memory_space<hbm>> -> memref<128xi32, #tpu.memory_space<hbm>>
          %dma_start3A_82 = tpu.memref_slice %arg3[%add3A_78] : memref<320000xi32, #tpu.memory_space<hbm>> -> memref<128xi32, #tpu.memory_space<hbm>>
          tpu.enqueue_dma source(%dma_start3A_82 : memref<128xi32, #tpu.memory_space<hbm>>) target(%arg7 : memref<128xi32, #tpu.memory_space<vmem>>) target_semaphore(%run_scoped3A : memref<!tpu.dma_semaphore, #tpu.memory_space<semaphore_mem>>)
          %dma_wait3A = tpu.memref_slice %arg3[%add3A_78] : memref<320000xi32, #tpu.memory_space<hbm>> -> memref<128xi32, #tpu.memory_space<hbm>>
          %dma_wait3A_83 = tpu.memref_slice %arg3[%add3A_78] : memref<320000xi32, #tpu.memory_space<hbm>> -> memref<128xi32, #tpu.memory_space<hbm>>
          tpu.wait_dma2 semaphore(%run_scoped3A : memref<!tpu.dma_semaphore, #tpu.memory_space<semaphore_mem>>) src(%dma_wait3A_83 : memref<128xi32, #tpu.memory_space<hbm>>) dst(%arg7 : memref<128xi32, #tpu.memory_space<vmem>>)
          tpu.yield
        }) : () -> ()
        "tpu.region"() ({
          %run_scoped3A = tpu.sem_alloc : memref<!tpu.dma_semaphore, #tpu.memory_space<semaphore_mem>>
          %dma_start3A_81 = tpu.memref_slice %arg4[%add3A_78] : memref<320000xi32, #tpu.memory_space<hbm>> -> memref<128xi32, #tpu.memory_space<hbm>>
          %dma_start3A_82 = tpu.memref_slice %arg4[%add3A_78] : memref<320000xi32, #tpu.memory_space<hbm>> -> memref<128xi32, #tpu.memory_space<hbm>>
          tpu.enqueue_dma source(%dma_start3A_82 : memref<128xi32, #tpu.memory_space<hbm>>) target(%arg9 : memref<128xi32, #tpu.memory_space<vmem>>) target_semaphore(%run_scoped3A : memref<!tpu.dma_semaphore, #tpu.memory_space<semaphore_mem>>)
          %dma_wait3A = tpu.memref_slice %arg4[%add3A_78] : memref<320000xi32, #tpu.memory_space<hbm>> -> memref<128xi32, #tpu.memory_space<hbm>>
          %dma_wait3A_83 = tpu.memref_slice %arg4[%add3A_78] : memref<320000xi32, #tpu.memory_space<hbm>> -> memref<128xi32, #tpu.memory_space<hbm>>
          tpu.wait_dma2 semaphore(%run_scoped3A : memref<!tpu.dma_semaphore, #tpu.memory_space<semaphore_mem>>) src(%dma_wait3A_83 : memref<128xi32, #tpu.memory_space<hbm>>) dst(%arg9 : memref<128xi32, #tpu.memory_space<vmem>>)
          tpu.yield
        }) : () -> ()
        %dma_start3A = arith.constant 0 : i32
        %dma_start3A_79 = arith.constant 0 : i32
        %dma_start3A_80 = tpu.memref_slice %arg2[%dma_start3A, %dma_start3A_79] : memref<10000x16xf32, #tpu.memory_space<hbm>> -> memref<10000x16xf32, #tpu.memory_space<hbm>>
        tpu.enqueue_indirect_dma source(%dma_start3A_80 : memref<10000x16xf32, #tpu.memory_space<hbm>>) target(%arg11 : memref<128x16xf32, #tpu.memory_space<vmem>>) offsets(%arg7 : memref<128xi32, #tpu.memory_space<vmem>>) semaphore(%arg15 : memref<!tpu.dma_semaphore, #tpu.memory_space<semaphore_mem>>)
      } else {
      }
      %mul3A_45 = arith.constant 16 : i32
      %mul3A_46 = arith.muli %mul3A_34, %mul3A_45 : i32
      %add3A_47 = arith.addi %arg1, %mul3A_46 : i32
      %lt3A_48 = arith.constant 1250 : i32
      %lt3A_49 = arith.cmpi slt, %add3A_47, %lt3A_48 : i32
      %convert_element_type3A_50 = arith.extui %lt3A_49 : i1 to i32
      %cond3A_51 = arith.constant 0 : i32
      %cond3A_52 = arith.cmpi ne, %convert_element_type3A_50, %cond3A_51 : i32
      scf.if %cond3A_52 {
        %dma_wait3A = arith.constant 0 : i32
        %dma_wait3A_74 = arith.constant 0 : i32
        %dma_wait3A_75 = tpu.memref_slice %arg2[%dma_wait3A, %dma_wait3A_74] : memref<10000x16xf32, #tpu.memory_space<hbm>> -> memref<10000x16xf32, #tpu.memory_space<hbm>>
        tpu.wait_indirect_dma semaphore(%arg14 : memref<!tpu.dma_semaphore, #tpu.memory_space<semaphore_mem>>) src(%dma_wait3A_75 : memref<10000x16xf32, #tpu.memory_space<hbm>>) dst(%arg10 : memref<128x16xf32, #tpu.memory_space<vmem>>)
        "tpu.region"() ({
          %run_scoped3A = tpu.sem_alloc : memref<!tpu.dma_semaphore, #tpu.memory_space<semaphore_mem>>
          %dma_start3A = arith.constant 0 : i32
          %dma_start3A_76 = arith.constant 0 : i32
          %dma_start3A_77 = tpu.memref_slice %arg13[%dma_start3A, %dma_start3A_76] : memref<10000x16xf32, #tpu.memory_space<vmem_shared>> -> memref<10000x16xf32, #tpu.memory_space<vmem_shared>>
          tpu.enqueue_indirect_dma source(%arg10 : memref<128x16xf32, #tpu.memory_space<vmem>>) target(%dma_start3A_77 : memref<10000x16xf32, #tpu.memory_space<vmem_shared>>) offsets(%arg8 : memref<128xi32, #tpu.memory_space<vmem>>) semaphore(%run_scoped3A : memref<!tpu.dma_semaphore, #tpu.memory_space<semaphore_mem>>) {add = true}
          %dma_wait3A_78 = arith.constant 0 : i32
          %dma_wait3A_79 = arith.constant 0 : i32
          %dma_wait3A_80 = tpu.memref_slice %arg13[%dma_wait3A_78, %dma_wait3A_79] : memref<10000x16xf32, #tpu.memory_space<vmem_shared>> -> memref<10000x16xf32, #tpu.memory_space<vmem_shared>>
          tpu.wait_indirect_dma semaphore(%run_scoped3A : memref<!tpu.dma_semaphore, #tpu.memory_space<semaphore_mem>>) src(%arg10 : memref<128x16xf32, #tpu.memory_space<vmem>>) dst(%dma_wait3A_80 : memref<10000x16xf32, #tpu.memory_space<vmem_shared>>)
          tpu.yield
        }) : () -> ()
      } else {
      }
      %add3A_53 = arith.constant 2 : i32
      %add3A_54 = arith.addi %mul3A_34, %add3A_53 : i32
      %mul3A_55 = arith.constant 16 : i32
      %mul3A_56 = arith.muli %add3A_54, %mul3A_55 : i32
      %add3A_57 = arith.addi %arg1, %mul3A_56 : i32
      %lt3A_58 = arith.constant 1250 : i32
      %lt3A_59 = arith.cmpi slt, %add3A_57, %lt3A_58 : i32
      %convert_element_type3A_60 = arith.extui %lt3A_59 : i1 to i32
      %cond3A_61 = arith.constant 0 : i32
      %cond3A_62 = arith.cmpi ne, %convert_element_type3A_60, %cond3A_61 : i32
      scf.if %cond3A_62 {
        %mul3A_74 = arith.constant 160000 : i32
        %mul3A_75 = arith.muli %arg0, %mul3A_74 : i32
        %mul3A_76 = arith.constant 128 : i32
        %mul3A_77 = arith.muli %add3A_57, %mul3A_76 : i32
        %add3A_78 = arith.addi %mul3A_75, %mul3A_77 : i32
        "tpu.region"() ({
          %run_scoped3A = tpu.sem_alloc : memref<!tpu.dma_semaphore, #tpu.memory_space<semaphore_mem>>
          %dma_start3A_81 = tpu.memref_slice %arg3[%add3A_78] : memref<320000xi32, #tpu.memory_space<hbm>> -> memref<128xi32, #tpu.memory_space<hbm>>
          %dma_start3A_82 = tpu.memref_slice %arg3[%add3A_78] : memref<320000xi32, #tpu.memory_space<hbm>> -> memref<128xi32, #tpu.memory_space<hbm>>
          tpu.enqueue_dma source(%dma_start3A_82 : memref<128xi32, #tpu.memory_space<hbm>>) target(%arg6 : memref<128xi32, #tpu.memory_space<vmem>>) target_semaphore(%run_scoped3A : memref<!tpu.dma_semaphore, #tpu.memory_space<semaphore_mem>>)
          %dma_wait3A = tpu.memref_slice %arg3[%add3A_78] : memref<320000xi32, #tpu.memory_space<hbm>> -> memref<128xi32, #tpu.memory_space<hbm>>
          %dma_wait3A_83 = tpu.memref_slice %arg3[%add3A_78] : memref<320000xi32, #tpu.memory_space<hbm>> -> memref<128xi32, #tpu.memory_space<hbm>>
          tpu.wait_dma2 semaphore(%run_scoped3A : memref<!tpu.dma_semaphore, #tpu.memory_space<semaphore_mem>>) src(%dma_wait3A_83 : memref<128xi32, #tpu.memory_space<hbm>>) dst(%arg6 : memref<128xi32, #tpu.memory_space<vmem>>)
          tpu.yield
        }) : () -> ()
        "tpu.region"() ({
          %run_scoped3A = tpu.sem_alloc : memref<!tpu.dma_semaphore, #tpu.memory_space<semaphore_mem>>
          %dma_start3A_81 = tpu.memref_slice %arg4[%add3A_78] : memref<320000xi32, #tpu.memory_space<hbm>> -> memref<128xi32, #tpu.memory_space<hbm>>
          %dma_start3A_82 = tpu.memref_slice %arg4[%add3A_78] : memref<320000xi32, #tpu.memory_space<hbm>> -> memref<128xi32, #tpu.memory_space<hbm>>
          tpu.enqueue_dma source(%dma_start3A_82 : memref<128xi32, #tpu.memory_space<hbm>>) target(%arg8 : memref<128xi32, #tpu.memory_space<vmem>>) target_semaphore(%run_scoped3A : memref<!tpu.dma_semaphore, #tpu.memory_space<semaphore_mem>>)
          %dma_wait3A = tpu.memref_slice %arg4[%add3A_78] : memref<320000xi32, #tpu.memory_space<hbm>> -> memref<128xi32, #tpu.memory_space<hbm>>
          %dma_wait3A_83 = tpu.memref_slice %arg4[%add3A_78] : memref<320000xi32, #tpu.memory_space<hbm>> -> memref<128xi32, #tpu.memory_space<hbm>>
          tpu.wait_dma2 semaphore(%run_scoped3A : memref<!tpu.dma_semaphore, #tpu.memory_space<semaphore_mem>>) src(%dma_wait3A_83 : memref<128xi32, #tpu.memory_space<hbm>>) dst(%arg8 : memref<128xi32, #tpu.memory_space<vmem>>)
          tpu.yield
        }) : () -> ()
        %dma_start3A = arith.constant 0 : i32
        %dma_start3A_79 = arith.constant 0 : i32
        %dma_start3A_80 = tpu.memref_slice %arg2[%dma_start3A, %dma_start3A_79] : memref<10000x16xf32, #tpu.memory_space<hbm>> -> memref<10000x16xf32, #tpu.memory_space<hbm>>
        tpu.enqueue_indirect_dma source(%dma_start3A_80 : memref<10000x16xf32, #tpu.memory_space<hbm>>) target(%arg10 : memref<128x16xf32, #tpu.memory_space<vmem>>) offsets(%arg6 : memref<128xi32, #tpu.memory_space<vmem>>) semaphore(%arg14 : memref<!tpu.dma_semaphore, #tpu.memory_space<semaphore_mem>>)
      } else {
      }
      %add3A_63 = arith.constant 1 : i32
      %add3A_64 = arith.addi %mul3A_34, %add3A_63 : i32
      %mul3A_65 = arith.constant 16 : i32
      %mul3A_66 = arith.muli %add3A_64, %mul3A_65 : i32
      %add3A_67 = arith.addi %arg1, %mul3A_66 : i32
      %lt3A_68 = arith.constant 1250 : i32
      %lt3A_69 = arith.cmpi slt, %add3A_67, %lt3A_68 : i32
      %convert_element_type3A_70 = arith.extui %lt3A_69 : i1 to i32
      %cond3A_71 = arith.constant 0 : i32
      %cond3A_72 = arith.cmpi ne, %convert_element_type3A_70, %cond3A_71 : i32
      scf.if %cond3A_72 {
        %dma_wait3A = arith.constant 0 : i32
        %dma_wait3A_74 = arith.constant 0 : i32
        %dma_wait3A_75 = tpu.memref_slice %arg2[%dma_wait3A, %dma_wait3A_74] : memref<10000x16xf32, #tpu.memory_space<hbm>> -> memref<10000x16xf32, #tpu.memory_space<hbm>>
        tpu.wait_indirect_dma semaphore(%arg15 : memref<!tpu.dma_semaphore, #tpu.memory_space<semaphore_mem>>) src(%dma_wait3A_75 : memref<10000x16xf32, #tpu.memory_space<hbm>>) dst(%arg11 : memref<128x16xf32, #tpu.memory_space<vmem>>)
        "tpu.region"() ({
          %run_scoped3A = tpu.sem_alloc : memref<!tpu.dma_semaphore, #tpu.memory_space<semaphore_mem>>
          %dma_start3A = arith.constant 0 : i32
          %dma_start3A_76 = arith.constant 0 : i32
          %dma_start3A_77 = tpu.memref_slice %arg13[%dma_start3A, %dma_start3A_76] : memref<10000x16xf32, #tpu.memory_space<vmem_shared>> -> memref<10000x16xf32, #tpu.memory_space<vmem_shared>>
          tpu.enqueue_indirect_dma source(%arg11 : memref<128x16xf32, #tpu.memory_space<vmem>>) target(%dma_start3A_77 : memref<10000x16xf32, #tpu.memory_space<vmem_shared>>) offsets(%arg9 : memref<128xi32, #tpu.memory_space<vmem>>) semaphore(%run_scoped3A : memref<!tpu.dma_semaphore, #tpu.memory_space<semaphore_mem>>) {add = true}
          %dma_wait3A_78 = arith.constant 0 : i32
          %dma_wait3A_79 = arith.constant 0 : i32
          %dma_wait3A_80 = tpu.memref_slice %arg13[%dma_wait3A_78, %dma_wait3A_79] : memref<10000x16xf32, #tpu.memory_space<vmem_shared>> -> memref<10000x16xf32, #tpu.memory_space<vmem_shared>>
          tpu.wait_indirect_dma semaphore(%run_scoped3A : memref<!tpu.dma_semaphore, #tpu.memory_space<semaphore_mem>>) src(%arg11 : memref<128x16xf32, #tpu.memory_space<vmem>>) dst(%dma_wait3A_80 : memref<10000x16xf32, #tpu.memory_space<vmem_shared>>)
          tpu.yield
        }) : () -> ()
      } else {
      }
      %scan3A_73 = arith.constant 0 : i32
      scf.yield %scan3A_73 : i32
    }
    %scan3A_23 = arith.constant 40 : i32
    %barrier3A_24 = arith.constant 0 : index
    tpu.barrier barrier_id(%barrier3A_24)
    %scan3A_25 = arith.constant 0 : i32
    %scan3A_26 = arith.constant 0 : i32
    %scan3A_27 = arith.constant 4 : i32
    %scan3A_28 = arith.addi %scan3A_26, %scan3A_27 : i32
    %scan3A_29 = arith.constant 1 : i32
    %scan3A_30 = scf.for %scan3A_32 = %scan3A_26 to %scan3A_28 step %scan3A_29 iter_args(%scan3A_33 = %scan3A_25) -> (i32)  : i32 {
      %mul3A = arith.constant 16 : i32
      %mul3A_34 = arith.muli %scan3A_32, %mul3A : i32
      %add3A_35 = arith.addi %arg1, %mul3A_34 : i32
      %lt3A_36 = arith.constant 50 : i32
      %lt3A_37 = arith.cmpi slt, %add3A_35, %lt3A_36 : i32
      %convert_element_type3A_38 = arith.extui %lt3A_37 : i1 to i32
      %cond3A_39 = arith.constant 0 : i32
      %cond3A_40 = arith.cmpi ne, %convert_element_type3A_38, %cond3A_39 : i32
      scf.if %cond3A_40 {
        %mul3A_42 = arith.constant 200 : i32
        %mul3A_43 = arith.muli %add3A_35, %mul3A_42 : i32
        %multiple_of3A = tpu.assume_multiple %mul3A_43, 200 : i32
        "tpu.region"() ({
          %run_scoped3A = tpu.sem_alloc : memref<!tpu.dma_semaphore, #tpu.memory_space<semaphore_mem>>
          %dma_start3A = arith.constant 0 : i32
          %dma_start3A_44 = tpu.memref_slice %arg5[%arg0, %multiple_of3A, %dma_start3A] : memref<2x10000x16xf32, #tpu.memory_space<hbm>> -> memref<1x200x16xf32, #tpu.memory_space<hbm>>
          %dma_start3A_45 = tpu.memref_squeeze %dma_start3A_44 : memref<1x200x16xf32, #tpu.memory_space<hbm>> -> memref<200x16xf32, #tpu.memory_space<hbm>>
          %dma_start3A_46 = arith.constant 0 : i32
          %dma_start3A_47 = tpu.memref_slice %arg13[%multiple_of3A, %dma_start3A_46] : memref<10000x16xf32, #tpu.memory_space<vmem_shared>> -> memref<200x16xf32, #tpu.memory_space<vmem_shared>>
          tpu.enqueue_dma source(%dma_start3A_47 : memref<200x16xf32, #tpu.memory_space<vmem_shared>>) target(%dma_start3A_45 : memref<200x16xf32, #tpu.memory_space<hbm>>) target_semaphore(%run_scoped3A : memref<!tpu.dma_semaphore, #tpu.memory_space<semaphore_mem>>)
          %dma_wait3A = arith.constant 0 : i32
          %dma_wait3A_48 = tpu.memref_slice %arg5[%arg0, %multiple_of3A, %dma_wait3A] : memref<2x10000x16xf32, #tpu.memory_space<hbm>> -> memref<1x200x16xf32, #tpu.memory_space<hbm>>
          %dma_wait3A_49 = tpu.memref_squeeze %dma_wait3A_48 : memref<1x200x16xf32, #tpu.memory_space<hbm>> -> memref<200x16xf32, #tpu.memory_space<hbm>>
          %dma_wait3A_50 = arith.constant 0 : i32
          %dma_wait3A_51 = tpu.memref_slice %arg13[%multiple_of3A, %dma_wait3A_50] : memref<10000x16xf32, #tpu.memory_space<vmem_shared>> -> memref<200x16xf32, #tpu.memory_space<vmem_shared>>
          tpu.wait_dma2 semaphore(%run_scoped3A : memref<!tpu.dma_semaphore, #tpu.memory_space<semaphore_mem>>) src(%dma_wait3A_51 : memref<200x16xf32, #tpu.memory_space<vmem_shared>>) dst(%dma_wait3A_49 : memref<200x16xf32, #tpu.memory_space<hbm>>)
          tpu.yield
        }) : () -> ()
      } else {
      }
      %scan3A_41 = arith.constant 0 : i32
      scf.yield %scan3A_41 : i32
    }
    %scan3A_31 = arith.constant 4 : i32
    return
  }
}

module attributes {stable_mosaic.version = 14 : i64} {
  func.func @body(%arg0: i32, %arg1: memref<1000x128xf32, #tpu.memory_space<vmem>>, %arg2: memref<128x64xf32, #tpu.memory_space<vmem>>, %arg3: memref<2x1000x16xf32, #tpu.memory_space<vmem>>, %arg4: memref<1000x64xf32, #tpu.memory_space<vmem>>) attributes {dimension_semantics = [#tpu.dimension_semantics<arbitrary>], iteration_bounds = array<i64: 10>, scalar_prefetch = 0 : i64, scratch_operands = 0 : i64, tpu.core_type = #tpu.core_type<tc>, window_params = [{transform_indices = @transform_0, window_bounds = array<i64: 1000, 128>}, {pipeline_mode = #tpu.pipeline_mode<synchronous>, transform_indices = @transform_1, window_bounds = array<i64: 128, 64>}, {transform_indices = @transform_2, window_bounds = array<i64: 2, 1000, 16>}, {transform_indices = @transform_3, window_bounds = array<i64: 1000, 64>}]} {
    %get3A = arith.constant 0 : index
    %get3A_0 = arith.constant 0 : index
    %get3A_1 = arith.constant 0 : index
    %get3A_2 = vector.load %arg3[%get3A, %get3A_0, %get3A_1] : memref<2x1000x16xf32, #tpu.memory_space<vmem>>, vector<1x1000x1xf32>
    %get3A_3 = vector.shape_cast %get3A_2 : vector<1x1000x1xf32> to vector<1000x1xf32>
    %get3A_4 = arith.constant 1 : index
    %get3A_5 = arith.constant 0 : index
    %get3A_6 = arith.constant 0 : index
    %get3A_7 = vector.load %arg3[%get3A_4, %get3A_5, %get3A_6] : memref<2x1000x16xf32, #tpu.memory_space<vmem>>, vector<1x1000x1xf32>
    %get3A_8 = vector.shape_cast %get3A_7 : vector<1x1000x1xf32> to vector<1000x1xf32>
    %add3A = arith.addf %get3A_3, %get3A_8 : vector<1000x1xf32>
    %max3A = arith.constant 1.000000e+00 : f32
    %max3A_9 = vector.broadcast %max3A : f32 to vector<1000x1xf32>
    %max3A_10 = arith.maximumf %add3A, %max3A_9 : vector<1000x1xf32>
    %rsqrt3A = math.rsqrt %max3A_10 : vector<1000x1xf32>
    %get3A_11 = arith.constant 0 : index
    %get3A_12 = arith.constant 0 : index
    %get3A_13 = vector.load %arg1[%get3A_11, %get3A_12] : memref<1000x128xf32, #tpu.memory_space<vmem>>, vector<1000x128xf32>
    %get3A_14 = arith.constant 0 : index
    %get3A_15 = arith.constant 0 : index
    %get3A_16 = vector.load %arg2[%get3A_14, %get3A_15] : memref<128x64xf32, #tpu.memory_space<vmem>>, vector<128x64xf32>
    %dot_general3A = arith.constant dense<0.000000e+00> : vector<1000x64xf32>
    %dot_general3A_17 = tpu.matmul %get3A_13, %get3A_16, %dot_general3A {dimension_numbers = #tpu.dot_dimension_numbers<[1], [0], [0], [1], [0, 0, 1, 1], [], []>, transpose_lhs_hint = false} : vector<1000x128xf32>, vector<128x64xf32>, vector<1000x64xf32> -> vector<1000x64xf32>
    %mul3A = vector.broadcast %rsqrt3A : vector<1000x1xf32> to vector<1000x64xf32>
    %mul3A_18 = arith.mulf %dot_general3A_17, %mul3A : vector<1000x64xf32>
    %swap3A = arith.constant 0 : index
    %swap3A_19 = arith.constant 0 : index
    %swap3A_20 = vector.load %arg4[%swap3A, %swap3A_19] : memref<1000x64xf32, #tpu.memory_space<vmem>>, vector<1000x64xf32>
    tpu.vector_store %arg4[%swap3A, %swap3A_19], %mul3A_18 {strides = array<i32>} : memref<1000x64xf32, #tpu.memory_space<vmem>>, vector<1000x64xf32>,
    return
  }
  func.func @transform_0(%arg0: i32) -> (i32, i32) {
    %c0_i32 = arith.constant 0 : i32
    %c0_i32_0 = arith.constant 0 : i32
    return %arg0, %c0_i32 : i32, i32
  }
  func.func @transform_1(%arg0: i32) -> (i32, i32) {
    %c0_i32 = arith.constant 0 : i32
    %c0_i32_0 = arith.constant 0 : i32
    %c0_i32_1 = arith.constant 0 : i32
    return %c0_i32, %c0_i32_0 : i32, i32
  }
  func.func @transform_2(%arg0: i32) -> (i32, i32, i32) {
    %c0_i32 = arith.constant 0 : i32
    %c0_i32_0 = arith.constant 0 : i32
    %c0_i32_1 = arith.constant 0 : i32
    return %c0_i32, %arg0, %c0_i32_0 : i32, i32, i32
  }
  func.func @transform_3(%arg0: i32) -> (i32, i32) {
    %c0_i32 = arith.constant 0 : i32
    %c0_i32_0 = arith.constant 0 : i32
    return %arg0, %c0_i32 : i32, i32
  }
}

module attributes {stable_mosaic.version = 14 : i64} {
  func.func @body(%arg0: i32, %arg1: memref<2x1000x64xf32, #tpu.memory_space<vmem>>, %arg2: memref<2x1000x16xf32, #tpu.memory_space<vmem>>, %arg3: memref<2x1000x16xf32, #tpu.memory_space<vmem>>, %arg4: memref<1x64xf32, #tpu.memory_space<vmem>>, %arg5: memref<64x64xf32, #tpu.memory_space<vmem>>, %arg6: memref<1000x64xf32, #tpu.memory_space<vmem>>) attributes {dimension_semantics = [#tpu.dimension_semantics<arbitrary>], iteration_bounds = array<i64: 10>, scalar_prefetch = 0 : i64, scratch_operands = 0 : i64, tpu.core_type = #tpu.core_type<tc>, window_params = [{transform_indices = @transform_0, window_bounds = array<i64: 2, 1000, 64>}, {transform_indices = @transform_1, window_bounds = array<i64: 2, 1000, 16>}, {transform_indices = @transform_2, window_bounds = array<i64: 2, 1000, 16>}, {pipeline_mode = #tpu.pipeline_mode<synchronous>, transform_indices = @transform_3, window_bounds = array<i64: 1, 64>}, {pipeline_mode = #tpu.pipeline_mode<synchronous>, transform_indices = @transform_4, window_bounds = array<i64: 64, 64>}, {transform_indices = @transform_5, window_bounds = array<i64: 1000, 64>}]} {
    %get3A = arith.constant 0 : index
    %get3A_0 = arith.constant 0 : index
    %get3A_1 = arith.constant 0 : index
    %get3A_2 = vector.load %arg2[%get3A, %get3A_0, %get3A_1] : memref<2x1000x16xf32, #tpu.memory_space<vmem>>, vector<1x1000x1xf32>
    %get3A_3 = vector.shape_cast %get3A_2 : vector<1x1000x1xf32> to vector<1000x1xf32>
    %get3A_4 = arith.constant 1 : index
    %get3A_5 = arith.constant 0 : index
    %get3A_6 = arith.constant 0 : index
    %get3A_7 = vector.load %arg2[%get3A_4, %get3A_5, %get3A_6] : memref<2x1000x16xf32, #tpu.memory_space<vmem>>, vector<1x1000x1xf32>
    %get3A_8 = vector.shape_cast %get3A_7 : vector<1x1000x1xf32> to vector<1000x1xf32>
    %add3A = arith.addf %get3A_3, %get3A_8 : vector<1000x1xf32>
    %max3A = arith.constant 1.000000e+00 : f32
    %max3A_9 = vector.broadcast %max3A : f32 to vector<1000x1xf32>
    %max3A_10 = arith.maximumf %add3A, %max3A_9 : vector<1000x1xf32>
    %rsqrt3A = math.rsqrt %max3A_10 : vector<1000x1xf32>
    %get3A_11 = arith.constant 0 : index
    %get3A_12 = arith.constant 0 : index
    %get3A_13 = arith.constant 0 : index
    %get3A_14 = vector.load %arg3[%get3A_11, %get3A_12, %get3A_13] : memref<2x1000x16xf32, #tpu.memory_space<vmem>>, vector<1x1000x1xf32>
    %get3A_15 = vector.shape_cast %get3A_14 : vector<1x1000x1xf32> to vector<1000x1xf32>
    %get3A_16 = arith.constant 1 : index
    %get3A_17 = arith.constant 0 : index
    %get3A_18 = arith.constant 0 : index
    %get3A_19 = vector.load %arg3[%get3A_16, %get3A_17, %get3A_18] : memref<2x1000x16xf32, #tpu.memory_space<vmem>>, vector<1x1000x1xf32>
    %get3A_20 = vector.shape_cast %get3A_19 : vector<1x1000x1xf32> to vector<1000x1xf32>
    %add3A_21 = arith.addf %get3A_15, %get3A_20 : vector<1000x1xf32>
    %max3A_22 = arith.constant 1.000000e+00 : f32
    %max3A_23 = vector.broadcast %max3A_22 : f32 to vector<1000x1xf32>
    %max3A_24 = arith.maximumf %add3A_21, %max3A_23 : vector<1000x1xf32>
    %rsqrt3A_25 = math.rsqrt %max3A_24 : vector<1000x1xf32>
    %get3A_26 = arith.constant 0 : index
    %get3A_27 = arith.constant 0 : index
    %get3A_28 = arith.constant 0 : index
    %get3A_29 = vector.load %arg1[%get3A_26, %get3A_27, %get3A_28] : memref<2x1000x64xf32, #tpu.memory_space<vmem>>, vector<1x1000x64xf32>
    %get3A_30 = vector.shape_cast %get3A_29 : vector<1x1000x64xf32> to vector<1000x64xf32>
    %get3A_31 = arith.constant 1 : index
    %get3A_32 = arith.constant 0 : index
    %get3A_33 = arith.constant 0 : index
    %get3A_34 = vector.load %arg1[%get3A_31, %get3A_32, %get3A_33] : memref<2x1000x64xf32, #tpu.memory_space<vmem>>, vector<1x1000x64xf32>
    %get3A_35 = vector.shape_cast %get3A_34 : vector<1x1000x64xf32> to vector<1000x64xf32>
    %add3A_36 = arith.addf %get3A_30, %get3A_35 : vector<1000x64xf32>
    %mul3A = vector.broadcast %rsqrt3A : vector<1000x1xf32> to vector<1000x64xf32>
    %mul3A_37 = arith.mulf %add3A_36, %mul3A : vector<1000x64xf32>
    %get3A_38 = arith.constant 0 : index
    %get3A_39 = arith.constant 0 : index
    %get3A_40 = vector.load %arg4[%get3A_38, %get3A_39] : memref<1x64xf32, #tpu.memory_space<vmem>>, vector<1x64xf32>
    %add3A_41 = vector.broadcast %get3A_40 : vector<1x64xf32> to vector<1000x64xf32>
    %add3A_42 = arith.addf %mul3A_37, %add3A_41 : vector<1000x64xf32>
    %max3A_43 = arith.constant 0.000000e+00 : f32
    %max3A_44 = vector.broadcast %max3A_43 : f32 to vector<1000x64xf32>
    %max3A_45 = arith.maximumf %add3A_42, %max3A_44 : vector<1000x64xf32>
    %get3A_46 = arith.constant 0 : index
    %get3A_47 = arith.constant 0 : index
    %get3A_48 = vector.load %arg5[%get3A_46, %get3A_47] : memref<64x64xf32, #tpu.memory_space<vmem>>, vector<64x64xf32>
    %dot_general3A = arith.constant dense<0.000000e+00> : vector<1000x64xf32>
    %dot_general3A_49 = tpu.matmul %max3A_45, %get3A_48, %dot_general3A {dimension_numbers = #tpu.dot_dimension_numbers<[1], [0], [0], [1], [0, 0, 1, 1], [], []>, transpose_lhs_hint = false} : vector<1000x64xf32>, vector<64x64xf32>, vector<1000x64xf32> -> vector<1000x64xf32>
    %mul3A_50 = vector.broadcast %rsqrt3A_25 : vector<1000x1xf32> to vector<1000x64xf32>
    %mul3A_51 = arith.mulf %dot_general3A_49, %mul3A_50 : vector<1000x64xf32>
    %swap3A = arith.constant 0 : index
    %swap3A_52 = arith.constant 0 : index
    %swap3A_53 = vector.load %arg6[%swap3A, %swap3A_52] : memref<1000x64xf32, #tpu.memory_space<vmem>>, vector<1000x64xf32>
    tpu.vector_store %arg6[%swap3A, %swap3A_52], %mul3A_51 {strides = array<i32>} : memref<1000x64xf32, #tpu.memory_space<vmem>>, vector<1000x64xf32>,
    return
  }
  func.func @transform_0(%arg0: i32) -> (i32, i32, i32) {
    %c0_i32 = arith.constant 0 : i32
    %c0_i32_0 = arith.constant 0 : i32
    %c0_i32_1 = arith.constant 0 : i32
    return %c0_i32, %arg0, %c0_i32_0 : i32, i32, i32
  }
  func.func @transform_1(%arg0: i32) -> (i32, i32, i32) {
    %c0_i32 = arith.constant 0 : i32
    %c0_i32_0 = arith.constant 0 : i32
    %c0_i32_1 = arith.constant 0 : i32
    return %c0_i32, %arg0, %c0_i32_0 : i32, i32, i32
  }
  func.func @transform_2(%arg0: i32) -> (i32, i32, i32) {
    %c0_i32 = arith.constant 0 : i32
    %c0_i32_0 = arith.constant 0 : i32
    %c0_i32_1 = arith.constant 0 : i32
    return %c0_i32, %arg0, %c0_i32_0 : i32, i32, i32
  }
  func.func @transform_3(%arg0: i32) -> (i32, i32) {
    %c0_i32 = arith.constant 0 : i32
    %c0_i32_0 = arith.constant 0 : i32
    %c0_i32_1 = arith.constant 0 : i32
    return %c0_i32, %c0_i32_0 : i32, i32
  }
  func.func @transform_4(%arg0: i32) -> (i32, i32) {
    %c0_i32 = arith.constant 0 : i32
    %c0_i32_0 = arith.constant 0 : i32
    %c0_i32_1 = arith.constant 0 : i32
    return %c0_i32, %c0_i32_0 : i32, i32
  }
  func.func @transform_5(%arg0: i32) -> (i32, i32) {
    %c0_i32 = arith.constant 0 : i32
    %c0_i32_0 = arith.constant 0 : i32
    return %arg0, %c0_i32 : i32, i32
  }
}

module attributes {stable_mosaic.version = 14 : i64} {
  func.func @body(%arg0: i32, %arg1: memref<2x1000x64xf32, #tpu.memory_space<vmem>>, %arg2: memref<2x1000x16xf32, #tpu.memory_space<vmem>>, %arg3: memref<1x64xf32, #tpu.memory_space<vmem>>, %arg4: memref<64x256xf32, #tpu.memory_space<vmem>>, %arg5: memref<1x256xf32, #tpu.memory_space<vmem>>, %arg6: memref<1x256xf32, #tpu.memory_space<vmem>>, %arg7: memref<1000x256xf32, #tpu.memory_space<vmem>>, %arg8: memref<1000x16xf32, #tpu.memory_space<vmem>>, %arg9: memref<1000x16xf32, #tpu.memory_space<vmem>>) attributes {dimension_semantics = [#tpu.dimension_semantics<arbitrary>], iteration_bounds = array<i64: 10>, scalar_prefetch = 0 : i64, scratch_operands = 0 : i64, tpu.core_type = #tpu.core_type<tc>, window_params = [{transform_indices = @transform_0, window_bounds = array<i64: 2, 1000, 64>}, {transform_indices = @transform_1, window_bounds = array<i64: 2, 1000, 16>}, {pipeline_mode = #tpu.pipeline_mode<synchronous>, transform_indices = @transform_2, window_bounds = array<i64: 1, 64>}, {pipeline_mode = #tpu.pipeline_mode<synchronous>, transform_indices = @transform_3, window_bounds = array<i64: 64, 256>}, {pipeline_mode = #tpu.pipeline_mode<synchronous>, transform_indices = @transform_4, window_bounds = array<i64: 1, 256>}, {pipeline_mode = #tpu.pipeline_mode<synchronous>, transform_indices = @transform_5, window_bounds = array<i64: 1, 256>}, {transform_indices = @transform_6, window_bounds = array<i64: 1000, 256>}, {transform_indices = @transform_7, window_bounds = array<i64: 1000, 16>}, {transform_indices = @transform_8, window_bounds = array<i64: 1000, 16>}]} {
    %get3A = arith.constant 0 : index
    %get3A_0 = arith.constant 0 : index
    %get3A_1 = arith.constant 0 : index
    %get3A_2 = vector.load %arg2[%get3A, %get3A_0, %get3A_1] : memref<2x1000x16xf32, #tpu.memory_space<vmem>>, vector<1x1000x1xf32>
    %get3A_3 = vector.shape_cast %get3A_2 : vector<1x1000x1xf32> to vector<1000x1xf32>
    %get3A_4 = arith.constant 1 : index
    %get3A_5 = arith.constant 0 : index
    %get3A_6 = arith.constant 0 : index
    %get3A_7 = vector.load %arg2[%get3A_4, %get3A_5, %get3A_6] : memref<2x1000x16xf32, #tpu.memory_space<vmem>>, vector<1x1000x1xf32>
    %get3A_8 = vector.shape_cast %get3A_7 : vector<1x1000x1xf32> to vector<1000x1xf32>
    %add3A = arith.addf %get3A_3, %get3A_8 : vector<1000x1xf32>
    %max3A = arith.constant 1.000000e+00 : f32
    %max3A_9 = vector.broadcast %max3A : f32 to vector<1000x1xf32>
    %max3A_10 = arith.maximumf %add3A, %max3A_9 : vector<1000x1xf32>
    %rsqrt3A = math.rsqrt %max3A_10 : vector<1000x1xf32>
    %get3A_11 = arith.constant 0 : index
    %get3A_12 = arith.constant 0 : index
    %get3A_13 = arith.constant 0 : index
    %get3A_14 = vector.load %arg1[%get3A_11, %get3A_12, %get3A_13] : memref<2x1000x64xf32, #tpu.memory_space<vmem>>, vector<1x1000x64xf32>
    %get3A_15 = vector.shape_cast %get3A_14 : vector<1x1000x64xf32> to vector<1000x64xf32>
    %get3A_16 = arith.constant 1 : index
    %get3A_17 = arith.constant 0 : index
    %get3A_18 = arith.constant 0 : index
    %get3A_19 = vector.load %arg1[%get3A_16, %get3A_17, %get3A_18] : memref<2x1000x64xf32, #tpu.memory_space<vmem>>, vector<1x1000x64xf32>
    %get3A_20 = vector.shape_cast %get3A_19 : vector<1x1000x64xf32> to vector<1000x64xf32>
    %add3A_21 = arith.addf %get3A_15, %get3A_20 : vector<1000x64xf32>
    %mul3A = vector.broadcast %rsqrt3A : vector<1000x1xf32> to vector<1000x64xf32>
    %mul3A_22 = arith.mulf %add3A_21, %mul3A : vector<1000x64xf32>
    %get3A_23 = arith.constant 0 : index
    %get3A_24 = arith.constant 0 : index
    %get3A_25 = vector.load %arg3[%get3A_23, %get3A_24] : memref<1x64xf32, #tpu.memory_space<vmem>>, vector<1x64xf32>
    %add3A_26 = vector.broadcast %get3A_25 : vector<1x64xf32> to vector<1000x64xf32>
    %add3A_27 = arith.addf %mul3A_22, %add3A_26 : vector<1000x64xf32>
    %max3A_28 = arith.constant 0.000000e+00 : f32
    %max3A_29 = vector.broadcast %max3A_28 : f32 to vector<1000x64xf32>
    %max3A_30 = arith.maximumf %add3A_27, %max3A_29 : vector<1000x64xf32>
    %get3A_31 = arith.constant 0 : index
    %get3A_32 = arith.constant 0 : index
    %get3A_33 = vector.load %arg4[%get3A_31, %get3A_32] : memref<64x256xf32, #tpu.memory_space<vmem>>, vector<64x256xf32>
    %dot_general3A = arith.constant dense<0.000000e+00> : vector<1000x256xf32>
    %dot_general3A_34 = tpu.matmul %max3A_30, %get3A_33, %dot_general3A {dimension_numbers = #tpu.dot_dimension_numbers<[1], [0], [0], [1], [0, 0, 1, 1], [], []>, transpose_lhs_hint = false} : vector<1000x64xf32>, vector<64x256xf32>, vector<1000x256xf32> -> vector<1000x256xf32>
    %swap3A = arith.constant 0 : index
    %swap3A_35 = arith.constant 0 : index
    %swap3A_36 = vector.load %arg7[%swap3A, %swap3A_35] : memref<1000x256xf32, #tpu.memory_space<vmem>>, vector<1000x256xf32>
    tpu.vector_store %arg7[%swap3A, %swap3A_35], %dot_general3A_34 {strides = array<i32>} : memref<1000x256xf32, #tpu.memory_space<vmem>>, vector<1000x256xf32>,
    %get3A_37 = arith.constant 0 : index
    %get3A_38 = arith.constant 0 : index
    %get3A_39 = vector.load %arg5[%get3A_37, %get3A_38] : memref<1x256xf32, #tpu.memory_space<vmem>>, vector<1x256xf32>
    %mul3A_40 = vector.broadcast %get3A_39 : vector<1x256xf32> to vector<1000x256xf32>
    %mul3A_41 = arith.mulf %dot_general3A_34, %mul3A_40 : vector<1000x256xf32>
    %get3A_42 = arith.constant 0 : index
    %get3A_43 = arith.constant 0 : index
    %get3A_44 = vector.load %arg6[%get3A_42, %get3A_43] : memref<1x256xf32, #tpu.memory_space<vmem>>, vector<1x256xf32>
    %mul3A_45 = vector.broadcast %get3A_44 : vector<1x256xf32> to vector<1000x256xf32>
    %mul3A_46 = arith.mulf %dot_general3A_34, %mul3A_45 : vector<1000x256xf32>
    %broadcast_in_dim3A = arith.constant 0.000000e+00 : f32
    %broadcast_in_dim3A_47 = vector.broadcast %broadcast_in_dim3A : f32 to vector<1000x16xf32>
    %swap3A_48 = arith.constant 0 : index
    %swap3A_49 = arith.constant 0 : index
    %swap3A_50 = vector.load %arg8[%swap3A_48, %swap3A_49] : memref<1000x16xf32, #tpu.memory_space<vmem>>, vector<1000x16xf32>
    tpu.vector_store %arg8[%swap3A_48, %swap3A_49], %broadcast_in_dim3A_47 {strides = array<i32>} : memref<1000x16xf32, #tpu.memory_space<vmem>>, vector<1000x16xf32>,
    %broadcast_in_dim3A_51 = arith.constant 0.000000e+00 : f32
    %broadcast_in_dim3A_52 = vector.broadcast %broadcast_in_dim3A_51 : f32 to vector<1000x16xf32>
    %swap3A_53 = arith.constant 0 : index
    %swap3A_54 = arith.constant 0 : index
    %swap3A_55 = vector.load %arg9[%swap3A_53, %swap3A_54] : memref<1000x16xf32, #tpu.memory_space<vmem>>, vector<1000x16xf32>
    tpu.vector_store %arg9[%swap3A_53, %swap3A_54], %broadcast_in_dim3A_52 {strides = array<i32>} : memref<1000x16xf32, #tpu.memory_space<vmem>>, vector<1000x16xf32>,
    %slice3A = vector.extract_strided_slice %mul3A_41 {offsets = [0, 0], sizes = [1000, 64], strides = [1, 1]} : vector<1000x256xf32> to vector<1000x64xf32>
    %reduce_sum3A = arith.constant dense<0.000000e+00> : vector<1000xf32>
    %reduce_sum3A_56 = vector.multi_reduction <add>, %slice3A, %reduce_sum3A [1] : vector<1000x64xf32> to vector<1000xf32>
    %broadcast_in_dim3A_57 = vector.shape_cast %reduce_sum3A_56 : vector<1000xf32> to vector<1000x1xf32>
    %swap3A_58 = arith.constant 0 : index
    %swap3A_59 = arith.constant 0 : index
    %swap3A_60 = vector.load %arg8[%swap3A_58, %swap3A_59] : memref<1000x16xf32, #tpu.memory_space<vmem>>, vector<1000x1xf32>
    tpu.vector_store %arg8[%swap3A_58, %swap3A_59], %broadcast_in_dim3A_57 {strides = array<i32>} : memref<1000x16xf32, #tpu.memory_space<vmem>>, vector<1000x1xf32>,
    %slice3A_61 = vector.extract_strided_slice %mul3A_46 {offsets = [0, 0], sizes = [1000, 64], strides = [1, 1]} : vector<1000x256xf32> to vector<1000x64xf32>
    %reduce_sum3A_62 = arith.constant dense<0.000000e+00> : vector<1000xf32>
    %reduce_sum3A_63 = vector.multi_reduction <add>, %slice3A_61, %reduce_sum3A_62 [1] : vector<1000x64xf32> to vector<1000xf32>
    %broadcast_in_dim3A_64 = vector.shape_cast %reduce_sum3A_63 : vector<1000xf32> to vector<1000x1xf32>
    %swap3A_65 = arith.constant 0 : index
    %swap3A_66 = arith.constant 0 : index
    %swap3A_67 = vector.load %arg9[%swap3A_65, %swap3A_66] : memref<1000x16xf32, #tpu.memory_space<vmem>>, vector<1000x1xf32>
    tpu.vector_store %arg9[%swap3A_65, %swap3A_66], %broadcast_in_dim3A_64 {strides = array<i32>} : memref<1000x16xf32, #tpu.memory_space<vmem>>, vector<1000x1xf32>,
    %slice3A_68 = vector.extract_strided_slice %mul3A_41 {offsets = [0, 64], sizes = [1000, 64], strides = [1, 1]} : vector<1000x256xf32> to vector<1000x64xf32>
    %reduce_sum3A_69 = arith.constant dense<0.000000e+00> : vector<1000xf32>
    %reduce_sum3A_70 = vector.multi_reduction <add>, %slice3A_68, %reduce_sum3A_69 [1] : vector<1000x64xf32> to vector<1000xf32>
    %broadcast_in_dim3A_71 = vector.shape_cast %reduce_sum3A_70 : vector<1000xf32> to vector<1000x1xf32>
    %swap3A_72 = arith.constant 0 : index
    %swap3A_73 = arith.constant 1 : index
    %swap3A_74 = vector.load %arg8[%swap3A_72, %swap3A_73] : memref<1000x16xf32, #tpu.memory_space<vmem>>, vector<1000x1xf32>
    tpu.vector_store %arg8[%swap3A_72, %swap3A_73], %broadcast_in_dim3A_71 {strides = array<i32>} : memref<1000x16xf32, #tpu.memory_space<vmem>>, vector<1000x1xf32>,
    %slice3A_75 = vector.extract_strided_slice %mul3A_46 {offsets = [0, 64], sizes = [1000, 64], strides = [1, 1]} : vector<1000x256xf32> to vector<1000x64xf32>
    %reduce_sum3A_76 = arith.constant dense<0.000000e+00> : vector<1000xf32>
    %reduce_sum3A_77 = vector.multi_reduction <add>, %slice3A_75, %reduce_sum3A_76 [1] : vector<1000x64xf32> to vector<1000xf32>
    %broadcast_in_dim3A_78 = vector.shape_cast %reduce_sum3A_77 : vector<1000xf32> to vector<1000x1xf32>
    %swap3A_79 = arith.constant 0 : index
    %swap3A_80 = arith.constant 1 : index
    %swap3A_81 = vector.load %arg9[%swap3A_79, %swap3A_80] : memref<1000x16xf32, #tpu.memory_space<vmem>>, vector<1000x1xf32>
    tpu.vector_store %arg9[%swap3A_79, %swap3A_80], %broadcast_in_dim3A_78 {strides = array<i32>} : memref<1000x16xf32, #tpu.memory_space<vmem>>, vector<1000x1xf32>,
    %slice3A_82 = vector.extract_strided_slice %mul3A_41 {offsets = [0, 128], sizes = [1000, 64], strides = [1, 1]} : vector<1000x256xf32> to vector<1000x64xf32>
    %reduce_sum3A_83 = arith.constant dense<0.000000e+00> : vector<1000xf32>
    %reduce_sum3A_84 = vector.multi_reduction <add>, %slice3A_82, %reduce_sum3A_83 [1] : vector<1000x64xf32> to vector<1000xf32>
    %broadcast_in_dim3A_85 = vector.shape_cast %reduce_sum3A_84 : vector<1000xf32> to vector<1000x1xf32>
    %swap3A_86 = arith.constant 0 : index
    %swap3A_87 = arith.constant 2 : index
    %swap3A_88 = vector.load %arg8[%swap3A_86, %swap3A_87] : memref<1000x16xf32, #tpu.memory_space<vmem>>, vector<1000x1xf32>
    tpu.vector_store %arg8[%swap3A_86, %swap3A_87], %broadcast_in_dim3A_85 {strides = array<i32>} : memref<1000x16xf32, #tpu.memory_space<vmem>>, vector<1000x1xf32>,
    %slice3A_89 = vector.extract_strided_slice %mul3A_46 {offsets = [0, 128], sizes = [1000, 64], strides = [1, 1]} : vector<1000x256xf32> to vector<1000x64xf32>
    %reduce_sum3A_90 = arith.constant dense<0.000000e+00> : vector<1000xf32>
    %reduce_sum3A_91 = vector.multi_reduction <add>, %slice3A_89, %reduce_sum3A_90 [1] : vector<1000x64xf32> to vector<1000xf32>
    %broadcast_in_dim3A_92 = vector.shape_cast %reduce_sum3A_91 : vector<1000xf32> to vector<1000x1xf32>
    %swap3A_93 = arith.constant 0 : index
    %swap3A_94 = arith.constant 2 : index
    %swap3A_95 = vector.load %arg9[%swap3A_93, %swap3A_94] : memref<1000x16xf32, #tpu.memory_space<vmem>>, vector<1000x1xf32>
    tpu.vector_store %arg9[%swap3A_93, %swap3A_94], %broadcast_in_dim3A_92 {strides = array<i32>} : memref<1000x16xf32, #tpu.memory_space<vmem>>, vector<1000x1xf32>,
    %slice3A_96 = vector.extract_strided_slice %mul3A_41 {offsets = [0, 192], sizes = [1000, 64], strides = [1, 1]} : vector<1000x256xf32> to vector<1000x64xf32>
    %reduce_sum3A_97 = arith.constant dense<0.000000e+00> : vector<1000xf32>
    %reduce_sum3A_98 = vector.multi_reduction <add>, %slice3A_96, %reduce_sum3A_97 [1] : vector<1000x64xf32> to vector<1000xf32>
    %broadcast_in_dim3A_99 = vector.shape_cast %reduce_sum3A_98 : vector<1000xf32> to vector<1000x1xf32>
    %swap3A_100 = arith.constant 0 : index
    %swap3A_101 = arith.constant 3 : index
    %swap3A_102 = vector.load %arg8[%swap3A_100, %swap3A_101] : memref<1000x16xf32, #tpu.memory_space<vmem>>, vector<1000x1xf32>
    tpu.vector_store %arg8[%swap3A_100, %swap3A_101], %broadcast_in_dim3A_99 {strides = array<i32>} : memref<1000x16xf32, #tpu.memory_space<vmem>>, vector<1000x1xf32>,
    %slice3A_103 = vector.extract_strided_slice %mul3A_46 {offsets = [0, 192], sizes = [1000, 64], strides = [1, 1]} : vector<1000x256xf32> to vector<1000x64xf32>
    %reduce_sum3A_104 = arith.constant dense<0.000000e+00> : vector<1000xf32>
    %reduce_sum3A_105 = vector.multi_reduction <add>, %slice3A_103, %reduce_sum3A_104 [1] : vector<1000x64xf32> to vector<1000xf32>
    %broadcast_in_dim3A_106 = vector.shape_cast %reduce_sum3A_105 : vector<1000xf32> to vector<1000x1xf32>
    %swap3A_107 = arith.constant 0 : index
    %swap3A_108 = arith.constant 3 : index
    %swap3A_109 = vector.load %arg9[%swap3A_107, %swap3A_108] : memref<1000x16xf32, #tpu.memory_space<vmem>>, vector<1000x1xf32>
    tpu.vector_store %arg9[%swap3A_107, %swap3A_108], %broadcast_in_dim3A_106 {strides = array<i32>} : memref<1000x16xf32, #tpu.memory_space<vmem>>, vector<1000x1xf32>,
    return
  }
  func.func @transform_0(%arg0: i32) -> (i32, i32, i32) {
    %c0_i32 = arith.constant 0 : i32
    %c0_i32_0 = arith.constant 0 : i32
    %c0_i32_1 = arith.constant 0 : i32
    return %c0_i32, %arg0, %c0_i32_0 : i32, i32, i32
  }
  func.func @transform_1(%arg0: i32) -> (i32, i32, i32) {
    %c0_i32 = arith.constant 0 : i32
    %c0_i32_0 = arith.constant 0 : i32
    %c0_i32_1 = arith.constant 0 : i32
    return %c0_i32, %arg0, %c0_i32_0 : i32, i32, i32
  }
  func.func @transform_2(%arg0: i32) -> (i32, i32) {
    %c0_i32 = arith.constant 0 : i32
    %c0_i32_0 = arith.constant 0 : i32
    %c0_i32_1 = arith.constant 0 : i32
    return %c0_i32, %c0_i32_0 : i32, i32
  }
  func.func @transform_3(%arg0: i32) -> (i32, i32) {
    %c0_i32 = arith.constant 0 : i32
    %c0_i32_0 = arith.constant 0 : i32
    %c0_i32_1 = arith.constant 0 : i32
    return %c0_i32, %c0_i32_0 : i32, i32
  }
  func.func @transform_4(%arg0: i32) -> (i32, i32) {
    %c0_i32 = arith.constant 0 : i32
    %c0_i32_0 = arith.constant 0 : i32
    %c0_i32_1 = arith.constant 0 : i32
    return %c0_i32, %c0_i32_0 : i32, i32
  }
  func.func @transform_5(%arg0: i32) -> (i32, i32) {
    %c0_i32 = arith.constant 0 : i32
    %c0_i32_0 = arith.constant 0 : i32
    %c0_i32_1 = arith.constant 0 : i32
    return %c0_i32, %c0_i32_0 : i32, i32
  }
  func.func @transform_6(%arg0: i32) -> (i32, i32) {
    %c0_i32 = arith.constant 0 : i32
    %c0_i32_0 = arith.constant 0 : i32
    return %arg0, %c0_i32 : i32, i32
  }
  func.func @transform_7(%arg0: i32) -> (i32, i32) {
    %c0_i32 = arith.constant 0 : i32
    %c0_i32_0 = arith.constant 0 : i32
    return %arg0, %c0_i32 : i32, i32
  }
  func.func @transform_8(%arg0: i32) -> (i32, i32) {
    %c0_i32 = arith.constant 0 : i32
    %c0_i32_0 = arith.constant 0 : i32
    return %arg0, %c0_i32 : i32, i32
  }
}

module attributes {stable_mosaic.version = 14 : i64} {
  func.func @body(%arg0: i32, %arg1: memref<2x1000x64xf32, #tpu.memory_space<vmem>>, %arg2: memref<1x256xf32, #tpu.memory_space<vmem>>, %arg3: memref<2x1000x16xf32, #tpu.memory_space<vmem>>, %arg4: memref<64x1xf32, #tpu.memory_space<vmem>>, %arg5: memref<1000x16xf32, #tpu.memory_space<vmem>>) attributes {dimension_semantics = [#tpu.dimension_semantics<arbitrary>], iteration_bounds = array<i64: 10>, scalar_prefetch = 0 : i64, scratch_operands = 0 : i64, tpu.core_type = #tpu.core_type<tc>, window_params = [{transform_indices = @transform_0, window_bounds = array<i64: 2, 1000, 64>}, {pipeline_mode = #tpu.pipeline_mode<synchronous>, transform_indices = @transform_1, window_bounds = array<i64: 1, 256>}, {transform_indices = @transform_2, window_bounds = array<i64: 2, 1000, 16>}, {pipeline_mode = #tpu.pipeline_mode<synchronous>, transform_indices = @transform_3, window_bounds = array<i64: 64, 1>}, {transform_indices = @transform_4, window_bounds = array<i64: 1000, 16>}]} {
    %get3A = arith.constant 0 : index
    %get3A_0 = arith.constant 0 : index
    %get3A_1 = arith.constant 0 : index
    %get3A_2 = vector.load %arg3[%get3A, %get3A_0, %get3A_1] : memref<2x1000x16xf32, #tpu.memory_space<vmem>>, vector<1x1000x1xf32>
    %get3A_3 = vector.shape_cast %get3A_2 : vector<1x1000x1xf32> to vector<1000x1xf32>
    %get3A_4 = arith.constant 1 : index
    %get3A_5 = arith.constant 0 : index
    %get3A_6 = arith.constant 0 : index
    %get3A_7 = vector.load %arg3[%get3A_4, %get3A_5, %get3A_6] : memref<2x1000x16xf32, #tpu.memory_space<vmem>>, vector<1x1000x1xf32>
    %get3A_8 = vector.shape_cast %get3A_7 : vector<1x1000x1xf32> to vector<1000x1xf32>
    %add3A = arith.addf %get3A_3, %get3A_8 : vector<1000x1xf32>
    %max3A = arith.constant 1.000000e+00 : f32
    %max3A_9 = vector.broadcast %max3A : f32 to vector<1000x1xf32>
    %max3A_10 = arith.maximumf %add3A, %max3A_9 : vector<1000x1xf32>
    %rsqrt3A = math.rsqrt %max3A_10 : vector<1000x1xf32>
    %get3A_11 = arith.constant 0 : index
    %get3A_12 = arith.constant 0 : index
    %get3A_13 = vector.load %arg2[%get3A_11, %get3A_12] : memref<1x256xf32, #tpu.memory_space<vmem>>, vector<1x64xf32>
    %get3A_14 = arith.constant 0 : index
    %get3A_15 = arith.constant 64 : index
    %get3A_16 = vector.load %arg2[%get3A_14, %get3A_15] : memref<1x256xf32, #tpu.memory_space<vmem>>, vector<1x64xf32>
    %add3A_17 = arith.addf %get3A_13, %get3A_16 : vector<1x64xf32>
    %get3A_18 = arith.constant 0 : index
    %get3A_19 = arith.constant 128 : index
    %get3A_20 = vector.load %arg2[%get3A_18, %get3A_19] : memref<1x256xf32, #tpu.memory_space<vmem>>, vector<1x64xf32>
    %add3A_21 = arith.addf %add3A_17, %get3A_20 : vector<1x64xf32>
    %get3A_22 = arith.constant 0 : index
    %get3A_23 = arith.constant 192 : index
    %get3A_24 = vector.load %arg2[%get3A_22, %get3A_23] : memref<1x256xf32, #tpu.memory_space<vmem>>, vector<1x64xf32>
    %add3A_25 = arith.addf %add3A_21, %get3A_24 : vector<1x64xf32>
    %mul3A = arith.constant 2.500000e-01 : f32
    %mul3A_26 = vector.broadcast %mul3A : f32 to vector<1x64xf32>
    %mul3A_27 = arith.mulf %mul3A_26, %add3A_25 : vector<1x64xf32>
    %get3A_28 = arith.constant 0 : index
    %get3A_29 = arith.constant 0 : index
    %get3A_30 = arith.constant 0 : index
    %get3A_31 = vector.load %arg1[%get3A_28, %get3A_29, %get3A_30] : memref<2x1000x64xf32, #tpu.memory_space<vmem>>, vector<1x1000x64xf32>
    %get3A_32 = vector.shape_cast %get3A_31 : vector<1x1000x64xf32> to vector<1000x64xf32>
    %get3A_33 = arith.constant 1 : index
    %get3A_34 = arith.constant 0 : index
    %get3A_35 = arith.constant 0 : index
    %get3A_36 = vector.load %arg1[%get3A_33, %get3A_34, %get3A_35] : memref<2x1000x64xf32, #tpu.memory_space<vmem>>, vector<1x1000x64xf32>
    %get3A_37 = vector.shape_cast %get3A_36 : vector<1x1000x64xf32> to vector<1000x64xf32>
    %add3A_38 = arith.addf %get3A_32, %get3A_37 : vector<1000x64xf32>
    %add3A_39 = vector.broadcast %mul3A_27 : vector<1x64xf32> to vector<1000x64xf32>
    %add3A_40 = arith.addf %add3A_38, %add3A_39 : vector<1000x64xf32>
    %get3A_41 = arith.constant 0 : index
    %get3A_42 = arith.constant 0 : index
    %get3A_43 = vector.load %arg4[%get3A_41, %get3A_42] : memref<64x1xf32, #tpu.memory_space<vmem>>, vector<64x1xf32>
    %dot_general3A = arith.constant dense<0.000000e+00> : vector<1000x1xf32>
    %dot_general3A_44 = tpu.matmul %add3A_40, %get3A_43, %dot_general3A {dimension_numbers = #tpu.dot_dimension_numbers<[1], [0], [0], [1], [0, 0, 1, 1], [], []>, transpose_lhs_hint = false} : vector<1000x64xf32>, vector<64x1xf32>, vector<1000x1xf32> -> vector<1000x1xf32>
    %mul3A_45 = arith.mulf %dot_general3A_44, %rsqrt3A : vector<1000x1xf32>
    %broadcast_in_dim3A = arith.constant 0.000000e+00 : f32
    %broadcast_in_dim3A_46 = vector.broadcast %broadcast_in_dim3A : f32 to vector<1000x16xf32>
    %swap3A = arith.constant 0 : index
    %swap3A_47 = arith.constant 0 : index
    %swap3A_48 = vector.load %arg5[%swap3A, %swap3A_47] : memref<1000x16xf32, #tpu.memory_space<vmem>>, vector<1000x16xf32>
    tpu.vector_store %arg5[%swap3A, %swap3A_47], %broadcast_in_dim3A_46 {strides = array<i32>} : memref<1000x16xf32, #tpu.memory_space<vmem>>, vector<1000x16xf32>,
    %swap3A_49 = arith.constant 0 : index
    %swap3A_50 = arith.constant 0 : index
    %swap3A_51 = vector.load %arg5[%swap3A_49, %swap3A_50] : memref<1000x16xf32, #tpu.memory_space<vmem>>, vector<1000x1xf32>
    tpu.vector_store %arg5[%swap3A_49, %swap3A_50], %mul3A_45 {strides = array<i32>} : memref<1000x16xf32, #tpu.memory_space<vmem>>, vector<1000x1xf32>,
    return
  }
  func.func @transform_0(%arg0: i32) -> (i32, i32, i32) {
    %c0_i32 = arith.constant 0 : i32
    %c0_i32_0 = arith.constant 0 : i32
    %c0_i32_1 = arith.constant 0 : i32
    return %c0_i32, %arg0, %c0_i32_0 : i32, i32, i32
  }
  func.func @transform_1(%arg0: i32) -> (i32, i32) {
    %c0_i32 = arith.constant 0 : i32
    %c0_i32_0 = arith.constant 0 : i32
    %c0_i32_1 = arith.constant 0 : i32
    return %c0_i32, %c0_i32_0 : i32, i32
  }
  func.func @transform_2(%arg0: i32) -> (i32, i32, i32) {
    %c0_i32 = arith.constant 0 : i32
    %c0_i32_0 = arith.constant 0 : i32
    %c0_i32_1 = arith.constant 0 : i32
    return %c0_i32, %arg0, %c0_i32_0 : i32, i32, i32
  }
  func.func @transform_3(%arg0: i32) -> (i32, i32) {
    %c0_i32 = arith.constant 0 : i32
    %c0_i32_0 = arith.constant 0 : i32
    %c0_i32_1 = arith.constant 0 : i32
    return %c0_i32, %c0_i32_0 : i32, i32
  }
  func.func @transform_4(%arg0: i32) -> (i32, i32) {
    %c0_i32 = arith.constant 0 : i32
    %c0_i32_0 = arith.constant 0 : i32
    return %arg0, %c0_i32 : i32, i32
  }
}

module attributes {stable_mosaic.version = 14 : i64} {
  func.func @body(%arg0: memref<2x10000x16xf32, #tpu.memory_space<vmem>>, %arg1: memref<2x10000x16xf32, #tpu.memory_space<vmem>>, %arg2: memref<1x1xf32, #tpu.memory_space<vmem>>, %arg3: memref<10000x1xf32, #tpu.memory_space<vmem>>, %arg4: memref<1x1xf32, #tpu.memory_space<vmem>>, %arg5: memref<1x1xf32, #tpu.memory_space<vmem>>, %arg6: memref<1x8xi32, #tpu.memory_space<vmem>>) attributes {dimension_semantics = [], scalar_prefetch = 0 : i64, scratch_operands = 0 : i64, tpu.core_type = #tpu.core_type<tc>} {
    %get3A = arith.constant 0 : index
    %get3A_0 = arith.constant 0 : index
    %get3A_1 = arith.constant 0 : index
    %get3A_2 = vector.load %arg1[%get3A, %get3A_0, %get3A_1] : memref<2x10000x16xf32, #tpu.memory_space<vmem>>, vector<1x10000x1xf32>
    %get3A_3 = vector.shape_cast %get3A_2 : vector<1x10000x1xf32> to vector<10000x1xf32>
    %get3A_4 = arith.constant 1 : index
    %get3A_5 = arith.constant 0 : index
    %get3A_6 = arith.constant 0 : index
    %get3A_7 = vector.load %arg1[%get3A_4, %get3A_5, %get3A_6] : memref<2x10000x16xf32, #tpu.memory_space<vmem>>, vector<1x10000x1xf32>
    %get3A_8 = vector.shape_cast %get3A_7 : vector<1x10000x1xf32> to vector<10000x1xf32>
    %add3A = arith.addf %get3A_3, %get3A_8 : vector<10000x1xf32>
    %max3A = arith.constant 1.000000e+00 : f32
    %max3A_9 = vector.broadcast %max3A : f32 to vector<10000x1xf32>
    %max3A_10 = arith.maximumf %add3A, %max3A_9 : vector<10000x1xf32>
    %rsqrt3A = math.rsqrt %max3A_10 : vector<10000x1xf32>
    %get3A_11 = arith.constant 0 : index
    %get3A_12 = arith.constant 0 : index
    %get3A_13 = arith.constant 0 : index
    %get3A_14 = vector.load %arg0[%get3A_11, %get3A_12, %get3A_13] : memref<2x10000x16xf32, #tpu.memory_space<vmem>>, vector<1x10000x1xf32>
    %get3A_15 = vector.shape_cast %get3A_14 : vector<1x10000x1xf32> to vector<10000x1xf32>
    %get3A_16 = arith.constant 1 : index
    %get3A_17 = arith.constant 0 : index
    %get3A_18 = arith.constant 0 : index
    %get3A_19 = vector.load %arg0[%get3A_16, %get3A_17, %get3A_18] : memref<2x10000x16xf32, #tpu.memory_space<vmem>>, vector<1x10000x1xf32>
    %get3A_20 = vector.shape_cast %get3A_19 : vector<1x10000x1xf32> to vector<10000x1xf32>
    %add3A_21 = arith.addf %get3A_15, %get3A_20 : vector<10000x1xf32>
    %mul3A = arith.mulf %add3A_21, %rsqrt3A : vector<10000x1xf32>
    %get3A_22 = arith.constant 0 : index
    %get3A_23 = arith.constant 0 : index
    %get3A_24 = vector.load %arg2[%get3A_22, %get3A_23] : memref<1x1xf32, #tpu.memory_space<vmem>>, vector<1x1xf32>
    %get3A_25 = vector.extract %get3A_24[0, 0] : f32 from vector<1x1xf32>
    %add3A_26 = vector.broadcast %get3A_25 : f32 to vector<10000x1xf32>
    %add3A_27 = arith.addf %mul3A, %add3A_26 : vector<10000x1xf32>
    %neg3A = arith.constant 0.000000e+00 : f32
    %neg3A_28 = vector.broadcast %neg3A : f32 to vector<10000x1xf32>
    %neg3A_29 = arith.subf %neg3A_28, %add3A_27 : vector<10000x1xf32>
    %exp3A = math.exp %neg3A_29 : vector<10000x1xf32>
    %add3A_30 = arith.constant 1.000000e+00 : f32
    %add3A_31 = vector.broadcast %add3A_30 : f32 to vector<10000x1xf32>
    %add3A_32 = arith.addf %add3A_31, %exp3A : vector<10000x1xf32>
    %div3A = arith.constant 1.000000e+00 : f32
    %div3A_33 = vector.broadcast %div3A : f32 to vector<10000x1xf32>
    %div3A_34 = arith.divf %div3A_33, %add3A_32 : vector<10000x1xf32>
    %swap3A = arith.constant 0 : index
    %swap3A_35 = arith.constant 0 : index
    %swap3A_36 = vector.load %arg3[%swap3A, %swap3A_35] : memref<10000x1xf32, #tpu.memory_space<vmem>>, vector<10000x1xf32>
    tpu.vector_store %arg3[%swap3A, %swap3A_35], %div3A_34 {strides = array<i32>} : memref<10000x1xf32, #tpu.memory_space<vmem>>, vector<10000x1xf32>,
    %reduce_sum3A = vector.shape_cast %div3A_34 : vector<10000x1xf32> to vector<1x10000x1xf32>
    %reduce_sum3A_37 = arith.constant dense<0.000000e+00> : vector<1xf32>
    %reduce_sum3A_38 = vector.multi_reduction <add>, %reduce_sum3A, %reduce_sum3A_37 [1, 2] : vector<1x10000x1xf32> to vector<1xf32>
    %reduce_sum3A_39 = vector.shape_cast %reduce_sum3A_38 : vector<1xf32> to vector<1x1x1xf32>
    %reduce_sum3A_40 = vector.extract %reduce_sum3A_39[0, 0, 0] : f32 from vector<1x1x1xf32>
    %broadcast_in_dim3A = vector.broadcast %reduce_sum3A_40 : f32 to vector<1x1xf32>
    %div3A_41 = arith.constant 1.000000e+04 : f32
    %div3A_42 = vector.broadcast %div3A_41 : f32 to vector<1x1xf32>
    %div3A_43 = arith.divf %broadcast_in_dim3A, %div3A_42 : vector<1x1xf32>
    %swap3A_44 = arith.constant 0 : index
    %swap3A_45 = arith.constant 0 : index
    %swap3A_46 = vector.load %arg4[%swap3A_44, %swap3A_45] : memref<1x1xf32, #tpu.memory_space<vmem>>, vector<1x1xf32>
    tpu.vector_store %arg4[%swap3A_44, %swap3A_45], %div3A_43 {strides = array<i32>} : memref<1x1xf32, #tpu.memory_space<vmem>>, vector<1x1xf32>,
    %gt3A = arith.constant 0.000000e+00 : f32
    %gt3A_47 = vector.broadcast %gt3A : f32 to vector<10000x1xf32>
    %gt3A_48 = arith.cmpf ogt, %add3A, %gt3A_47 : vector<10000x1xf32>
    %jit3A = arith.constant 1.000000e+00 : f32
    %jit3A_49 = arith.constant 0.000000e+00 : f32
    %broadcast_in_dim3A_50 = vector.broadcast %jit3A : f32 to vector<10000x1xf32>
    %broadcast_in_dim3A_51 = vector.broadcast %jit3A_49 : f32 to vector<10000x1xf32>
    %select_n3A = arith.select %gt3A_48, %broadcast_in_dim3A_50, %broadcast_in_dim3A_51 : vector<10000x1xi1>, vector<10000x1xf32>
    %reduce_sum3A_52 = vector.shape_cast %select_n3A : vector<10000x1xf32> to vector<1x10000x1xf32>
    %reduce_sum3A_53 = arith.constant dense<0.000000e+00> : vector<1xf32>
    %reduce_sum3A_54 = vector.multi_reduction <add>, %reduce_sum3A_52, %reduce_sum3A_53 [1, 2] : vector<1x10000x1xf32> to vector<1xf32>
    %reduce_sum3A_55 = vector.shape_cast %reduce_sum3A_54 : vector<1xf32> to vector<1x1x1xf32>
    %reduce_sum3A_56 = vector.extract %reduce_sum3A_55[0, 0, 0] : f32 from vector<1x1x1xf32>
    %broadcast_in_dim3A_57 = vector.broadcast %reduce_sum3A_56 : f32 to vector<1x1xf32>
    %div3A_58 = arith.constant 3.200000e+05 : f32
    %div3A_59 = vector.broadcast %div3A_58 : f32 to vector<1x1xf32>
    %div3A_60 = arith.divf %broadcast_in_dim3A_57, %div3A_59 : vector<1x1xf32>
    %swap3A_61 = arith.constant 0 : index
    %swap3A_62 = arith.constant 0 : index
    %swap3A_63 = vector.load %arg5[%swap3A_61, %swap3A_62] : memref<1x1xf32, #tpu.memory_space<vmem>>, vector<1x1xf32>
    tpu.vector_store %arg5[%swap3A_61, %swap3A_62], %div3A_60 {strides = array<i32>} : memref<1x1xf32, #tpu.memory_space<vmem>>, vector<1x1xf32>,
    %iota3A = tpu.iota {dimensions = array<i32: 0>} : vector<10000x1xi32>
    %iota3A_64 = tpu.iota {dimensions = array<i32: 1>} : vector<1x8xi32>
    %broadcast_in_dim3A_65 = arith.constant 0 : i32
    %broadcast_in_dim3A_66 = vector.broadcast %broadcast_in_dim3A_65 : i32 to vector<1x8xi32>
    %reduce_max3A = vector.shape_cast %div3A_34 : vector<10000x1xf32> to vector<1x10000x1xf32>
    %reduce_max3A_67 = arith.constant dense<0xFF800000> : vector<1xf32>
    %reduce_max3A_68 = vector.multi_reduction <maximumf>, %reduce_max3A, %reduce_max3A_67 [1, 2] : vector<1x10000x1xf32> to vector<1xf32>
    %reduce_max3A_69 = vector.shape_cast %reduce_max3A_68 : vector<1xf32> to vector<1x1x1xf32>
    %reduce_max3A_70 = vector.extract %reduce_max3A_69[0, 0, 0] : f32 from vector<1x1x1xf32>
    %eq3A = vector.broadcast %reduce_max3A_70 : f32 to vector<10000x1xf32>
    %eq3A_71 = arith.cmpf oeq, %div3A_34, %eq3A : vector<10000x1xf32>
    %jit3A_72 = arith.constant 10000 : i32
    %broadcast_in_dim3A_73 = vector.broadcast %jit3A_72 : i32 to vector<10000x1xi32>
    %select_n3A_74 = arith.select %eq3A_71, %iota3A, %broadcast_in_dim3A_73 : vector<10000x1xi1>, vector<10000x1xi32>
    %reduce_min3A = vector.shape_cast %select_n3A_74 : vector<10000x1xi32> to vector<1x10000x1xi32>
    %reduce_min3A_75 = arith.constant dense<2147483647> : vector<1xi32>
    %reduce_min3A_76 = vector.multi_reduction <minsi>, %reduce_min3A, %reduce_min3A_75 [1, 2] : vector<1x10000x1xi32> to vector<1xi32>
    %reduce_min3A_77 = vector.shape_cast %reduce_min3A_76 : vector<1xi32> to vector<1x1x1xi32>
    %reduce_min3A_78 = vector.extract %reduce_min3A_77[0, 0, 0] : i32 from vector<1x1x1xi32>
    %eq3A_79 = arith.constant 0 : i32
    %eq3A_80 = vector.broadcast %eq3A_79 : i32 to vector<1x8xi32>
    %eq3A_81 = arith.cmpi eq, %iota3A_64, %eq3A_80 : vector<1x8xi32>
    %broadcast_in_dim3A_82 = vector.broadcast %reduce_min3A_78 : i32 to vector<1x8xi32>
    %select_n3A_83 = arith.select %eq3A_81, %broadcast_in_dim3A_82, %broadcast_in_dim3A_66 : vector<1x8xi1>, vector<1x8xi32>
    %eq3A_84 = vector.broadcast %reduce_min3A_78 : i32 to vector<10000x1xi32>
    %eq3A_85 = arith.cmpi eq, %iota3A, %eq3A_84 : vector<10000x1xi32>
    %jit3A_86 = arith.constant -1.000000e+00 : f32
    %broadcast_in_dim3A_87 = vector.broadcast %jit3A_86 : f32 to vector<10000x1xf32>
    %select_n3A_88 = arith.select %eq3A_85, %broadcast_in_dim3A_87, %div3A_34 : vector<10000x1xi1>, vector<10000x1xf32>
    %reduce_max3A_89 = vector.shape_cast %select_n3A_88 : vector<10000x1xf32> to vector<1x10000x1xf32>
    %reduce_max3A_90 = arith.constant dense<0xFF800000> : vector<1xf32>
    %reduce_max3A_91 = vector.multi_reduction <maximumf>, %reduce_max3A_89, %reduce_max3A_90 [1, 2] : vector<1x10000x1xf32> to vector<1xf32>
    %reduce_max3A_92 = vector.shape_cast %reduce_max3A_91 : vector<1xf32> to vector<1x1x1xf32>
    %reduce_max3A_93 = vector.extract %reduce_max3A_92[0, 0, 0] : f32 from vector<1x1x1xf32>
    %eq3A_94 = vector.broadcast %reduce_max3A_93 : f32 to vector<10000x1xf32>
    %eq3A_95 = arith.cmpf oeq, %select_n3A_88, %eq3A_94 : vector<10000x1xf32>
    %jit3A_96 = arith.constant 10000 : i32
    %broadcast_in_dim3A_97 = vector.broadcast %jit3A_96 : i32 to vector<10000x1xi32>
    %select_n3A_98 = arith.select %eq3A_95, %iota3A, %broadcast_in_dim3A_97 : vector<10000x1xi1>, vector<10000x1xi32>
    %reduce_min3A_99 = vector.shape_cast %select_n3A_98 : vector<10000x1xi32> to vector<1x10000x1xi32>
    %reduce_min3A_100 = arith.constant dense<2147483647> : vector<1xi32>
    %reduce_min3A_101 = vector.multi_reduction <minsi>, %reduce_min3A_99, %reduce_min3A_100 [1, 2] : vector<1x10000x1xi32> to vector<1xi32>
    %reduce_min3A_102 = vector.shape_cast %reduce_min3A_101 : vector<1xi32> to vector<1x1x1xi32>
    %reduce_min3A_103 = vector.extract %reduce_min3A_102[0, 0, 0] : i32 from vector<1x1x1xi32>
    %eq3A_104 = arith.constant 1 : i32
    %eq3A_105 = vector.broadcast %eq3A_104 : i32 to vector<1x8xi32>
    %eq3A_106 = arith.cmpi eq, %iota3A_64, %eq3A_105 : vector<1x8xi32>
    %broadcast_in_dim3A_107 = vector.broadcast %reduce_min3A_103 : i32 to vector<1x8xi32>
    %select_n3A_108 = arith.select %eq3A_106, %broadcast_in_dim3A_107, %select_n3A_83 : vector<1x8xi1>, vector<1x8xi32>
    %eq3A_109 = vector.broadcast %reduce_min3A_103 : i32 to vector<10000x1xi32>
    %eq3A_110 = arith.cmpi eq, %iota3A, %eq3A_109 : vector<10000x1xi32>
    %jit3A_111 = arith.constant -1.000000e+00 : f32
    %broadcast_in_dim3A_112 = vector.broadcast %jit3A_111 : f32 to vector<10000x1xf32>
    %select_n3A_113 = arith.select %eq3A_110, %broadcast_in_dim3A_112, %select_n3A_88 : vector<10000x1xi1>, vector<10000x1xf32>
    %reduce_max3A_114 = vector.shape_cast %select_n3A_113 : vector<10000x1xf32> to vector<1x10000x1xf32>
    %reduce_max3A_115 = arith.constant dense<0xFF800000> : vector<1xf32>
    %reduce_max3A_116 = vector.multi_reduction <maximumf>, %reduce_max3A_114, %reduce_max3A_115 [1, 2] : vector<1x10000x1xf32> to vector<1xf32>
    %reduce_max3A_117 = vector.shape_cast %reduce_max3A_116 : vector<1xf32> to vector<1x1x1xf32>
    %reduce_max3A_118 = vector.extract %reduce_max3A_117[0, 0, 0] : f32 from vector<1x1x1xf32>
    %eq3A_119 = vector.broadcast %reduce_max3A_118 : f32 to vector<10000x1xf32>
    %eq3A_120 = arith.cmpf oeq, %select_n3A_113, %eq3A_119 : vector<10000x1xf32>
    %jit3A_121 = arith.constant 10000 : i32
    %broadcast_in_dim3A_122 = vector.broadcast %jit3A_121 : i32 to vector<10000x1xi32>
    %select_n3A_123 = arith.select %eq3A_120, %iota3A, %broadcast_in_dim3A_122 : vector<10000x1xi1>, vector<10000x1xi32>
    %reduce_min3A_124 = vector.shape_cast %select_n3A_123 : vector<10000x1xi32> to vector<1x10000x1xi32>
    %reduce_min3A_125 = arith.constant dense<2147483647> : vector<1xi32>
    %reduce_min3A_126 = vector.multi_reduction <minsi>, %reduce_min3A_124, %reduce_min3A_125 [1, 2] : vector<1x10000x1xi32> to vector<1xi32>
    %reduce_min3A_127 = vector.shape_cast %reduce_min3A_126 : vector<1xi32> to vector<1x1x1xi32>
    %reduce_min3A_128 = vector.extract %reduce_min3A_127[0, 0, 0] : i32 from vector<1x1x1xi32>
    %eq3A_129 = arith.constant 2 : i32
    %eq3A_130 = vector.broadcast %eq3A_129 : i32 to vector<1x8xi32>
    %eq3A_131 = arith.cmpi eq, %iota3A_64, %eq3A_130 : vector<1x8xi32>
    %broadcast_in_dim3A_132 = vector.broadcast %reduce_min3A_128 : i32 to vector<1x8xi32>
    %select_n3A_133 = arith.select %eq3A_131, %broadcast_in_dim3A_132, %select_n3A_108 : vector<1x8xi1>, vector<1x8xi32>
    %eq3A_134 = vector.broadcast %reduce_min3A_128 : i32 to vector<10000x1xi32>
    %eq3A_135 = arith.cmpi eq, %iota3A, %eq3A_134 : vector<10000x1xi32>
    %jit3A_136 = arith.constant -1.000000e+00 : f32
    %broadcast_in_dim3A_137 = vector.broadcast %jit3A_136 : f32 to vector<10000x1xf32>
    %select_n3A_138 = arith.select %eq3A_135, %broadcast_in_dim3A_137, %select_n3A_113 : vector<10000x1xi1>, vector<10000x1xf32>
    %reduce_max3A_139 = vector.shape_cast %select_n3A_138 : vector<10000x1xf32> to vector<1x10000x1xf32>
    %reduce_max3A_140 = arith.constant dense<0xFF800000> : vector<1xf32>
    %reduce_max3A_141 = vector.multi_reduction <maximumf>, %reduce_max3A_139, %reduce_max3A_140 [1, 2] : vector<1x10000x1xf32> to vector<1xf32>
    %reduce_max3A_142 = vector.shape_cast %reduce_max3A_141 : vector<1xf32> to vector<1x1x1xf32>
    %reduce_max3A_143 = vector.extract %reduce_max3A_142[0, 0, 0] : f32 from vector<1x1x1xf32>
    %eq3A_144 = vector.broadcast %reduce_max3A_143 : f32 to vector<10000x1xf32>
    %eq3A_145 = arith.cmpf oeq, %select_n3A_138, %eq3A_144 : vector<10000x1xf32>
    %jit3A_146 = arith.constant 10000 : i32
    %broadcast_in_dim3A_147 = vector.broadcast %jit3A_146 : i32 to vector<10000x1xi32>
    %select_n3A_148 = arith.select %eq3A_145, %iota3A, %broadcast_in_dim3A_147 : vector<10000x1xi1>, vector<10000x1xi32>
    %reduce_min3A_149 = vector.shape_cast %select_n3A_148 : vector<10000x1xi32> to vector<1x10000x1xi32>
    %reduce_min3A_150 = arith.constant dense<2147483647> : vector<1xi32>
    %reduce_min3A_151 = vector.multi_reduction <minsi>, %reduce_min3A_149, %reduce_min3A_150 [1, 2] : vector<1x10000x1xi32> to vector<1xi32>
    %reduce_min3A_152 = vector.shape_cast %reduce_min3A_151 : vector<1xi32> to vector<1x1x1xi32>
    %reduce_min3A_153 = vector.extract %reduce_min3A_152[0, 0, 0] : i32 from vector<1x1x1xi32>
    %eq3A_154 = arith.constant 3 : i32
    %eq3A_155 = vector.broadcast %eq3A_154 : i32 to vector<1x8xi32>
    %eq3A_156 = arith.cmpi eq, %iota3A_64, %eq3A_155 : vector<1x8xi32>
    %broadcast_in_dim3A_157 = vector.broadcast %reduce_min3A_153 : i32 to vector<1x8xi32>
    %select_n3A_158 = arith.select %eq3A_156, %broadcast_in_dim3A_157, %select_n3A_133 : vector<1x8xi1>, vector<1x8xi32>
    %eq3A_159 = vector.broadcast %reduce_min3A_153 : i32 to vector<10000x1xi32>
    %eq3A_160 = arith.cmpi eq, %iota3A, %eq3A_159 : vector<10000x1xi32>
    %jit3A_161 = arith.constant -1.000000e+00 : f32
    %broadcast_in_dim3A_162 = vector.broadcast %jit3A_161 : f32 to vector<10000x1xf32>
    %select_n3A_163 = arith.select %eq3A_160, %broadcast_in_dim3A_162, %select_n3A_138 : vector<10000x1xi1>, vector<10000x1xf32>
    %reduce_max3A_164 = vector.shape_cast %select_n3A_163 : vector<10000x1xf32> to vector<1x10000x1xf32>
    %reduce_max3A_165 = arith.constant dense<0xFF800000> : vector<1xf32>
    %reduce_max3A_166 = vector.multi_reduction <maximumf>, %reduce_max3A_164, %reduce_max3A_165 [1, 2] : vector<1x10000x1xf32> to vector<1xf32>
    %reduce_max3A_167 = vector.shape_cast %reduce_max3A_166 : vector<1xf32> to vector<1x1x1xf32>
    %reduce_max3A_168 = vector.extract %reduce_max3A_167[0, 0, 0] : f32 from vector<1x1x1xf32>
    %eq3A_169 = vector.broadcast %reduce_max3A_168 : f32 to vector<10000x1xf32>
    %eq3A_170 = arith.cmpf oeq, %select_n3A_163, %eq3A_169 : vector<10000x1xf32>
    %jit3A_171 = arith.constant 10000 : i32
    %broadcast_in_dim3A_172 = vector.broadcast %jit3A_171 : i32 to vector<10000x1xi32>
    %select_n3A_173 = arith.select %eq3A_170, %iota3A, %broadcast_in_dim3A_172 : vector<10000x1xi1>, vector<10000x1xi32>
    %reduce_min3A_174 = vector.shape_cast %select_n3A_173 : vector<10000x1xi32> to vector<1x10000x1xi32>
    %reduce_min3A_175 = arith.constant dense<2147483647> : vector<1xi32>
    %reduce_min3A_176 = vector.multi_reduction <minsi>, %reduce_min3A_174, %reduce_min3A_175 [1, 2] : vector<1x10000x1xi32> to vector<1xi32>
    %reduce_min3A_177 = vector.shape_cast %reduce_min3A_176 : vector<1xi32> to vector<1x1x1xi32>
    %reduce_min3A_178 = vector.extract %reduce_min3A_177[0, 0, 0] : i32 from vector<1x1x1xi32>
    %eq3A_179 = arith.constant 4 : i32
    %eq3A_180 = vector.broadcast %eq3A_179 : i32 to vector<1x8xi32>
    %eq3A_181 = arith.cmpi eq, %iota3A_64, %eq3A_180 : vector<1x8xi32>
    %broadcast_in_dim3A_182 = vector.broadcast %reduce_min3A_178 : i32 to vector<1x8xi32>
    %select_n3A_183 = arith.select %eq3A_181, %broadcast_in_dim3A_182, %select_n3A_158 : vector<1x8xi1>, vector<1x8xi32>
    %swap3A_184 = arith.constant 0 : index
    %swap3A_185 = arith.constant 0 : index
    %swap3A_186 = vector.load %arg6[%swap3A_184, %swap3A_185] : memref<1x8xi32, #tpu.memory_space<vmem>>, vector<1x8xi32>
    tpu.vector_store %arg6[%swap3A_184, %swap3A_185], %select_n3A_183 {strides = array<i32>} : memref<1x8xi32, #tpu.memory_space<vmem>>, vector<1x8xi32>,
    return
  }
}

</mosaic_0001>

<sc_bundles>
// kernel: kernel.13.cloned.1.call-start
scs
__scs_entry_jumppad:
0x0: {  	(pc) =	sbr.rel $0x88, $3  }
0x1: {  	(tag) =	ssettag $0x0;
	lr =	simm.s32 $0x1  }
0x2: {  	[smem:$0x3F95] =	sst lr;
	_ =	strace $0xD0000000  }
0x3: {  	_ = 	snop  }
0x4: {  	_ = 	snop  }
0x5: {  	_ = 	snop  }
0x6: {  	_ = 	snop  }
0x7: {  	_ = 	snop  }
__scs_overlays_trampoline_lowered:
0x8: {  	[smem:$0x3FA4] =	sst s0  }
0x9: {  	[smem:$0x3FA5] =	sst s1  }
0xa: {  	[smem:$0x3FA6] =	sst s2  }
0xb: {  	[smem:$0x3FA7] =	sst s3  }
0xc: {  	[smem:$0x3FA8] =	sst s4  }
0xd: {  	[smem:$0x3FA9] =	sst s5  }
0xe: {  	[smem:$0x3FAA] =	sst s6  }
0xf: {  	[smem:$0x3FAB] =	sst s7  }
0x10: {  	[smem:$0x3FAC] =	sst s8  }
0x11: {  	[smem:$0x3FAD] =	sst s9;
	s0 =	simm.s32 @!p0 $0x0  }
0x12: {  	s1 =	sld [smem:$0x3F93];
	s0 =	simm.s32 @p0 $0x1  }
0x13: {  	[smem:$0x3FAE] =	sst s0;
	s0 =	simm.s32 @!p1 $0x0  }
0x14: {  	s2 =	sld [smem:$0x3F92];
	s0 =	simm.s32 @p1 $0x1  }
0x15: {  	[smem:$0x3FAF] =	sst s0;
	s0 =	simm.s32 @!p2 $0x0  }
0x16: {  	s3 =	sld [smem:$0x3FDB];
	s0 =	simm.s32 @p2 $0x1  }
0x17: {  	s4 =	simm.s32 $0x1BF5;
	[smem:$0x3FB1] =	sst s0  }
0x18: {  	s0 =	sld [smem:$0x3F94];
	_ =	swait.ge [sflag:s4], $0x0  }
0x19: {  	s7 =	sld [smem:$0x3F95]  }
0x1a: {  	s8 =	sadd.s32 $0xFFFFE003, lr  }
0x1b: {  	s9 =	sadd.s32 $0xFFFFFEF7, lr;
	s5 =	simm.s32 $0xFFFFFFFF;
	p2 =	slt.u32 s8, $0xFFFFF086  }
0x1c: {  	p1 =	slt.u32 s9, $0xF7A;
	s5 =	simm.s32 @!p2 $0x0  }
0x1d: {  	s5 =	simm.s32 @p1 $0x1;
	p0 =	seq.s32 s7, s2  }
0x1e: {  	s7 =	smul.u32 @!p0 $0xF7A, s2;
	p2 =	seq.s32 @!p0 s5, $0x0  }
0x1f: {  	s9 =	smul.u32 $0xF7A, s1;
	s8 =	simm.s32 @!p0 $0x1BF5;
	p2 =	por !p2, p0  }
0x20: {  	[sflag:s8] =	ssyncset.s32 @!p0 $0xFFFFF086;
	s6 =	sadd.s32 @!p0 s3, s7;
	s7 =	simm.s32 @!p0 $0x108  }
0x21: {  	s3 =	sadd.s32 s3, s9;
	s6 =	sadd.s32 @!p0 $0x88, s6;
	s7 =	simm.s32 @p2 $0x1082  }
0x22: {  	[simem:s7], [sflag:s8] =	dma.local @!p0 [hbm:s6], $0xF7A  }
0x23: {  	s9 =	sor.u32 $0xD0000000, s2;
	s6 =	simm.s32 $0x108;
	_ =	swait.ge @!p0 [sflag:s8], $0x0  }
0x24: {  	s3 =	sadd.s32 $0x88, s3;
	s6 =	simm.s32 @!p1 $0x1082;
	[sflag:s4] =	ssyncset.s32 $0xFFFFF086  }
0x25: {  	[simem:s6], [sflag:s4] =	dma.local [hbm:s3], $0xF7A  }
0x26: {  	[smem:$0x3F95] =	sst s1;
	(tag) =	ssettag s2;
	_ =	strace s9  }
0x27: {  	s1 =	sld [smem:$0x3FA5]  }
0x28: {  	s2 =	sld [smem:$0x3FA6]  }
0x29: {  	s4 =	sld [smem:$0x3FA8]  }
0x2a: {  	p0 =	seq.s32 s5, $0x0;
	s5 =	sld [smem:$0x3FA9]  }
0x2b: {  	s6 =	sld [smem:$0x3FAA]  }
0x2c: {  	s7 =	sld [smem:$0x3FAB]  }
0x2d: {  	s3 =	simm.s32 $0x108;
	s8 =	sld [smem:$0x3FAC]  }
0x2e: {  	s3 =	simm.s32 @!p0 $0x1082;
	s9 =	sld [smem:$0x3FAD]  }
0x2f: {  	lr =	sadd.s32 s0, s3;
	s0 =	sld [smem:$0x3FA4]  }
0x30: {  	s3 =	sld [smem:$0x3FA7]  }
0x31: {  	[smem:$0x3FB0] =	sst s10  }
0x32: {  	s10 =	sld [smem:$0x3FAE];
	_ =	sdelay $0x3  }
0x33: {  	p0 =	seq.s32 s10, $0x1;
	s10 =	sld [smem:$0x3FB0];
	_ =	sdelay $0x3  }
0x34: {  	[smem:$0x3FB0] =	sst s10  }
0x35: {  	s10 =	sld [smem:$0x3FAF];
	_ =	sdelay $0x3  }
0x36: {  	p1 =	seq.s32 s10, $0x1;
	s10 =	sld [smem:$0x3FB0];
	_ =	sdelay $0x3  }
0x37: {  	[smem:$0x3FB0] =	sst s10  }
0x38: {  	s10 =	sld [smem:$0x3FB1]  }
0x39: {  	_ = 	snop;
	(pc) =	sbr.ind lr, $3  }
0x3a: {  	_ = 	snop  }
0x3b: {  	_ = 	snop  }
0x3c: {  	p2 =	seq.s32 s10, $0x1;
	s10 =	sld [smem:$0x3FB0]  }
0x3d: {  	_ =	shalt  }
0x3e: {  	_ =	shalt  }
0x3f: {  	_ =	shalt  }
0x40: {  	_ =	shalt  }
0x41: {  	_ =	shalt  }
0x42: {  	_ =	shalt  }
0x43: {  	_ =	shalt  }
0x44: {  	_ =	shalt  }
0x45: {  	_ =	shalt  }
0x46: {  	_ =	shalt  }
0x47: {  	_ =	shalt  }
0x48: {  	_ =	shalt  }
0x49: {  	_ =	shalt  }
0x4a: {  	_ =	shalt  }
0x4b: {  	_ =	shalt  }
0x4c: {  	_ =	shalt  }
0x4d: {  	_ =	shalt  }
0x4e: {  	_ =	shalt  }
0x4f: {  	_ =	shalt  }
0x50: {  	_ =	shalt  }
0x51: {  	_ =	shalt  }
0x52: {  	_ =	shalt  }
0x53: {  	_ =	shalt  }
0x54: {  	_ =	shalt  }
0x55: {  	_ =	shalt  }
0x56: {  	_ =	shalt  }
0x57: {  	_ =	shalt  }
0x58: {  	_ =	shalt  }
0x59: {  	_ =	shalt  }
0x5a: {  	_ =	shalt  }
0x5b: {  	_ =	shalt  }
0x5c: {  	_ =	shalt  }
0x5d: {  	_ =	shalt  }
0x5e: {  	_ =	shalt  }
0x5f: {  	_ =	shalt  }
0x60: {  	_ =	shalt  }
0x61: {  	_ =	shalt  }
0x62: {  	_ =	shalt  }
0x63: {  	_ =	shalt  }
0x64: {  	_ =	shalt  }
0x65: {  	_ =	shalt  }
0x66: {  	_ =	shalt  }
0x67: {  	_ =	shalt  }
0x68: {  	_ =	shalt  }
0x69: {  	_ =	shalt  }
0x6a: {  	_ =	shalt  }
0x6b: {  	_ =	shalt  }
0x6c: {  	_ =	shalt  }
0x6d: {  	_ =	shalt  }
0x6e: {  	_ =	shalt  }
0x6f: {  	_ =	shalt  }
0x70: {  	_ =	shalt  }
0x71: {  	_ =	shalt  }
0x72: {  	_ =	shalt  }
0x73: {  	_ =	shalt  }
0x74: {  	_ =	shalt  }
0x75: {  	_ =	shalt  }
0x76: {  	_ =	shalt  }
0x77: {  	_ =	shalt  }
0x78: {  	_ =	shalt  }
0x79: {  	_ =	shalt  }
0x7a: {  	_ =	shalt  }
0x7b: {  	_ =	shalt  }
0x7c: {  	_ =	shalt  }
0x7d: {  	_ =	shalt  }
0x7e: {  	_ =	shalt  }
0x7f: {  	_ =	shalt  }
0x80: {  	_ =	shalt  }
0x81: {  	_ =	shalt  }
0x82: {  	_ =	shalt  }
0x83: {  	_ =	shalt  }
0x84: {  	_ =	shalt  }
0x85: {  	_ =	shalt  }
0x86: {  	_ =	shalt  }
0x87: {  	_ =	shalt  }
.Lfunc_end0:
.L_simem_size_0:
called_computation_lowered:
.L_overlay_start_0:
0x88: {  	s2 =	sld [smem:$0x3FD9]  }
0x89: {  	s3 =	sld [smem:$0x3FFE];
	_ =	sdelay $0x1  }
0x8a: {  	s1 =	srdreg.scid  }
0x8b: {  	s0 =	sand.u32 $0x1, s1  }
0x8c: {  	s16 =	sshll.u32 s0, $0xA;
	s2 =	sadd.s32 s3, s2  }
0x8d: {  	s2 =	sadd.s32 s2, s16  }
0x8e: {  	[smem:$0x3FBC] =	sst s2  }
0x8f: {  	_ = 	snop  }
0x90: {  	(tm) =	ssettm $0x1  }
0x91: {  	s17 =	sld [smem:$0x3FFB];
	_ =	sdelay $0x3  }
0x92: {  	_ =	strace s17  }
0x93: {  	s2 =	sld [smem:$0x3FFC];
	_ =	sdelay $0x3  }
0x94: {  	_ =	strace s2  }
0x95: {  	s2 =	sld [smem:$0x3FFD];
	_ =	sdelay $0x3  }
0x96: {  	_ =	strace s2  }
0x97: {  	_ =	strace $0x8FFFFFFF  }
0x98: {  	s18 =	sld [smem:$0x3FDB];
	_ =	sdelay $0x1  }
0x99: {  	s19 =	simm.s32 $_scs_section_size  }
0x9a: {  	s4 =	simm.s32 $_size__tile_overlayer_lowered;
	s5 =	simm.s32 $_tile_overlayer_lowered  }
0x9b: {  	s22 =	simm.s32 $0x1BFF;
	s21 =	sshll.u32 s5, $0x1;
	s2 =	sadd.s32 s19, s18  }
0x9c: {  	s6 =	simm.s32 $0x0;
	s20 =	sshll.u32 s4, $0x1;
	s4 =	sadd.s32 s21, s2  }
0x9d: {  	[timem:s6], [sflag:s22] =	dma.local [hbm:s4], s20  }
0x9e: {  	_ =	swait.ge [sflag:s22], s20  }
0x9f: {  	s3 =	ssub.s32 $0x0, s20;
	[sflag:s22] =	ssyncset.done $0x0  }
0xa0: {  	[sflag:s22] =	ssyncadd.s32 s3;
	_ =	sdelay $0x1  }
0xa1: {  	s23 =	simm.s32 $0x1B8B  }
0xa2: {  	_ =	swait.ge [sflag:s23], $0x1  }
0xa3: {  	[sflag:s23] =	ssyncset.done $0x0  }
0xa4: {  	s25 =	simm.s32 $0x1B8E;
	s24 =	sld [smem:$0x3FFE];
	[sflag:s23] =	ssyncadd.s32 $0xFFFFFFFF  }
0xa5: {  	s26 =	simm.s32 $execute0_lowered;
	[smem:$0x3FD2] =	sst s25  }
0xa6: {  	s4 =	sshll.u32 s26, $0x1;
	_ =	strace $0x80000046;
	[dreg:$0x1] =	wrdreg $0xFFFFFFFF  }
0xa7: {  	s28 =	simm.s32 $_size_execute0_lowered;
	s2 =	sadd.s32 s2, s4;
	[dreg:$0x0] =	wrdreg $0x0  }
0xa8: {  	s4 =	sshll.u32 s28, $0x1;
	[dreg:$0x2] =	wrdreg s2  }
0xa9: {  	[dreg:$0x3] =	wrdreg s4  }
0xaa: {  	[dreg:$0x4] =	wrdreg $0xC0  }
0xab: {  	_ =	task [dreg:s6], $0x5FFFF  }
0xac: {  	[dreg:$0x1] =	wrdreg $0xFFFFFFFF  }
0xad: {  	[dreg:$0x0] =	wrdreg $0x60  }
0xae: {  	[dreg:$0x2] =	wrdreg s24  }
0xaf: {  	[dreg:$0x3] =	wrdreg $0x15800  }
0xb0: {  	[dreg:$0x4] =	wrdreg $0x3C900  }
0xb1: {  	[dreg:$0x5] =	wrdreg $0x9  }
0xb2: {  	_ =	task.clear_ibuf [dreg:s6], $0x6FFFF;
	_ =	strace $0x90000046  }
0xb3: {  	s29 =	simm.s32 $0x9;
	_ =	strace $0x80000048  }
0xb4: {  	_ =	swait.ge [sflag:s29], $0x1  }
0xb5: {  	[sflag:s29] =	ssyncadd.s32 $0xFFFFFFFF  }
0xb6: {  	_ =	strace $0x90000048  }
0xb7: {  	_ =	sfence  }
0xb8: {  	s30 =	sld [smem:$0x0];
	_ =	sdelay $0x2  }
0xb9: {  	s31 =	sshll.u32 s1, $0xD;
	s1 =	sshrl.u32 s1, $0x2  }
0xba: {  	s3 =	sand.u32 $0x4000, s31;
	s1 =	sadd.s32 s1, s30  }
0xbb: {  	s0 =	sor.u32 s3, s0;
	s1 =	sshll.u32 s1, $0x11  }
0xbc: {  	s0 =	sor.u32 s1, s0  }
0xbd: {  	s0 =	sadd.s32 $0x8F2B, s0  }
0xbe: {  	[sflag:s0] =	ssyncadd.remote.s32 $0x1  }
0xbf: {  	_ =	sfence.sel $0xFFFF  }
0xc0: {  	[dreg:$0x0] =	wrdreg $0xFFFFFFFF;
	(pc) =	sbr.abs _section_cstart, $3  }
0xc1: {  	[dreg:$0x1] =	wrdreg $0xFFFFFFFF  }
0xc2: {  	_ =	task.clear_ibuf [dreg:s6], $0x2FFFF;
	_ =	strace $0x9FFFFFFF  }
0xc3: {  	(tm) =	ssettm $0x7FFFFFFF  }
tec
execute0_lowered:
.L_overlay_start_1:
0x0: {  	(tag) =	ssettag $0x1  }
0x1: {  	s5 =	rddreg [dreg:$0x0]  }
0x2: {  	s1 =	rddreg [dreg:$0x1]  }
0x3: {  	s2 =	rddreg [dreg:$0x2];
	s3 =	srdreg.scid;
	s4 =	simm.s32 $0x0  }
0x4: {  	s6 =	sand.u32 $0x1, s3;
	s3 =	stileid.u32;
	[smem:$0x7FF] =	sst s4  }
0x5: {  	s20 =	sadd.s32 $0x17600, s5;
	s21 =	sadd.s32 $0x21400, s5;
	s17 =	smul.u32 $0x27100, s6  }
0x6: {  	s7 =	sshll.u32 s3, $0x7;
	_ =	strace $0x80000047;
	s6 =	ssub.s32 $0x2, s6  }
0x7: {  	s11 =	smul.u32 $0xC80, s3;
	s24 =	sor.u32 $0x30, s3;
	s8 =	sshrl.u32 s6, $0x1  }
0x8: {  	s18 =	smul.u32 $0xC80, s24;
	p0 =	sgt.u32 s24, $0x31;
	s24 =	simm.s32 $0x900  }
0x9: {  	s7 =	sadd.s32 s7, s17;
	s6 =	ssub.s32 s6, s8;
	s15 =	sadd.s32 $0xC800, s11  }
0xa: {  	s16 =	sadd.s32 $0x19000, s11;
	s13 =	sadd.s32 s17, s11;
	s7 =	sshrl.u32 s7, $0x3  }
0xb: {  	s0 =	smax.u32 s6, $0x1;
	s6 =	sadd.s32 s11, s1;
	s8 =	sadd.s32 s15, s1  }
0xc: {  	s9 =	sadd.s32 s15, s2;
	s10 =	sadd.s32 s16, s1;
	s12 =	sadd.s32 s18, s1  }
0xd: {  	s19 =	sshrl.u32 s13, $0x3;
	s13 =	sadd.s32 s18, s2;
	s22 =	sadd.s32 s17, s15  }
0xe: {  	s30 =	sadd.s32 s17, s16;
	s25 =	sadd.s32 s17, s18;
	s23 =	sadd.s32 s7, s5  }
0xf: {  	[dreg:$0x4] =	wrdreg s0;
	s7 =	sadd.s32 s11, s2;
	s11 =	sadd.s32 s16, s2  }
0x10: {  	s26 =	sadd.s32 s20, s19;
	s28 =	sadd.s32 s21, s19;
	s29 =	sshrl.u32 s22, $0x3  }
0x11: {  	s22 =	sshrl.u32 s30, $0x3;
	s25 =	sshrl.u32 s25, $0x3;
	[dreg:$0x5] =	wrdreg s26  }
0x12: {  	[dreg:$0x6] =	wrdreg s28;
	s31 =	sadd.s32 s20, s29;
	s17 =	sadd.s32 s21, s29  }
0x13: {  	s18 =	sadd.s32 s20, s22;
	s19 =	sadd.s32 s21, s22;
	s20 =	sadd.s32 s20, s25  }
0x14: {  	s21 =	sadd.s32 s21, s25;
	s22 =	sadd.s32 $0x3A00, s23;
	s23 =	sadd.s32 $0xD800, s23  }
0x15: {  	v0 =	vimm.f32 $0.0e+00;
	v1 =	vimm.f32 $1.000000000e+00;
	s25 =	simm.s32 $0x2;
	s26 =	simm.s32 $0x1;
	[dreg:$0x7] =	wrdreg s31  }
.LBB2_1:
0x16: {  	s28 =	simm.s32 $0x0  }
.LBB2_2:
0x17: {  	p1 =	sne.s32 s28, $0x31C0  }
.Ltmp0:
0x18: {  	_ = 	snop;
	(pc) =	sbr.rel @p1 .LBB2_2-.Ltmp0, $3  }
0x19: {  	_ =	sdelay $0x1  }
0x1a: {  	s29 =	sshra.s32 s28, $0x2  }
0x1b: {  	s28 =	sadd.s32 $0x40, s28;
	[tilespmem:s29+$0x900] =	vst v0  }
0x1c: {  	s28 =	simm.s32 $0x40;
	s29 =	simm.s32 $0x0  }
.LBB2_4:
0x1d: {  	p1 =	sne.s32 s28, $0x1FC0;
	[tilespmem:s29+$0x100] =	vst v1;
	s29 =	smov.u32 s28;
	s28 =	sadd.s32 $0x40, s28  }
.Ltmp1:
0x1e: {  	(pc) =	sbr.rel @p1 .LBB2_4-.Ltmp1, $2  }
0x1f: {  	_ =	sdelay $0x2  }
0x20: {  	s29 =	sshra.s32 s29, $0x2  }
0x21: {  	[tilespmem:s29+$0x100] =	vst v1  }
0x22: {  	[spmem:s6] =	stream.linear.scatter [tilespmem:s24], [sflag:$0x2], $0xC80, $0x38;
	[tilespmem:$0x63A0] =	vst v63  }
0x23: {  	_ =	swait.ge [sflag:s25], $0xC80  }
0x24: {  	[sflag:s25] =	ssyncset.done $0x0  }
0x25: {  	[sflag:s25] =	ssyncadd.s32 $0xFFFFF380  }
0x26: {  	[spmem:s7] =	stream.linear.scatter [tilespmem:s24], [sflag:$0x1], $0xC80, $0x38;
	[tilespmem:$0x63A0] =	vst v63  }
0x27: {  	_ =	swait.ge [sflag:s26], $0xC80  }
0x28: {  	[sflag:s26] =	ssyncset.done $0x0  }
0x29: {  	[sflag:s26] =	ssyncadd.s32 $0xFFFFF380  }
0x2a: {  	[spmem:s8] =	stream.linear.scatter [tilespmem:s24], [sflag:$0x2], $0xC80, $0x38;
	[tilespmem:$0x63A0] =	vst v63  }
0x2b: {  	_ =	swait.ge [sflag:s25], $0xC80  }
0x2c: {  	[sflag:s25] =	ssyncset.done $0x0  }
0x2d: {  	[sflag:s25] =	ssyncadd.s32 $0xFFFFF380  }
0x2e: {  	[spmem:s9] =	stream.linear.scatter [tilespmem:s24], [sflag:$0x1], $0xC80, $0x38;
	[tilespmem:$0x63A0] =	vst v63  }
0x2f: {  	_ =	swait.ge [sflag:s26], $0xC80  }
0x30: {  	[sflag:s26] =	ssyncset.done $0x0  }
0x31: {  	[sflag:s26] =	ssyncadd.s32 $0xFFFFF380  }
0x32: {  	[spmem:s10] =	stream.linear.scatter [tilespmem:s24], [sflag:$0x2], $0xC80, $0x38;
	[tilespmem:$0x63A0] =	vst v63  }
0x33: {  	_ =	swait.ge [sflag:s25], $0xC80  }
0x34: {  	[sflag:s25] =	ssyncset.done $0x0  }
0x35: {  	[sflag:s25] =	ssyncadd.s32 $0xFFFFF380  }
0x36: {  	[spmem:s11] =	stream.linear.scatter [tilespmem:s24], [sflag:$0x1], $0xC80, $0x38;
	[tilespmem:$0x63A0] =	vst v63  }
0x37: {  	_ =	swait.ge [sflag:s26], $0xC80  }
0x38: {  	[sflag:s26] =	ssyncset.done $0x0  }
0x39: {  	s28 =	simm.s32 @!p0 $0x900;
	s29 =	simm.s32 @!p0 $0x2;
	[sflag:s26] =	ssyncadd.s32 $0xFFFFF380  }
0x3a: {  	[spmem:s12] =	stream.linear.scatter @!p0 [tilespmem:s28], [sflag:$0x2], $0xC80, $0x38;
	[tilespmem:$0x63A0] =	vst v63  }
0x3b: {  	_ =	swait.ge @!p0 [sflag:s29], $0xC80  }
0x3c: {  	[sflag:s29] =	ssyncset.done @!p0 $0x0  }
0x3d: {  	[sflag:s29] =	ssyncadd.s32 @!p0 $0xFFFFF380  }
0x3e: {  	[spmem:s13] =	stream.linear.scatter @!p0 [tilespmem:s28], [sflag:$0x1], $0xC80, $0x38;
	[tilespmem:$0x63A0] =	vst v63  }
0x3f: {  	s28 =	simm.s32 @!p0 $0x1  }
0x40: {  	_ =	swait.ge @!p0 [sflag:s28], $0xC80  }
0x41: {  	p1 =	sgt.u32 s3, $0x4E1;
	[sflag:s28] =	ssyncset.done @!p0 $0x0  }
0x42: {  	s30 =	simm.s32 @!p1 $0x2;
	[sflag:s28] =	ssyncadd.s32 @!p0 $0xFFFFF380  }
0x43: {  	s29 =	simm.s32 @!p1 $0x0;
	s28 =	sadd.s32 @!p1 $0x0, s23;
	[bflag:$0x0] =	sbarrier.arrive $0xFFFF  }
0x44: {  	[tilespmem:s29], [sflag:$0x2] =	stream.linear.gather @!p1 [hbm4b:s28+s29], $0x80, $0x38;
	[tilespmem:$0x63A0] =	vst v63  }
0x45: {  	_ =	swait.ge @!p1 [sflag:s30], $0x80;
	p1 =	por p1, p1  }
0x46: {  	[sflag:s30] =	ssyncset.done @!p1 $0x0  }
0x47: {  	s28 =	sadd.s32 @!p1 $0x0, s22;
	s31 =	simm.s32 @!p1 $0x80;
	[sflag:s30] =	ssyncadd.s32 @!p1 $0xFFFFFF80  }
0x48: {  	[tilespmem:s31], [sflag:$0x2] =	stream.linear.gather @!p1 [hbm4b:s28+s29], $0x80, $0x38;
	[tilespmem:$0x63A0] =	vst v63  }
0x49: {  	_ =	swait.ge @!p1 [sflag:s30], $0x80  }
0x4a: {  	[sflag:s30] =	ssyncset.done @!p1 $0x0  }
0x4b: {  	s28 =	simm.s32 @!p1 $0x100;
	[sflag:s30] =	ssyncadd.s32 @!p1 $0xFFFFFF80  }
0x4c: {  	[spmem:s1] =	stream.indirect.scatter.add.f32 @!p1 [tilespmem:s28], [sflag:$0x2], $0x10, s29, s31, $0xb8;
	[tilespmem:$0x63A0] =	vst v63  }
0x4d: {  	_ =	swait.ge @!p1 [sflag:s30], $0x800  }
0x4e: {  	[sflag:s30] =	ssyncset.done @!p1 $0x0  }
0x4f: {  	s29 =	sadd.s32 $0x10, s3;
	[sflag:s30] =	ssyncadd.s32 @!p1 $0xFFFFF800  }
0x50: {  	[spmem:s2] =	stream.indirect.scatter.add.f32 @!p1 [tilespmem:s28], [sflag:$0x1], $0x10, s31, s31, $0xb8;
	[tilespmem:$0x63A0] =	vst v63  }
0x51: {  	p3 =	sgt.u32 s29, $0x4E1;
	s31 =	simm.s32 @!p1 $0x1  }
0x52: {  	s30 =	simm.s32 $0x200;
	s28 =	simm.s32 $0x100;
	_ =	swait.ge @!p1 [sflag:s31], $0x800  }
.LBB2_6:
0x53: {  	s0 =	sadd.s32 @!p3 s28, s23  }
0x54: {  	s5 =	simm.s32 @!p3 $0x0;
	[sflag:s31] =	ssyncset.done @!p1 $0x0;
	s14 =	smov.u32 s30  }
0x55: {  	s30 =	sadd.s32 $0x100, s30;
	s15 =	simm.s32 @!p3 $0x2;
	[sflag:s31] =	ssyncadd.s32 @!p1 $0xFFFFF800  }
0x56: {  	[tilespmem:s5], [sflag:$0x2] =	stream.linear.gather @!p3 [hbm4b:s0+s5], $0x80, $0x38;
	[tilespmem:$0x63A0] =	vst v63  }
0x57: {  	p2 =	sne.s32 s30, $0x4F00;
	p1 =	por p3, p3;
	_ =	swait.ge @!p3 [sflag:s15], $0x80  }
0x58: {  	[sflag:s15] =	ssyncset.done @!p1 $0x0  }
0x59: {  	s0 =	sadd.s32 @!p1 s28, s22;
	s16 =	simm.s32 @!p1 $0x80;
	[sflag:s15] =	ssyncadd.s32 @!p1 $0xFFFFFF80  }
0x5a: {  	[tilespmem:s16], [sflag:$0x2] =	stream.linear.gather @!p1 [hbm4b:s0+s5], $0x80, $0x38;
	[tilespmem:$0x63A0] =	vst v63  }
0x5b: {  	s28 =	smov.u32 s14;
	_ =	swait.ge @!p1 [sflag:s15], $0x80  }
0x5c: {  	[sflag:s15] =	ssyncset.done @!p1 $0x0  }
0x5d: {  	s0 =	simm.s32 @!p1 $0x100;
	[sflag:s15] =	ssyncadd.s32 @!p1 $0xFFFFFF80  }
0x5e: {  	[spmem:s1] =	stream.indirect.scatter.add.f32 @!p1 [tilespmem:s0], [sflag:$0x2], $0x10, s5, s16, $0xb8;
	[tilespmem:$0x63A0] =	vst v63  }
.Ltmp2:
0x5f: {  	_ =	swait.ge @!p1 [sflag:s15], $0x800;
	(pc) =	sbr.rel @p2 .LBB2_6-.Ltmp2, $4  }
0x60: {  	[sflag:s15] =	ssyncset.done @!p1 $0x0  }
0x61: {  	s29 =	sadd.s32 $0x10, s29;
	s31 =	simm.s32 @!p1 $0x1;
	[sflag:s15] =	ssyncadd.s32 @!p1 $0xFFFFF800  }
0x62: {  	[spmem:s2] =	stream.indirect.scatter.add.f32 @!p1 [tilespmem:s0], [sflag:$0x1], $0x10, s16, s16, $0xb8;
	[tilespmem:$0x63A0] =	vst v63  }
0x63: {  	p3 =	sgt.u32 s29, $0x4E1;
	_ =	swait.ge @!p1 [sflag:s31], $0x800  }
0x64: {  	s0 =	sadd.s32 @!p3 s28, s23;
	[sflag:s31] =	ssyncset.done @!p1 $0x0  }
0x65: {  	s5 =	simm.s32 @!p3 $0x0;
	s14 =	simm.s32 @!p3 $0x2;
	[sflag:s31] =	ssyncadd.s32 @!p1 $0xFFFFF800  }
0x66: {  	[tilespmem:s5], [sflag:$0x2] =	stream.linear.gather @!p3 [hbm4b:s0+s5], $0x80, $0x38;
	[tilespmem:$0x63A0] =	vst v63  }
0x67: {  	p1 =	por p3, p3;
	_ =	swait.ge @!p3 [sflag:s14], $0x80  }
0x68: {  	[sflag:s14] =	ssyncset.done @!p1 $0x0  }
0x69: {  	s0 =	sadd.s32 @!p1 s28, s22;
	s15 =	simm.s32 @!p1 $0x80;
	[sflag:s14] =	ssyncadd.s32 @!p1 $0xFFFFFF80  }
0x6a: {  	[tilespmem:s15], [sflag:$0x2] =	stream.linear.gather @!p1 [hbm4b:s0+s5], $0x80, $0x38;
	[tilespmem:$0x63A0] =	vst v63  }
0x6b: {  	_ =	swait.ge @!p1 [sflag:s14], $0x80  }
0x6c: {  	[sflag:s14] =	ssyncset.done @!p1 $0x0  }
0x6d: {  	s0 =	simm.s32 @!p1 $0x100;
	[sflag:s14] =	ssyncadd.s32 @!p1 $0xFFFFFF80  }
0x6e: {  	[spmem:s1] =	stream.indirect.scatter.add.f32 @!p1 [tilespmem:s0], [sflag:$0x2], $0x10, s5, s15, $0xb8;
	[tilespmem:$0x63A0] =	vst v63  }
0x6f: {  	_ =	swait.ge @!p1 [sflag:s14], $0x800  }
0x70: {  	[sflag:s14] =	ssyncset.done @!p1 $0x0  }
0x71: {  	s5 =	simm.s32 @!p1 $0x1;
	[sflag:s14] =	ssyncadd.s32 @!p1 $0xFFFFF800  }
0x72: {  	[spmem:s2] =	stream.indirect.scatter.add.f32 @!p1 [tilespmem:s0], [sflag:$0x1], $0x10, s15, s15, $0xb8;
	[tilespmem:$0x63A0] =	vst v63  }
0x73: {  	_ =	swait.ge @!p1 [sflag:s5], $0x800  }
0x74: {  	[sflag:s5] =	ssyncset.done @!p1 $0x0  }
0x75: {  	[sflag:s5] =	ssyncadd.s32 @!p1 $0xFFFFF800  }
0x76: {  	s16 =	sshll.u32 s3, $0x6;
	[bflag:$0x0] =	sbarrier.arrive $0xFFFF  }
0x77: {  	s28 =	sshrl.u32 s6, $0x3;
	s5 =	sor.u32 $0x1C02, s16;
	s29 =	rddreg [dreg:$0x5]  }
0x78: {  	[hbm:s29], [sflag:s5] =	dma.local [spmem:s28], $0x190  }
0x79: {  	_ =	swait.ge [sflag:s25], $0x190  }
0x7a: {  	s30 =	sshrl.u32 s7, $0x3;
	[sflag:s25] =	ssyncset.done $0x0  }
0x7b: {  	s0 =	sor.u32 $0x1C01, s16;
	s31 =	rddreg [dreg:$0x6];
	[sflag:s25] =	ssyncadd.s32 $0xFFFFFE70  }
0x7c: {  	[hbm:s31], [sflag:s0] =	dma.local [spmem:s30], $0x190  }
0x7d: {  	_ =	swait.ge [sflag:s26], $0x190  }
0x7e: {  	[sflag:s26] =	ssyncset.done $0x0  }
0x7f: {  	s15 =	sshrl.u32 s8, $0x3;
	s16 =	rddreg [dreg:$0x7];
	[sflag:s26] =	ssyncadd.s32 $0xFFFFFE70  }
0x80: {  	[hbm:s16], [sflag:s5] =	dma.local [spmem:s15], $0x190  }
0x81: {  	_ =	swait.ge [sflag:s25], $0x190  }
0x82: {  	[sflag:s25] =	ssyncset.done $0x0  }
0x83: {  	s28 =	sshrl.u32 s9, $0x3;
	[sflag:s25] =	ssyncadd.s32 $0xFFFFFE70  }
0x84: {  	[hbm:s17], [sflag:s0] =	dma.local [spmem:s28], $0x190  }
0x85: {  	_ =	swait.ge [sflag:s26], $0x190  }
0x86: {  	[sflag:s26] =	ssyncset.done $0x0  }
0x87: {  	s29 =	sshrl.u32 s10, $0x3;
	[sflag:s26] =	ssyncadd.s32 $0xFFFFFE70  }
0x88: {  	[hbm:s18], [sflag:s5] =	dma.local [spmem:s29], $0x190  }
0x89: {  	_ =	swait.ge [sflag:s25], $0x190  }
0x8a: {  	[sflag:s25] =	ssyncset.done $0x0  }
0x8b: {  	s30 =	sshrl.u32 s11, $0x3;
	[sflag:s25] =	ssyncadd.s32 $0xFFFFFE70  }
0x8c: {  	[hbm:s19], [sflag:s0] =	dma.local [spmem:s30], $0x190  }
0x8d: {  	_ =	swait.ge [sflag:s26], $0x190  }
0x8e: {  	[sflag:s26] =	ssyncset.done $0x0  }
0x8f: {  	s14 =	sshrl.u32 @!p0 s12, $0x3;
	[sflag:s26] =	ssyncadd.s32 $0xFFFFFE70  }
0x90: {  	[hbm:s20], [sflag:s5] =	dma.local @!p0 [spmem:s14], $0x190  }
0x91: {  	s5 =	simm.s32 @!p0 $0x2  }
0x92: {  	_ =	swait.ge @!p0 [sflag:s5], $0x190  }
0x93: {  	[sflag:s5] =	ssyncset.done @!p0 $0x0  }
0x94: {  	[sflag:s5] =	ssyncadd.s32 @!p0 $0xFFFFFE70;
	s5 =	sshrl.u32 @!p0 s13, $0x3  }
0x95: {  	[hbm:s21], [sflag:s0] =	dma.local @!p0 [spmem:s5], $0x190  }
0x96: {  	s0 =	simm.s32 @!p0 $0x1  }
0x97: {  	_ =	swait.ge @!p0 [sflag:s0], $0x190  }
0x98: {  	s4 =	sadd.s32 $0x1, s4;
	s31 =	rddreg [dreg:$0x4]  }
0x99: {  	p1 =	sne.s32 s4, s31  }
.Ltmp3:
0x9a: {  	_ = 	snop;
	(pc) =	sbr.rel @p1 .LBB2_1-.Ltmp3, $3  }
0x9b: {  	_ =	sdelay $0x1  }
0x9c: {  	[sflag:s0] =	ssyncset.done @!p0 $0x0  }
0x9d: {  	[sflag:s0] =	ssyncadd.s32 @!p0 $0xFFFFFE70  }
0x9e: {  	_ =	sfence.sel $0x180000  }
0x9f: {  	[bflag:$0x0] =	sbarrier.arrive $0xFFFF  }
0xa0: {  	_ =	strace $0x90000047  }
0xa1: {  	[bflag:$0x2] =	sbarrier.arrive $0xFFFF  }
0xa2: {  	p0 =	sne.s32 s3, $0x0;
	s0 =	rddreg [dreg:$0x3]  }
0xa3: {  	s0 =	sadd.s32 @!p0 $0x100000, s0  }
0xa4: {  	[sflag:s0] =	ssyncadd.tile.s32 @!p0 $0x1;
	_ =	shalt  }
.Lfunc_end2:
_tile_overlayer_lowered:
.L_overlay_start_2:
0xa5: {  	(tag) =	ssettag $0x2  }
0xa6: {  	s0 =	rddreg [dreg:$0x0];
	s2 =	stileid.u32  }
0xa7: {  	s1 =	rddreg [dreg:$0x1];
	p0 =	sne.s32 s2, $0x0  }
0xa8: {  	s3 =	rddreg [dreg:$0x2];
	[bflag:$0x3] =	sbarrier.arrive $0xFFFF;
	s2 =	simm.s32 @!p0 $0x1C01  }
0xa9: {  	[timem:s3], [sflag:s2] =	dma.local @!p0 [hbm:s0], s1  }
0xaa: {  	s0 =	simm.s32 @!p0 $0x1  }
0xab: {  	_ =	swait.ge @!p0 [sflag:s0], s1  }
0xac: {  	s1 =	ssub.s32 @!p0 $0x0, s1;
	[sflag:s0] =	ssyncset.done @!p0 $0x0  }
0xad: {  	[sflag:s0] =	ssyncadd.s32 @!p0 s1  }
0xae: {  	[bflag:$0x3] =	sbarrier.arrive $0xFFFF  }
0xaf: {  	_ =	shalt  }

// kernel: kernel.16.cloned.1.call-start
scs
__scs_entry_jumppad:
0x0: {  	(pc) =	sbr.rel $0x88, $3  }
0x1: {  	(tag) =	ssettag $0x0;
	lr =	simm.s32 $0x1  }
0x2: {  	[smem:$0x3F95] =	sst lr;
	_ =	strace $0xD0000000  }
0x3: {  	_ = 	snop  }
0x4: {  	_ = 	snop  }
0x5: {  	_ = 	snop  }
0x6: {  	_ = 	snop  }
0x7: {  	_ = 	snop  }
__scs_overlays_trampoline_lowered:
0x8: {  	[smem:$0x3FA4] =	sst s0  }
0x9: {  	[smem:$0x3FA5] =	sst s1  }
0xa: {  	[smem:$0x3FA6] =	sst s2  }
0xb: {  	[smem:$0x3FA7] =	sst s3  }
0xc: {  	[smem:$0x3FA8] =	sst s4  }
0xd: {  	[smem:$0x3FA9] =	sst s5  }
0xe: {  	[smem:$0x3FAA] =	sst s6  }
0xf: {  	[smem:$0x3FAB] =	sst s7  }
0x10: {  	[smem:$0x3FAC] =	sst s8  }
0x11: {  	[smem:$0x3FAD] =	sst s9;
	s0 =	simm.s32 @!p0 $0x0  }
0x12: {  	s1 =	sld [smem:$0x3F93];
	s0 =	simm.s32 @p0 $0x1  }
0x13: {  	[smem:$0x3FAE] =	sst s0;
	s0 =	simm.s32 @!p1 $0x0  }
0x14: {  	s2 =	sld [smem:$0x3F92];
	s0 =	simm.s32 @p1 $0x1  }
0x15: {  	[smem:$0x3FAF] =	sst s0;
	s0 =	simm.s32 @!p2 $0x0  }
0x16: {  	s3 =	sld [smem:$0x3FDB];
	s0 =	simm.s32 @p2 $0x1  }
0x17: {  	s4 =	simm.s32 $0x1BF5;
	[smem:$0x3FB1] =	sst s0  }
0x18: {  	s0 =	sld [smem:$0x3F94];
	_ =	swait.ge [sflag:s4], $0x0  }
0x19: {  	s7 =	sld [smem:$0x3F95]  }
0x1a: {  	s8 =	sadd.s32 $0xFFFFE003, lr  }
0x1b: {  	s9 =	sadd.s32 $0xFFFFFEF7, lr;
	s5 =	simm.s32 $0xFFFFFFFF;
	p2 =	slt.u32 s8, $0xFFFFF086  }
0x1c: {  	p1 =	slt.u32 s9, $0xF7A;
	s5 =	simm.s32 @!p2 $0x0  }
0x1d: {  	s5 =	simm.s32 @p1 $0x1;
	p0 =	seq.s32 s7, s2  }
0x1e: {  	s7 =	smul.u32 @!p0 $0xF7A, s2;
	p2 =	seq.s32 @!p0 s5, $0x0  }
0x1f: {  	s9 =	smul.u32 $0xF7A, s1;
	s8 =	simm.s32 @!p0 $0x1BF5;
	p2 =	por !p2, p0  }
0x20: {  	[sflag:s8] =	ssyncset.s32 @!p0 $0xFFFFF086;
	s6 =	sadd.s32 @!p0 s3, s7;
	s7 =	simm.s32 @!p0 $0x108  }
0x21: {  	s3 =	sadd.s32 s3, s9;
	s6 =	sadd.s32 @!p0 $0x88, s6;
	s7 =	simm.s32 @p2 $0x1082  }
0x22: {  	[simem:s7], [sflag:s8] =	dma.local @!p0 [hbm:s6], $0xF7A  }
0x23: {  	s9 =	sor.u32 $0xD0000000, s2;
	s6 =	simm.s32 $0x108;
	_ =	swait.ge @!p0 [sflag:s8], $0x0  }
0x24: {  	s3 =	sadd.s32 $0x88, s3;
	s6 =	simm.s32 @!p1 $0x1082;
	[sflag:s4] =	ssyncset.s32 $0xFFFFF086  }
0x25: {  	[simem:s6], [sflag:s4] =	dma.local [hbm:s3], $0xF7A  }
0x26: {  	[smem:$0x3F95] =	sst s1;
	(tag) =	ssettag s2;
	_ =	strace s9  }
0x27: {  	s1 =	sld [smem:$0x3FA5]  }
0x28: {  	s2 =	sld [smem:$0x3FA6]  }
0x29: {  	s4 =	sld [smem:$0x3FA8]  }
0x2a: {  	p0 =	seq.s32 s5, $0x0;
	s5 =	sld [smem:$0x3FA9]  }
0x2b: {  	s6 =	sld [smem:$0x3FAA]  }
0x2c: {  	s7 =	sld [smem:$0x3FAB]  }
0x2d: {  	s3 =	simm.s32 $0x108;
	s8 =	sld [smem:$0x3FAC]  }
0x2e: {  	s3 =	simm.s32 @!p0 $0x1082;
	s9 =	sld [smem:$0x3FAD]  }
0x2f: {  	lr =	sadd.s32 s0, s3;
	s0 =	sld [smem:$0x3FA4]  }
0x30: {  	s3 =	sld [smem:$0x3FA7]  }
0x31: {  	[smem:$0x3FB0] =	sst s10  }
0x32: {  	s10 =	sld [smem:$0x3FAE];
	_ =	sdelay $0x3  }
0x33: {  	p0 =	seq.s32 s10, $0x1;
	s10 =	sld [smem:$0x3FB0];
	_ =	sdelay $0x3  }
0x34: {  	[smem:$0x3FB0] =	sst s10  }
0x35: {  	s10 =	sld [smem:$0x3FAF];
	_ =	sdelay $0x3  }
0x36: {  	p1 =	seq.s32 s10, $0x1;
	s10 =	sld [smem:$0x3FB0];
	_ =	sdelay $0x3  }
0x37: {  	[smem:$0x3FB0] =	sst s10  }
0x38: {  	s10 =	sld [smem:$0x3FB1]  }
0x39: {  	_ = 	snop;
	(pc) =	sbr.ind lr, $3  }
0x3a: {  	_ = 	snop  }
0x3b: {  	_ = 	snop  }
0x3c: {  	p2 =	seq.s32 s10, $0x1;
	s10 =	sld [smem:$0x3FB0]  }
0x3d: {  	_ =	shalt  }
0x3e: {  	_ =	shalt  }
0x3f: {  	_ =	shalt  }
0x40: {  	_ =	shalt  }
0x41: {  	_ =	shalt  }
0x42: {  	_ =	shalt  }
0x43: {  	_ =	shalt  }
0x44: {  	_ =	shalt  }
0x45: {  	_ =	shalt  }
0x46: {  	_ =	shalt  }
0x47: {  	_ =	shalt  }
0x48: {  	_ =	shalt  }
0x49: {  	_ =	shalt  }
0x4a: {  	_ =	shalt  }
0x4b: {  	_ =	shalt  }
0x4c: {  	_ =	shalt  }
0x4d: {  	_ =	shalt  }
0x4e: {  	_ =	shalt  }
0x4f: {  	_ =	shalt  }
0x50: {  	_ =	shalt  }
0x51: {  	_ =	shalt  }
0x52: {  	_ =	shalt  }
0x53: {  	_ =	shalt  }
0x54: {  	_ =	shalt  }
0x55: {  	_ =	shalt  }
0x56: {  	_ =	shalt  }
0x57: {  	_ =	shalt  }
0x58: {  	_ =	shalt  }
0x59: {  	_ =	shalt  }
0x5a: {  	_ =	shalt  }
0x5b: {  	_ =	shalt  }
0x5c: {  	_ =	shalt  }
0x5d: {  	_ =	shalt  }
0x5e: {  	_ =	shalt  }
0x5f: {  	_ =	shalt  }
0x60: {  	_ =	shalt  }
0x61: {  	_ =	shalt  }
0x62: {  	_ =	shalt  }
0x63: {  	_ =	shalt  }
0x64: {  	_ =	shalt  }
0x65: {  	_ =	shalt  }
0x66: {  	_ =	shalt  }
0x67: {  	_ =	shalt  }
0x68: {  	_ =	shalt  }
0x69: {  	_ =	shalt  }
0x6a: {  	_ =	shalt  }
0x6b: {  	_ =	shalt  }
0x6c: {  	_ =	shalt  }
0x6d: {  	_ =	shalt  }
0x6e: {  	_ =	shalt  }
0x6f: {  	_ =	shalt  }
0x70: {  	_ =	shalt  }
0x71: {  	_ =	shalt  }
0x72: {  	_ =	shalt  }
0x73: {  	_ =	shalt  }
0x74: {  	_ =	shalt  }
0x75: {  	_ =	shalt  }
0x76: {  	_ =	shalt  }
0x77: {  	_ =	shalt  }
0x78: {  	_ =	shalt  }
0x79: {  	_ =	shalt  }
0x7a: {  	_ =	shalt  }
0x7b: {  	_ =	shalt  }
0x7c: {  	_ =	shalt  }
0x7d: {  	_ =	shalt  }
0x7e: {  	_ =	shalt  }
0x7f: {  	_ =	shalt  }
0x80: {  	_ =	shalt  }
0x81: {  	_ =	shalt  }
0x82: {  	_ =	shalt  }
0x83: {  	_ =	shalt  }
0x84: {  	_ =	shalt  }
0x85: {  	_ =	shalt  }
0x86: {  	_ =	shalt  }
0x87: {  	_ =	shalt  }
.Lfunc_end0:
.L_simem_size_0:
called_computation.1_lowered:
.L_overlay_start_0:
0x88: {  	s2 =	sld [smem:$0x3FD9]  }
0x89: {  	s3 =	sld [smem:$0x3FFE];
	_ =	sdelay $0x1  }
0x8a: {  	s1 =	srdreg.scid  }
0x8b: {  	s0 =	sand.u32 $0x1, s1  }
0x8c: {  	s16 =	sshll.u32 s0, $0xA;
	s2 =	sadd.s32 s3, s2  }
0x8d: {  	s2 =	sadd.s32 s2, s16  }
0x8e: {  	[smem:$0x3FBC] =	sst s2  }
0x8f: {  	_ = 	snop  }
0x90: {  	(tm) =	ssettm $0x1  }
0x91: {  	s17 =	sld [smem:$0x3FFB];
	_ =	sdelay $0x3  }
0x92: {  	_ =	strace s17  }
0x93: {  	s2 =	sld [smem:$0x3FFC];
	_ =	sdelay $0x3  }
0x94: {  	_ =	strace s2  }
0x95: {  	s2 =	sld [smem:$0x3FFD];
	_ =	sdelay $0x3  }
0x96: {  	_ =	strace s2  }
0x97: {  	_ =	strace $0x8FFFFFFF  }
0x98: {  	s18 =	sld [smem:$0x3FDB];
	_ =	sdelay $0x1  }
0x99: {  	s19 =	simm.s32 $_scs_section_size  }
0x9a: {  	s4 =	simm.s32 $_size__tile_overlayer_lowered;
	s5 =	simm.s32 $_tile_overlayer_lowered  }
0x9b: {  	s22 =	simm.s32 $0x1BFF;
	s21 =	sshll.u32 s5, $0x1;
	s2 =	sadd.s32 s19, s18  }
0x9c: {  	s6 =	simm.s32 $0x0;
	s20 =	sshll.u32 s4, $0x1;
	s4 =	sadd.s32 s21, s2  }
0x9d: {  	[timem:s6], [sflag:s22] =	dma.local [hbm:s4], s20  }
0x9e: {  	_ =	swait.ge [sflag:s22], s20  }
0x9f: {  	s3 =	ssub.s32 $0x0, s20;
	[sflag:s22] =	ssyncset.done $0x0  }
0xa0: {  	[sflag:s22] =	ssyncadd.s32 s3;
	_ =	sdelay $0x1  }
0xa1: {  	s23 =	simm.s32 $0x1B8B  }
0xa2: {  	_ =	swait.ge [sflag:s23], $0x1  }
0xa3: {  	[sflag:s23] =	ssyncset.done $0x0  }
0xa4: {  	s25 =	simm.s32 $0x1B8E;
	s24 =	sld [smem:$0x3FFE];
	[sflag:s23] =	ssyncadd.s32 $0xFFFFFFFF  }
0xa5: {  	s26 =	simm.s32 $execute0_lowered;
	[smem:$0x3FD2] =	sst s25  }
0xa6: {  	s4 =	sshll.u32 s26, $0x1;
	_ =	strace $0x80000049;
	[dreg:$0x1] =	wrdreg $0xFFFFFFFF  }
0xa7: {  	s28 =	simm.s32 $_size_execute0_lowered;
	s2 =	sadd.s32 s2, s4;
	[dreg:$0x0] =	wrdreg $0x0  }
0xa8: {  	s4 =	sshll.u32 s28, $0x1;
	[dreg:$0x2] =	wrdreg s2  }
0xa9: {  	[dreg:$0x3] =	wrdreg s4  }
0xaa: {  	[dreg:$0x4] =	wrdreg $0xC0  }
0xab: {  	_ =	task [dreg:s6], $0x5FFFF  }
0xac: {  	[dreg:$0x1] =	wrdreg $0xFFFFFFFF  }
0xad: {  	[dreg:$0x0] =	wrdreg $0x60  }
0xae: {  	[dreg:$0x2] =	wrdreg s24  }
0xaf: {  	[dreg:$0x3] =	wrdreg $0x74000  }
0xb0: {  	[dreg:$0x4] =	wrdreg $0x9  }
0xb1: {  	_ =	task.clear_ibuf [dreg:s6], $0x5FFFF;
	_ =	strace $0x90000049  }
0xb2: {  	s29 =	simm.s32 $0x9;
	_ =	strace $0x8000004B  }
0xb3: {  	_ =	swait.ge [sflag:s29], $0x1  }
0xb4: {  	[sflag:s29] =	ssyncadd.s32 $0xFFFFFFFF  }
0xb5: {  	_ =	strace $0x9000004B  }
0xb6: {  	_ =	sfence  }
0xb7: {  	s30 =	sld [smem:$0x0];
	_ =	sdelay $0x2  }
0xb8: {  	s31 =	sshll.u32 s1, $0xD;
	s1 =	sshrl.u32 s1, $0x2  }
0xb9: {  	s3 =	sand.u32 $0x4000, s31;
	s1 =	sadd.s32 s1, s30  }
0xba: {  	s0 =	sor.u32 s3, s0;
	s1 =	sshll.u32 s1, $0x11  }
0xbb: {  	s0 =	sor.u32 s1, s0  }
0xbc: {  	s0 =	sadd.s32 $0x8F2B, s0  }
0xbd: {  	[sflag:s0] =	ssyncadd.remote.s32 $0x1  }
0xbe: {  	_ =	sfence.sel $0xFFFF  }
0xbf: {  	[dreg:$0x0] =	wrdreg $0xFFFFFFFF;
	(pc) =	sbr.abs _section_cstart, $3  }
0xc0: {  	[dreg:$0x1] =	wrdreg $0xFFFFFFFF  }
0xc1: {  	_ =	task.clear_ibuf [dreg:s6], $0x2FFFF;
	_ =	strace $0x9FFFFFFF  }
0xc2: {  	(tm) =	ssettm $0x7FFFFFFF  }
0xc3: {  	_ =	shalt  }
tec
execute0_lowered:
.L_overlay_start_1:
0x0: {  	(tag) =	ssettag $0x1  }
0x1: {  	s0 =	rddreg [dreg:$0x0]  }
0x2: {  	s1 =	rddreg [dreg:$0x1]  }
0x3: {  	s2 =	simm.s32 $0x0;
	s3 =	srdreg.scid;
	s16 =	stileid.u32  }
0x4: {  	s28 =	simm.s32 $0x3;
	s29 =	simm.s32 $0x100;
	s30 =	simm.s32 $0x80  }
0x5: {  	s31 =	simm.s32 $0x200;
	[smem:$0x7FF] =	sst s2;
	s17 =	smul.u32 $0xC800, s16  }
0x6: {  	s4 =	sadd.s32 $0x79400, s0;
	s3 =	sand.u32 $0x1, s3;
	s22 =	smul.u32 $0x3200, s16  }
0x7: {  	s5 =	sadd.s32 $0xD800, s0;
	s6 =	sadd.s32 $0x3A00, s0;
	s7 =	smul.u32 $0x27100, s3  }
0x8: {  	s11 =	sor.u32 $0x10, s16;
	s8 =	ssub.s32 $0x2, s3;
	s3 =	smul.u32 $0x9C400, s3  }
0x9: {  	s9 =	sshll.u32 s16, $0x7;
	s14 =	sor.u32 $0x30, s16;
	s12 =	smul.u32 $0xC800, s11  }
0xa: {  	s0 =	sadd.s32 $0x8CE00, s0;
	p1 =	sgt.u32 s16, $0x1;
	s19 =	smul.u32 $0xC800, s14  }
0xb: {  	_ =	strace $0x8000004A;
	s24 =	smul.u32 $0x3200, s11;
	s10 =	sshrl.u32 s8, $0x1  }
0xc: {  	p0 =	sgt.u32 s14, $0x31;
	s7 =	sadd.s32 s9, s7;
	s8 =	ssub.s32 s8, s10  }
0xd: {  	s10 =	sshrl.u32 s17, $0x2;
	s20 =	sshrl.u32 s12, $0x2;
	s8 =	smax.u32 s8, $0x1  }
0xe: {  	s25 =	sadd.s32 s3, s22;
	s18 =	sadd.s32 s10, s1;
	[dreg:$0x5] =	wrdreg s8  }
0xf: {  	s9 =	sshrl.u32 s7, $0x3;
	s10 =	sadd.s32 s20, s1;
	[dreg:$0x6] =	wrdreg s18  }
0x10: {  	s17 =	smul.u32 $0x3200, s14;
	s15 =	sadd.s32 s5, s9;
	[dreg:$0x7] =	wrdreg s10  }
0x11: {  	s9 =	sadd.s32 s6, s9;
	s8 =	sshrl.u32 s19, $0x2;
	[dreg:$0x3] =	wrdreg s15  }
0x12: {  	s18 =	sadd.s32 s22, s1;
	[dreg:$0x4] =	wrdreg s9;
	s9 =	sor.u32 $0x20, s16  }
0x13: {  	s8 =	sadd.s32 s8, s1;
	s15 =	sshrl.u32 s25, $0x3;
	s13 =	smul.u32 $0xC800, s9  }
0x14: {  	s26 =	smul.u32 $0x3200, s9;
	[dreg:$0x9] =	wrdreg s8;
	s8 =	sadd.s32 s0, s15  }
0x15: {  	s11 =	sadd.s32 s17, s1;
	s10 =	simm.s32 $0x2;
	[dreg:$0xa] =	wrdreg s8  }
0x16: {  	s8 =	simm.s32 $0x1;
	s21 =	sshrl.u32 s13, $0x2;
	s15 =	sadd.s32 s3, s26  }
0x17: {  	s25 =	sadd.s32 s26, s1;
	s26 =	sshrl.u32 s18, $0x3;
	s23 =	sadd.s32 s21, s1  }
0x18: {  	s21 =	sadd.s32 s3, s24;
	s3 =	sadd.s32 s3, s17;
	s22 =	sshrl.u32 s15, $0x3  }
0x19: {  	s24 =	sadd.s32 s24, s1;
	[dreg:$0xe] =	wrdreg s26;
	s26 =	simm.s32 $0x4200  }
0x1a: {  	[dreg:$0x8] =	wrdreg s23;
	s13 =	sshrl.u32 s21, $0x3;
	s3 =	sshrl.u32 s3, $0x3  }
0x1b: {  	s23 =	sadd.s32 $0x800, s7;
	s21 =	sadd.s32 $0x1000, s7;
	s13 =	sadd.s32 s0, s13  }
0x1c: {  	s7 =	simm.s32 $0x2200;
	[dreg:$0xb] =	wrdreg s13;
	s13 =	sadd.s32 s0, s22  }
0x1d: {  	s0 =	sadd.s32 s0, s3;
	s3 =	simm.s32 $0x180;
	[dreg:$0xc] =	wrdreg s13  }
0x1e: {  	[dreg:$0xd] =	wrdreg s0;
	s0 =	sshrl.u32 s23, $0x3;
	s23 =	sshrl.u32 s24, $0x3  }
0x1f: {  	s24 =	sshrl.u32 s25, $0x3;
	s25 =	sshrl.u32 @!p0 s11, $0x3;
	s11 =	simm.s32 $0x0  }
0x20: {  	v0 =	vimm.f32 $0.0e+00;
	s19 =	sadd.s32 s0, s6;
	s20 =	sadd.s32 s0, s5;
	s0 =	simm.s32 $0x4  }
.LBB2_1:
0x21: {  	s12 =	sand.u32 $0xFF00, s2  }
0x22: {  	s13 =	sand.u32 $0x30, s2;
	s14 =	sshrl.u32 s12, $0x2  }
0x23: {  	s12 =	simm.s32 $0x40;
	s14 =	sor.u32 s13, s14;
	s13 =	simm.s32 $0x0  }
.LBB2_2:
0x24: {  	p2 =	sne.s32 s12, $0xC7C0  }
0x25: {  	[tilespmem:s14+$0x4200] =	vst v0;
	s13 =	sadd.s32 $0x10, s13;
	s14 =	smov.u32 s12;
	s12 =	sadd.s32 $0x40, s12  }
.Ltmp0:
0x26: {  	(pc) =	sbr.rel @p2 .LBB2_2-.Ltmp0, $4  }
0x27: {  	_ = 	snop  }
0x28: {  	s14 =	sand.u32 $0xFF00, s14  }
0x29: {  	s15 =	sand.u32 $0x30, s13;
	s14 =	sshrl.u32 s14, $0x2  }
0x2a: {  	s14 =	sor.u32 s15, s14  }
0x2b: {  	[tilespmem:s14+$0x4200] =	vst v0;
	s12 =	rddreg [dreg:$0x6]  }
0x2c: {  	[spmem:s12] =	stream.linear.scatter [tilespmem:s26], [sflag:$0x3], $0x3200, $0x38;
	[tilespmem:$0x11040] =	vst v63  }
0x2d: {  	_ =	swait.ge [sflag:s28], $0x3200  }
0x2e: {  	[sflag:s28] =	ssyncset.done $0x0  }
0x2f: {  	s13 =	rddreg [dreg:$0x7];
	[sflag:s28] =	ssyncadd.s32 $0xFFFFCE00  }
0x30: {  	[spmem:s13] =	stream.linear.scatter [tilespmem:s26], [sflag:$0x3], $0x3200, $0x38;
	[tilespmem:$0x11040] =	vst v63  }
0x31: {  	_ =	swait.ge [sflag:s28], $0x3200  }
0x32: {  	[sflag:s28] =	ssyncset.done $0x0  }
0x33: {  	s14 =	rddreg [dreg:$0x8];
	[sflag:s28] =	ssyncadd.s32 $0xFFFFCE00  }
0x34: {  	[spmem:s14] =	stream.linear.scatter [tilespmem:s26], [sflag:$0x3], $0x3200, $0x38;
	[tilespmem:$0x11040] =	vst v63  }
0x35: {  	_ =	swait.ge [sflag:s28], $0x3200  }
0x36: {  	[sflag:s28] =	ssyncset.done $0x0  }
0x37: {  	s12 =	simm.s32 @!p0 $0x4200;
	s13 =	rddreg [dreg:$0x9];
	[sflag:s28] =	ssyncadd.s32 $0xFFFFCE00  }
0x38: {  	[spmem:s13] =	stream.linear.scatter @!p0 [tilespmem:s12], [sflag:$0x3], $0x3200, $0x38;
	[tilespmem:$0x11040] =	vst v63  }
0x39: {  	s12 =	simm.s32 @!p0 $0x3  }
0x3a: {  	_ =	swait.ge @!p0 [sflag:s12], $0x3200  }
0x3b: {  	[sflag:s12] =	ssyncset.done @!p0 $0x0  }
0x3c: {  	[sflag:s12] =	ssyncadd.s32 @!p0 $0xFFFFCE00  }
0x3d: {  	[bflag:$0x0] =	sbarrier.arrive $0xFFFF  }
0x3e: {  	s15 =	simm.s32 $0x0;
	s16 =	rddreg [dreg:$0x3]  }
0x3f: {  	[tilespmem:s15], [sflag:$0x3] =	stream.linear.gather [hbm4b:s16+s15], $0x80, $0x38;
	[tilespmem:$0x11040] =	vst v63  }
0x40: {  	_ =	swait.ge [sflag:s28], $0x80  }
0x41: {  	[sflag:s28] =	ssyncset.done $0x0  }
0x42: {  	s17 =	rddreg [dreg:$0x4];
	[sflag:s28] =	ssyncadd.s32 $0xFFFFFF80  }
0x43: {  	[tilespmem:s29], [sflag:$0x3] =	stream.linear.gather [hbm4b:s17+s15], $0x80, $0x38;
	[tilespmem:$0x11040] =	vst v63  }
0x44: {  	_ =	swait.ge [sflag:s28], $0x80  }
0x45: {  	[sflag:s28] =	ssyncset.done $0x0  }
0x46: {  	[sflag:s28] =	ssyncadd.s32 $0xFFFFFF80  }
0x47: {  	[tilespmem:s31], [sflag:$0x1] =	stream.indirect.gather [hbm4b:s4+s30], $0x40, s15, s30, $0xb8;
	[tilespmem:$0x11040] =	vst v63  }
0x48: {  	s18 =	sadd.s32 $0x0, s20  }
0x49: {  	[tilespmem:s30], [sflag:$0x4] =	stream.linear.gather [hbm4b:s18+s2], $0x80, $0x38;
	[tilespmem:$0x11040] =	vst v63  }
0x4a: {  	_ =	swait.ge [sflag:s0], $0x80  }
0x4b: {  	[sflag:s0] =	ssyncset.done $0x0  }
0x4c: {  	s22 =	sadd.s32 $0x0, s19;
	[sflag:s0] =	ssyncadd.s32 $0xFFFFFF80  }
0x4d: {  	[tilespmem:s3], [sflag:$0x4] =	stream.linear.gather [hbm4b:s22+s2], $0x80, $0x38;
	[tilespmem:$0x11040] =	vst v63  }
0x4e: {  	_ =	swait.ge [sflag:s0], $0x80  }
0x4f: {  	[sflag:s0] =	ssyncset.done $0x0  }
0x50: {  	[sflag:s0] =	ssyncadd.s32 $0xFFFFFF80  }
0x51: {  	[tilespmem:s7], [sflag:$0x2] =	stream.indirect.gather [hbm4b:s4+s30], $0x40, s30, s30, $0xb8;
	[tilespmem:$0x11040] =	vst v63  }
0x52: {  	_ =	swait.ge [sflag:s8], $0x2000  }
0x53: {  	[sflag:s8] =	ssyncset.done $0x0  }
0x54: {  	[sflag:s8] =	ssyncadd.s32 $0xFFFFE000  }
0x55: {  	[spmem:s1] =	stream.indirect.scatter.add.f32 [tilespmem:s31], [sflag:$0x4], $0x40, s29, s30, $0xb8;
	[tilespmem:$0x11040] =	vst v63  }
0x56: {  	p2 =	sgt.u32 s9, $0x4E1;
	_ =	swait.ge [sflag:s0], $0x2000  }
0x57: {  	s13 =	simm.s32 @!p2 $0x4;
	s12 =	sshrl.u32 @!p2 s21, $0x3;
	[sflag:s0] =	ssyncset.done $0x0  }
0x58: {  	s14 =	sadd.s32 @!p2 s5, s12;
	s15 =	simm.s32 @!p2 $0x0;
	[sflag:s0] =	ssyncadd.s32 $0xFFFFE000  }
0x59: {  	[tilespmem:s15], [sflag:$0x4] =	stream.linear.gather @!p2 [hbm4b:s14+s15], $0x80, $0x38;
	[tilespmem:$0x11040] =	vst v63  }
0x5a: {  	_ =	swait.ge @!p2 [sflag:s13], $0x80  }
0x5b: {  	[sflag:s13] =	ssyncset.done @!p2 $0x0  }
0x5c: {  	s12 =	sadd.s32 @!p2 s6, s12;
	s14 =	simm.s32 @!p2 $0x100;
	[sflag:s13] =	ssyncadd.s32 @!p2 $0xFFFFFF80  }
0x5d: {  	[tilespmem:s14], [sflag:$0x4] =	stream.linear.gather @!p2 [hbm4b:s12+s15], $0x80, $0x38;
	[tilespmem:$0x11040] =	vst v63  }
0x5e: {  	_ =	swait.ge @!p2 [sflag:s13], $0x80  }
0x5f: {  	[sflag:s13] =	ssyncset.done @!p2 $0x0  }
0x60: {  	s12 =	simm.s32 @!p2 $0x80;
	[sflag:s13] =	ssyncadd.s32 @!p2 $0xFFFFFF80;
	s13 =	simm.s32 @!p2 $0x200  }
0x61: {  	[tilespmem:s13], [sflag:$0x1] =	stream.indirect.gather @!p2 [hbm4b:s4+s12], $0x40, s15, s12, $0xb8;
	[tilespmem:$0x11040] =	vst v63  }
0x62: {  	_ =	swait.ge [sflag:s10], $0x2000  }
0x63: {  	[sflag:s10] =	ssyncset.done $0x0  }
0x64: {  	[sflag:s10] =	ssyncadd.s32 $0xFFFFE000  }
0x65: {  	[spmem:s1] =	stream.indirect.scatter.add.f32 [tilespmem:s7], [sflag:$0x3], $0x40, s3, s30, $0xb8;
	[tilespmem:$0x11040] =	vst v63  }
0x66: {  	s14 =	simm.s32 $0x200;
	s15 =	simm.s32 $0x400;
	_ =	swait.ge [sflag:s28], $0x2000  }
0x67: {  	s12 =	sadd.s32 $0x1000, s21;
	s13 =	sadd.s32 $0x20, s9;
	[sflag:s28] =	ssyncset.done $0x0  }
.LBB2_4:
0x68: {  	s16 =	sadd.s32 s14, s20  }
0x69: {  	[sflag:s28] =	ssyncadd.s32 $0xFFFFE000;
	s17 =	smov.u32 s15;
	s15 =	sadd.s32 $0x200, s15  }
0x6a: {  	[tilespmem:s30], [sflag:$0x4] =	stream.linear.gather [hbm4b:s16+s2], $0x80, $0x38;
	[tilespmem:$0x11040] =	vst v63  }
0x6b: {  	p2 =	sne.s32 s15, $0x4E00;
	_ =	swait.ge [sflag:s0], $0x80  }
0x6c: {  	[sflag:s0] =	ssyncset.done $0x0  }
0x6d: {  	s16 =	sadd.s32 s14, s19;
	s14 =	smov.u32 s17;
	[sflag:s0] =	ssyncadd.s32 $0xFFFFFF80  }
0x6e: {  	[tilespmem:s3], [sflag:$0x4] =	stream.linear.gather [hbm4b:s16+s2], $0x80, $0x38;
	[tilespmem:$0x11040] =	vst v63  }
0x6f: {  	_ =	swait.ge [sflag:s0], $0x80  }
0x70: {  	[sflag:s0] =	ssyncset.done $0x0  }
0x71: {  	[sflag:s0] =	ssyncadd.s32 $0xFFFFFF80  }
0x72: {  	[tilespmem:s7], [sflag:$0x2] =	stream.indirect.gather [hbm4b:s4+s30], $0x40, s30, s30, $0xb8;
	[tilespmem:$0x11040] =	vst v63  }
0x73: {  	_ =	swait.ge [sflag:s8], $0x2000  }
0x74: {  	[sflag:s8] =	ssyncset.done $0x0  }
0x75: {  	[sflag:s8] =	ssyncadd.s32 $0xFFFFE000  }
0x76: {  	[spmem:s1] =	stream.indirect.scatter.add.f32 [tilespmem:s31], [sflag:$0x4], $0x40, s29, s30, $0xb8;
	[tilespmem:$0x11040] =	vst v63  }
0x77: {  	p3 =	sgt.u32 s13, $0x4E1;
	_ =	swait.ge [sflag:s0], $0x2000  }
0x78: {  	s17 =	simm.s32 @!p3 $0x4;
	s16 =	sshrl.u32 @!p3 s12, $0x3;
	[sflag:s0] =	ssyncset.done $0x0  }
0x79: {  	s22 =	simm.s32 @!p3 $0x0;
	s18 =	sadd.s32 @!p3 s5, s16;
	[sflag:s0] =	ssyncadd.s32 $0xFFFFE000  }
0x7a: {  	[tilespmem:s22], [sflag:$0x4] =	stream.linear.gather @!p3 [hbm4b:s18+s22], $0x80, $0x38;
	[tilespmem:$0x11040] =	vst v63  }
0x7b: {  	s16 =	sadd.s32 @!p3 s6, s16;
	_ =	swait.ge @!p3 [sflag:s17], $0x80  }
0x7c: {  	[sflag:s17] =	ssyncset.done @!p3 $0x0  }
0x7d: {  	s18 =	simm.s32 @!p3 $0x100;
	[sflag:s17] =	ssyncadd.s32 @!p3 $0xFFFFFF80  }
0x7e: {  	[tilespmem:s18], [sflag:$0x4] =	stream.linear.gather @!p3 [hbm4b:s16+s22], $0x80, $0x38;
	[tilespmem:$0x11040] =	vst v63  }
0x7f: {  	_ =	swait.ge @!p3 [sflag:s17], $0x80  }
0x80: {  	[sflag:s17] =	ssyncset.done @!p3 $0x0  }
0x81: {  	s16 =	simm.s32 @!p3 $0x80;
	[sflag:s17] =	ssyncadd.s32 @!p3 $0xFFFFFF80;
	s17 =	simm.s32 @!p3 $0x200  }
0x82: {  	[tilespmem:s17], [sflag:$0x1] =	stream.indirect.gather @!p3 [hbm4b:s4+s16], $0x40, s22, s16, $0xb8;
	[tilespmem:$0x11040] =	vst v63  }
0x83: {  	_ =	swait.ge [sflag:s10], $0x2000  }
.Ltmp1:
0x84: {  	[sflag:s10] =	ssyncset.done $0x0;
	(pc) =	sbr.rel @p2 .LBB2_4-.Ltmp1, $4  }
0x85: {  	[sflag:s10] =	ssyncadd.s32 $0xFFFFE000  }
0x86: {  	[spmem:s1] =	stream.indirect.scatter.add.f32 [tilespmem:s7], [sflag:$0x3], $0x40, s3, s30, $0xb8;
	[tilespmem:$0x11040] =	vst v63  }
0x87: {  	_ =	swait.ge [sflag:s28], $0x2000  }
0x88: {  	s13 =	sadd.s32 $0x20, s13;
	s12 =	sadd.s32 $0x1000, s12;
	[sflag:s28] =	ssyncset.done $0x0  }
0x89: {  	s15 =	sadd.s32 s14, s20;
	[sflag:s28] =	ssyncadd.s32 $0xFFFFE000  }
0x8a: {  	[tilespmem:s30], [sflag:$0x4] =	stream.linear.gather [hbm4b:s15+s2], $0x80, $0x38;
	[tilespmem:$0x11040] =	vst v63  }
0x8b: {  	_ =	swait.ge [sflag:s0], $0x80  }
0x8c: {  	[sflag:s0] =	ssyncset.done $0x0  }
0x8d: {  	s22 =	sadd.s32 s14, s19;
	[sflag:s0] =	ssyncadd.s32 $0xFFFFFF80  }
0x8e: {  	[tilespmem:s3], [sflag:$0x4] =	stream.linear.gather [hbm4b:s22+s2], $0x80, $0x38;
	[tilespmem:$0x11040] =	vst v63  }
0x8f: {  	_ =	swait.ge [sflag:s0], $0x80  }
0x90: {  	[sflag:s0] =	ssyncset.done $0x0  }
0x91: {  	[sflag:s0] =	ssyncadd.s32 $0xFFFFFF80  }
0x92: {  	[tilespmem:s7], [sflag:$0x2] =	stream.indirect.gather [hbm4b:s4+s30], $0x40, s30, s30, $0xb8;
	[tilespmem:$0x11040] =	vst v63  }
0x93: {  	_ =	swait.ge [sflag:s8], $0x2000  }
0x94: {  	[sflag:s8] =	ssyncset.done $0x0  }
0x95: {  	[sflag:s8] =	ssyncadd.s32 $0xFFFFE000  }
0x96: {  	[spmem:s1] =	stream.indirect.scatter.add.f32 [tilespmem:s31], [sflag:$0x4], $0x40, s29, s30, $0xb8;
	[tilespmem:$0x11040] =	vst v63  }
0x97: {  	p2 =	sgt.u32 s13, $0x4E1;
	_ =	swait.ge [sflag:s0], $0x2000  }
0x98: {  	s12 =	sshrl.u32 @!p2 s12, $0x3;
	s13 =	simm.s32 @!p2 $0x4;
	[sflag:s0] =	ssyncset.done $0x0  }
0x99: {  	s15 =	simm.s32 @!p2 $0x0;
	s14 =	sadd.s32 @!p2 s5, s12;
	[sflag:s0] =	ssyncadd.s32 $0xFFFFE000  }
0x9a: {  	[tilespmem:s15], [sflag:$0x4] =	stream.linear.gather @!p2 [hbm4b:s14+s15], $0x80, $0x38;
	[tilespmem:$0x11040] =	vst v63  }
0x9b: {  	_ =	swait.ge @!p2 [sflag:s13], $0x80  }
0x9c: {  	[sflag:s13] =	ssyncset.done @!p2 $0x0  }
0x9d: {  	s12 =	sadd.s32 @!p2 s6, s12;
	s14 =	simm.s32 @!p2 $0x100;
	[sflag:s13] =	ssyncadd.s32 @!p2 $0xFFFFFF80  }
0x9e: {  	[tilespmem:s14], [sflag:$0x4] =	stream.linear.gather @!p2 [hbm4b:s12+s15], $0x80, $0x38;
	[tilespmem:$0x11040] =	vst v63  }
0x9f: {  	_ =	swait.ge @!p2 [sflag:s13], $0x80  }
0xa0: {  	[sflag:s13] =	ssyncset.done @!p2 $0x0  }
0xa1: {  	s12 =	simm.s32 @!p2 $0x80;
	[sflag:s13] =	ssyncadd.s32 @!p2 $0xFFFFFF80;
	s13 =	simm.s32 @!p2 $0x200  }
0xa2: {  	[tilespmem:s13], [sflag:$0x1] =	stream.indirect.gather @!p2 [hbm4b:s4+s12], $0x40, s15, s12, $0xb8;
	[tilespmem:$0x11040] =	vst v63  }
0xa3: {  	_ =	swait.ge [sflag:s10], $0x2000  }
0xa4: {  	[sflag:s10] =	ssyncset.done $0x0  }
0xa5: {  	[sflag:s10] =	ssyncadd.s32 $0xFFFFE000  }
0xa6: {  	[spmem:s1] =	stream.indirect.scatter.add.f32 [tilespmem:s7], [sflag:$0x3], $0x40, s3, s30, $0xb8;
	[tilespmem:$0x11040] =	vst v63  }
0xa7: {  	_ =	swait.ge [sflag:s28], $0x2000  }
0xa8: {  	[sflag:s28] =	ssyncset.done $0x0  }
0xa9: {  	s12 =	simm.s32 @!p1 $0x1;
	[sflag:s28] =	ssyncadd.s32 $0xFFFFE000  }
0xaa: {  	_ =	swait.ge @!p1 [sflag:s12], $0x2000  }
0xab: {  	s14 =	simm.s32 @!p1 $0x200;
	[sflag:s12] =	ssyncset.done @!p1 $0x0  }
0xac: {  	s13 =	simm.s32 @!p1 $0x100;
	[sflag:s12] =	ssyncadd.s32 @!p1 $0xFFFFE000;
	s12 =	simm.s32 @!p1 $0x80  }
0xad: {  	[spmem:s1] =	stream.indirect.scatter.add.f32 @!p1 [tilespmem:s14], [sflag:$0x4], $0x40, s13, s12, $0xb8;
	[tilespmem:$0x11040] =	vst v63  }
0xae: {  	s12 =	simm.s32 @!p1 $0x4  }
0xaf: {  	_ =	swait.ge @!p1 [sflag:s12], $0x2000  }
0xb0: {  	[sflag:s12] =	ssyncset.done @!p1 $0x0  }
0xb1: {  	[sflag:s12] =	ssyncadd.s32 @!p1 $0xFFFFE000  }
0xb2: {  	s14 =	stileid.u32;
	[bflag:$0x0] =	sbarrier.arrive $0xFFFF  }
0xb3: {  	s12 =	sshll.u32 s14, $0x6;
	s15 =	rddreg [dreg:$0xa]  }
0xb4: {  	s12 =	sor.u32 $0x1C03, s12;
	s16 =	rddreg [dreg:$0xe]  }
0xb5: {  	[hbm:s15], [sflag:s12] =	dma.local [spmem:s16], $0x640  }
0xb6: {  	_ =	swait.ge [sflag:s28], $0x640  }
0xb7: {  	[sflag:s28] =	ssyncset.done $0x0  }
0xb8: {  	s17 =	rddreg [dreg:$0xb];
	[sflag:s28] =	ssyncadd.s32 $0xFFFFF9C0  }
0xb9: {  	[hbm:s17], [sflag:s12] =	dma.local [spmem:s23], $0x640  }
0xba: {  	_ =	swait.ge [sflag:s28], $0x640  }
0xbb: {  	[sflag:s28] =	ssyncset.done $0x0  }
0xbc: {  	s18 =	rddreg [dreg:$0xc];
	[sflag:s28] =	ssyncadd.s32 $0xFFFFF9C0  }
0xbd: {  	[hbm:s18], [sflag:s12] =	dma.local [spmem:s24], $0x640  }
0xbe: {  	_ =	swait.ge [sflag:s28], $0x640  }
0xbf: {  	[sflag:s28] =	ssyncset.done $0x0  }
0xc0: {  	s13 =	rddreg [dreg:$0xd];
	[sflag:s28] =	ssyncadd.s32 $0xFFFFF9C0  }
0xc1: {  	[hbm:s13], [sflag:s12] =	dma.local @!p0 [spmem:s25], $0x640  }
0xc2: {  	s12 =	simm.s32 @!p0 $0x3  }
0xc3: {  	_ =	swait.ge @!p0 [sflag:s12], $0x640  }
0xc4: {  	s11 =	sadd.s32 $0x1, s11;
	s22 =	rddreg [dreg:$0x5]  }
0xc5: {  	p2 =	sne.s32 s11, s22  }
.Ltmp2:
0xc6: {  	_ = 	snop;
	(pc) =	sbr.rel @p2 .LBB2_1-.Ltmp2, $3  }
0xc7: {  	_ =	sdelay $0x1  }
0xc8: {  	[sflag:s12] =	ssyncset.done @!p0 $0x0  }
0xc9: {  	[sflag:s12] =	ssyncadd.s32 @!p0 $0xFFFFF9C0  }
0xca: {  	_ =	sfence.sel $0x180000  }
0xcb: {  	[bflag:$0x0] =	sbarrier.arrive $0xFFFF  }
0xcc: {  	_ =	strace $0x9000004A  }
0xcd: {  	s0 =	stileid.u32;
	[bflag:$0x2] =	sbarrier.arrive $0xFFFF  }
0xce: {  	p0 =	sne.s32 s0, $0x0;
	s0 =	rddreg [dreg:$0x2]  }
0xcf: {  	s0 =	sadd.s32 @!p0 $0x100000, s0  }
0xd0: {  	[sflag:s0] =	ssyncadd.tile.s32 @!p0 $0x1;
	_ =	shalt  }
.Lfunc_end2:
_tile_overlayer_lowered:
.L_overlay_start_2:
0xd1: {  	(tag) =	ssettag $0x2  }
0xd2: {  	s0 =	rddreg [dreg:$0x0];
	s2 =	stileid.u32  }
0xd3: {  	s1 =	rddreg [dreg:$0x1];
	p0 =	sne.s32 s2, $0x0  }
0xd4: {  	s3 =	rddreg [dreg:$0x2];
	[bflag:$0x3] =	sbarrier.arrive $0xFFFF;
	s2 =	simm.s32 @!p0 $0x1C03  }
0xd5: {  	[timem:s3], [sflag:s2] =	dma.local @!p0 [hbm:s0], s1  }
0xd6: {  	s0 =	simm.s32 @!p0 $0x3  }
0xd7: {  	_ =	swait.ge @!p0 [sflag:s0], s1  }
0xd8: {  	s1 =	ssub.s32 @!p0 $0x0, s1;
	[sflag:s0] =	ssyncset.done @!p0 $0x0  }
0xd9: {  	[sflag:s0] =	ssyncadd.s32 @!p0 s1  }
0xda: {  	[bflag:$0x3] =	sbarrier.arrive $0xFFFF  }
0xdb: {  	_ =	shalt  }

// kernel: kernel.19.cloned.1.call-start
scs
__scs_entry_jumppad:
0x0: {  	(pc) =	sbr.rel $0x88, $3  }
0x1: {  	(tag) =	ssettag $0x0;
	lr =	simm.s32 $0x1  }
0x2: {  	[smem:$0x3F95] =	sst lr;
	_ =	strace $0xD0000000  }
0x3: {  	_ = 	snop  }
0x4: {  	_ = 	snop  }
0x5: {  	_ = 	snop  }
0x6: {  	_ = 	snop  }
0x7: {  	_ = 	snop  }
__scs_overlays_trampoline_lowered:
0x8: {  	[smem:$0x3FA4] =	sst s0  }
0x9: {  	[smem:$0x3FA5] =	sst s1  }
0xa: {  	[smem:$0x3FA6] =	sst s2  }
0xb: {  	[smem:$0x3FA7] =	sst s3  }
0xc: {  	[smem:$0x3FA8] =	sst s4  }
0xd: {  	[smem:$0x3FA9] =	sst s5  }
0xe: {  	[smem:$0x3FAA] =	sst s6  }
0xf: {  	[smem:$0x3FAB] =	sst s7  }
0x10: {  	[smem:$0x3FAC] =	sst s8  }
0x11: {  	[smem:$0x3FAD] =	sst s9;
	s0 =	simm.s32 @!p0 $0x0  }
0x12: {  	s1 =	sld [smem:$0x3F93];
	s0 =	simm.s32 @p0 $0x1  }
0x13: {  	[smem:$0x3FAE] =	sst s0;
	s0 =	simm.s32 @!p1 $0x0  }
0x14: {  	s2 =	sld [smem:$0x3F92];
	s0 =	simm.s32 @p1 $0x1  }
0x15: {  	[smem:$0x3FAF] =	sst s0;
	s0 =	simm.s32 @!p2 $0x0  }
0x16: {  	s3 =	sld [smem:$0x3FDB];
	s0 =	simm.s32 @p2 $0x1  }
0x17: {  	s4 =	simm.s32 $0x1BF5;
	[smem:$0x3FB1] =	sst s0  }
0x18: {  	s0 =	sld [smem:$0x3F94];
	_ =	swait.ge [sflag:s4], $0x0  }
0x19: {  	s7 =	sld [smem:$0x3F95]  }
0x1a: {  	s8 =	sadd.s32 $0xFFFFE003, lr  }
0x1b: {  	s9 =	sadd.s32 $0xFFFFFEF7, lr;
	s5 =	simm.s32 $0xFFFFFFFF;
	p2 =	slt.u32 s8, $0xFFFFF086  }
0x1c: {  	p1 =	slt.u32 s9, $0xF7A;
	s5 =	simm.s32 @!p2 $0x0  }
0x1d: {  	s5 =	simm.s32 @p1 $0x1;
	p0 =	seq.s32 s7, s2  }
0x1e: {  	s7 =	smul.u32 @!p0 $0xF7A, s2;
	p2 =	seq.s32 @!p0 s5, $0x0  }
0x1f: {  	s9 =	smul.u32 $0xF7A, s1;
	s8 =	simm.s32 @!p0 $0x1BF5;
	p2 =	por !p2, p0  }
0x20: {  	[sflag:s8] =	ssyncset.s32 @!p0 $0xFFFFF086;
	s6 =	sadd.s32 @!p0 s3, s7;
	s7 =	simm.s32 @!p0 $0x108  }
0x21: {  	s3 =	sadd.s32 s3, s9;
	s6 =	sadd.s32 @!p0 $0x88, s6;
	s7 =	simm.s32 @p2 $0x1082  }
0x22: {  	[simem:s7], [sflag:s8] =	dma.local @!p0 [hbm:s6], $0xF7A  }
0x23: {  	s9 =	sor.u32 $0xD0000000, s2;
	s6 =	simm.s32 $0x108;
	_ =	swait.ge @!p0 [sflag:s8], $0x0  }
0x24: {  	s3 =	sadd.s32 $0x88, s3;
	s6 =	simm.s32 @!p1 $0x1082;
	[sflag:s4] =	ssyncset.s32 $0xFFFFF086  }
0x25: {  	[simem:s6], [sflag:s4] =	dma.local [hbm:s3], $0xF7A  }
0x26: {  	[smem:$0x3F95] =	sst s1;
	(tag) =	ssettag s2;
	_ =	strace s9  }
0x27: {  	s1 =	sld [smem:$0x3FA5]  }
0x28: {  	s2 =	sld [smem:$0x3FA6]  }
0x29: {  	s4 =	sld [smem:$0x3FA8]  }
0x2a: {  	p0 =	seq.s32 s5, $0x0;
	s5 =	sld [smem:$0x3FA9]  }
0x2b: {  	s6 =	sld [smem:$0x3FAA]  }
0x2c: {  	s7 =	sld [smem:$0x3FAB]  }
0x2d: {  	s3 =	simm.s32 $0x108;
	s8 =	sld [smem:$0x3FAC]  }
0x2e: {  	s3 =	simm.s32 @!p0 $0x1082;
	s9 =	sld [smem:$0x3FAD]  }
0x2f: {  	lr =	sadd.s32 s0, s3;
	s0 =	sld [smem:$0x3FA4]  }
0x30: {  	s3 =	sld [smem:$0x3FA7]  }
0x31: {  	[smem:$0x3FB0] =	sst s10  }
0x32: {  	s10 =	sld [smem:$0x3FAE];
	_ =	sdelay $0x3  }
0x33: {  	p0 =	seq.s32 s10, $0x1;
	s10 =	sld [smem:$0x3FB0];
	_ =	sdelay $0x3  }
0x34: {  	[smem:$0x3FB0] =	sst s10  }
0x35: {  	s10 =	sld [smem:$0x3FAF];
	_ =	sdelay $0x3  }
0x36: {  	p1 =	seq.s32 s10, $0x1;
	s10 =	sld [smem:$0x3FB0];
	_ =	sdelay $0x3  }
0x37: {  	[smem:$0x3FB0] =	sst s10  }
0x38: {  	s10 =	sld [smem:$0x3FB1]  }
0x39: {  	_ = 	snop;
	(pc) =	sbr.ind lr, $3  }
0x3a: {  	_ = 	snop  }
0x3b: {  	_ = 	snop  }
0x3c: {  	p2 =	seq.s32 s10, $0x1;
	s10 =	sld [smem:$0x3FB0]  }
0x3d: {  	_ =	shalt  }
0x3e: {  	_ =	shalt  }
0x3f: {  	_ =	shalt  }
0x40: {  	_ =	shalt  }
0x41: {  	_ =	shalt  }
0x42: {  	_ =	shalt  }
0x43: {  	_ =	shalt  }
0x44: {  	_ =	shalt  }
0x45: {  	_ =	shalt  }
0x46: {  	_ =	shalt  }
0x47: {  	_ =	shalt  }
0x48: {  	_ =	shalt  }
0x49: {  	_ =	shalt  }
0x4a: {  	_ =	shalt  }
0x4b: {  	_ =	shalt  }
0x4c: {  	_ =	shalt  }
0x4d: {  	_ =	shalt  }
0x4e: {  	_ =	shalt  }
0x4f: {  	_ =	shalt  }
0x50: {  	_ =	shalt  }
0x51: {  	_ =	shalt  }
0x52: {  	_ =	shalt  }
0x53: {  	_ =	shalt  }
0x54: {  	_ =	shalt  }
0x55: {  	_ =	shalt  }
0x56: {  	_ =	shalt  }
0x57: {  	_ =	shalt  }
0x58: {  	_ =	shalt  }
0x59: {  	_ =	shalt  }
0x5a: {  	_ =	shalt  }
0x5b: {  	_ =	shalt  }
0x5c: {  	_ =	shalt  }
0x5d: {  	_ =	shalt  }
0x5e: {  	_ =	shalt  }
0x5f: {  	_ =	shalt  }
0x60: {  	_ =	shalt  }
0x61: {  	_ =	shalt  }
0x62: {  	_ =	shalt  }
0x63: {  	_ =	shalt  }
0x64: {  	_ =	shalt  }
0x65: {  	_ =	shalt  }
0x66: {  	_ =	shalt  }
0x67: {  	_ =	shalt  }
0x68: {  	_ =	shalt  }
0x69: {  	_ =	shalt  }
0x6a: {  	_ =	shalt  }
0x6b: {  	_ =	shalt  }
0x6c: {  	_ =	shalt  }
0x6d: {  	_ =	shalt  }
0x6e: {  	_ =	shalt  }
0x6f: {  	_ =	shalt  }
0x70: {  	_ =	shalt  }
0x71: {  	_ =	shalt  }
0x72: {  	_ =	shalt  }
0x73: {  	_ =	shalt  }
0x74: {  	_ =	shalt  }
0x75: {  	_ =	shalt  }
0x76: {  	_ =	shalt  }
0x77: {  	_ =	shalt  }
0x78: {  	_ =	shalt  }
0x79: {  	_ =	shalt  }
0x7a: {  	_ =	shalt  }
0x7b: {  	_ =	shalt  }
0x7c: {  	_ =	shalt  }
0x7d: {  	_ =	shalt  }
0x7e: {  	_ =	shalt  }
0x7f: {  	_ =	shalt  }
0x80: {  	_ =	shalt  }
0x81: {  	_ =	shalt  }
0x82: {  	_ =	shalt  }
0x83: {  	_ =	shalt  }
0x84: {  	_ =	shalt  }
0x85: {  	_ =	shalt  }
0x86: {  	_ =	shalt  }
0x87: {  	_ =	shalt  }
.Lfunc_end0:
.L_simem_size_0:
called_computation.2_lowered:
.L_overlay_start_0:
0x88: {  	s2 =	sld [smem:$0x3FD9]  }
0x89: {  	s3 =	sld [smem:$0x3FFE];
	_ =	sdelay $0x1  }
0x8a: {  	s1 =	srdreg.scid  }
0x8b: {  	s0 =	sand.u32 $0x1, s1  }
0x8c: {  	s16 =	sshll.u32 s0, $0xA;
	s2 =	sadd.s32 s3, s2  }
0x8d: {  	s2 =	sadd.s32 s2, s16  }
0x8e: {  	[smem:$0x3FBC] =	sst s2  }
0x8f: {  	_ = 	snop  }
0x90: {  	(tm) =	ssettm $0x1  }
0x91: {  	s17 =	sld [smem:$0x3FFB];
	_ =	sdelay $0x3  }
0x92: {  	_ =	strace s17  }
0x93: {  	s2 =	sld [smem:$0x3FFC];
	_ =	sdelay $0x3  }
0x94: {  	_ =	strace s2  }
0x95: {  	s2 =	sld [smem:$0x3FFD];
	_ =	sdelay $0x3  }
0x96: {  	_ =	strace s2  }
0x97: {  	_ =	strace $0x8FFFFFFF  }
0x98: {  	s18 =	sld [smem:$0x3FDB];
	_ =	sdelay $0x1  }
0x99: {  	s19 =	simm.s32 $_scs_section_size  }
0x9a: {  	s4 =	simm.s32 $_size__tile_overlayer_lowered;
	s5 =	simm.s32 $_tile_overlayer_lowered  }
0x9b: {  	s22 =	simm.s32 $0x1BFF;
	s21 =	sshll.u32 s5, $0x1;
	s2 =	sadd.s32 s19, s18  }
0x9c: {  	s6 =	simm.s32 $0x0;
	s20 =	sshll.u32 s4, $0x1;
	s4 =	sadd.s32 s21, s2  }
0x9d: {  	[timem:s6], [sflag:s22] =	dma.local [hbm:s4], s20  }
0x9e: {  	_ =	swait.ge [sflag:s22], s20  }
0x9f: {  	s3 =	ssub.s32 $0x0, s20;
	[sflag:s22] =	ssyncset.done $0x0  }
0xa0: {  	[sflag:s22] =	ssyncadd.s32 s3;
	_ =	sdelay $0x1  }
0xa1: {  	s23 =	simm.s32 $0x1B8B  }
0xa2: {  	_ =	swait.ge [sflag:s23], $0x1  }
0xa3: {  	[sflag:s23] =	ssyncset.done $0x0  }
0xa4: {  	s25 =	simm.s32 $0x1B8E;
	s24 =	sld [smem:$0x3FFE];
	[sflag:s23] =	ssyncadd.s32 $0xFFFFFFFF  }
0xa5: {  	s26 =	simm.s32 $execute0_lowered;
	[smem:$0x3FD2] =	sst s25  }
0xa6: {  	s4 =	sshll.u32 s26, $0x1;
	_ =	strace $0x8000004C;
	[dreg:$0x1] =	wrdreg $0xFFFFFFFF  }
0xa7: {  	s28 =	simm.s32 $_size_execute0_lowered;
	s2 =	sadd.s32 s2, s4;
	[dreg:$0x0] =	wrdreg $0x0  }
0xa8: {  	s4 =	sshll.u32 s28, $0x1;
	[dreg:$0x2] =	wrdreg s2  }
0xa9: {  	[dreg:$0x3] =	wrdreg s4  }
0xaa: {  	[dreg:$0x4] =	wrdreg $0xC0  }
0xab: {  	_ =	task [dreg:s6], $0x5FFFF  }
0xac: {  	[dreg:$0x1] =	wrdreg $0xFFFFFFFF  }
0xad: {  	[dreg:$0x0] =	wrdreg $0x60  }
0xae: {  	[dreg:$0x2] =	wrdreg s24  }
0xaf: {  	[dreg:$0x3] =	wrdreg $0x74000  }
0xb0: {  	[dreg:$0x4] =	wrdreg $0x9  }
0xb1: {  	_ =	task.clear_ibuf [dreg:s6], $0x5FFFF;
	_ =	strace $0x9000004C  }
0xb2: {  	s29 =	simm.s32 $0x9;
	_ =	strace $0x8000004E  }
0xb3: {  	_ =	swait.ge [sflag:s29], $0x1  }
0xb4: {  	[sflag:s29] =	ssyncadd.s32 $0xFFFFFFFF  }
0xb5: {  	_ =	strace $0x9000004E  }
0xb6: {  	_ =	sfence  }
0xb7: {  	s30 =	sld [smem:$0x0];
	_ =	sdelay $0x2  }
0xb8: {  	s31 =	sshll.u32 s1, $0xD;
	s1 =	sshrl.u32 s1, $0x2  }
0xb9: {  	s3 =	sand.u32 $0x4000, s31;
	s1 =	sadd.s32 s1, s30  }
0xba: {  	s0 =	sor.u32 s3, s0;
	s1 =	sshll.u32 s1, $0x11  }
0xbb: {  	s0 =	sor.u32 s1, s0  }
0xbc: {  	s0 =	sadd.s32 $0x8F2B, s0  }
0xbd: {  	[sflag:s0] =	ssyncadd.remote.s32 $0x1  }
0xbe: {  	_ =	sfence.sel $0xFFFF  }
0xbf: {  	[dreg:$0x0] =	wrdreg $0xFFFFFFFF;
	(pc) =	sbr.abs _section_cstart, $3  }
0xc0: {  	[dreg:$0x1] =	wrdreg $0xFFFFFFFF  }
0xc1: {  	_ =	task.clear_ibuf [dreg:s6], $0x2FFFF;
	_ =	strace $0x9FFFFFFF  }
0xc2: {  	(tm) =	ssettm $0x7FFFFFFF  }
0xc3: {  	_ =	shalt  }
tec
execute0_lowered:
.L_overlay_start_1:
0x0: {  	(tag) =	ssettag $0x1  }
0x1: {  	s0 =	rddreg [dreg:$0x0]  }
0x2: {  	s1 =	rddreg [dreg:$0x1]  }
0x3: {  	s2 =	simm.s32 $0x0;
	s3 =	srdreg.scid;
	s16 =	stileid.u32  }
0x4: {  	s28 =	simm.s32 $0x3;
	s29 =	simm.s32 $0x100;
	s30 =	simm.s32 $0x80  }
0x5: {  	s31 =	simm.s32 $0x200;
	[smem:$0x7FF] =	sst s2;
	s17 =	smul.u32 $0xC800, s16  }
0x6: {  	s4 =	sadd.s32 $0x17600, s0;
	s3 =	sand.u32 $0x1, s3;
	s22 =	smul.u32 $0x3200, s16  }
0x7: {  	s5 =	sadd.s32 $0xD800, s0;
	s6 =	sadd.s32 $0x3A00, s0;
	s7 =	smul.u32 $0x27100, s3  }
0x8: {  	s11 =	sor.u32 $0x10, s16;
	s8 =	ssub.s32 $0x2, s3;
	s3 =	smul.u32 $0x9C400, s3  }
0x9: {  	s9 =	sshll.u32 s16, $0x7;
	s14 =	sor.u32 $0x30, s16;
	s12 =	smul.u32 $0xC800, s11  }
0xa: {  	s0 =	sadd.s32 $0x79400, s0;
	p1 =	sgt.u32 s16, $0x1;
	s19 =	smul.u32 $0xC800, s14  }
0xb: {  	_ =	strace $0x8000004D;
	s24 =	smul.u32 $0x3200, s11;
	s10 =	sshrl.u32 s8, $0x1  }
0xc: {  	p0 =	sgt.u32 s14, $0x31;
	s7 =	sadd.s32 s9, s7;
	s8 =	ssub.s32 s8, s10  }
0xd: {  	s10 =	sshrl.u32 s17, $0x2;
	s20 =	sshrl.u32 s12, $0x2;
	s8 =	smax.u32 s8, $0x1  }
0xe: {  	s25 =	sadd.s32 s3, s22;
	s18 =	sadd.s32 s10, s1;
	[dreg:$0x5] =	wrdreg s8  }
0xf: {  	s9 =	sshrl.u32 s7, $0x3;
	s10 =	sadd.s32 s20, s1;
	[dreg:$0x6] =	wrdreg s18  }
0x10: {  	s17 =	smul.u32 $0x3200, s14;
	s15 =	sadd.s32 s5, s9;
	[dreg:$0x7] =	wrdreg s10  }
0x11: {  	s9 =	sadd.s32 s6, s9;
	s8 =	sshrl.u32 s19, $0x2;
	[dreg:$0x3] =	wrdreg s15  }
0x12: {  	s18 =	sadd.s32 s22, s1;
	[dreg:$0x4] =	wrdreg s9;
	s9 =	sor.u32 $0x20, s16  }
0x13: {  	s8 =	sadd.s32 s8, s1;
	s15 =	sshrl.u32 s25, $0x3;
	s13 =	smul.u32 $0xC800, s9  }
0x14: {  	s26 =	smul.u32 $0x3200, s9;
	[dreg:$0x9] =	wrdreg s8;
	s8 =	sadd.s32 s0, s15  }
0x15: {  	s11 =	sadd.s32 s17, s1;
	s10 =	simm.s32 $0x2;
	[dreg:$0xa] =	wrdreg s8  }
0x16: {  	s8 =	simm.s32 $0x1;
	s21 =	sshrl.u32 s13, $0x2;
	s15 =	sadd.s32 s3, s26  }
0x17: {  	s25 =	sadd.s32 s26, s1;
	s26 =	sshrl.u32 s18, $0x3;
	s23 =	sadd.s32 s21, s1  }
0x18: {  	s21 =	sadd.s32 s3, s24;
	s3 =	sadd.s32 s3, s17;
	s22 =	sshrl.u32 s15, $0x3  }
0x19: {  	s24 =	sadd.s32 s24, s1;
	[dreg:$0xe] =	wrdreg s26;
	s26 =	simm.s32 $0x4200  }
0x1a: {  	[dreg:$0x8] =	wrdreg s23;
	s13 =	sshrl.u32 s21, $0x3;
	s3 =	sshrl.u32 s3, $0x3  }
0x1b: {  	s23 =	sadd.s32 $0x800, s7;
	s21 =	sadd.s32 $0x1000, s7;
	s13 =	sadd.s32 s0, s13  }
0x1c: {  	s7 =	simm.s32 $0x2200;
	[dreg:$0xb] =	wrdreg s13;
	s13 =	sadd.s32 s0, s22  }
0x1d: {  	s0 =	sadd.s32 s0, s3;
	s3 =	simm.s32 $0x180;
	[dreg:$0xc] =	wrdreg s13  }
0x1e: {  	[dreg:$0xd] =	wrdreg s0;
	s0 =	sshrl.u32 s23, $0x3;
	s23 =	sshrl.u32 s24, $0x3  }
0x1f: {  	s24 =	sshrl.u32 s25, $0x3;
	s25 =	sshrl.u32 @!p0 s11, $0x3;
	s11 =	simm.s32 $0x0  }
0x20: {  	v0 =	vimm.f32 $0.0e+00;
	s19 =	sadd.s32 s0, s6;
	s20 =	sadd.s32 s0, s5;
	s0 =	simm.s32 $0x4  }
.LBB2_1:
0x21: {  	s12 =	sand.u32 $0xFF00, s2  }
0x22: {  	s13 =	sand.u32 $0x30, s2;
	s14 =	sshrl.u32 s12, $0x2  }
0x23: {  	s12 =	simm.s32 $0x40;
	s14 =	sor.u32 s13, s14;
	s13 =	simm.s32 $0x0  }
.LBB2_2:
0x24: {  	p2 =	sne.s32 s12, $0xC7C0  }
0x25: {  	[tilespmem:s14+$0x4200] =	vst v0;
	s13 =	sadd.s32 $0x10, s13;
	s14 =	smov.u32 s12;
	s12 =	sadd.s32 $0x40, s12  }
.Ltmp0:
0x26: {  	(pc) =	sbr.rel @p2 .LBB2_2-.Ltmp0, $4  }
0x27: {  	_ = 	snop  }
0x28: {  	s14 =	sand.u32 $0xFF00, s14  }
0x29: {  	s15 =	sand.u32 $0x30, s13;
	s14 =	sshrl.u32 s14, $0x2  }
0x2a: {  	s14 =	sor.u32 s15, s14  }
0x2b: {  	[tilespmem:s14+$0x4200] =	vst v0;
	s12 =	rddreg [dreg:$0x6]  }
0x2c: {  	[spmem:s12] =	stream.linear.scatter [tilespmem:s26], [sflag:$0x3], $0x3200, $0x38;
	[tilespmem:$0x11040] =	vst v63  }
0x2d: {  	_ =	swait.ge [sflag:s28], $0x3200  }
0x2e: {  	[sflag:s28] =	ssyncset.done $0x0  }
0x2f: {  	s13 =	rddreg [dreg:$0x7];
	[sflag:s28] =	ssyncadd.s32 $0xFFFFCE00  }
0x30: {  	[spmem:s13] =	stream.linear.scatter [tilespmem:s26], [sflag:$0x3], $0x3200, $0x38;
	[tilespmem:$0x11040] =	vst v63  }
0x31: {  	_ =	swait.ge [sflag:s28], $0x3200  }
0x32: {  	[sflag:s28] =	ssyncset.done $0x0  }
0x33: {  	s14 =	rddreg [dreg:$0x8];
	[sflag:s28] =	ssyncadd.s32 $0xFFFFCE00  }
0x34: {  	[spmem:s14] =	stream.linear.scatter [tilespmem:s26], [sflag:$0x3], $0x3200, $0x38;
	[tilespmem:$0x11040] =	vst v63  }
0x35: {  	_ =	swait.ge [sflag:s28], $0x3200  }
0x36: {  	[sflag:s28] =	ssyncset.done $0x0  }
0x37: {  	s12 =	simm.s32 @!p0 $0x4200;
	s13 =	rddreg [dreg:$0x9];
	[sflag:s28] =	ssyncadd.s32 $0xFFFFCE00  }
0x38: {  	[spmem:s13] =	stream.linear.scatter @!p0 [tilespmem:s12], [sflag:$0x3], $0x3200, $0x38;
	[tilespmem:$0x11040] =	vst v63  }
0x39: {  	s12 =	simm.s32 @!p0 $0x3  }
0x3a: {  	_ =	swait.ge @!p0 [sflag:s12], $0x3200  }
0x3b: {  	[sflag:s12] =	ssyncset.done @!p0 $0x0  }
0x3c: {  	[sflag:s12] =	ssyncadd.s32 @!p0 $0xFFFFCE00  }
0x3d: {  	[bflag:$0x0] =	sbarrier.arrive $0xFFFF  }
0x3e: {  	s15 =	simm.s32 $0x0;
	s16 =	rddreg [dreg:$0x3]  }
0x3f: {  	[tilespmem:s15], [sflag:$0x3] =	stream.linear.gather [hbm4b:s16+s15], $0x80, $0x38;
	[tilespmem:$0x11040] =	vst v63  }
0x40: {  	_ =	swait.ge [sflag:s28], $0x80  }
0x41: {  	[sflag:s28] =	ssyncset.done $0x0  }
0x42: {  	s17 =	rddreg [dreg:$0x4];
	[sflag:s28] =	ssyncadd.s32 $0xFFFFFF80  }
0x43: {  	[tilespmem:s29], [sflag:$0x3] =	stream.linear.gather [hbm4b:s17+s15], $0x80, $0x38;
	[tilespmem:$0x11040] =	vst v63  }
0x44: {  	_ =	swait.ge [sflag:s28], $0x80  }
0x45: {  	[sflag:s28] =	ssyncset.done $0x0  }
0x46: {  	[sflag:s28] =	ssyncadd.s32 $0xFFFFFF80  }
0x47: {  	[tilespmem:s31], [sflag:$0x1] =	stream.indirect.gather [hbm4b:s4+s30], $0x40, s15, s30, $0xb8;
	[tilespmem:$0x11040] =	vst v63  }
0x48: {  	s18 =	sadd.s32 $0x0, s20  }
0x49: {  	[tilespmem:s30], [sflag:$0x4] =	stream.linear.gather [hbm4b:s18+s2], $0x80, $0x38;
	[tilespmem:$0x11040] =	vst v63  }
0x4a: {  	_ =	swait.ge [sflag:s0], $0x80  }
0x4b: {  	[sflag:s0] =	ssyncset.done $0x0  }
0x4c: {  	s22 =	sadd.s32 $0x0, s19;
	[sflag:s0] =	ssyncadd.s32 $0xFFFFFF80  }
0x4d: {  	[tilespmem:s3], [sflag:$0x4] =	stream.linear.gather [hbm4b:s22+s2], $0x80, $0x38;
	[tilespmem:$0x11040] =	vst v63  }
0x4e: {  	_ =	swait.ge [sflag:s0], $0x80  }
0x4f: {  	[sflag:s0] =	ssyncset.done $0x0  }
0x50: {  	[sflag:s0] =	ssyncadd.s32 $0xFFFFFF80  }
0x51: {  	[tilespmem:s7], [sflag:$0x2] =	stream.indirect.gather [hbm4b:s4+s30], $0x40, s30, s30, $0xb8;
	[tilespmem:$0x11040] =	vst v63  }
0x52: {  	_ =	swait.ge [sflag:s8], $0x2000  }
0x53: {  	[sflag:s8] =	ssyncset.done $0x0  }
0x54: {  	[sflag:s8] =	ssyncadd.s32 $0xFFFFE000  }
0x55: {  	[spmem:s1] =	stream.indirect.scatter.add.f32 [tilespmem:s31], [sflag:$0x4], $0x40, s29, s30, $0xb8;
	[tilespmem:$0x11040] =	vst v63  }
0x56: {  	p2 =	sgt.u32 s9, $0x4E1;
	_ =	swait.ge [sflag:s0], $0x2000  }
0x57: {  	s13 =	simm.s32 @!p2 $0x4;
	s12 =	sshrl.u32 @!p2 s21, $0x3;
	[sflag:s0] =	ssyncset.done $0x0  }
0x58: {  	s14 =	sadd.s32 @!p2 s5, s12;
	s15 =	simm.s32 @!p2 $0x0;
	[sflag:s0] =	ssyncadd.s32 $0xFFFFE000  }
0x59: {  	[tilespmem:s15], [sflag:$0x4] =	stream.linear.gather @!p2 [hbm4b:s14+s15], $0x80, $0x38;
	[tilespmem:$0x11040] =	vst v63  }
0x5a: {  	_ =	swait.ge @!p2 [sflag:s13], $0x80  }
0x5b: {  	[sflag:s13] =	ssyncset.done @!p2 $0x0  }
0x5c: {  	s12 =	sadd.s32 @!p2 s6, s12;
	s14 =	simm.s32 @!p2 $0x100;
	[sflag:s13] =	ssyncadd.s32 @!p2 $0xFFFFFF80  }
0x5d: {  	[tilespmem:s14], [sflag:$0x4] =	stream.linear.gather @!p2 [hbm4b:s12+s15], $0x80, $0x38;
	[tilespmem:$0x11040] =	vst v63  }
0x5e: {  	_ =	swait.ge @!p2 [sflag:s13], $0x80  }
0x5f: {  	[sflag:s13] =	ssyncset.done @!p2 $0x0  }
0x60: {  	s12 =	simm.s32 @!p2 $0x80;
	[sflag:s13] =	ssyncadd.s32 @!p2 $0xFFFFFF80;
	s13 =	simm.s32 @!p2 $0x200  }
0x61: {  	[tilespmem:s13], [sflag:$0x1] =	stream.indirect.gather @!p2 [hbm4b:s4+s12], $0x40, s15, s12, $0xb8;
	[tilespmem:$0x11040] =	vst v63  }
0x62: {  	_ =	swait.ge [sflag:s10], $0x2000  }
0x63: {  	[sflag:s10] =	ssyncset.done $0x0  }
0x64: {  	[sflag:s10] =	ssyncadd.s32 $0xFFFFE000  }
0x65: {  	[spmem:s1] =	stream.indirect.scatter.add.f32 [tilespmem:s7], [sflag:$0x3], $0x40, s3, s30, $0xb8;
	[tilespmem:$0x11040] =	vst v63  }
0x66: {  	s14 =	simm.s32 $0x200;
	s15 =	simm.s32 $0x400;
	_ =	swait.ge [sflag:s28], $0x2000  }
0x67: {  	s12 =	sadd.s32 $0x1000, s21;
	s13 =	sadd.s32 $0x20, s9;
	[sflag:s28] =	ssyncset.done $0x0  }
.LBB2_4:
0x68: {  	s16 =	sadd.s32 s14, s20  }
0x69: {  	[sflag:s28] =	ssyncadd.s32 $0xFFFFE000;
	s17 =	smov.u32 s15;
	s15 =	sadd.s32 $0x200, s15  }
0x6a: {  	[tilespmem:s30], [sflag:$0x4] =	stream.linear.gather [hbm4b:s16+s2], $0x80, $0x38;
	[tilespmem:$0x11040] =	vst v63  }
0x6b: {  	p2 =	sne.s32 s15, $0x4E00;
	_ =	swait.ge [sflag:s0], $0x80  }
0x6c: {  	[sflag:s0] =	ssyncset.done $0x0  }
0x6d: {  	s16 =	sadd.s32 s14, s19;
	s14 =	smov.u32 s17;
	[sflag:s0] =	ssyncadd.s32 $0xFFFFFF80  }
0x6e: {  	[tilespmem:s3], [sflag:$0x4] =	stream.linear.gather [hbm4b:s16+s2], $0x80, $0x38;
	[tilespmem:$0x11040] =	vst v63  }
0x6f: {  	_ =	swait.ge [sflag:s0], $0x80  }
0x70: {  	[sflag:s0] =	ssyncset.done $0x0  }
0x71: {  	[sflag:s0] =	ssyncadd.s32 $0xFFFFFF80  }
0x72: {  	[tilespmem:s7], [sflag:$0x2] =	stream.indirect.gather [hbm4b:s4+s30], $0x40, s30, s30, $0xb8;
	[tilespmem:$0x11040] =	vst v63  }
0x73: {  	_ =	swait.ge [sflag:s8], $0x2000  }
0x74: {  	[sflag:s8] =	ssyncset.done $0x0  }
0x75: {  	[sflag:s8] =	ssyncadd.s32 $0xFFFFE000  }
0x76: {  	[spmem:s1] =	stream.indirect.scatter.add.f32 [tilespmem:s31], [sflag:$0x4], $0x40, s29, s30, $0xb8;
	[tilespmem:$0x11040] =	vst v63  }
0x77: {  	p3 =	sgt.u32 s13, $0x4E1;
	_ =	swait.ge [sflag:s0], $0x2000  }
0x78: {  	s17 =	simm.s32 @!p3 $0x4;
	s16 =	sshrl.u32 @!p3 s12, $0x3;
	[sflag:s0] =	ssyncset.done $0x0  }
0x79: {  	s22 =	simm.s32 @!p3 $0x0;
	s18 =	sadd.s32 @!p3 s5, s16;
	[sflag:s0] =	ssyncadd.s32 $0xFFFFE000  }
0x7a: {  	[tilespmem:s22], [sflag:$0x4] =	stream.linear.gather @!p3 [hbm4b:s18+s22], $0x80, $0x38;
	[tilespmem:$0x11040] =	vst v63  }
0x7b: {  	s16 =	sadd.s32 @!p3 s6, s16;
	_ =	swait.ge @!p3 [sflag:s17], $0x80  }
0x7c: {  	[sflag:s17] =	ssyncset.done @!p3 $0x0  }
0x7d: {  	s18 =	simm.s32 @!p3 $0x100;
	[sflag:s17] =	ssyncadd.s32 @!p3 $0xFFFFFF80  }
0x7e: {  	[tilespmem:s18], [sflag:$0x4] =	stream.linear.gather @!p3 [hbm4b:s16+s22], $0x80, $0x38;
	[tilespmem:$0x11040] =	vst v63  }
0x7f: {  	_ =	swait.ge @!p3 [sflag:s17], $0x80  }
0x80: {  	[sflag:s17] =	ssyncset.done @!p3 $0x0  }
0x81: {  	s16 =	simm.s32 @!p3 $0x80;
	[sflag:s17] =	ssyncadd.s32 @!p3 $0xFFFFFF80;
	s17 =	simm.s32 @!p3 $0x200  }
0x82: {  	[tilespmem:s17], [sflag:$0x1] =	stream.indirect.gather @!p3 [hbm4b:s4+s16], $0x40, s22, s16, $0xb8;
	[tilespmem:$0x11040] =	vst v63  }
0x83: {  	_ =	swait.ge [sflag:s10], $0x2000  }
.Ltmp1:
0x84: {  	[sflag:s10] =	ssyncset.done $0x0;
	(pc) =	sbr.rel @p2 .LBB2_4-.Ltmp1, $4  }
0x85: {  	[sflag:s10] =	ssyncadd.s32 $0xFFFFE000  }
0x86: {  	[spmem:s1] =	stream.indirect.scatter.add.f32 [tilespmem:s7], [sflag:$0x3], $0x40, s3, s30, $0xb8;
	[tilespmem:$0x11040] =	vst v63  }
0x87: {  	_ =	swait.ge [sflag:s28], $0x2000  }
0x88: {  	s13 =	sadd.s32 $0x20, s13;
	s12 =	sadd.s32 $0x1000, s12;
	[sflag:s28] =	ssyncset.done $0x0  }
0x89: {  	s15 =	sadd.s32 s14, s20;
	[sflag:s28] =	ssyncadd.s32 $0xFFFFE000  }
0x8a: {  	[tilespmem:s30], [sflag:$0x4] =	stream.linear.gather [hbm4b:s15+s2], $0x80, $0x38;
	[tilespmem:$0x11040] =	vst v63  }
0x8b: {  	_ =	swait.ge [sflag:s0], $0x80  }
0x8c: {  	[sflag:s0] =	ssyncset.done $0x0  }
0x8d: {  	s22 =	sadd.s32 s14, s19;
	[sflag:s0] =	ssyncadd.s32 $0xFFFFFF80  }
0x8e: {  	[tilespmem:s3], [sflag:$0x4] =	stream.linear.gather [hbm4b:s22+s2], $0x80, $0x38;
	[tilespmem:$0x11040] =	vst v63  }
0x8f: {  	_ =	swait.ge [sflag:s0], $0x80  }
0x90: {  	[sflag:s0] =	ssyncset.done $0x0  }
0x91: {  	[sflag:s0] =	ssyncadd.s32 $0xFFFFFF80  }
0x92: {  	[tilespmem:s7], [sflag:$0x2] =	stream.indirect.gather [hbm4b:s4+s30], $0x40, s30, s30, $0xb8;
	[tilespmem:$0x11040] =	vst v63  }
0x93: {  	_ =	swait.ge [sflag:s8], $0x2000  }
0x94: {  	[sflag:s8] =	ssyncset.done $0x0  }
0x95: {  	[sflag:s8] =	ssyncadd.s32 $0xFFFFE000  }
0x96: {  	[spmem:s1] =	stream.indirect.scatter.add.f32 [tilespmem:s31], [sflag:$0x4], $0x40, s29, s30, $0xb8;
	[tilespmem:$0x11040] =	vst v63  }
0x97: {  	p2 =	sgt.u32 s13, $0x4E1;
	_ =	swait.ge [sflag:s0], $0x2000  }
0x98: {  	s12 =	sshrl.u32 @!p2 s12, $0x3;
	s13 =	simm.s32 @!p2 $0x4;
	[sflag:s0] =	ssyncset.done $0x0  }
0x99: {  	s15 =	simm.s32 @!p2 $0x0;
	s14 =	sadd.s32 @!p2 s5, s12;
	[sflag:s0] =	ssyncadd.s32 $0xFFFFE000  }
0x9a: {  	[tilespmem:s15], [sflag:$0x4] =	stream.linear.gather @!p2 [hbm4b:s14+s15], $0x80, $0x38;
	[tilespmem:$0x11040] =	vst v63  }
0x9b: {  	_ =	swait.ge @!p2 [sflag:s13], $0x80  }
0x9c: {  	[sflag:s13] =	ssyncset.done @!p2 $0x0  }
0x9d: {  	s12 =	sadd.s32 @!p2 s6, s12;
	s14 =	simm.s32 @!p2 $0x100;
	[sflag:s13] =	ssyncadd.s32 @!p2 $0xFFFFFF80  }
0x9e: {  	[tilespmem:s14], [sflag:$0x4] =	stream.linear.gather @!p2 [hbm4b:s12+s15], $0x80, $0x38;
	[tilespmem:$0x11040] =	vst v63  }
0x9f: {  	_ =	swait.ge @!p2 [sflag:s13], $0x80  }
0xa0: {  	[sflag:s13] =	ssyncset.done @!p2 $0x0  }
0xa1: {  	s12 =	simm.s32 @!p2 $0x80;
	[sflag:s13] =	ssyncadd.s32 @!p2 $0xFFFFFF80;
	s13 =	simm.s32 @!p2 $0x200  }
0xa2: {  	[tilespmem:s13], [sflag:$0x1] =	stream.indirect.gather @!p2 [hbm4b:s4+s12], $0x40, s15, s12, $0xb8;
	[tilespmem:$0x11040] =	vst v63  }
0xa3: {  	_ =	swait.ge [sflag:s10], $0x2000  }
0xa4: {  	[sflag:s10] =	ssyncset.done $0x0  }
0xa5: {  	[sflag:s10] =	ssyncadd.s32 $0xFFFFE000  }
0xa6: {  	[spmem:s1] =	stream.indirect.scatter.add.f32 [tilespmem:s7], [sflag:$0x3], $0x40, s3, s30, $0xb8;
	[tilespmem:$0x11040] =	vst v63  }
0xa7: {  	_ =	swait.ge [sflag:s28], $0x2000  }
0xa8: {  	[sflag:s28] =	ssyncset.done $0x0  }
0xa9: {  	s12 =	simm.s32 @!p1 $0x1;
	[sflag:s28] =	ssyncadd.s32 $0xFFFFE000  }
0xaa: {  	_ =	swait.ge @!p1 [sflag:s12], $0x2000  }
0xab: {  	s14 =	simm.s32 @!p1 $0x200;
	[sflag:s12] =	ssyncset.done @!p1 $0x0  }
0xac: {  	s13 =	simm.s32 @!p1 $0x100;
	[sflag:s12] =	ssyncadd.s32 @!p1 $0xFFFFE000;
	s12 =	simm.s32 @!p1 $0x80  }
0xad: {  	[spmem:s1] =	stream.indirect.scatter.add.f32 @!p1 [tilespmem:s14], [sflag:$0x4], $0x40, s13, s12, $0xb8;
	[tilespmem:$0x11040] =	vst v63  }
0xae: {  	s12 =	simm.s32 @!p1 $0x4  }
0xaf: {  	_ =	swait.ge @!p1 [sflag:s12], $0x2000  }
0xb0: {  	[sflag:s12] =	ssyncset.done @!p1 $0x0  }
0xb1: {  	[sflag:s12] =	ssyncadd.s32 @!p1 $0xFFFFE000  }
0xb2: {  	s14 =	stileid.u32;
	[bflag:$0x0] =	sbarrier.arrive $0xFFFF  }
0xb3: {  	s12 =	sshll.u32 s14, $0x6;
	s15 =	rddreg [dreg:$0xa]  }
0xb4: {  	s12 =	sor.u32 $0x1C03, s12;
	s16 =	rddreg [dreg:$0xe]  }
0xb5: {  	[hbm:s15], [sflag:s12] =	dma.local [spmem:s16], $0x640  }
0xb6: {  	_ =	swait.ge [sflag:s28], $0x640  }
0xb7: {  	[sflag:s28] =	ssyncset.done $0x0  }
0xb8: {  	s17 =	rddreg [dreg:$0xb];
	[sflag:s28] =	ssyncadd.s32 $0xFFFFF9C0  }
0xb9: {  	[hbm:s17], [sflag:s12] =	dma.local [spmem:s23], $0x640  }
0xba: {  	_ =	swait.ge [sflag:s28], $0x640  }
0xbb: {  	[sflag:s28] =	ssyncset.done $0x0  }
0xbc: {  	s18 =	rddreg [dreg:$0xc];
	[sflag:s28] =	ssyncadd.s32 $0xFFFFF9C0  }
0xbd: {  	[hbm:s18], [sflag:s12] =	dma.local [spmem:s24], $0x640  }
0xbe: {  	_ =	swait.ge [sflag:s28], $0x640  }
0xbf: {  	[sflag:s28] =	ssyncset.done $0x0  }
0xc0: {  	s13 =	rddreg [dreg:$0xd];
	[sflag:s28] =	ssyncadd.s32 $0xFFFFF9C0  }
0xc1: {  	[hbm:s13], [sflag:s12] =	dma.local @!p0 [spmem:s25], $0x640  }
0xc2: {  	s12 =	simm.s32 @!p0 $0x3  }
0xc3: {  	_ =	swait.ge @!p0 [sflag:s12], $0x640  }
0xc4: {  	s11 =	sadd.s32 $0x1, s11;
	s22 =	rddreg [dreg:$0x5]  }
0xc5: {  	p2 =	sne.s32 s11, s22  }
.Ltmp2:
0xc6: {  	_ = 	snop;
	(pc) =	sbr.rel @p2 .LBB2_1-.Ltmp2, $3  }
0xc7: {  	_ =	sdelay $0x1  }
0xc8: {  	[sflag:s12] =	ssyncset.done @!p0 $0x0  }
0xc9: {  	[sflag:s12] =	ssyncadd.s32 @!p0 $0xFFFFF9C0  }
0xca: {  	_ =	sfence.sel $0x180000  }
0xcb: {  	[bflag:$0x0] =	sbarrier.arrive $0xFFFF  }
0xcc: {  	_ =	strace $0x9000004D  }
0xcd: {  	s0 =	stileid.u32;
	[bflag:$0x2] =	sbarrier.arrive $0xFFFF  }
0xce: {  	p0 =	sne.s32 s0, $0x0;
	s0 =	rddreg [dreg:$0x2]  }
0xcf: {  	s0 =	sadd.s32 @!p0 $0x100000, s0  }
0xd0: {  	[sflag:s0] =	ssyncadd.tile.s32 @!p0 $0x1;
	_ =	shalt  }
.Lfunc_end2:
_tile_overlayer_lowered:
.L_overlay_start_2:
0xd1: {  	(tag) =	ssettag $0x2  }
0xd2: {  	s0 =	rddreg [dreg:$0x0];
	s2 =	stileid.u32  }
0xd3: {  	s1 =	rddreg [dreg:$0x1];
	p0 =	sne.s32 s2, $0x0  }
0xd4: {  	s3 =	rddreg [dreg:$0x2];
	[bflag:$0x3] =	sbarrier.arrive $0xFFFF;
	s2 =	simm.s32 @!p0 $0x1C03  }
0xd5: {  	[timem:s3], [sflag:s2] =	dma.local @!p0 [hbm:s0], s1  }
0xd6: {  	s0 =	simm.s32 @!p0 $0x3  }
0xd7: {  	_ =	swait.ge @!p0 [sflag:s0], s1  }
0xd8: {  	s1 =	ssub.s32 @!p0 $0x0, s1;
	[sflag:s0] =	ssyncset.done @!p0 $0x0  }
0xd9: {  	[sflag:s0] =	ssyncadd.s32 @!p0 s1  }
0xda: {  	[bflag:$0x3] =	sbarrier.arrive $0xFFFF  }
0xdb: {  	_ =	shalt  }

// kernel: kernel.22.cloned.1.call-start
scs
__scs_entry_jumppad:
0x0: {  	(pc) =	sbr.rel $0x88, $3  }
0x1: {  	(tag) =	ssettag $0x0;
	lr =	simm.s32 $0x1  }
0x2: {  	[smem:$0x3F95] =	sst lr;
	_ =	strace $0xD0000000  }
0x3: {  	_ = 	snop  }
0x4: {  	_ = 	snop  }
0x5: {  	_ = 	snop  }
0x6: {  	_ = 	snop  }
0x7: {  	_ = 	snop  }
__scs_overlays_trampoline_lowered:
0x8: {  	[smem:$0x3FA4] =	sst s0  }
0x9: {  	[smem:$0x3FA5] =	sst s1  }
0xa: {  	[smem:$0x3FA6] =	sst s2  }
0xb: {  	[smem:$0x3FA7] =	sst s3  }
0xc: {  	[smem:$0x3FA8] =	sst s4  }
0xd: {  	[smem:$0x3FA9] =	sst s5  }
0xe: {  	[smem:$0x3FAA] =	sst s6  }
0xf: {  	[smem:$0x3FAB] =	sst s7  }
0x10: {  	[smem:$0x3FAC] =	sst s8  }
0x11: {  	[smem:$0x3FAD] =	sst s9;
	s0 =	simm.s32 @!p0 $0x0  }
0x12: {  	s1 =	sld [smem:$0x3F93];
	s0 =	simm.s32 @p0 $0x1  }
0x13: {  	[smem:$0x3FAE] =	sst s0;
	s0 =	simm.s32 @!p1 $0x0  }
0x14: {  	s2 =	sld [smem:$0x3F92];
	s0 =	simm.s32 @p1 $0x1  }
0x15: {  	[smem:$0x3FAF] =	sst s0;
	s0 =	simm.s32 @!p2 $0x0  }
0x16: {  	s3 =	sld [smem:$0x3FDB];
	s0 =	simm.s32 @p2 $0x1  }
0x17: {  	s4 =	simm.s32 $0x1BF5;
	[smem:$0x3FB1] =	sst s0  }
0x18: {  	s0 =	sld [smem:$0x3F94];
	_ =	swait.ge [sflag:s4], $0x0  }
0x19: {  	s7 =	sld [smem:$0x3F95]  }
0x1a: {  	s8 =	sadd.s32 $0xFFFFE003, lr  }
0x1b: {  	s9 =	sadd.s32 $0xFFFFFEF7, lr;
	s5 =	simm.s32 $0xFFFFFFFF;
	p2 =	slt.u32 s8, $0xFFFFF086  }
0x1c: {  	p1 =	slt.u32 s9, $0xF7A;
	s5 =	simm.s32 @!p2 $0x0  }
0x1d: {  	s5 =	simm.s32 @p1 $0x1;
	p0 =	seq.s32 s7, s2  }
0x1e: {  	s7 =	smul.u32 @!p0 $0xF7A, s2;
	p2 =	seq.s32 @!p0 s5, $0x0  }
0x1f: {  	s9 =	smul.u32 $0xF7A, s1;
	s8 =	simm.s32 @!p0 $0x1BF5;
	p2 =	por !p2, p0  }
0x20: {  	[sflag:s8] =	ssyncset.s32 @!p0 $0xFFFFF086;
	s6 =	sadd.s32 @!p0 s3, s7;
	s7 =	simm.s32 @!p0 $0x108  }
0x21: {  	s3 =	sadd.s32 s3, s9;
	s6 =	sadd.s32 @!p0 $0x88, s6;
	s7 =	simm.s32 @p2 $0x1082  }
0x22: {  	[simem:s7], [sflag:s8] =	dma.local @!p0 [hbm:s6], $0xF7A  }
0x23: {  	s9 =	sor.u32 $0xD0000000, s2;
	s6 =	simm.s32 $0x108;
	_ =	swait.ge @!p0 [sflag:s8], $0x0  }
0x24: {  	s3 =	sadd.s32 $0x88, s3;
	s6 =	simm.s32 @!p1 $0x1082;
	[sflag:s4] =	ssyncset.s32 $0xFFFFF086  }
0x25: {  	[simem:s6], [sflag:s4] =	dma.local [hbm:s3], $0xF7A  }
0x26: {  	[smem:$0x3F95] =	sst s1;
	(tag) =	ssettag s2;
	_ =	strace s9  }
0x27: {  	s1 =	sld [smem:$0x3FA5]  }
0x28: {  	s2 =	sld [smem:$0x3FA6]  }
0x29: {  	s4 =	sld [smem:$0x3FA8]  }
0x2a: {  	p0 =	seq.s32 s5, $0x0;
	s5 =	sld [smem:$0x3FA9]  }
0x2b: {  	s6 =	sld [smem:$0x3FAA]  }
0x2c: {  	s7 =	sld [smem:$0x3FAB]  }
0x2d: {  	s3 =	simm.s32 $0x108;
	s8 =	sld [smem:$0x3FAC]  }
0x2e: {  	s3 =	simm.s32 @!p0 $0x1082;
	s9 =	sld [smem:$0x3FAD]  }
0x2f: {  	lr =	sadd.s32 s0, s3;
	s0 =	sld [smem:$0x3FA4]  }
0x30: {  	s3 =	sld [smem:$0x3FA7]  }
0x31: {  	[smem:$0x3FB0] =	sst s10  }
0x32: {  	s10 =	sld [smem:$0x3FAE];
	_ =	sdelay $0x3  }
0x33: {  	p0 =	seq.s32 s10, $0x1;
	s10 =	sld [smem:$0x3FB0];
	_ =	sdelay $0x3  }
0x34: {  	[smem:$0x3FB0] =	sst s10  }
0x35: {  	s10 =	sld [smem:$0x3FAF];
	_ =	sdelay $0x3  }
0x36: {  	p1 =	seq.s32 s10, $0x1;
	s10 =	sld [smem:$0x3FB0];
	_ =	sdelay $0x3  }
0x37: {  	[smem:$0x3FB0] =	sst s10  }
0x38: {  	s10 =	sld [smem:$0x3FB1]  }
0x39: {  	_ = 	snop;
	(pc) =	sbr.ind lr, $3  }
0x3a: {  	_ = 	snop  }
0x3b: {  	_ = 	snop  }
0x3c: {  	p2 =	seq.s32 s10, $0x1;
	s10 =	sld [smem:$0x3FB0]  }
0x3d: {  	_ =	shalt  }
0x3e: {  	_ =	shalt  }
0x3f: {  	_ =	shalt  }
0x40: {  	_ =	shalt  }
0x41: {  	_ =	shalt  }
0x42: {  	_ =	shalt  }
0x43: {  	_ =	shalt  }
0x44: {  	_ =	shalt  }
0x45: {  	_ =	shalt  }
0x46: {  	_ =	shalt  }
0x47: {  	_ =	shalt  }
0x48: {  	_ =	shalt  }
0x49: {  	_ =	shalt  }
0x4a: {  	_ =	shalt  }
0x4b: {  	_ =	shalt  }
0x4c: {  	_ =	shalt  }
0x4d: {  	_ =	shalt  }
0x4e: {  	_ =	shalt  }
0x4f: {  	_ =	shalt  }
0x50: {  	_ =	shalt  }
0x51: {  	_ =	shalt  }
0x52: {  	_ =	shalt  }
0x53: {  	_ =	shalt  }
0x54: {  	_ =	shalt  }
0x55: {  	_ =	shalt  }
0x56: {  	_ =	shalt  }
0x57: {  	_ =	shalt  }
0x58: {  	_ =	shalt  }
0x59: {  	_ =	shalt  }
0x5a: {  	_ =	shalt  }
0x5b: {  	_ =	shalt  }
0x5c: {  	_ =	shalt  }
0x5d: {  	_ =	shalt  }
0x5e: {  	_ =	shalt  }
0x5f: {  	_ =	shalt  }
0x60: {  	_ =	shalt  }
0x61: {  	_ =	shalt  }
0x62: {  	_ =	shalt  }
0x63: {  	_ =	shalt  }
0x64: {  	_ =	shalt  }
0x65: {  	_ =	shalt  }
0x66: {  	_ =	shalt  }
0x67: {  	_ =	shalt  }
0x68: {  	_ =	shalt  }
0x69: {  	_ =	shalt  }
0x6a: {  	_ =	shalt  }
0x6b: {  	_ =	shalt  }
0x6c: {  	_ =	shalt  }
0x6d: {  	_ =	shalt  }
0x6e: {  	_ =	shalt  }
0x6f: {  	_ =	shalt  }
0x70: {  	_ =	shalt  }
0x71: {  	_ =	shalt  }
0x72: {  	_ =	shalt  }
0x73: {  	_ =	shalt  }
0x74: {  	_ =	shalt  }
0x75: {  	_ =	shalt  }
0x76: {  	_ =	shalt  }
0x77: {  	_ =	shalt  }
0x78: {  	_ =	shalt  }
0x79: {  	_ =	shalt  }
0x7a: {  	_ =	shalt  }
0x7b: {  	_ =	shalt  }
0x7c: {  	_ =	shalt  }
0x7d: {  	_ =	shalt  }
0x7e: {  	_ =	shalt  }
0x7f: {  	_ =	shalt  }
0x80: {  	_ =	shalt  }
0x81: {  	_ =	shalt  }
0x82: {  	_ =	shalt  }
0x83: {  	_ =	shalt  }
0x84: {  	_ =	shalt  }
0x85: {  	_ =	shalt  }
0x86: {  	_ =	shalt  }
0x87: {  	_ =	shalt  }
.Lfunc_end0:
.L_simem_size_0:
called_computation.3_lowered:
.L_overlay_start_0:
0x88: {  	s2 =	sld [smem:$0x3FD9]  }
0x89: {  	s3 =	sld [smem:$0x3FFE];
	_ =	sdelay $0x1  }
0x8a: {  	s1 =	srdreg.scid  }
0x8b: {  	s0 =	sand.u32 $0x1, s1  }
0x8c: {  	s16 =	sshll.u32 s0, $0xA;
	s2 =	sadd.s32 s3, s2  }
0x8d: {  	s2 =	sadd.s32 s2, s16  }
0x8e: {  	[smem:$0x3FBC] =	sst s2  }
0x8f: {  	_ = 	snop  }
0x90: {  	(tm) =	ssettm $0x1  }
0x91: {  	s17 =	sld [smem:$0x3FFB];
	_ =	sdelay $0x3  }
0x92: {  	_ =	strace s17  }
0x93: {  	s2 =	sld [smem:$0x3FFC];
	_ =	sdelay $0x3  }
0x94: {  	_ =	strace s2  }
0x95: {  	s2 =	sld [smem:$0x3FFD];
	_ =	sdelay $0x3  }
0x96: {  	_ =	strace s2  }
0x97: {  	_ =	strace $0x8FFFFFFF  }
0x98: {  	s18 =	sld [smem:$0x3FDB];
	_ =	sdelay $0x1  }
0x99: {  	s19 =	simm.s32 $_scs_section_size  }
0x9a: {  	s4 =	simm.s32 $_size__tile_overlayer_lowered;
	s5 =	simm.s32 $_tile_overlayer_lowered  }
0x9b: {  	s22 =	simm.s32 $0x1BFF;
	s21 =	sshll.u32 s5, $0x1;
	s2 =	sadd.s32 s19, s18  }
0x9c: {  	s6 =	simm.s32 $0x0;
	s20 =	sshll.u32 s4, $0x1;
	s4 =	sadd.s32 s21, s2  }
0x9d: {  	[timem:s6], [sflag:s22] =	dma.local [hbm:s4], s20  }
0x9e: {  	_ =	swait.ge [sflag:s22], s20  }
0x9f: {  	s3 =	ssub.s32 $0x0, s20;
	[sflag:s22] =	ssyncset.done $0x0  }
0xa0: {  	[sflag:s22] =	ssyncadd.s32 s3;
	_ =	sdelay $0x1  }
0xa1: {  	s23 =	simm.s32 $0x1B8B  }
0xa2: {  	_ =	swait.ge [sflag:s23], $0x1  }
0xa3: {  	[sflag:s23] =	ssyncset.done $0x0  }
0xa4: {  	s25 =	simm.s32 $0x1B8E;
	s24 =	sld [smem:$0x3FFE];
	[sflag:s23] =	ssyncadd.s32 $0xFFFFFFFF  }
0xa5: {  	s26 =	simm.s32 $execute0_lowered;
	[smem:$0x3FD2] =	sst s25  }
0xa6: {  	s4 =	sshll.u32 s26, $0x1;
	_ =	strace $0x8000004F;
	[dreg:$0x1] =	wrdreg $0xFFFFFFFF  }
0xa7: {  	s28 =	simm.s32 $_size_execute0_lowered;
	s2 =	sadd.s32 s2, s4;
	[dreg:$0x0] =	wrdreg $0x0  }
0xa8: {  	s4 =	sshll.u32 s28, $0x1;
	[dreg:$0x2] =	wrdreg s2  }
0xa9: {  	[dreg:$0x3] =	wrdreg s4  }
0xaa: {  	[dreg:$0x4] =	wrdreg $0xC0  }
0xab: {  	_ =	task [dreg:s6], $0x5FFFF  }
0xac: {  	[dreg:$0x1] =	wrdreg $0xFFFFFFFF  }
0xad: {  	[dreg:$0x0] =	wrdreg $0x60  }
0xae: {  	[dreg:$0x2] =	wrdreg s24  }
0xaf: {  	[dreg:$0x3] =	wrdreg $0x25800  }
0xb0: {  	[dreg:$0x4] =	wrdreg $0x9  }
0xb1: {  	_ =	task.clear_ibuf [dreg:s6], $0x5FFFF;
	_ =	strace $0x9000004F  }
0xb2: {  	s29 =	simm.s32 $0x9;
	_ =	strace $0x80000051  }
0xb3: {  	_ =	swait.ge [sflag:s29], $0x1  }
0xb4: {  	[sflag:s29] =	ssyncadd.s32 $0xFFFFFFFF  }
0xb5: {  	_ =	strace $0x90000051  }
0xb6: {  	_ =	sfence  }
0xb7: {  	s30 =	sld [smem:$0x0];
	_ =	sdelay $0x2  }
0xb8: {  	s31 =	sshll.u32 s1, $0xD;
	s1 =	sshrl.u32 s1, $0x2  }
0xb9: {  	s3 =	sand.u32 $0x4000, s31;
	s1 =	sadd.s32 s1, s30  }
0xba: {  	s0 =	sor.u32 s3, s0;
	s1 =	sshll.u32 s1, $0x11  }
0xbb: {  	s0 =	sor.u32 s1, s0  }
0xbc: {  	s0 =	sadd.s32 $0x8F2B, s0  }
0xbd: {  	[sflag:s0] =	ssyncadd.remote.s32 $0x1  }
0xbe: {  	_ =	sfence.sel $0xFFFF  }
0xbf: {  	[dreg:$0x0] =	wrdreg $0xFFFFFFFF;
	(pc) =	sbr.abs _section_cstart, $3  }
0xc0: {  	[dreg:$0x1] =	wrdreg $0xFFFFFFFF  }
0xc1: {  	_ =	task.clear_ibuf [dreg:s6], $0x2FFFF;
	_ =	strace $0x9FFFFFFF  }
0xc2: {  	(tm) =	ssettm $0x7FFFFFFF  }
0xc3: {  	_ =	shalt  }
tec
execute0_lowered:
.L_overlay_start_1:
0x0: {  	(tag) =	ssettag $0x1  }
0x1: {  	s0 =	rddreg [dreg:$0x0]  }
0x2: {  	s1 =	rddreg [dreg:$0x1]  }
0x3: {  	s2 =	simm.s32 $0x0;
	s7 =	srdreg.scid;
	s28 =	simm.s32 $0x100  }
0x4: {  	s29 =	simm.s32 $0x900;
	s30 =	simm.s32 $0x1;
	s9 =	sand.u32 $0x1, s7  }
0x5: {  	s7 =	stileid.u32;
	s10 =	ssub.s32 $0x2, s9;
	s9 =	smul.u32 $0x27100, s9  }
0x6: {  	s31 =	simm.s32 $0x1100;
	[smem:$0x7FF] =	sst s2;
	s25 =	smul.u32 $0x3200, s7  }
0x7: {  	s3 =	sadd.s32 $0x17600, s0;
	s12 =	sor.u32 $0x10, s7;
	s18 =	smul.u32 $0xC80, s7  }
0x8: {  	s4 =	sadd.s32 $0x1C600, s0;
	s13 =	sor.u32 $0x20, s7;
	s26 =	smul.u32 $0x3200, s12  }
0x9: {  	s5 =	sadd.s32 $0xD800, s0;
	s15 =	sor.u32 $0x30, s7;
	s14 =	smul.u32 $0x3200, s13  }
0xa: {  	s6 =	sadd.s32 $0x3A00, s0;
	s8 =	sadd.s32 $0x102200, s0;
	s16 =	smul.u32 $0x3200, s15  }
0xb: {  	s0 =	sadd.s32 $0x79400, s0;
	_ =	strace $0x80000050;
	s20 =	smul.u32 $0xC80, s12  }
0xc: {  	s11 =	sshrl.u32 s10, $0x1;
	s22 =	smul.u32 $0xC80, s13;
	p0 =	sgt.u32 s15, $0x31  }
0xd: {  	s10 =	ssub.s32 s10, s11;
	s11 =	sshrl.u32 s25, $0x2;
	s21 =	sadd.s32 s9, s18  }
0xe: {  	s24 =	sadd.s32 s18, s1;
	s10 =	smax.u32 s10, $0x1;
	s11 =	sadd.s32 s11, s1  }
0xf: {  	s17 =	sshrl.u32 s14, $0x2;
	s19 =	sshrl.u32 s16, $0x2;
	s23 =	sadd.s32 s9, s20  }
0x10: {  	s16 =	smul.u32 $0xC80, s15;
	s25 =	sadd.s32 s9, s22;
	[dreg:$0x3] =	wrdreg s10  }
0x11: {  	s12 =	sadd.s32 s22, s1;
	s22 =	sshrl.u32 s24, $0x3;
	[dreg:$0x4] =	wrdreg s11  }
0x12: {  	s10 =	sshrl.u32 s26, $0x2;
	s13 =	sshrl.u32 s23, $0x3;
	s11 =	sadd.s32 s20, s1  }
0x13: {  	s20 =	simm.s32 $0x2;
	s24 =	sshrl.u32 s12, $0x3;
	s10 =	sadd.s32 s10, s1  }
0x14: {  	s13 =	sadd.s32 s0, s13;
	s26 =	sadd.s32 s9, s16;
	[dreg:$0x5] =	wrdreg s10  }
0x15: {  	s23 =	sshrl.u32 s11, $0x3;
	s10 =	sadd.s32 s17, s1;
	[dreg:$0x9] =	wrdreg s13  }
0x16: {  	s13 =	sshrl.u32 s25, $0x3;
	s14 =	sshrl.u32 s26, $0x3;
	s26 =	simm.s32 $0x80  }
.Ltmp0:
0x17: {  	[dreg:$0x6] =	wrdreg s10;
	s10 =	sadd.s32 s19, s1;
	(pc) =	sbr.rel .LBB2_1-.Ltmp0, $4  }
0x18: {  	s13 =	sadd.s32 s0, s13;
	s18 =	sadd.s32 s0, s14;
	[dreg:$0x7] =	wrdreg s10  }
0x19: {  	s19 =	simm.s32 $0x1900;
	s10 =	sshrl.u32 s21, $0x3;
	[dreg:$0xa] =	wrdreg s13  }
0x1a: {  	s21 =	simm.s32 $0x3;
	s10 =	sadd.s32 s0, s10;
	s0 =	sadd.s32 s16, s1  }
0x1b: {  	v0 =	vimm.f32 $0.0e+00;
	[dreg:$0x8] =	wrdreg s10;
	s25 =	sshrl.u32 @!p0 s0, $0x3;
	s0 =	simm.s32 $0x0  }
.LBB2_9:
0x1c: {  	s10 =	sshll.u32 s7, $0x6;
	[bflag:$0x0] =	sbarrier.arrive $0xFFFF  }
0x1d: {  	s10 =	sor.u32 $0x1C02, s10;
	s11 =	rddreg [dreg:$0x8]  }
0x1e: {  	[hbm:s11], [sflag:s10] =	dma.local [spmem:s22], $0x190  }
0x1f: {  	_ =	swait.ge [sflag:s20], $0x190  }
0x20: {  	[sflag:s20] =	ssyncset.done $0x0  }
0x21: {  	s15 =	rddreg [dreg:$0x9];
	[sflag:s20] =	ssyncadd.s32 $0xFFFFFE70  }
0x22: {  	[hbm:s15], [sflag:s10] =	dma.local [spmem:s23], $0x190  }
0x23: {  	_ =	swait.ge [sflag:s20], $0x190  }
0x24: {  	[sflag:s20] =	ssyncset.done $0x0  }
0x25: {  	s16 =	rddreg [dreg:$0xa];
	[sflag:s20] =	ssyncadd.s32 $0xFFFFFE70  }
0x26: {  	[hbm:s16], [sflag:s10] =	dma.local [spmem:s24], $0x190  }
0x27: {  	_ =	swait.ge [sflag:s20], $0x190  }
0x28: {  	[sflag:s20] =	ssyncset.done $0x0  }
0x29: {  	[sflag:s20] =	ssyncadd.s32 $0xFFFFFE70  }
0x2a: {  	[hbm:s18], [sflag:s10] =	dma.local @!p0 [spmem:s25], $0x190  }
0x2b: {  	s10 =	simm.s32 @!p0 $0x2  }
0x2c: {  	_ =	swait.ge @!p0 [sflag:s10], $0x190  }
0x2d: {  	s0 =	sadd.s32 $0x1, s0;
	s17 =	rddreg [dreg:$0x3]  }
0x2e: {  	p1 =	sne.s32 s0, s17  }
.Ltmp1:
0x2f: {  	_ = 	snop;
	(pc) =	sbr.rel @!p1 .LBB2_10-.Ltmp1, $3  }
0x30: {  	_ =	sdelay $0x1  }
0x31: {  	[sflag:s10] =	ssyncset.done @!p0 $0x0  }
0x32: {  	[sflag:s10] =	ssyncadd.s32 @!p0 $0xFFFFFE70  }
.LBB2_1:
0x33: {  	s10 =	simm.s32 $0x40;
	s11 =	simm.s32 $0x0  }
.LBB2_2:
0x34: {  	p1 =	sne.s32 s10, $0x31C0;
	[tilespmem:s11+$0x1900] =	vst v0;
	s11 =	smov.u32 s10;
	s10 =	sadd.s32 $0x40, s10  }
.Ltmp2:
0x35: {  	(pc) =	sbr.rel @p1 .LBB2_2-.Ltmp2, $2  }
0x36: {  	_ =	sdelay $0x2  }
0x37: {  	s11 =	sshra.s32 s11, $0x2  }
0x38: {  	[tilespmem:s11+$0x1900] =	vst v0;
	s10 =	rddreg [dreg:$0x4]  }
0x39: {  	[spmem:s10] =	stream.linear.scatter [tilespmem:s19], [sflag:$0x2], $0xC80, $0x38;
	[tilespmem:$0x4C90] =	vst v63  }
0x3a: {  	_ =	swait.ge [sflag:s20], $0xC80  }
0x3b: {  	[sflag:s20] =	ssyncset.done $0x0  }
0x3c: {  	s16 =	rddreg [dreg:$0x5];
	[sflag:s20] =	ssyncadd.s32 $0xFFFFF380  }
0x3d: {  	[spmem:s16] =	stream.linear.scatter [tilespmem:s19], [sflag:$0x2], $0xC80, $0x38;
	[tilespmem:$0x4C90] =	vst v63  }
0x3e: {  	_ =	swait.ge [sflag:s20], $0xC80  }
0x3f: {  	[sflag:s20] =	ssyncset.done $0x0  }
0x40: {  	s17 =	rddreg [dreg:$0x6];
	[sflag:s20] =	ssyncadd.s32 $0xFFFFF380  }
0x41: {  	[spmem:s17] =	stream.linear.scatter [tilespmem:s19], [sflag:$0x2], $0xC80, $0x38;
	[tilespmem:$0x4C90] =	vst v63  }
0x42: {  	_ =	swait.ge [sflag:s20], $0xC80  }
0x43: {  	[sflag:s20] =	ssyncset.done $0x0  }
0x44: {  	s10 =	simm.s32 @!p0 $0x1900;
	s11 =	rddreg [dreg:$0x7];
	[sflag:s20] =	ssyncadd.s32 $0xFFFFF380  }
0x45: {  	[spmem:s11] =	stream.linear.scatter @!p0 [tilespmem:s10], [sflag:$0x2], $0xC80, $0x38;
	[tilespmem:$0x4C90] =	vst v63  }
0x46: {  	s10 =	simm.s32 @!p0 $0x2  }
.Ltmp3:
0x47: {  	_ =	swait.ge @!p0 [sflag:s10], $0xC80;
	(pc) =	sbr.rel .LBB2_4-.Ltmp3, $4  }
0x48: {  	[sflag:s10] =	ssyncset.done @!p0 $0x0  }
0x49: {  	[sflag:s10] =	ssyncadd.s32 @!p0 $0xFFFFF380  }
0x4a: {  	[bflag:$0x0] =	sbarrier.arrive $0xFFFF  }
0x4b: {  	s10 =	simm.s32 $0x0  }
.LBB2_8:
0x4c: {  	s10 =	sadd.s32 $0x1, s10  }
0x4d: {  	p1 =	sne.s32 s10, $0x4F  }
.Ltmp4:
0x4e: {  	_ = 	snop;
	(pc) =	sbr.rel @!p1 .LBB2_9-.Ltmp4, $1  }
0x4f: {  	_ =	sdelay $0x3  }
.LBB2_4:
0x50: {  	s11 =	sshll.u32 s10, $0x4  }
0x51: {  	s11 =	sor.u32 s7, s11  }
0x52: {  	p1 =	sgt.u32 s11, $0x4E1  }
.Ltmp5:
0x53: {  	_ = 	snop;
	(pc) =	sbr.rel @p1 .LBB2_8-.Ltmp5, $1  }
0x54: {  	_ =	sdelay $0x3  }
0x55: {  	s11 =	sshll.u32 s11, $0x7  }
0x56: {  	s11 =	sadd.s32 s9, s11  }
0x57: {  	s12 =	sshrl.u32 s11, $0x3  }
0x58: {  	s14 =	simm.s32 $0x0;
	s13 =	sadd.s32 s5, s12  }
0x59: {  	[tilespmem:s14], [sflag:$0x3] =	stream.linear.gather [hbm4b:s13+s14], $0x80, $0x38;
	[tilespmem:$0x4C90] =	vst v63  }
0x5a: {  	_ =	swait.ge [sflag:s21], $0x80  }
0x5b: {  	[sflag:s21] =	ssyncset.done $0x0  }
0x5c: {  	s12 =	sadd.s32 s6, s12;
	[sflag:s21] =	ssyncadd.s32 $0xFFFFFF80  }
0x5d: {  	[tilespmem:s26], [sflag:$0x3] =	stream.linear.gather [hbm4b:s12+s14], $0x80, $0x38;
	[tilespmem:$0x4C90] =	vst v63  }
0x5e: {  	_ =	swait.ge [sflag:s21], $0x80  }
0x5f: {  	[sflag:s21] =	ssyncset.done $0x0  }
0x60: {  	[sflag:s21] =	ssyncadd.s32 $0xFFFFFF80  }
0x61: {  	[tilespmem:s28], [sflag:$0x1] =	stream.indirect.gather [hbm4b:s3+s26], $0x10, s14, s26, $0xb8;
	[tilespmem:$0x4C90] =	vst v63  }
0x62: {  	_ = 	snop  }
0x63: {  	[tilespmem:s29], [sflag:$0x1] =	stream.indirect.gather [hbm4b:s4+s26], $0x10, s26, s26, $0xb8;
	[tilespmem:$0x4C90] =	vst v63  }
0x64: {  	_ =	swait.ge [sflag:s30], $0x800  }
0x65: {  	[sflag:s30] =	ssyncset.done $0x0  }
0x66: {  	[sflag:s30] =	ssyncadd.s32 $0xFFFFF800  }
0x67: {  	_ =	swait.ge [sflag:s30], $0x800  }
0x68: {  	[sflag:s30] =	ssyncset.done $0x0  }
0x69: {  	s12 =	simm.s32 $0x0;
	[sflag:s30] =	ssyncadd.s32 $0xFFFFF800  }
0x6a: {  	v1 =	vld [tilespmem:s12+$0x100]  }
0x6b: {  	v2 =	vld [tilespmem:s12+$0x900];
	_ =	sdelay $0x4  }
0x6c: {  	v1 =	vadd.f32 v2, v1;
	_ =	sdelay $0x1  }
0x6d: {  	s13 =	simm.s32 $0x10;
	v2 =	vmul.f32 $2.000000030e-01, v1  }
0x6e: {  	v3 =	vld [tilespmem:s13+$0x100];
	vm0 =	vgt.f32 v1, $0.0e+00  }
0x6f: {  	v4 =	vld [tilespmem:s13+$0x900];
	v1 =	vsel vm0, v1, v2  }
0x70: {  	s15 =	simm.s32 $0x20;
	v1 =	vmul.f32 $1.442695020e+00, v1  }
0x71: {  	v2 =	vld [tilespmem:s15+$0x100]  }
0x72: {  	(erf) = vpow2.f32 v1;
	v1 =	vld [tilespmem:s15+$0x900];
	_ =	sdelay $0x1  }
0x73: {  	v3 =	vadd.f32 v4, v3;
	_ =	sdelay $0x1  }
0x74: {  	v4 =	vmul.f32 $2.000000030e-01, v3  }
0x75: {  	vm14 =	vgt.f32 v3, $0.0e+00;
	v5 =	vadd.f32 v1, v2  }
0x76: {  	v1 =	vsel vm14, v3, v4  }
0x77: {  	s14 =	simm.s32 $0x30;
	v2 =	vmul.f32 $1.442695020e+00, v1;
	v3 =	vmul.f32 $2.000000030e-01, v5  }
0x78: {  	v1 =	vld [tilespmem:s14+$0x100]  }
0x79: {  	(erf) = vpow2.f32 v2;
	v2 =	vld [tilespmem:s14+$0x900]  }
0x7a: {  	vm15 =	vgt.f32 v5, $0.0e+00  }
0x7b: {  	s16 =	simm.s32 $0x100;
	v4 =	vsel vm15, v5, v3;
	v3 =	vpop (erf)  }
.LBB2_6:
0x7c: {  	s17 =	sshra.s32 s16, $0x2  }
0x7d: {  	v4 =	vmul.f32 $1.442695020e+00, v4;
	[tilespmem:s12+$0x1100] =	vst v3;
	s12 =	smov.u32 s13;
	s13 =	smov.u32 s15;
	p1 =	sne.s32 s16, $0x1FC0  }
.Ltmp6:
0x7e: {  	s16 =	sadd.s32 $0x40, s16;
	v3 =	vadd.f32 v2, v1;
	v1 =	vld [tilespmem:s17+$0x100];
	(pc) =	sbr.rel @p1 .LBB2_6-.Ltmp6, $4  }
0x7f: {  	s15 =	smov.u32 s14;
	s14 =	smov.u32 s17;
	v2 =	vld [tilespmem:s17+$0x900];
	(erf) = vpow2.f32 v4  }
0x80: {  	v4 =	vmul.f32 $2.000000030e-01, v3  }
0x81: {  	vm0 =	vgt.f32 v3, $0.0e+00  }
0x82: {  	v4 =	vsel vm0, v3, v4;
	v3 =	vpop (erf)  }
0x83: {  	_ = 	snop  }
0x84: {  	v1 =	vadd.f32 v2, v1;
	_ =	sdelay $0x1  }
0x85: {  	v2 =	vmul.f32 $2.000000030e-01, v1  }
0x86: {  	vm0 =	vgt.f32 v1, $0.0e+00  }
0x87: {  	v1 =	vsel vm0, v1, v2;
	v2 =	vmul.f32 $1.442695020e+00, v4  }
0x88: {  	v1 =	vmul.f32 $1.442695020e+00, v1  }
0x89: {  	(erf) = vpow2.f32 v2  }
0x8a: {  	(erf) = vpow2.f32 v1;
	_ =	sdelay $0x6  }
0x8b: {  	[tilespmem:s12+$0x1100] =	vst v3;
	v1 =	vpop (erf)  }
0x8c: {  	[tilespmem:s13+$0x1100] =	vst v1;
	v1 =	vpop (erf)  }
0x8d: {  	s11 =	sshll.u32 s11, $0x1;
	[tilespmem:s15+$0x1100] =	vst v1;
	v1 =	vpop (erf)  }
0x8e: {  	s11 =	sadd.s32 s8, s11;
	[tilespmem:s14+$0x1100] =	vst v1  }
0x8f: {  	[hbm4b:s11+s2] =	stream.linear.scatter [tilespmem:s31], [sflag:$0x3], $0x800, $0x38;
	[tilespmem:$0x4C90] =	vst v63  }
0x90: {  	_ =	swait.ge [sflag:s21], $0x800  }
0x91: {  	[sflag:s21] =	ssyncset.done $0x0  }
.Ltmp7:
0x92: {  	[sflag:s21] =	ssyncadd.s32 $0xFFFFF800;
	(pc) =	sbr.rel .LBB2_8-.Ltmp7, $4  }
0x93: {  	[spmem:s1] =	stream.indirect.scatter.add.f32 [tilespmem:s31], [sflag:$0x2], $0x10, s26, s26, $0xb8;
	[tilespmem:$0x4C90] =	vst v63  }
0x94: {  	_ =	swait.ge [sflag:s20], $0x800  }
0x95: {  	[sflag:s20] =	ssyncset.done $0x0  }
0x96: {  	[sflag:s20] =	ssyncadd.s32 $0xFFFFF800  }
.LBB2_10:
0x97: {  	_ =	sfence.sel $0x180000  }
0x98: {  	[bflag:$0x0] =	sbarrier.arrive $0xFFFF  }
0x99: {  	_ =	strace $0x90000050  }
0x9a: {  	[bflag:$0x2] =	sbarrier.arrive $0xFFFF  }
0x9b: {  	p0 =	sne.s32 s7, $0x0;
	s0 =	rddreg [dreg:$0x2]  }
0x9c: {  	s0 =	sadd.s32 @!p0 $0x100000, s0  }
0x9d: {  	[sflag:s0] =	ssyncadd.tile.s32 @!p0 $0x1;
	_ =	shalt  }
.Lfunc_end2:
_tile_overlayer_lowered:
.L_overlay_start_2:
0x9e: {  	(tag) =	ssettag $0x2  }
0x9f: {  	s0 =	rddreg [dreg:$0x0];
	s2 =	stileid.u32  }
0xa0: {  	s1 =	rddreg [dreg:$0x1];
	p0 =	sne.s32 s2, $0x0  }
0xa1: {  	s3 =	rddreg [dreg:$0x2];
	[bflag:$0x3] =	sbarrier.arrive $0xFFFF;
	s2 =	simm.s32 @!p0 $0x1C02  }
0xa2: {  	[timem:s3], [sflag:s2] =	dma.local @!p0 [hbm:s0], s1  }
0xa3: {  	s0 =	simm.s32 @!p0 $0x2  }
0xa4: {  	_ =	swait.ge @!p0 [sflag:s0], s1  }
0xa5: {  	s1 =	ssub.s32 @!p0 $0x0, s1;
	[sflag:s0] =	ssyncset.done @!p0 $0x0  }
0xa6: {  	[sflag:s0] =	ssyncadd.s32 @!p0 s1  }
0xa7: {  	[bflag:$0x3] =	sbarrier.arrive $0xFFFF  }
0xa8: {  	_ =	shalt  }

// kernel: kernel.25.cloned.1.call-start
scs
__scs_entry_jumppad:
0x0: {  	(pc) =	sbr.rel $0x88, $3  }
0x1: {  	(tag) =	ssettag $0x0;
	lr =	simm.s32 $0x1  }
0x2: {  	[smem:$0x3F95] =	sst lr;
	_ =	strace $0xD0000000  }
0x3: {  	_ = 	snop  }
0x4: {  	_ = 	snop  }
0x5: {  	_ = 	snop  }
0x6: {  	_ = 	snop  }
0x7: {  	_ = 	snop  }
__scs_overlays_trampoline_lowered:
0x8: {  	[smem:$0x3FA4] =	sst s0  }
0x9: {  	[smem:$0x3FA5] =	sst s1  }
0xa: {  	[smem:$0x3FA6] =	sst s2  }
0xb: {  	[smem:$0x3FA7] =	sst s3  }
0xc: {  	[smem:$0x3FA8] =	sst s4  }
0xd: {  	[smem:$0x3FA9] =	sst s5  }
0xe: {  	[smem:$0x3FAA] =	sst s6  }
0xf: {  	[smem:$0x3FAB] =	sst s7  }
0x10: {  	[smem:$0x3FAC] =	sst s8  }
0x11: {  	[smem:$0x3FAD] =	sst s9;
	s0 =	simm.s32 @!p0 $0x0  }
0x12: {  	s1 =	sld [smem:$0x3F93];
	s0 =	simm.s32 @p0 $0x1  }
0x13: {  	[smem:$0x3FAE] =	sst s0;
	s0 =	simm.s32 @!p1 $0x0  }
0x14: {  	s2 =	sld [smem:$0x3F92];
	s0 =	simm.s32 @p1 $0x1  }
0x15: {  	[smem:$0x3FAF] =	sst s0;
	s0 =	simm.s32 @!p2 $0x0  }
0x16: {  	s3 =	sld [smem:$0x3FDB];
	s0 =	simm.s32 @p2 $0x1  }
0x17: {  	s4 =	simm.s32 $0x1BF5;
	[smem:$0x3FB1] =	sst s0  }
0x18: {  	s0 =	sld [smem:$0x3F94];
	_ =	swait.ge [sflag:s4], $0x0  }
0x19: {  	s7 =	sld [smem:$0x3F95]  }
0x1a: {  	s8 =	sadd.s32 $0xFFFFE003, lr  }
0x1b: {  	s9 =	sadd.s32 $0xFFFFFEF7, lr;
	s5 =	simm.s32 $0xFFFFFFFF;
	p2 =	slt.u32 s8, $0xFFFFF086  }
0x1c: {  	p1 =	slt.u32 s9, $0xF7A;
	s5 =	simm.s32 @!p2 $0x0  }
0x1d: {  	s5 =	simm.s32 @p1 $0x1;
	p0 =	seq.s32 s7, s2  }
0x1e: {  	s7 =	smul.u32 @!p0 $0xF7A, s2;
	p2 =	seq.s32 @!p0 s5, $0x0  }
0x1f: {  	s9 =	smul.u32 $0xF7A, s1;
	s8 =	simm.s32 @!p0 $0x1BF5;
	p2 =	por !p2, p0  }
0x20: {  	[sflag:s8] =	ssyncset.s32 @!p0 $0xFFFFF086;
	s6 =	sadd.s32 @!p0 s3, s7;
	s7 =	simm.s32 @!p0 $0x108  }
0x21: {  	s3 =	sadd.s32 s3, s9;
	s6 =	sadd.s32 @!p0 $0x88, s6;
	s7 =	simm.s32 @p2 $0x1082  }
0x22: {  	[simem:s7], [sflag:s8] =	dma.local @!p0 [hbm:s6], $0xF7A  }
0x23: {  	s9 =	sor.u32 $0xD0000000, s2;
	s6 =	simm.s32 $0x108;
	_ =	swait.ge @!p0 [sflag:s8], $0x0  }
0x24: {  	s3 =	sadd.s32 $0x88, s3;
	s6 =	simm.s32 @!p1 $0x1082;
	[sflag:s4] =	ssyncset.s32 $0xFFFFF086  }
0x25: {  	[simem:s6], [sflag:s4] =	dma.local [hbm:s3], $0xF7A  }
0x26: {  	[smem:$0x3F95] =	sst s1;
	(tag) =	ssettag s2;
	_ =	strace s9  }
0x27: {  	s1 =	sld [smem:$0x3FA5]  }
0x28: {  	s2 =	sld [smem:$0x3FA6]  }
0x29: {  	s4 =	sld [smem:$0x3FA8]  }
0x2a: {  	p0 =	seq.s32 s5, $0x0;
	s5 =	sld [smem:$0x3FA9]  }
0x2b: {  	s6 =	sld [smem:$0x3FAA]  }
0x2c: {  	s7 =	sld [smem:$0x3FAB]  }
0x2d: {  	s3 =	simm.s32 $0x108;
	s8 =	sld [smem:$0x3FAC]  }
0x2e: {  	s3 =	simm.s32 @!p0 $0x1082;
	s9 =	sld [smem:$0x3FAD]  }
0x2f: {  	lr =	sadd.s32 s0, s3;
	s0 =	sld [smem:$0x3FA4]  }
0x30: {  	s3 =	sld [smem:$0x3FA7]  }
0x31: {  	[smem:$0x3FB0] =	sst s10  }
0x32: {  	s10 =	sld [smem:$0x3FAE];
	_ =	sdelay $0x3  }
0x33: {  	p0 =	seq.s32 s10, $0x1;
	s10 =	sld [smem:$0x3FB0];
	_ =	sdelay $0x3  }
0x34: {  	[smem:$0x3FB0] =	sst s10  }
0x35: {  	s10 =	sld [smem:$0x3FAF];
	_ =	sdelay $0x3  }
0x36: {  	p1 =	seq.s32 s10, $0x1;
	s10 =	sld [smem:$0x3FB0];
	_ =	sdelay $0x3  }
0x37: {  	[smem:$0x3FB0] =	sst s10  }
0x38: {  	s10 =	sld [smem:$0x3FB1]  }
0x39: {  	_ = 	snop;
	(pc) =	sbr.ind lr, $3  }
0x3a: {  	_ = 	snop  }
0x3b: {  	_ = 	snop  }
0x3c: {  	p2 =	seq.s32 s10, $0x1;
	s10 =	sld [smem:$0x3FB0]  }
0x3d: {  	_ =	shalt  }
0x3e: {  	_ =	shalt  }
0x3f: {  	_ =	shalt  }
0x40: {  	_ =	shalt  }
0x41: {  	_ =	shalt  }
0x42: {  	_ =	shalt  }
0x43: {  	_ =	shalt  }
0x44: {  	_ =	shalt  }
0x45: {  	_ =	shalt  }
0x46: {  	_ =	shalt  }
0x47: {  	_ =	shalt  }
0x48: {  	_ =	shalt  }
0x49: {  	_ =	shalt  }
0x4a: {  	_ =	shalt  }
0x4b: {  	_ =	shalt  }
0x4c: {  	_ =	shalt  }
0x4d: {  	_ =	shalt  }
0x4e: {  	_ =	shalt  }
0x4f: {  	_ =	shalt  }
0x50: {  	_ =	shalt  }
0x51: {  	_ =	shalt  }
0x52: {  	_ =	shalt  }
0x53: {  	_ =	shalt  }
0x54: {  	_ =	shalt  }
0x55: {  	_ =	shalt  }
0x56: {  	_ =	shalt  }
0x57: {  	_ =	shalt  }
0x58: {  	_ =	shalt  }
0x59: {  	_ =	shalt  }
0x5a: {  	_ =	shalt  }
0x5b: {  	_ =	shalt  }
0x5c: {  	_ =	shalt  }
0x5d: {  	_ =	shalt  }
0x5e: {  	_ =	shalt  }
0x5f: {  	_ =	shalt  }
0x60: {  	_ =	shalt  }
0x61: {  	_ =	shalt  }
0x62: {  	_ =	shalt  }
0x63: {  	_ =	shalt  }
0x64: {  	_ =	shalt  }
0x65: {  	_ =	shalt  }
0x66: {  	_ =	shalt  }
0x67: {  	_ =	shalt  }
0x68: {  	_ =	shalt  }
0x69: {  	_ =	shalt  }
0x6a: {  	_ =	shalt  }
0x6b: {  	_ =	shalt  }
0x6c: {  	_ =	shalt  }
0x6d: {  	_ =	shalt  }
0x6e: {  	_ =	shalt  }
0x6f: {  	_ =	shalt  }
0x70: {  	_ =	shalt  }
0x71: {  	_ =	shalt  }
0x72: {  	_ =	shalt  }
0x73: {  	_ =	shalt  }
0x74: {  	_ =	shalt  }
0x75: {  	_ =	shalt  }
0x76: {  	_ =	shalt  }
0x77: {  	_ =	shalt  }
0x78: {  	_ =	shalt  }
0x79: {  	_ =	shalt  }
0x7a: {  	_ =	shalt  }
0x7b: {  	_ =	shalt  }
0x7c: {  	_ =	shalt  }
0x7d: {  	_ =	shalt  }
0x7e: {  	_ =	shalt  }
0x7f: {  	_ =	shalt  }
0x80: {  	_ =	shalt  }
0x81: {  	_ =	shalt  }
0x82: {  	_ =	shalt  }
0x83: {  	_ =	shalt  }
0x84: {  	_ =	shalt  }
0x85: {  	_ =	shalt  }
0x86: {  	_ =	shalt  }
0x87: {  	_ =	shalt  }
.Lfunc_end0:
.L_simem_size_0:
called_computation.4_lowered:
.L_overlay_start_0:
0x88: {  	s2 =	sld [smem:$0x3FD9]  }
0x89: {  	s3 =	sld [smem:$0x3FFE];
	_ =	sdelay $0x1  }
0x8a: {  	s1 =	srdreg.scid  }
0x8b: {  	s0 =	sand.u32 $0x1, s1  }
0x8c: {  	s16 =	sshll.u32 s0, $0xA;
	s2 =	sadd.s32 s3, s2  }
0x8d: {  	s2 =	sadd.s32 s2, s16  }
0x8e: {  	[smem:$0x3FBC] =	sst s2  }
0x8f: {  	_ = 	snop  }
0x90: {  	(tm) =	ssettm $0x1  }
0x91: {  	s17 =	sld [smem:$0x3FFB];
	_ =	sdelay $0x3  }
0x92: {  	_ =	strace s17  }
0x93: {  	s2 =	sld [smem:$0x3FFC];
	_ =	sdelay $0x3  }
0x94: {  	_ =	strace s2  }
0x95: {  	s2 =	sld [smem:$0x3FFD];
	_ =	sdelay $0x3  }
0x96: {  	_ =	strace s2  }
0x97: {  	_ =	strace $0x8FFFFFFF  }
0x98: {  	s18 =	sld [smem:$0x3FDB];
	_ =	sdelay $0x1  }
0x99: {  	s19 =	simm.s32 $_scs_section_size  }
0x9a: {  	s4 =	simm.s32 $_size__tile_overlayer_lowered;
	s5 =	simm.s32 $_tile_overlayer_lowered  }
0x9b: {  	s22 =	simm.s32 $0x1BFF;
	s21 =	sshll.u32 s5, $0x1;
	s2 =	sadd.s32 s19, s18  }
0x9c: {  	s6 =	simm.s32 $0x0;
	s20 =	sshll.u32 s4, $0x1;
	s4 =	sadd.s32 s21, s2  }
0x9d: {  	[timem:s6], [sflag:s22] =	dma.local [hbm:s4], s20  }
0x9e: {  	_ =	swait.ge [sflag:s22], s20  }
0x9f: {  	s3 =	ssub.s32 $0x0, s20;
	[sflag:s22] =	ssyncset.done $0x0  }
0xa0: {  	[sflag:s22] =	ssyncadd.s32 s3;
	_ =	sdelay $0x1  }
0xa1: {  	s23 =	simm.s32 $0x1B8B  }
0xa2: {  	_ =	swait.ge [sflag:s23], $0x1  }
0xa3: {  	[sflag:s23] =	ssyncset.done $0x0  }
0xa4: {  	s25 =	simm.s32 $0x1B8E;
	s24 =	sld [smem:$0x3FFE];
	[sflag:s23] =	ssyncadd.s32 $0xFFFFFFFF  }
0xa5: {  	s26 =	simm.s32 $execute0_lowered;
	[smem:$0x3FD2] =	sst s25  }
0xa6: {  	s4 =	sshll.u32 s26, $0x1;
	_ =	strace $0x80000052;
	[dreg:$0x1] =	wrdreg $0xFFFFFFFF  }
0xa7: {  	s28 =	simm.s32 $_size_execute0_lowered;
	s2 =	sadd.s32 s2, s4;
	[dreg:$0x0] =	wrdreg $0x0  }
0xa8: {  	s4 =	sshll.u32 s28, $0x1;
	[dreg:$0x2] =	wrdreg s2  }
0xa9: {  	[dreg:$0x3] =	wrdreg s4  }
0xaa: {  	[dreg:$0x4] =	wrdreg $0xC0  }
0xab: {  	_ =	task [dreg:s6], $0x5FFFF  }
0xac: {  	[dreg:$0x1] =	wrdreg $0xFFFFFFFF  }
0xad: {  	[dreg:$0x0] =	wrdreg $0x60  }
0xae: {  	[dreg:$0x2] =	wrdreg s24  }
0xaf: {  	[dreg:$0x3] =	wrdreg $0xEB800  }
0xb0: {  	[dreg:$0x4] =	wrdreg $0x9  }
0xb1: {  	_ =	task.clear_ibuf [dreg:s6], $0x5FFFF;
	_ =	strace $0x90000052  }
0xb2: {  	s29 =	simm.s32 $0x9;
	_ =	strace $0x80000054  }
0xb3: {  	_ =	swait.ge [sflag:s29], $0x1  }
0xb4: {  	[sflag:s29] =	ssyncadd.s32 $0xFFFFFFFF  }
0xb5: {  	_ =	strace $0x90000054  }
0xb6: {  	_ =	sfence  }
0xb7: {  	s30 =	sld [smem:$0x0];
	_ =	sdelay $0x2  }
0xb8: {  	s31 =	sshll.u32 s1, $0xD;
	s1 =	sshrl.u32 s1, $0x2  }
0xb9: {  	s3 =	sand.u32 $0x4000, s31;
	s1 =	sadd.s32 s1, s30  }
0xba: {  	s0 =	sor.u32 s3, s0;
	s1 =	sshll.u32 s1, $0x11  }
0xbb: {  	s0 =	sor.u32 s1, s0  }
0xbc: {  	s0 =	sadd.s32 $0x8F2B, s0  }
0xbd: {  	[sflag:s0] =	ssyncadd.remote.s32 $0x1  }
0xbe: {  	_ =	sfence.sel $0xFFFF  }
0xbf: {  	[dreg:$0x0] =	wrdreg $0xFFFFFFFF;
	(pc) =	sbr.abs _section_cstart, $3  }
0xc0: {  	[dreg:$0x1] =	wrdreg $0xFFFFFFFF  }
0xc1: {  	_ =	task.clear_ibuf [dreg:s6], $0x2FFFF;
	_ =	strace $0x9FFFFFFF  }
0xc2: {  	(tm) =	ssettm $0x7FFFFFFF  }
0xc3: {  	_ =	shalt  }
tec
execute0_lowered:
.L_overlay_start_1:
0x0: {  	(tag) =	ssettag $0x1  }
0x1: {  	s0 =	rddreg [dreg:$0x0]  }
0x2: {  	s1 =	rddreg [dreg:$0x1];
	s2 =	simm.s32 $0x0  }
0x3: {  	s14 =	srdreg.scid;
	s8 =	stileid.u32;
	s28 =	simm.s32 $0x180  }
0x4: {  	s29 =	simm.s32 $0x8180;
	s30 =	simm.s32 $0x8980;
	s15 =	smul.u32 $0xC800, s8  }
0x5: {  	[smem:$0x7FF] =	sst s2;
	s2 =	sand.u32 $0x1, s14;
	s19 =	smul.u32 $0x3200, s8  }
0x6: {  	s31 =	simm.s32 $0x100;
	s3 =	sadd.s32 $0x19E600, s0;
	s9 =	smul.u32 $0x27100, s2  }
0x7: {  	s12 =	sor.u32 $0x10, s8;
	s10 =	ssub.s32 $0x2, s2;
	s2 =	smul.u32 $0x9C400, s2  }
0x8: {  	s4 =	sadd.s32 $0x102200, s0;
	s13 =	sor.u32 $0x20, s8;
	s16 =	smul.u32 $0xC800, s12  }
0x9: {  	s5 =	sadd.s32 $0x79400, s0;
	s6 =	sadd.s32 $0xD800, s0;
	s14 =	smul.u32 $0xC800, s13  }
0xa: {  	s7 =	sadd.s32 $0x3A00, s0;
	s0 =	sadd.s32 $0x83200, s0;
	s21 =	smul.u32 $0x3200, s12  }
0xb: {  	_ =	strace $0x80000053;
	s23 =	smul.u32 $0x3200, s13;
	s11 =	sshrl.u32 s10, $0x1  }
0xc: {  	s25 =	sadd.s32 s19, s1;
	s10 =	ssub.s32 s10, s11;
	s11 =	sshrl.u32 s15, $0x2  }
0xd: {  	s15 =	sor.u32 $0x30, s8;
	s18 =	sshrl.u32 s14, $0x2;
	s22 =	sadd.s32 s2, s19  }
0xe: {  	s24 =	sadd.s32 s2, s21;
	s26 =	sadd.s32 s2, s23;
	s12 =	sadd.s32 s23, s1  }
0xf: {  	s19 =	simm.s32 $0xB980;
	s10 =	smax.u32 s10, $0x1;
	s11 =	sadd.s32 s11, s1  }
0x10: {  	s17 =	smul.u32 $0xC800, s15;
	s13 =	sshrl.u32 s24, $0x3;
	[dreg:$0x3] =	wrdreg s10  }
0x11: {  	p0 =	sgt.u32 s15, $0x31;
	s24 =	sshrl.u32 s12, $0x3;
	[dreg:$0x4] =	wrdreg s11  }
0x12: {  	s10 =	sshrl.u32 s16, $0x2;
	s16 =	smul.u32 $0x3200, s15;
	s13 =	sadd.s32 s0, s13  }
0x13: {  	s11 =	sadd.s32 s21, s1;
	s21 =	simm.s32 $0x3;
	s10 =	sadd.s32 s10, s1  }
0x14: {  	s20 =	sshrl.u32 s17, $0x2;
	[dreg:$0x9] =	wrdreg s13;
	s13 =	sshrl.u32 s26, $0x3  }
0x15: {  	s23 =	sshrl.u32 s11, $0x3;
	s26 =	simm.s32 $0x80;
	s11 =	simm.s32 $0x0  }
0x16: {  	[dreg:$0x5] =	wrdreg s10;
	s10 =	sadd.s32 s18, s1;
	s2 =	sadd.s32 s2, s16  }
0x17: {  	s13 =	sadd.s32 s0, s13;
	[dreg:$0x6] =	wrdreg s10;
	s10 =	sadd.s32 s20, s1  }
.Ltmp0:
0x18: {  	s2 =	sshrl.u32 s2, $0x3;
	[dreg:$0xa] =	wrdreg s13;
	(pc) =	sbr.rel .LBB2_1-.Ltmp0, $4  }
0x19: {  	s20 =	simm.s32 $0x2;
	[dreg:$0x7] =	wrdreg s10;
	s10 =	sshrl.u32 s22, $0x3  }
0x1a: {  	s18 =	sadd.s32 s0, s2;
	s22 =	sshrl.u32 s25, $0x3;
	s10 =	sadd.s32 s0, s10  }
0x1b: {  	v0 =	vimm.f32 $0.0e+00;
	v1 =	vimm.s32 $0x0;
	s2 =	simm.s32 $0x1;
	s0 =	sadd.s32 s16, s1;
	[dreg:$0x8] =	wrdreg s10  }
0x1c: {  	v2 =	vimm.s32 $0x1;
	v3 =	vimm.s32 $0x2;
	v4 =	vimm.s32 $0x3;
	s25 =	sshrl.u32 @!p0 s0, $0x3;
	s0 =	simm.s32 $0x9180;
	s10 =	simm.s32 $0x9980  }
.LBB2_9:
0x1d: {  	s12 =	sshll.u32 s8, $0x6;
	[bflag:$0x0] =	sbarrier.arrive $0xFFFF  }
0x1e: {  	s12 =	sor.u32 $0x1C02, s12;
	s13 =	rddreg [dreg:$0x8]  }
0x1f: {  	[hbm:s13], [sflag:s12] =	dma.local [spmem:s22], $0x640  }
0x20: {  	_ =	swait.ge [sflag:s20], $0x640  }
0x21: {  	[sflag:s20] =	ssyncset.done $0x0  }
0x22: {  	s15 =	rddreg [dreg:$0x9];
	[sflag:s20] =	ssyncadd.s32 $0xFFFFF9C0  }
0x23: {  	[hbm:s15], [sflag:s12] =	dma.local [spmem:s23], $0x640  }
0x24: {  	_ =	swait.ge [sflag:s20], $0x640  }
0x25: {  	[sflag:s20] =	ssyncset.done $0x0  }
0x26: {  	s16 =	rddreg [dreg:$0xa];
	[sflag:s20] =	ssyncadd.s32 $0xFFFFF9C0  }
0x27: {  	[hbm:s16], [sflag:s12] =	dma.local [spmem:s24], $0x640  }
0x28: {  	_ =	swait.ge [sflag:s20], $0x640  }
0x29: {  	[sflag:s20] =	ssyncset.done $0x0  }
0x2a: {  	[sflag:s20] =	ssyncadd.s32 $0xFFFFF9C0  }
0x2b: {  	[hbm:s18], [sflag:s12] =	dma.local @!p0 [spmem:s25], $0x640  }
0x2c: {  	s12 =	simm.s32 @!p0 $0x2  }
0x2d: {  	_ =	swait.ge @!p0 [sflag:s12], $0x640  }
0x2e: {  	s11 =	sadd.s32 $0x1, s11;
	s17 =	rddreg [dreg:$0x3]  }
0x2f: {  	p1 =	sne.s32 s11, s17  }
.Ltmp1:
0x30: {  	_ = 	snop;
	(pc) =	sbr.rel @!p1 .LBB2_10-.Ltmp1, $3  }
0x31: {  	_ =	sdelay $0x1  }
0x32: {  	[sflag:s12] =	ssyncset.done @!p0 $0x0  }
0x33: {  	[sflag:s12] =	ssyncadd.s32 @!p0 $0xFFFFF9C0  }
.LBB2_1:
0x34: {  	s13 =	simm.s32 $0x0  }
0x35: {  	s12 =	sand.u32 $0xFF00, s13  }
0x36: {  	s13 =	sand.u32 $0x30, s13;
	s14 =	sshrl.u32 s12, $0x2  }
0x37: {  	s12 =	simm.s32 $0x40;
	s14 =	sor.u32 s13, s14;
	s13 =	simm.s32 $0x0  }
.LBB2_2:
0x38: {  	p1 =	sne.s32 s12, $0xC7C0  }
0x39: {  	[tilespmem:s14+$0xB980] =	vst v0;
	s13 =	sadd.s32 $0x10, s13;
	s14 =	smov.u32 s12;
	s12 =	sadd.s32 $0x40, s12  }
.Ltmp2:
0x3a: {  	(pc) =	sbr.rel @p1 .LBB2_2-.Ltmp2, $4  }
0x3b: {  	_ = 	snop  }
0x3c: {  	s14 =	sand.u32 $0xFF00, s14  }
0x3d: {  	s15 =	sand.u32 $0x30, s13;
	s14 =	sshrl.u32 s14, $0x2  }
0x3e: {  	s14 =	sor.u32 s15, s14  }
0x3f: {  	[tilespmem:s14+$0xB980] =	vst v0;
	s12 =	rddreg [dreg:$0x4]  }
0x40: {  	[spmem:s12] =	stream.linear.scatter [tilespmem:s19], [sflag:$0x2], $0x3200, $0x38;
	[tilespmem:$0x187C0] =	vst v63  }
0x41: {  	_ =	swait.ge [sflag:s20], $0x3200  }
0x42: {  	[sflag:s20] =	ssyncset.done $0x0  }
0x43: {  	s16 =	rddreg [dreg:$0x5];
	[sflag:s20] =	ssyncadd.s32 $0xFFFFCE00  }
0x44: {  	[spmem:s16] =	stream.linear.scatter [tilespmem:s19], [sflag:$0x2], $0x3200, $0x38;
	[tilespmem:$0x187C0] =	vst v63  }
0x45: {  	_ =	swait.ge [sflag:s20], $0x3200  }
0x46: {  	[sflag:s20] =	ssyncset.done $0x0  }
0x47: {  	s17 =	rddreg [dreg:$0x6];
	[sflag:s20] =	ssyncadd.s32 $0xFFFFCE00  }
0x48: {  	[spmem:s17] =	stream.linear.scatter [tilespmem:s19], [sflag:$0x2], $0x3200, $0x38;
	[tilespmem:$0x187C0] =	vst v63  }
0x49: {  	_ =	swait.ge [sflag:s20], $0x3200  }
0x4a: {  	[sflag:s20] =	ssyncset.done $0x0  }
0x4b: {  	s12 =	simm.s32 @!p0 $0xB980;
	s13 =	rddreg [dreg:$0x7];
	[sflag:s20] =	ssyncadd.s32 $0xFFFFCE00  }
0x4c: {  	[spmem:s13] =	stream.linear.scatter @!p0 [tilespmem:s12], [sflag:$0x2], $0x3200, $0x38;
	[tilespmem:$0x187C0] =	vst v63  }
0x4d: {  	s12 =	simm.s32 @!p0 $0x2  }
.Ltmp3:
0x4e: {  	_ =	swait.ge @!p0 [sflag:s12], $0x3200;
	(pc) =	sbr.rel .LBB2_4-.Ltmp3, $4  }
0x4f: {  	[sflag:s12] =	ssyncset.done @!p0 $0x0  }
0x50: {  	[sflag:s12] =	ssyncadd.s32 @!p0 $0xFFFFCE00  }
0x51: {  	[bflag:$0x0] =	sbarrier.arrive $0xFFFF  }
0x52: {  	s12 =	simm.s32 $0x0  }
.LBB2_8:
0x53: {  	s12 =	sadd.s32 $0x1, s12  }
0x54: {  	p1 =	sne.s32 s12, $0x4F  }
.Ltmp4:
0x55: {  	_ = 	snop;
	(pc) =	sbr.rel @!p1 .LBB2_9-.Ltmp4, $1  }
0x56: {  	_ =	sdelay $0x3  }
.LBB2_4:
0x57: {  	s13 =	sshll.u32 s12, $0x4  }
0x58: {  	s13 =	sor.u32 s8, s13  }
0x59: {  	p1 =	sgt.u32 s13, $0x4E1  }
.Ltmp5:
0x5a: {  	_ = 	snop;
	(pc) =	sbr.rel @p1 .LBB2_8-.Ltmp5, $1  }
0x5b: {  	_ =	sdelay $0x3  }
0x5c: {  	s13 =	sshll.u32 s13, $0x7  }
0x5d: {  	s13 =	sadd.s32 s9, s13  }
0x5e: {  	s14 =	sshrl.u32 s13, $0x3  }
0x5f: {  	s16 =	simm.s32 $0x0;
	s15 =	sadd.s32 s6, s14  }
0x60: {  	[tilespmem:s16], [sflag:$0x3] =	stream.linear.gather [hbm4b:s15+s16], $0x80, $0x38;
	[tilespmem:$0x187C0] =	vst v63  }
0x61: {  	_ =	swait.ge [sflag:s21], $0x80  }
0x62: {  	[sflag:s21] =	ssyncset.done $0x0  }
0x63: {  	s14 =	sadd.s32 s7, s14;
	[sflag:s21] =	ssyncadd.s32 $0xFFFFFF80  }
0x64: {  	[tilespmem:s26], [sflag:$0x3] =	stream.linear.gather [hbm4b:s14+s16], $0x80, $0x38;
	[tilespmem:$0x187C0] =	vst v63  }
0x65: {  	_ =	swait.ge [sflag:s21], $0x80  }
0x66: {  	[sflag:s21] =	ssyncset.done $0x0  }
0x67: {  	[sflag:s21] =	ssyncadd.s32 $0xFFFFFF80  }
0x68: {  	v5 =	vld [tilespmem:$0x80]  }
0x69: {  	v6 =	vld [tilespmem:$0x90]  }
0x6a: {  	v7 =	vld [tilespmem:$0xA0]  }
0x6b: {  	v8 =	vld [tilespmem:$0xB0]  }
0x6c: {  	v9 =	vld [tilespmem:$0xC0]  }
0x6d: {  	v10 =	vld [tilespmem:$0xD0];
	v5 =	vadd.s32 $0x2710, v5  }
0x6e: {  	[tilespmem:$0x100] =	vst v5;
	v5 =	vadd.s32 $0x2710, v6;
	v6 =	vld [tilespmem:$0xE0]  }
0x6f: {  	[tilespmem:$0x110] =	vst v5;
	v5 =	vadd.s32 $0x2710, v7;
	v7 =	vld [tilespmem:$0xF0]  }
0x70: {  	[tilespmem:$0x120] =	vst v5;
	v5 =	vadd.s32 $0x2710, v8  }
0x71: {  	[tilespmem:$0x130] =	vst v5;
	v5 =	vadd.s32 $0x2710, v9  }
0x72: {  	[tilespmem:$0x140] =	vst v5;
	v5 =	vadd.s32 $0x2710, v10  }
0x73: {  	[tilespmem:$0x150] =	vst v5;
	v5 =	vadd.s32 $0x2710, v6  }
0x74: {  	[tilespmem:$0x160] =	vst v5;
	v5 =	vadd.s32 $0x2710, v7  }
0x75: {  	s13 =	sshll.u32 s13, $0x1;
	[tilespmem:$0x170] =	vst v5  }
0x76: {  	[tilespmem:s28], [sflag:$0x1] =	stream.indirect.gather [hbm4b:s3+s26], $0x100, s16, s26, $0xb8;
	[tilespmem:$0x187C0] =	vst v63  }
0x77: {  	s13 =	sadd.s32 s4, s13  }
0x78: {  	[tilespmem:s29], [sflag:$0x3] =	stream.linear.gather [hbm4b:s13+s16], $0x800, $0x38;
	[tilespmem:$0x187C0] =	vst v63  }
0x79: {  	_ =	swait.ge [sflag:s21], $0x800  }
0x7a: {  	[sflag:s21] =	ssyncset.done $0x0  }
0x7b: {  	[sflag:s21] =	ssyncadd.s32 $0xFFFFF800  }
0x7c: {  	[tilespmem:s30], [sflag:$0x3] =	stream.indirect.gather [hbm4b:s5+s26], $0x10, s26, s26, $0xb8;
	[tilespmem:$0x187C0] =	vst v63  }
0x7d: {  	_ =	swait.ge [sflag:s21], $0x800  }
0x7e: {  	[sflag:s21] =	ssyncset.done $0x0  }
0x7f: {  	[sflag:s21] =	ssyncadd.s32 $0xFFFFF800  }
0x80: {  	[tilespmem:s0], [sflag:$0x3] =	stream.indirect.gather [hbm4b:s5+s26], $0x10, s31, s26, $0xb8;
	[tilespmem:$0x187C0] =	vst v63  }
0x81: {  	_ =	swait.ge [sflag:s21], $0x800  }
0x82: {  	[sflag:s21] =	ssyncset.done $0x0  }
0x83: {  	[sflag:s21] =	ssyncadd.s32 $0xFFFFF800  }
0x84: {  	_ =	swait.ge [sflag:s2], $0x8000  }
0x85: {  	[sflag:s2] =	ssyncset.done $0x0  }
0x86: {  	s17 =	simm.s32 $0x0;
	[sflag:s2] =	ssyncadd.s32 $0xFFFF8000  }
0x87: {  	v5 =	vld [tilespmem:s17+$0x8980]  }
0x88: {  	v6 =	vld [tilespmem:s17+$0x9180];
	_ =	sdelay $0x4  }
0x89: {  	v5 =	vadd.f32 v6, v5;
	_ =	sdelay $0x1  }
0x8a: {  	vm0 =	veq.f32 v5, $0.0e+00  }
0x8b: {  	v5 =	vsel vm0, $0x3F800000, v5  }
0x8c: {  	(erf) = vrcp.f32 v5;
	_ =	sdelay $0x2  }
0x8d: {  	v5 =	vld [tilespmem:s17+$0x8180];
	_ =	sdelay $0x3  }
0x8e: {  	s13 =	simm.s32 $0x200  }
0x8f: {  	v7 =	vld [tilespmem:s13+$0xFFFFFF80];
	v5 =	vmul.f32 $2.500000000e-01, v5  }
0x90: {  	v6 =	vld [tilespmem:s13+$0xFFFFFFC0];
	v8 =	vpop (erf)  }
0x91: {  	v5 =	vmul.f32 v8, v5  }
0x92: {  	v8 =	vld [tilespmem:s13+$0x0]  }
0x93: {  	v59 =	vperm.xlane v5, v1;
	v60 =	vperm.xlane v5, v2  }
0x94: {  	v12 =	vld [tilespmem:s13+$0x40];
	v11 =	vperm.xlane v5, v3  }
0x95: {  	v7 =	vmul.f32 v7, v59;
	v6 =	vmul.f32 v6, v60;
	_ =	sdelay $0x1  }
0x96: {  	v5 =	vperm.xlane v5, v4;
	v6 =	vadd.f32 v6, v7;
	v7 =	vmul.f32 v8, v11;
	_ =	sdelay $0x1  }
0x97: {  	v6 =	vadd.f32 v7, v6;
	v7 =	vmul.f32 v12, v5;
	_ =	sdelay $0x1  }
0x98: {  	v6 =	vadd.f32 v7, v6  }
0x99: {  	s14 =	simm.s32 $0x99A0  }
0x9a: {  	[tilespmem:s14+$0xFFFFFFE0] =	vst v6  }
0x9b: {  	v6 =	vld [tilespmem:s13+$0xFFFFFF90]  }
0x9c: {  	v7 =	vld [tilespmem:s13+$0xFFFFFFD0];
	_ =	sdelay $0x1  }
0x9d: {  	v8 =	vld [tilespmem:s13+$0x10];
	_ =	sdelay $0x1  }
0x9e: {  	v61 =	vld [tilespmem:s13+$0x50]  }
0x9f: {  	v6 =	vmul.f32 v6, v59;
	v7 =	vmul.f32 v7, v60;
	_ =	sdelay $0x1  }
0xa0: {  	v6 =	vadd.f32 v7, v6;
	v7 =	vmul.f32 v8, v11;
	_ =	sdelay $0x1  }
0xa1: {  	v6 =	vadd.f32 v7, v6;
	v7 =	vmul.f32 v61, v5;
	_ =	sdelay $0x1  }
0xa2: {  	v6 =	vadd.f32 v7, v6;
	_ =	sdelay $0x1  }
0xa3: {  	[tilespmem:s14+$0xFFFFFFF0] =	vst v6  }
0xa4: {  	v6 =	vld [tilespmem:s13+$0xFFFFFFA0]  }
0xa5: {  	v7 =	vld [tilespmem:s13+$0xFFFFFFE0];
	_ =	sdelay $0x1  }
0xa6: {  	v8 =	vld [tilespmem:s13+$0x20];
	_ =	sdelay $0x1  }
0xa7: {  	v62 =	vld [tilespmem:s13+$0x60]  }
0xa8: {  	v6 =	vmul.f32 v6, v59;
	v7 =	vmul.f32 v7, v60;
	_ =	sdelay $0x1  }
0xa9: {  	v6 =	vadd.f32 v7, v6;
	v7 =	vmul.f32 v8, v11;
	_ =	sdelay $0x1  }
0xaa: {  	v6 =	vadd.f32 v7, v6;
	v7 =	vmul.f32 v62, v5;
	_ =	sdelay $0x1  }
0xab: {  	v6 =	vadd.f32 v7, v6;
	_ =	sdelay $0x1  }
0xac: {  	[tilespmem:s14+$0x0] =	vst v6  }
0xad: {  	v6 =	vld [tilespmem:s13+$0xFFFFFFB0]  }
0xae: {  	v7 =	vld [tilespmem:s13+$0xFFFFFFF0]  }
0xaf: {  	v8 =	vld [tilespmem:s13+$0x30]  }
0xb0: {  	v63 =	vld [tilespmem:s13+$0x70];
	_ =	sdelay $0x2  }
0xb1: {  	v9 =	vmul.f32 v6, v59;
	v7 =	vmul.f32 v7, v60;
	_ =	sdelay $0x1  }
0xb2: {  	s15 =	simm.s32 $0x40;
	s16 =	simm.s32 $0x99A0;
	v6 =	vmul.f32 v8, v11;
	v5 =	vmul.f32 v63, v5;
	v7 =	vadd.f32 v7, v9  }
.LBB2_6:
0xb3: {  	p1 =	sne.s32 s15, $0x1FC0;
	s14 =	sadd.s32 $0x40, s14;
	s13 =	sadd.s32 $0x100, s13  }
0xb4: {  	s17 =	smov.u32 s15;
	s15 =	sadd.s32 $0x40, s15;
	v6 =	vadd.f32 v6, v7;
	_ =	sdelay $0x1  }
0xb5: {  	v5 =	vadd.f32 v5, v6  }
0xb6: {  	s17 =	sshra.s32 s17, $0x2  }
0xb7: {  	[tilespmem:s16+$0x10] =	vst v5;
	s16 =	smov.u32 s14  }
0xb8: {  	v5 =	vld [tilespmem:s17+$0x8980]  }
0xb9: {  	v6 =	vld [tilespmem:s17+$0x9180];
	_ =	sdelay $0x4  }
0xba: {  	v5 =	vadd.f32 v6, v5;
	_ =	sdelay $0x1  }
0xbb: {  	vm0 =	veq.f32 v5, $0.0e+00  }
0xbc: {  	v5 =	vsel vm0, $0x3F800000, v5  }
0xbd: {  	(erf) = vrcp.f32 v5;
	_ =	sdelay $0x2  }
0xbe: {  	v5 =	vld [tilespmem:s17+$0x8180];
	_ =	sdelay $0x4  }
0xbf: {  	v5 =	vmul.f32 $2.500000000e-01, v5;
	v6 =	vld [tilespmem:s13+$0xFFFFFFC0]  }
0xc0: {  	v7 =	vld [tilespmem:s13+$0xFFFFFF80];
	v8 =	vpop (erf)  }
0xc1: {  	v5 =	vmul.f32 v8, v5  }
0xc2: {  	v8 =	vld [tilespmem:s13+$0x0]  }
0xc3: {  	v9 =	vperm.xlane v5, v1;
	v10 =	vperm.xlane v5, v2  }
0xc4: {  	v11 =	vperm.xlane v5, v3;
	v5 =	vperm.xlane v5, v4;
	v12 =	vld [tilespmem:s13+$0x40]  }
0xc5: {  	v7 =	vmul.f32 v7, v9;
	v6 =	vmul.f32 v6, v10;
	_ =	sdelay $0x1  }
0xc6: {  	v6 =	vadd.f32 v6, v7;
	v7 =	vmul.f32 v8, v11;
	_ =	sdelay $0x1  }
0xc7: {  	v6 =	vadd.f32 v7, v6;
	v7 =	vmul.f32 v12, v5;
	_ =	sdelay $0x1  }
0xc8: {  	v6 =	vadd.f32 v7, v6;
	_ =	sdelay $0x1  }
0xc9: {  	[tilespmem:s14+$0xFFFFFFE0] =	vst v6  }
0xca: {  	v6 =	vld [tilespmem:s13+$0xFFFFFF90]  }
0xcb: {  	v7 =	vld [tilespmem:s13+$0xFFFFFFD0];
	_ =	sdelay $0x1  }
0xcc: {  	v8 =	vld [tilespmem:s13+$0x10];
	_ =	sdelay $0x1  }
0xcd: {  	v6 =	vmul.f32 v6, v9;
	v12 =	vld [tilespmem:s13+$0x50]  }
0xce: {  	v7 =	vmul.f32 v7, v10;
	_ =	sdelay $0x1  }
0xcf: {  	v6 =	vadd.f32 v7, v6;
	v7 =	vmul.f32 v8, v11;
	_ =	sdelay $0x1  }
0xd0: {  	v6 =	vadd.f32 v7, v6;
	v7 =	vmul.f32 v12, v5;
	_ =	sdelay $0x1  }
0xd1: {  	v6 =	vadd.f32 v7, v6;
	_ =	sdelay $0x1  }
0xd2: {  	[tilespmem:s14+$0xFFFFFFF0] =	vst v6  }
0xd3: {  	v6 =	vld [tilespmem:s13+$0xFFFFFFA0]  }
0xd4: {  	v7 =	vld [tilespmem:s13+$0xFFFFFFE0];
	_ =	sdelay $0x1  }
0xd5: {  	v8 =	vld [tilespmem:s13+$0x20];
	_ =	sdelay $0x1  }
0xd6: {  	v6 =	vmul.f32 v6, v9;
	v12 =	vld [tilespmem:s13+$0x60]  }
0xd7: {  	v7 =	vmul.f32 v7, v10;
	_ =	sdelay $0x1  }
0xd8: {  	v6 =	vadd.f32 v7, v6;
	v7 =	vmul.f32 v8, v11;
	_ =	sdelay $0x1  }
0xd9: {  	v6 =	vadd.f32 v7, v6;
	v7 =	vmul.f32 v12, v5;
	_ =	sdelay $0x1  }
0xda: {  	v6 =	vadd.f32 v7, v6;
	_ =	sdelay $0x1  }
0xdb: {  	[tilespmem:s14+$0x0] =	vst v6  }
0xdc: {  	v6 =	vld [tilespmem:s13+$0xFFFFFFB0]  }
0xdd: {  	v7 =	vld [tilespmem:s13+$0xFFFFFFF0]  }
0xde: {  	v8 =	vld [tilespmem:s13+$0x30]  }
0xdf: {  	v12 =	vld [tilespmem:s13+$0x70]  }
.Ltmp6:
0xe0: {  	(pc) =	sbr.rel @p1 .LBB2_6-.Ltmp6, $4  }
0xe1: {  	v9 =	vmul.f32 v6, v9  }
0xe2: {  	v7 =	vmul.f32 v7, v10  }
0xe3: {  	v6 =	vmul.f32 v8, v11  }
0xe4: {  	v7 =	vadd.f32 v7, v9;
	v5 =	vmul.f32 v12, v5  }
0xe5: {  	_ = 	snop  }
0xe6: {  	v6 =	vadd.f32 v6, v7;
	_ =	sdelay $0x1  }
0xe7: {  	v5 =	vadd.f32 v5, v6;
	_ =	sdelay $0x1  }
.Ltmp7:
0xe8: {  	[tilespmem:s16+$0x10] =	vst v5;
	(pc) =	sbr.rel .LBB2_8-.Ltmp7, $4  }
0xe9: {  	[spmem:s1] =	stream.indirect.scatter.add.f32 [tilespmem:s10], [sflag:$0x2], $0x40, s26, s26, $0xb8;
	[tilespmem:$0x187C0] =	vst v63  }
0xea: {  	_ =	swait.ge [sflag:s20], $0x2000  }
0xeb: {  	[sflag:s20] =	ssyncset.done $0x0  }
0xec: {  	[sflag:s20] =	ssyncadd.s32 $0xFFFFE000  }
.LBB2_10:
0xed: {  	_ =	sfence.sel $0x180000  }
0xee: {  	[bflag:$0x0] =	sbarrier.arrive $0xFFFF  }
0xef: {  	_ =	strace $0x90000053  }
0xf0: {  	[bflag:$0x2] =	sbarrier.arrive $0xFFFF  }
0xf1: {  	p0 =	sne.s32 s8, $0x0;
	s0 =	rddreg [dreg:$0x2]  }
0xf2: {  	s0 =	sadd.s32 @!p0 $0x100000, s0  }
0xf3: {  	[sflag:s0] =	ssyncadd.tile.s32 @!p0 $0x1;
	_ =	shalt  }
.Lfunc_end2:
_tile_overlayer_lowered:
.L_overlay_start_2:
0xf4: {  	(tag) =	ssettag $0x2  }
0xf5: {  	s0 =	rddreg [dreg:$0x0];
	s2 =	stileid.u32  }
0xf6: {  	s1 =	rddreg [dreg:$0x1];
	p0 =	sne.s32 s2, $0x0  }
0xf7: {  	s3 =	rddreg [dreg:$0x2];
	[bflag:$0x3] =	sbarrier.arrive $0xFFFF;
	s2 =	simm.s32 @!p0 $0x1C02  }
0xf8: {  	[timem:s3], [sflag:s2] =	dma.local @!p0 [hbm:s0], s1  }
0xf9: {  	s0 =	simm.s32 @!p0 $0x2  }
0xfa: {  	_ =	swait.ge @!p0 [sflag:s0], s1  }
0xfb: {  	s1 =	ssub.s32 @!p0 $0x0, s1;
	[sflag:s0] =	ssyncset.done @!p0 $0x0  }
0xfc: {  	[sflag:s0] =	ssyncadd.s32 @!p0 s1  }
0xfd: {  	[bflag:$0x3] =	sbarrier.arrive $0xFFFF  }
0xfe: {  	_ =	shalt  }

// kernel: kernel.28.cloned.1.call-start
scs
__scs_entry_jumppad:
0x0: {  	(pc) =	sbr.rel $0x88, $3  }
0x1: {  	(tag) =	ssettag $0x0;
	lr =	simm.s32 $0x1  }
0x2: {  	[smem:$0x3F95] =	sst lr;
	_ =	strace $0xD0000000  }
0x3: {  	_ = 	snop  }
0x4: {  	_ = 	snop  }
0x5: {  	_ = 	snop  }
0x6: {  	_ = 	snop  }
0x7: {  	_ = 	snop  }
__scs_overlays_trampoline_lowered:
0x8: {  	[smem:$0x3FA4] =	sst s0  }
0x9: {  	[smem:$0x3FA5] =	sst s1  }
0xa: {  	[smem:$0x3FA6] =	sst s2  }
0xb: {  	[smem:$0x3FA7] =	sst s3  }
0xc: {  	[smem:$0x3FA8] =	sst s4  }
0xd: {  	[smem:$0x3FA9] =	sst s5  }
0xe: {  	[smem:$0x3FAA] =	sst s6  }
0xf: {  	[smem:$0x3FAB] =	sst s7  }
0x10: {  	[smem:$0x3FAC] =	sst s8  }
0x11: {  	[smem:$0x3FAD] =	sst s9;
	s0 =	simm.s32 @!p0 $0x0  }
0x12: {  	s1 =	sld [smem:$0x3F93];
	s0 =	simm.s32 @p0 $0x1  }
0x13: {  	[smem:$0x3FAE] =	sst s0;
	s0 =	simm.s32 @!p1 $0x0  }
0x14: {  	s2 =	sld [smem:$0x3F92];
	s0 =	simm.s32 @p1 $0x1  }
0x15: {  	[smem:$0x3FAF] =	sst s0;
	s0 =	simm.s32 @!p2 $0x0  }
0x16: {  	s3 =	sld [smem:$0x3FDB];
	s0 =	simm.s32 @p2 $0x1  }
0x17: {  	s4 =	simm.s32 $0x1BF5;
	[smem:$0x3FB1] =	sst s0  }
0x18: {  	s0 =	sld [smem:$0x3F94];
	_ =	swait.ge [sflag:s4], $0x0  }
0x19: {  	s7 =	sld [smem:$0x3F95]  }
0x1a: {  	s8 =	sadd.s32 $0xFFFFE003, lr  }
0x1b: {  	s9 =	sadd.s32 $0xFFFFFEF7, lr;
	s5 =	simm.s32 $0xFFFFFFFF;
	p2 =	slt.u32 s8, $0xFFFFF086  }
0x1c: {  	p1 =	slt.u32 s9, $0xF7A;
	s5 =	simm.s32 @!p2 $0x0  }
0x1d: {  	s5 =	simm.s32 @p1 $0x1;
	p0 =	seq.s32 s7, s2  }
0x1e: {  	s7 =	smul.u32 @!p0 $0xF7A, s2;
	p2 =	seq.s32 @!p0 s5, $0x0  }
0x1f: {  	s9 =	smul.u32 $0xF7A, s1;
	s8 =	simm.s32 @!p0 $0x1BF5;
	p2 =	por !p2, p0  }
0x20: {  	[sflag:s8] =	ssyncset.s32 @!p0 $0xFFFFF086;
	s6 =	sadd.s32 @!p0 s3, s7;
	s7 =	simm.s32 @!p0 $0x108  }
0x21: {  	s3 =	sadd.s32 s3, s9;
	s6 =	sadd.s32 @!p0 $0x88, s6;
	s7 =	simm.s32 @p2 $0x1082  }
0x22: {  	[simem:s7], [sflag:s8] =	dma.local @!p0 [hbm:s6], $0xF7A  }
0x23: {  	s9 =	sor.u32 $0xD0000000, s2;
	s6 =	simm.s32 $0x108;
	_ =	swait.ge @!p0 [sflag:s8], $0x0  }
0x24: {  	s3 =	sadd.s32 $0x88, s3;
	s6 =	simm.s32 @!p1 $0x1082;
	[sflag:s4] =	ssyncset.s32 $0xFFFFF086  }
0x25: {  	[simem:s6], [sflag:s4] =	dma.local [hbm:s3], $0xF7A  }
0x26: {  	[smem:$0x3F95] =	sst s1;
	(tag) =	ssettag s2;
	_ =	strace s9  }
0x27: {  	s1 =	sld [smem:$0x3FA5]  }
0x28: {  	s2 =	sld [smem:$0x3FA6]  }
0x29: {  	s4 =	sld [smem:$0x3FA8]  }
0x2a: {  	p0 =	seq.s32 s5, $0x0;
	s5 =	sld [smem:$0x3FA9]  }
0x2b: {  	s6 =	sld [smem:$0x3FAA]  }
0x2c: {  	s7 =	sld [smem:$0x3FAB]  }
0x2d: {  	s3 =	simm.s32 $0x108;
	s8 =	sld [smem:$0x3FAC]  }
0x2e: {  	s3 =	simm.s32 @!p0 $0x1082;
	s9 =	sld [smem:$0x3FAD]  }
0x2f: {  	lr =	sadd.s32 s0, s3;
	s0 =	sld [smem:$0x3FA4]  }
0x30: {  	s3 =	sld [smem:$0x3FA7]  }
0x31: {  	[smem:$0x3FB0] =	sst s10  }
0x32: {  	s10 =	sld [smem:$0x3FAE];
	_ =	sdelay $0x3  }
0x33: {  	p0 =	seq.s32 s10, $0x1;
	s10 =	sld [smem:$0x3FB0];
	_ =	sdelay $0x3  }
0x34: {  	[smem:$0x3FB0] =	sst s10  }
0x35: {  	s10 =	sld [smem:$0x3FAF];
	_ =	sdelay $0x3  }
0x36: {  	p1 =	seq.s32 s10, $0x1;
	s10 =	sld [smem:$0x3FB0];
	_ =	sdelay $0x3  }
0x37: {  	[smem:$0x3FB0] =	sst s10  }
0x38: {  	s10 =	sld [smem:$0x3FB1]  }
0x39: {  	_ = 	snop;
	(pc) =	sbr.ind lr, $3  }
0x3a: {  	_ = 	snop  }
0x3b: {  	_ = 	snop  }
0x3c: {  	p2 =	seq.s32 s10, $0x1;
	s10 =	sld [smem:$0x3FB0]  }
0x3d: {  	_ =	shalt  }
0x3e: {  	_ =	shalt  }
0x3f: {  	_ =	shalt  }
0x40: {  	_ =	shalt  }
0x41: {  	_ =	shalt  }
0x42: {  	_ =	shalt  }
0x43: {  	_ =	shalt  }
0x44: {  	_ =	shalt  }
0x45: {  	_ =	shalt  }
0x46: {  	_ =	shalt  }
0x47: {  	_ =	shalt  }
0x48: {  	_ =	shalt  }
0x49: {  	_ =	shalt  }
0x4a: {  	_ =	shalt  }
0x4b: {  	_ =	shalt  }
0x4c: {  	_ =	shalt  }
0x4d: {  	_ =	shalt  }
0x4e: {  	_ =	shalt  }
0x4f: {  	_ =	shalt  }
0x50: {  	_ =	shalt  }
0x51: {  	_ =	shalt  }
0x52: {  	_ =	shalt  }
0x53: {  	_ =	shalt  }
0x54: {  	_ =	shalt  }
0x55: {  	_ =	shalt  }
0x56: {  	_ =	shalt  }
0x57: {  	_ =	shalt  }
0x58: {  	_ =	shalt  }
0x59: {  	_ =	shalt  }
0x5a: {  	_ =	shalt  }
0x5b: {  	_ =	shalt  }
0x5c: {  	_ =	shalt  }
0x5d: {  	_ =	shalt  }
0x5e: {  	_ =	shalt  }
0x5f: {  	_ =	shalt  }
0x60: {  	_ =	shalt  }
0x61: {  	_ =	shalt  }
0x62: {  	_ =	shalt  }
0x63: {  	_ =	shalt  }
0x64: {  	_ =	shalt  }
0x65: {  	_ =	shalt  }
0x66: {  	_ =	shalt  }
0x67: {  	_ =	shalt  }
0x68: {  	_ =	shalt  }
0x69: {  	_ =	shalt  }
0x6a: {  	_ =	shalt  }
0x6b: {  	_ =	shalt  }
0x6c: {  	_ =	shalt  }
0x6d: {  	_ =	shalt  }
0x6e: {  	_ =	shalt  }
0x6f: {  	_ =	shalt  }
0x70: {  	_ =	shalt  }
0x71: {  	_ =	shalt  }
0x72: {  	_ =	shalt  }
0x73: {  	_ =	shalt  }
0x74: {  	_ =	shalt  }
0x75: {  	_ =	shalt  }
0x76: {  	_ =	shalt  }
0x77: {  	_ =	shalt  }
0x78: {  	_ =	shalt  }
0x79: {  	_ =	shalt  }
0x7a: {  	_ =	shalt  }
0x7b: {  	_ =	shalt  }
0x7c: {  	_ =	shalt  }
0x7d: {  	_ =	shalt  }
0x7e: {  	_ =	shalt  }
0x7f: {  	_ =	shalt  }
0x80: {  	_ =	shalt  }
0x81: {  	_ =	shalt  }
0x82: {  	_ =	shalt  }
0x83: {  	_ =	shalt  }
0x84: {  	_ =	shalt  }
0x85: {  	_ =	shalt  }
0x86: {  	_ =	shalt  }
0x87: {  	_ =	shalt  }
.Lfunc_end0:
.L_simem_size_0:
called_computation.5_lowered:
.L_overlay_start_0:
0x88: {  	s2 =	sld [smem:$0x3FD9]  }
0x89: {  	s3 =	sld [smem:$0x3FFE];
	_ =	sdelay $0x1  }
0x8a: {  	s1 =	srdreg.scid  }
0x8b: {  	s0 =	sand.u32 $0x1, s1  }
0x8c: {  	s16 =	sshll.u32 s0, $0xA;
	s2 =	sadd.s32 s3, s2  }
0x8d: {  	s2 =	sadd.s32 s2, s16  }
0x8e: {  	[smem:$0x3FBC] =	sst s2  }
0x8f: {  	_ = 	snop  }
0x90: {  	(tm) =	ssettm $0x1  }
0x91: {  	s17 =	sld [smem:$0x3FFB];
	_ =	sdelay $0x3  }
0x92: {  	_ =	strace s17  }
0x93: {  	s2 =	sld [smem:$0x3FFC];
	_ =	sdelay $0x3  }
0x94: {  	_ =	strace s2  }
0x95: {  	s2 =	sld [smem:$0x3FFD];
	_ =	sdelay $0x3  }
0x96: {  	_ =	strace s2  }
0x97: {  	_ =	strace $0x8FFFFFFF  }
0x98: {  	s18 =	sld [smem:$0x3FDB];
	_ =	sdelay $0x1  }
0x99: {  	s19 =	simm.s32 $_scs_section_size  }
0x9a: {  	s4 =	simm.s32 $_size__tile_overlayer_lowered;
	s5 =	simm.s32 $_tile_overlayer_lowered  }
0x9b: {  	s22 =	simm.s32 $0x1BFF;
	s21 =	sshll.u32 s5, $0x1;
	s2 =	sadd.s32 s19, s18  }
0x9c: {  	s6 =	simm.s32 $0x0;
	s20 =	sshll.u32 s4, $0x1;
	s4 =	sadd.s32 s21, s2  }
0x9d: {  	[timem:s6], [sflag:s22] =	dma.local [hbm:s4], s20  }
0x9e: {  	_ =	swait.ge [sflag:s22], s20  }
0x9f: {  	s3 =	ssub.s32 $0x0, s20;
	[sflag:s22] =	ssyncset.done $0x0  }
0xa0: {  	[sflag:s22] =	ssyncadd.s32 s3;
	_ =	sdelay $0x1  }
0xa1: {  	s23 =	simm.s32 $0x1B8B  }
0xa2: {  	_ =	swait.ge [sflag:s23], $0x1  }
0xa3: {  	[sflag:s23] =	ssyncset.done $0x0  }
0xa4: {  	s25 =	simm.s32 $0x1B8E;
	s24 =	sld [smem:$0x3FFE];
	[sflag:s23] =	ssyncadd.s32 $0xFFFFFFFF  }
0xa5: {  	s26 =	simm.s32 $execute0_lowered;
	[smem:$0x3FD2] =	sst s25  }
0xa6: {  	s4 =	sshll.u32 s26, $0x1;
	_ =	strace $0x80000055;
	[dreg:$0x1] =	wrdreg $0xFFFFFFFF  }
0xa7: {  	s28 =	simm.s32 $_size_execute0_lowered;
	s2 =	sadd.s32 s2, s4;
	[dreg:$0x0] =	wrdreg $0x0  }
0xa8: {  	s4 =	sshll.u32 s28, $0x1;
	[dreg:$0x2] =	wrdreg s2  }
0xa9: {  	[dreg:$0x3] =	wrdreg s4  }
0xaa: {  	[dreg:$0x4] =	wrdreg $0xC0  }
0xab: {  	_ =	task [dreg:s6], $0x5FFFF  }
0xac: {  	[dreg:$0x1] =	wrdreg $0xFFFFFFFF  }
0xad: {  	[dreg:$0x0] =	wrdreg $0x60  }
0xae: {  	[dreg:$0x2] =	wrdreg s24  }
0xaf: {  	[dreg:$0x3] =	wrdreg $0x1E800  }
0xb0: {  	[dreg:$0x4] =	wrdreg $0x9  }
0xb1: {  	_ =	task.clear_ibuf [dreg:s6], $0x5FFFF;
	_ =	strace $0x90000055  }
0xb2: {  	s29 =	simm.s32 $0x9;
	_ =	strace $0x80000057  }
0xb3: {  	_ =	swait.ge [sflag:s29], $0x1  }
0xb4: {  	[sflag:s29] =	ssyncadd.s32 $0xFFFFFFFF  }
0xb5: {  	_ =	strace $0x90000057  }
0xb6: {  	_ =	sfence  }
0xb7: {  	s30 =	sld [smem:$0x0];
	_ =	sdelay $0x2  }
0xb8: {  	s31 =	sshll.u32 s1, $0xD;
	s1 =	sshrl.u32 s1, $0x2  }
0xb9: {  	s3 =	sand.u32 $0x4000, s31;
	s1 =	sadd.s32 s1, s30  }
0xba: {  	s0 =	sor.u32 s3, s0;
	s1 =	sshll.u32 s1, $0x11  }
0xbb: {  	s0 =	sor.u32 s1, s0  }
0xbc: {  	s0 =	sadd.s32 $0x8F2B, s0  }
0xbd: {  	[sflag:s0] =	ssyncadd.remote.s32 $0x1  }
0xbe: {  	_ =	sfence.sel $0xFFFF  }
0xbf: {  	[dreg:$0x0] =	wrdreg $0xFFFFFFFF;
	(pc) =	sbr.abs _section_cstart, $3  }
0xc0: {  	[dreg:$0x1] =	wrdreg $0xFFFFFFFF  }
0xc1: {  	_ =	task.clear_ibuf [dreg:s6], $0x2FFFF;
	_ =	strace $0x9FFFFFFF  }
0xc2: {  	(tm) =	ssettm $0x7FFFFFFF  }
0xc3: {  	_ =	shalt  }
tec
execute0_lowered:
.L_overlay_start_1:
0x0: {  	(tag) =	ssettag $0x1  }
0x1: {  	s0 =	rddreg [dreg:$0x0]  }
0x2: {  	s1 =	rddreg [dreg:$0x1];
	s2 =	simm.s32 $0x0;
	s3 =	srdreg.scid  }
0x3: {  	s16 =	stileid.u32;
	s28 =	simm.s32 $0x3;
	s29 =	simm.s32 $0x100  }
0x4: {  	s30 =	simm.s32 $0x80;
	s31 =	simm.s32 $0x200;
	[smem:$0x7FF] =	sst s2  }
0x5: {  	s3 =	sand.u32 $0x1, s3;
	s4 =	sadd.s32 $0x17600, s0;
	s17 =	smul.u32 $0x3200, s16  }
0x6: {  	s5 =	sadd.s32 $0xD800, s0;
	s8 =	sshll.u32 s16, $0x7;
	s22 =	smul.u32 $0xC80, s16  }
0x7: {  	s6 =	sadd.s32 $0x3A00, s0;
	s11 =	sor.u32 $0x10, s16;
	s7 =	smul.u32 $0x27100, s3  }
0x8: {  	s0 =	sadd.s32 $0x1C600, s0;
	s14 =	sor.u32 $0x30, s16;
	s12 =	smul.u32 $0x3200, s11  }
0x9: {  	p1 =	sgt.u32 s16, $0x1;
	s3 =	ssub.s32 $0x2, s3;
	s19 =	smul.u32 $0x3200, s14  }
0xa: {  	_ =	strace $0x80000056;
	s24 =	smul.u32 $0xC80, s11;
	s9 =	sshrl.u32 s3, $0x1  }
0xb: {  	s8 =	sadd.s32 s8, s7;
	s3 =	ssub.s32 s3, s9;
	s20 =	sshrl.u32 s12, $0x2  }
0xc: {  	s25 =	sadd.s32 s7, s22;
	s15 =	sshrl.u32 s8, $0x3;
	s3 =	smax.u32 s3, $0x1  }
0xd: {  	s10 =	sadd.s32 s5, s15;
	s9 =	sadd.s32 s6, s15;
	[dreg:$0x5] =	wrdreg s3  }
0xe: {  	s3 =	sshrl.u32 s19, $0x2;
	s15 =	sshrl.u32 s25, $0x3;
	[dreg:$0x3] =	wrdreg s10  }
0xf: {  	[dreg:$0x4] =	wrdreg s9;
	s10 =	sshrl.u32 s17, $0x2;
	s3 =	sadd.s32 s3, s1  }
0x10: {  	s9 =	sor.u32 $0x20, s16;
	s18 =	sadd.s32 s10, s1;
	[dreg:$0x9] =	wrdreg s3  }
0x11: {  	s17 =	smul.u32 $0xC80, s14;
	s10 =	sadd.s32 s20, s1;
	[dreg:$0x6] =	wrdreg s18  }
0x12: {  	s13 =	smul.u32 $0x3200, s9;
	s3 =	sadd.s32 s0, s15;
	[dreg:$0x7] =	wrdreg s10  }
0x13: {  	p0 =	sgt.u32 s14, $0x31;
	s26 =	smul.u32 $0xC80, s9;
	[dreg:$0xa] =	wrdreg s3  }
0x14: {  	s18 =	sadd.s32 s22, s1;
	s11 =	sadd.s32 s17, s1;
	s3 =	simm.s32 $0x180  }
0x15: {  	s10 =	simm.s32 $0x2;
	s21 =	sshrl.u32 s13, $0x2;
	s15 =	sadd.s32 s7, s26  }
0x16: {  	s25 =	sadd.s32 s26, s1;
	s26 =	sshrl.u32 s18, $0x3;
	s23 =	sadd.s32 s21, s1  }
0x17: {  	s21 =	sadd.s32 s7, s24;
	s7 =	sadd.s32 s7, s17;
	s22 =	sshrl.u32 s15, $0x3  }
0x18: {  	s24 =	sadd.s32 s24, s1;
	[dreg:$0xe] =	wrdreg s26;
	s26 =	simm.s32 $0x1200  }
0x19: {  	[dreg:$0x8] =	wrdreg s23;
	s13 =	sshrl.u32 s21, $0x3;
	s7 =	sshrl.u32 s7, $0x3  }
0x1a: {  	s23 =	sadd.s32 $0x800, s8;
	s21 =	sadd.s32 $0x1000, s8;
	s13 =	sadd.s32 s0, s13  }
0x1b: {  	s8 =	simm.s32 $0x1;
	[dreg:$0xb] =	wrdreg s13;
	s13 =	sadd.s32 s0, s22  }
0x1c: {  	s0 =	sadd.s32 s0, s7;
	s7 =	simm.s32 $0xA00;
	[dreg:$0xc] =	wrdreg s13  }
0x1d: {  	[dreg:$0xd] =	wrdreg s0;
	s0 =	sshrl.u32 s23, $0x3;
	s23 =	sshrl.u32 s24, $0x3  }
0x1e: {  	s24 =	sshrl.u32 s25, $0x3;
	s25 =	sshrl.u32 @!p0 s11, $0x3;
	s11 =	simm.s32 $0x0  }
0x1f: {  	v0 =	vimm.f32 $0.0e+00;
	s19 =	sadd.s32 s0, s6;
	s20 =	sadd.s32 s0, s5;
	s0 =	simm.s32 $0x4  }
.LBB2_1:
0x20: {  	s12 =	simm.s32 $0x40;
	s13 =	simm.s32 $0x0  }
.LBB2_2:
0x21: {  	p2 =	sne.s32 s12, $0x31C0;
	[tilespmem:s13+$0x1200] =	vst v0;
	s13 =	smov.u32 s12;
	s12 =	sadd.s32 $0x40, s12  }
.Ltmp0:
0x22: {  	(pc) =	sbr.rel @p2 .LBB2_2-.Ltmp0, $2  }
0x23: {  	_ =	sdelay $0x2  }
0x24: {  	s13 =	sshra.s32 s13, $0x2  }
0x25: {  	[tilespmem:s13+$0x1200] =	vst v0;
	s12 =	rddreg [dreg:$0x6]  }
0x26: {  	[spmem:s12] =	stream.linear.scatter [tilespmem:s26], [sflag:$0x3], $0xC80, $0x38;
	[tilespmem:$0x4590] =	vst v63  }
0x27: {  	_ =	swait.ge [sflag:s28], $0xC80  }
0x28: {  	[sflag:s28] =	ssyncset.done $0x0  }
0x29: {  	s13 =	rddreg [dreg:$0x7];
	[sflag:s28] =	ssyncadd.s32 $0xFFFFF380  }
0x2a: {  	[spmem:s13] =	stream.linear.scatter [tilespmem:s26], [sflag:$0x3], $0xC80, $0x38;
	[tilespmem:$0x4590] =	vst v63  }
0x2b: {  	_ =	swait.ge [sflag:s28], $0xC80  }
0x2c: {  	[sflag:s28] =	ssyncset.done $0x0  }
0x2d: {  	s14 =	rddreg [dreg:$0x8];
	[sflag:s28] =	ssyncadd.s32 $0xFFFFF380  }
0x2e: {  	[spmem:s14] =	stream.linear.scatter [tilespmem:s26], [sflag:$0x3], $0xC80, $0x38;
	[tilespmem:$0x4590] =	vst v63  }
0x2f: {  	_ =	swait.ge [sflag:s28], $0xC80  }
0x30: {  	[sflag:s28] =	ssyncset.done $0x0  }
0x31: {  	s12 =	simm.s32 @!p0 $0x1200;
	s13 =	rddreg [dreg:$0x9];
	[sflag:s28] =	ssyncadd.s32 $0xFFFFF380  }
0x32: {  	[spmem:s13] =	stream.linear.scatter @!p0 [tilespmem:s12], [sflag:$0x3], $0xC80, $0x38;
	[tilespmem:$0x4590] =	vst v63  }
0x33: {  	s12 =	simm.s32 @!p0 $0x3  }
0x34: {  	_ =	swait.ge @!p0 [sflag:s12], $0xC80  }
0x35: {  	[sflag:s12] =	ssyncset.done @!p0 $0x0  }
0x36: {  	[sflag:s12] =	ssyncadd.s32 @!p0 $0xFFFFF380  }
0x37: {  	[bflag:$0x0] =	sbarrier.arrive $0xFFFF  }
0x38: {  	s15 =	simm.s32 $0x0;
	s16 =	rddreg [dreg:$0x3]  }
0x39: {  	[tilespmem:s15], [sflag:$0x3] =	stream.linear.gather [hbm4b:s16+s15], $0x80, $0x38;
	[tilespmem:$0x4590] =	vst v63  }
0x3a: {  	_ =	swait.ge [sflag:s28], $0x80  }
0x3b: {  	[sflag:s28] =	ssyncset.done $0x0  }
0x3c: {  	s17 =	rddreg [dreg:$0x4];
	[sflag:s28] =	ssyncadd.s32 $0xFFFFFF80  }
0x3d: {  	[tilespmem:s29], [sflag:$0x3] =	stream.linear.gather [hbm4b:s17+s15], $0x80, $0x38;
	[tilespmem:$0x4590] =	vst v63  }
0x3e: {  	_ =	swait.ge [sflag:s28], $0x80  }
0x3f: {  	[sflag:s28] =	ssyncset.done $0x0  }
0x40: {  	[sflag:s28] =	ssyncadd.s32 $0xFFFFFF80  }
0x41: {  	[tilespmem:s31], [sflag:$0x1] =	stream.indirect.gather [hbm4b:s4+s30], $0x10, s15, s30, $0xb8;
	[tilespmem:$0x4590] =	vst v63  }
0x42: {  	s18 =	sadd.s32 $0x0, s20  }
0x43: {  	[tilespmem:s30], [sflag:$0x4] =	stream.linear.gather [hbm4b:s18+s2], $0x80, $0x38;
	[tilespmem:$0x4590] =	vst v63  }
0x44: {  	_ =	swait.ge [sflag:s0], $0x80  }
0x45: {  	[sflag:s0] =	ssyncset.done $0x0  }
0x46: {  	s22 =	sadd.s32 $0x0, s19;
	[sflag:s0] =	ssyncadd.s32 $0xFFFFFF80  }
0x47: {  	[tilespmem:s3], [sflag:$0x4] =	stream.linear.gather [hbm4b:s22+s2], $0x80, $0x38;
	[tilespmem:$0x4590] =	vst v63  }
0x48: {  	_ =	swait.ge [sflag:s0], $0x80  }
0x49: {  	[sflag:s0] =	ssyncset.done $0x0  }
0x4a: {  	[sflag:s0] =	ssyncadd.s32 $0xFFFFFF80  }
0x4b: {  	[tilespmem:s7], [sflag:$0x2] =	stream.indirect.gather [hbm4b:s4+s30], $0x10, s30, s30, $0xb8;
	[tilespmem:$0x4590] =	vst v63  }
0x4c: {  	_ =	swait.ge [sflag:s8], $0x800  }
0x4d: {  	[sflag:s8] =	ssyncset.done $0x0  }
0x4e: {  	[sflag:s8] =	ssyncadd.s32 $0xFFFFF800  }
0x4f: {  	[spmem:s1] =	stream.indirect.scatter.add.f32 [tilespmem:s31], [sflag:$0x4], $0x10, s29, s30, $0xb8;
	[tilespmem:$0x4590] =	vst v63  }
0x50: {  	p2 =	sgt.u32 s9, $0x4E1;
	_ =	swait.ge [sflag:s0], $0x800  }
0x51: {  	s13 =	simm.s32 @!p2 $0x4;
	s12 =	sshrl.u32 @!p2 s21, $0x3;
	[sflag:s0] =	ssyncset.done $0x0  }
0x52: {  	s14 =	sadd.s32 @!p2 s5, s12;
	s15 =	simm.s32 @!p2 $0x0;
	[sflag:s0] =	ssyncadd.s32 $0xFFFFF800  }
0x53: {  	[tilespmem:s15], [sflag:$0x4] =	stream.linear.gather @!p2 [hbm4b:s14+s15], $0x80, $0x38;
	[tilespmem:$0x4590] =	vst v63  }
0x54: {  	_ =	swait.ge @!p2 [sflag:s13], $0x80  }
0x55: {  	[sflag:s13] =	ssyncset.done @!p2 $0x0  }
0x56: {  	s12 =	sadd.s32 @!p2 s6, s12;
	s14 =	simm.s32 @!p2 $0x100;
	[sflag:s13] =	ssyncadd.s32 @!p2 $0xFFFFFF80  }
0x57: {  	[tilespmem:s14], [sflag:$0x4] =	stream.linear.gather @!p2 [hbm4b:s12+s15], $0x80, $0x38;
	[tilespmem:$0x4590] =	vst v63  }
0x58: {  	_ =	swait.ge @!p2 [sflag:s13], $0x80  }
0x59: {  	[sflag:s13] =	ssyncset.done @!p2 $0x0  }
0x5a: {  	s12 =	simm.s32 @!p2 $0x80;
	[sflag:s13] =	ssyncadd.s32 @!p2 $0xFFFFFF80;
	s13 =	simm.s32 @!p2 $0x200  }
0x5b: {  	[tilespmem:s13], [sflag:$0x1] =	stream.indirect.gather @!p2 [hbm4b:s4+s12], $0x10, s15, s12, $0xb8;
	[tilespmem:$0x4590] =	vst v63  }
0x5c: {  	_ =	swait.ge [sflag:s10], $0x800  }
0x5d: {  	[sflag:s10] =	ssyncset.done $0x0  }
0x5e: {  	[sflag:s10] =	ssyncadd.s32 $0xFFFFF800  }
0x5f: {  	[spmem:s1] =	stream.indirect.scatter.add.f32 [tilespmem:s7], [sflag:$0x3], $0x10, s3, s30, $0xb8;
	[tilespmem:$0x4590] =	vst v63  }
0x60: {  	s14 =	simm.s32 $0x200;
	s15 =	simm.s32 $0x400;
	_ =	swait.ge [sflag:s28], $0x800  }
0x61: {  	s12 =	sadd.s32 $0x1000, s21;
	s13 =	sadd.s32 $0x20, s9;
	[sflag:s28] =	ssyncset.done $0x0  }
.LBB2_4:
0x62: {  	s16 =	sadd.s32 s14, s20  }
0x63: {  	[sflag:s28] =	ssyncadd.s32 $0xFFFFF800;
	s17 =	smov.u32 s15;
	s15 =	sadd.s32 $0x200, s15  }
0x64: {  	[tilespmem:s30], [sflag:$0x4] =	stream.linear.gather [hbm4b:s16+s2], $0x80, $0x38;
	[tilespmem:$0x4590] =	vst v63  }
0x65: {  	p2 =	sne.s32 s15, $0x4E00;
	_ =	swait.ge [sflag:s0], $0x80  }
0x66: {  	[sflag:s0] =	ssyncset.done $0x0  }
0x67: {  	s16 =	sadd.s32 s14, s19;
	s14 =	smov.u32 s17;
	[sflag:s0] =	ssyncadd.s32 $0xFFFFFF80  }
0x68: {  	[tilespmem:s3], [sflag:$0x4] =	stream.linear.gather [hbm4b:s16+s2], $0x80, $0x38;
	[tilespmem:$0x4590] =	vst v63  }
0x69: {  	_ =	swait.ge [sflag:s0], $0x80  }
0x6a: {  	[sflag:s0] =	ssyncset.done $0x0  }
0x6b: {  	[sflag:s0] =	ssyncadd.s32 $0xFFFFFF80  }
0x6c: {  	[tilespmem:s7], [sflag:$0x2] =	stream.indirect.gather [hbm4b:s4+s30], $0x10, s30, s30, $0xb8;
	[tilespmem:$0x4590] =	vst v63  }
0x6d: {  	_ =	swait.ge [sflag:s8], $0x800  }
0x6e: {  	[sflag:s8] =	ssyncset.done $0x0  }
0x6f: {  	[sflag:s8] =	ssyncadd.s32 $0xFFFFF800  }
0x70: {  	[spmem:s1] =	stream.indirect.scatter.add.f32 [tilespmem:s31], [sflag:$0x4], $0x10, s29, s30, $0xb8;
	[tilespmem:$0x4590] =	vst v63  }
0x71: {  	p3 =	sgt.u32 s13, $0x4E1;
	_ =	swait.ge [sflag:s0], $0x800  }
0x72: {  	s17 =	simm.s32 @!p3 $0x4;
	s16 =	sshrl.u32 @!p3 s12, $0x3;
	[sflag:s0] =	ssyncset.done $0x0  }
0x73: {  	s22 =	simm.s32 @!p3 $0x0;
	s18 =	sadd.s32 @!p3 s5, s16;
	[sflag:s0] =	ssyncadd.s32 $0xFFFFF800  }
0x74: {  	[tilespmem:s22], [sflag:$0x4] =	stream.linear.gather @!p3 [hbm4b:s18+s22], $0x80, $0x38;
	[tilespmem:$0x4590] =	vst v63  }
0x75: {  	s16 =	sadd.s32 @!p3 s6, s16;
	_ =	swait.ge @!p3 [sflag:s17], $0x80  }
0x76: {  	[sflag:s17] =	ssyncset.done @!p3 $0x0  }
0x77: {  	s18 =	simm.s32 @!p3 $0x100;
	[sflag:s17] =	ssyncadd.s32 @!p3 $0xFFFFFF80  }
0x78: {  	[tilespmem:s18], [sflag:$0x4] =	stream.linear.gather @!p3 [hbm4b:s16+s22], $0x80, $0x38;
	[tilespmem:$0x4590] =	vst v63  }
0x79: {  	_ =	swait.ge @!p3 [sflag:s17], $0x80  }
0x7a: {  	[sflag:s17] =	ssyncset.done @!p3 $0x0  }
0x7b: {  	s16 =	simm.s32 @!p3 $0x80;
	[sflag:s17] =	ssyncadd.s32 @!p3 $0xFFFFFF80;
	s17 =	simm.s32 @!p3 $0x200  }
0x7c: {  	[tilespmem:s17], [sflag:$0x1] =	stream.indirect.gather @!p3 [hbm4b:s4+s16], $0x10, s22, s16, $0xb8;
	[tilespmem:$0x4590] =	vst v63  }
0x7d: {  	_ =	swait.ge [sflag:s10], $0x800  }
.Ltmp1:
0x7e: {  	[sflag:s10] =	ssyncset.done $0x0;
	(pc) =	sbr.rel @p2 .LBB2_4-.Ltmp1, $4  }
0x7f: {  	[sflag:s10] =	ssyncadd.s32 $0xFFFFF800  }
0x80: {  	[spmem:s1] =	stream.indirect.scatter.add.f32 [tilespmem:s7], [sflag:$0x3], $0x10, s3, s30, $0xb8;
	[tilespmem:$0x4590] =	vst v63  }
0x81: {  	_ =	swait.ge [sflag:s28], $0x800  }
0x82: {  	s13 =	sadd.s32 $0x20, s13;
	s12 =	sadd.s32 $0x1000, s12;
	[sflag:s28] =	ssyncset.done $0x0  }
0x83: {  	s15 =	sadd.s32 s14, s20;
	[sflag:s28] =	ssyncadd.s32 $0xFFFFF800  }
0x84: {  	[tilespmem:s30], [sflag:$0x4] =	stream.linear.gather [hbm4b:s15+s2], $0x80, $0x38;
	[tilespmem:$0x4590] =	vst v63  }
0x85: {  	_ =	swait.ge [sflag:s0], $0x80  }
0x86: {  	[sflag:s0] =	ssyncset.done $0x0  }
0x87: {  	s22 =	sadd.s32 s14, s19;
	[sflag:s0] =	ssyncadd.s32 $0xFFFFFF80  }
0x88: {  	[tilespmem:s3], [sflag:$0x4] =	stream.linear.gather [hbm4b:s22+s2], $0x80, $0x38;
	[tilespmem:$0x4590] =	vst v63  }
0x89: {  	_ =	swait.ge [sflag:s0], $0x80  }
0x8a: {  	[sflag:s0] =	ssyncset.done $0x0  }
0x8b: {  	[sflag:s0] =	ssyncadd.s32 $0xFFFFFF80  }
0x8c: {  	[tilespmem:s7], [sflag:$0x2] =	stream.indirect.gather [hbm4b:s4+s30], $0x10, s30, s30, $0xb8;
	[tilespmem:$0x4590] =	vst v63  }
0x8d: {  	_ =	swait.ge [sflag:s8], $0x800  }
0x8e: {  	[sflag:s8] =	ssyncset.done $0x0  }
0x8f: {  	[sflag:s8] =	ssyncadd.s32 $0xFFFFF800  }
0x90: {  	[spmem:s1] =	stream.indirect.scatter.add.f32 [tilespmem:s31], [sflag:$0x4], $0x10, s29, s30, $0xb8;
	[tilespmem:$0x4590] =	vst v63  }
0x91: {  	p2 =	sgt.u32 s13, $0x4E1;
	_ =	swait.ge [sflag:s0], $0x800  }
0x92: {  	s12 =	sshrl.u32 @!p2 s12, $0x3;
	s13 =	simm.s32 @!p2 $0x4;
	[sflag:s0] =	ssyncset.done $0x0  }
0x93: {  	s15 =	simm.s32 @!p2 $0x0;
	s14 =	sadd.s32 @!p2 s5, s12;
	[sflag:s0] =	ssyncadd.s32 $0xFFFFF800  }
0x94: {  	[tilespmem:s15], [sflag:$0x4] =	stream.linear.gather @!p2 [hbm4b:s14+s15], $0x80, $0x38;
	[tilespmem:$0x4590] =	vst v63  }
0x95: {  	_ =	swait.ge @!p2 [sflag:s13], $0x80  }
0x96: {  	[sflag:s13] =	ssyncset.done @!p2 $0x0  }
0x97: {  	s12 =	sadd.s32 @!p2 s6, s12;
	s14 =	simm.s32 @!p2 $0x100;
	[sflag:s13] =	ssyncadd.s32 @!p2 $0xFFFFFF80  }
0x98: {  	[tilespmem:s14], [sflag:$0x4] =	stream.linear.gather @!p2 [hbm4b:s12+s15], $0x80, $0x38;
	[tilespmem:$0x4590] =	vst v63  }
0x99: {  	_ =	swait.ge @!p2 [sflag:s13], $0x80  }
0x9a: {  	[sflag:s13] =	ssyncset.done @!p2 $0x0  }
0x9b: {  	s12 =	simm.s32 @!p2 $0x80;
	[sflag:s13] =	ssyncadd.s32 @!p2 $0xFFFFFF80;
	s13 =	simm.s32 @!p2 $0x200  }
0x9c: {  	[tilespmem:s13], [sflag:$0x1] =	stream.indirect.gather @!p2 [hbm4b:s4+s12], $0x10, s15, s12, $0xb8;
	[tilespmem:$0x4590] =	vst v63  }
0x9d: {  	_ =	swait.ge [sflag:s10], $0x800  }
0x9e: {  	[sflag:s10] =	ssyncset.done $0x0  }
0x9f: {  	[sflag:s10] =	ssyncadd.s32 $0xFFFFF800  }
0xa0: {  	[spmem:s1] =	stream.indirect.scatter.add.f32 [tilespmem:s7], [sflag:$0x3], $0x10, s3, s30, $0xb8;
	[tilespmem:$0x4590] =	vst v63  }
0xa1: {  	_ =	swait.ge [sflag:s28], $0x800  }
0xa2: {  	[sflag:s28] =	ssyncset.done $0x0  }
0xa3: {  	s12 =	simm.s32 @!p1 $0x1;
	[sflag:s28] =	ssyncadd.s32 $0xFFFFF800  }
0xa4: {  	_ =	swait.ge @!p1 [sflag:s12], $0x800  }
0xa5: {  	s14 =	simm.s32 @!p1 $0x200;
	[sflag:s12] =	ssyncset.done @!p1 $0x0  }
0xa6: {  	s13 =	simm.s32 @!p1 $0x100;
	[sflag:s12] =	ssyncadd.s32 @!p1 $0xFFFFF800;
	s12 =	simm.s32 @!p1 $0x80  }
0xa7: {  	[spmem:s1] =	stream.indirect.scatter.add.f32 @!p1 [tilespmem:s14], [sflag:$0x4], $0x10, s13, s12, $0xb8;
	[tilespmem:$0x4590] =	vst v63  }
0xa8: {  	s12 =	simm.s32 @!p1 $0x4  }
0xa9: {  	_ =	swait.ge @!p1 [sflag:s12], $0x800  }
0xaa: {  	[sflag:s12] =	ssyncset.done @!p1 $0x0  }
0xab: {  	[sflag:s12] =	ssyncadd.s32 @!p1 $0xFFFFF800  }
0xac: {  	s14 =	stileid.u32;
	[bflag:$0x0] =	sbarrier.arrive $0xFFFF  }
0xad: {  	s12 =	sshll.u32 s14, $0x6;
	s15 =	rddreg [dreg:$0xa]  }
0xae: {  	s12 =	sor.u32 $0x1C03, s12;
	s16 =	rddreg [dreg:$0xe]  }
0xaf: {  	[hbm:s15], [sflag:s12] =	dma.local [spmem:s16], $0x190  }
0xb0: {  	_ =	swait.ge [sflag:s28], $0x190  }
0xb1: {  	[sflag:s28] =	ssyncset.done $0x0  }
0xb2: {  	s17 =	rddreg [dreg:$0xb];
	[sflag:s28] =	ssyncadd.s32 $0xFFFFFE70  }
0xb3: {  	[hbm:s17], [sflag:s12] =	dma.local [spmem:s23], $0x190  }
0xb4: {  	_ =	swait.ge [sflag:s28], $0x190  }
0xb5: {  	[sflag:s28] =	ssyncset.done $0x0  }
0xb6: {  	s18 =	rddreg [dreg:$0xc];
	[sflag:s28] =	ssyncadd.s32 $0xFFFFFE70  }
0xb7: {  	[hbm:s18], [sflag:s12] =	dma.local [spmem:s24], $0x190  }
0xb8: {  	_ =	swait.ge [sflag:s28], $0x190  }
0xb9: {  	[sflag:s28] =	ssyncset.done $0x0  }
0xba: {  	s13 =	rddreg [dreg:$0xd];
	[sflag:s28] =	ssyncadd.s32 $0xFFFFFE70  }
0xbb: {  	[hbm:s13], [sflag:s12] =	dma.local @!p0 [spmem:s25], $0x190  }
0xbc: {  	s12 =	simm.s32 @!p0 $0x3  }
0xbd: {  	_ =	swait.ge @!p0 [sflag:s12], $0x190  }
0xbe: {  	s11 =	sadd.s32 $0x1, s11;
	s22 =	rddreg [dreg:$0x5]  }
0xbf: {  	p2 =	sne.s32 s11, s22  }
.Ltmp2:
0xc0: {  	_ = 	snop;
	(pc) =	sbr.rel @p2 .LBB2_1-.Ltmp2, $3  }
0xc1: {  	_ =	sdelay $0x1  }
0xc2: {  	[sflag:s12] =	ssyncset.done @!p0 $0x0  }
0xc3: {  	[sflag:s12] =	ssyncadd.s32 @!p0 $0xFFFFFE70  }
0xc4: {  	_ =	sfence.sel $0x180000  }
0xc5: {  	[bflag:$0x0] =	sbarrier.arrive $0xFFFF  }
0xc6: {  	_ =	strace $0x90000056  }
0xc7: {  	s0 =	stileid.u32;
	[bflag:$0x2] =	sbarrier.arrive $0xFFFF  }
0xc8: {  	p0 =	sne.s32 s0, $0x0;
	s0 =	rddreg [dreg:$0x2]  }
0xc9: {  	s0 =	sadd.s32 @!p0 $0x100000, s0  }
0xca: {  	[sflag:s0] =	ssyncadd.tile.s32 @!p0 $0x1;
	_ =	shalt  }
.Lfunc_end2:
_tile_overlayer_lowered:
.L_overlay_start_2:
0xcb: {  	(tag) =	ssettag $0x2  }
0xcc: {  	s0 =	rddreg [dreg:$0x0];
	s2 =	stileid.u32  }
0xcd: {  	s1 =	rddreg [dreg:$0x1];
	p0 =	sne.s32 s2, $0x0  }
0xce: {  	s3 =	rddreg [dreg:$0x2];
	[bflag:$0x3] =	sbarrier.arrive $0xFFFF;
	s2 =	simm.s32 @!p0 $0x1C03  }
0xcf: {  	[timem:s3], [sflag:s2] =	dma.local @!p0 [hbm:s0], s1  }
0xd0: {  	s0 =	simm.s32 @!p0 $0x3  }
0xd1: {  	_ =	swait.ge @!p0 [sflag:s0], s1  }
0xd2: {  	s1 =	ssub.s32 @!p0 $0x0, s1;
	[sflag:s0] =	ssyncset.done @!p0 $0x0  }
0xd3: {  	[sflag:s0] =	ssyncadd.s32 @!p0 s1  }
0xd4: {  	[bflag:$0x3] =	sbarrier.arrive $0xFFFF  }
0xd5: {  	_ =	shalt  }

</sc_bundles>
